<compile_context>
chip_gen: v7x
topology: tpu7x:2x2x1
jax: 0.10.2.dev20260603
libtpu: 0.0.44.dev20260713+nightly
codegen_flags: <defaults>
</compile_context>

<pallas_src>
import functools

import jax
import jax.numpy as jnp
from jax import lax
from jax.experimental import pallas as pl
from jax.experimental.pallas import tpu as pltpu
from jax.experimental.pallas import tpu_sc as plsc

_NC = 2
_NS = 16
_NW = _NC * _NS
_CH = 128


def _wid():
  return lax.axis_index("s") * _NC + lax.axis_index("c")


def _sc_mesh():
  return plsc.VectorSubcoreMesh(core_axis_name="c", subcore_axis_name="s",
                                num_cores=_NC, num_subcores=_NS)


def _sc_scratch(D):
  return [
      pltpu.VMEM((_CH,), jnp.int32),
      pltpu.VMEM((_CH, D), jnp.float32),
      pltpu.SemaphoreType.DMA,
  ]


def _make_gather3(N, B, D):
  bpw = B // _NW
  nch = bpw // _CH

  @functools.partial(
      pl.kernel,
      out_type=tuple(jax.ShapeDtypeStruct((B, D), jnp.float32) for _ in range(3)),
      mesh=_sc_mesh(),
      scratch_types=_sc_scratch(D),
  )
  def gather3(mem, src, dst, neg, o_s, o_d, o_n, idx_v, rows_v, sem):
    base = _wid() * bpw
    for ih, oh in ((src, o_s), (dst, o_d), (neg, o_n)):
      for j in range(nch):
        off = base + j * _CH
        pltpu.sync_copy(ih.at[pl.ds(off, _CH)], idx_v)
        pltpu.async_copy(mem.at[idx_v], rows_v, sem).wait()
        pltpu.sync_copy(rows_v, oh.at[pl.ds(off, _CH)])

  return gather3


def _make_gather1(N, B, D):
  bpw = B // _NW
  nch = bpw // _CH

  @functools.partial(
      pl.kernel,
      out_type=jax.ShapeDtypeStruct((B, D), jnp.float32),
      mesh=_sc_mesh(),
      scratch_types=_sc_scratch(D),
  )
  def gather1(table, idx, out, idx_v, rows_v, sem):
    base = _wid() * bpw
    for j in range(nch):
      off = base + j * _CH
      pltpu.sync_copy(idx.at[pl.ds(off, _CH)], idx_v)
      pltpu.async_copy(table.at[idx_v], rows_v, sem).wait()
      pltpu.sync_copy(rows_v, out.at[pl.ds(off, _CH)])

  return gather1


def _make_scatter(N, B, D):
  bpw = B // _NW
  nch = bpw // _CH

  @functools.partial(
      pl.kernel,
      out_type=(),
      mesh=_sc_mesh(),
      scratch_types=_sc_scratch(D),
  )
  def scatter(table, idx, upd, idx_v, rows_v, sem):
    base = _wid() * bpw
    for j in range(nch):
      off = base + j * _CH
      pltpu.sync_copy(idx.at[pl.ds(off, _CH)], idx_v)
      pltpu.sync_copy(upd.at[pl.ds(off, _CH)], rows_v)
      pltpu.async_copy(rows_v, table.at[idx_v], sem).wait()

  return scatter


def _gru(x, h, wih, whh, bih, bhh, D):
  dot = lambda p, q: jnp.dot(p, q, preferred_element_type=jnp.float32)
  gx = dot(x, wih) + bih
  gh = dot(h, whh) + bhh
  r = jax.nn.sigmoid(gx[:, :D] + gh[:, :D])
  z = jax.nn.sigmoid(gx[:, D:2 * D] + gh[:, D:2 * D])
  n = jnp.tanh(gx[:, 2 * D:] + r * gh[:, 2 * D:])
  return (1.0 - z) * n + z * h


def _make_dense(N, B, D, bs, ncopy):
  grid = B // bs
  rows_per = N // ncopy
  row = lambda: pl.BlockSpec((bs, D), lambda i: (i, 0))
  full = lambda r, c: pl.BlockSpec((r, c), lambda i: (0, 0))

  def body(memfull, ms, md, mn, embw, embb, f1a, f1b, f1b_, f2r, f2b, w1a,
           w1b, mb1, w2, mb2, wih, whh, bih, bhh, pos_o, neg_o, upd_o, msd_o,
           outfull, sem):
    def _copy_descs():
      return [
          pltpu.make_async_copy(
              memfull.at[pl.ds(j * rows_per, rows_per)],
              outfull.at[pl.ds(j * rows_per, rows_per)], sem)
          for j in range(ncopy)
      ]

    @pl.when(pl.program_id(0) == 0)
    def _():
      for d_ in _copy_descs():
        d_.start()

    @pl.when(pl.program_id(0) == grid - 1)
    def _():
      for d_ in _copy_descs():
        d_.wait()
    dot = lambda p, q: jnp.dot(p, q, preferred_element_type=jnp.float32)
    a = ms[...]
    b = md[...]
    c = mn[...]
    za = dot(a, embw[...]) + embb[...]
    zb = dot(b, embw[...]) + embb[...]
    zc = dot(c, embw[...]) + embb[...]
    t1 = dot(za, f1a[...])
    hp = jnp.maximum(t1 + dot(zb, f1b[...]) + f1b_[...], 0.0)
    hn = jnp.maximum(t1 + dot(zc, f1b[...]) + f1b_[...], 0.0)
    pos_o[...] = jnp.sum(hp * f2r[...], axis=1, keepdims=True) + f2b[...]
    neg_o[...] = jnp.sum(hn * f2r[...], axis=1, keepdims=True) + f2b[...]
    ab = dot(a, w1a[...])
    ba = dot(b, w1a[...])
    bb = dot(b, w1b[...])
    aa = dot(a, w1b[...])
    msg_s = dot(jnp.maximum(ab + bb + mb1[...], 0.0), w2[...]) + mb2[...]
    msg_d = dot(jnp.maximum(ba + aa + mb1[...], 0.0), w2[...]) + mb2[...]
    msd_o[...] = msg_d
    upd_o[...] = _gru(msg_s, a, wih[...], whh[...], bih[...], bhh[...], D)

  return pl.pallas_call(
      body,
      grid=(grid,),
      in_specs=[
          pl.BlockSpec(memory_space=pltpu.HBM),
          row(), row(), row(),
          full(D, D), full(1, D),
          full(D, D), full(D, D), full(1, D),
          full(1, D), full(1, 1),
          full(D, D), full(D, D), full(1, D),
          full(D, D), full(1, D),
          full(D, 3 * D), full(D, 3 * D), full(1, 3 * D), full(1, 3 * D),
      ],
      out_specs=[
          pl.BlockSpec((bs, 1), lambda i: (i, 0)),
          pl.BlockSpec((bs, 1), lambda i: (i, 0)),
          row(), row(),
          pl.BlockSpec(memory_space=pltpu.HBM),
      ],
      out_shape=[
          jax.ShapeDtypeStruct((B, 1), jnp.float32),
          jax.ShapeDtypeStruct((B, 1), jnp.float32),
          jax.ShapeDtypeStruct((B, D), jnp.float32),
          jax.ShapeDtypeStruct((B, D), jnp.float32),
          jax.ShapeDtypeStruct((N, D), jnp.float32),
      ],
      scratch_shapes=[pltpu.SemaphoreType.DMA],
  )


def _make_gru_dst(B, D, bs):
  grid = B // bs
  row = lambda: pl.BlockSpec((bs, D), lambda i: (i, 0))
  full = lambda r, c: pl.BlockSpec((r, c), lambda i: (0, 0))

  def body(msd, cur, wih, whh, bih, bhh, out):
    out[...] = _gru(msd[...], cur[...], wih[...], whh[...], bih[...],
                    bhh[...], D)

  return pl.pallas_call(
      body,
      grid=(grid,),
      in_specs=[row(), row(), full(D, 3 * D), full(D, 3 * D),
                full(1, 3 * D), full(1, 3 * D)],
      out_specs=row(),
      out_shape=jax.ShapeDtypeStruct((B, D), jnp.float32),
  )


def kernel(src, dst, t, neg_dst, memory, emb_W, emb_b, fc1_W, fc1_b, fc2_W,
           fc2_b, msg_W1, msg_b1, msg_W2, msg_b2, gru_W_ih, gru_W_hh,
           gru_b_ih, gru_b_hh):
  B = src.shape[0]
  N, D = memory.shape
  src = src.astype(jnp.int32)
  dst = dst.astype(jnp.int32)
  neg_dst = neg_dst.astype(jnp.int32)

  embb = emb_b.reshape(1, D)
  f1a, f1b = fc1_W[:D], fc1_W[D:]
  f1bias = fc1_b.reshape(1, D)
  f2r = fc2_W.reshape(1, D)
  f2b = fc2_b.reshape(1, 1)
  w1a, w1b = msg_W1[:D], msg_W1[D:2 * D]
  mb1 = msg_b1.reshape(1, D)
  mb2 = msg_b2.reshape(1, D)
  bih = gru_b_ih.reshape(1, 3 * D)
  bhh = gru_b_hh.reshape(1, 3 * D)

  mem_src, mem_dst, mem_neg = _make_gather3(N, B, D)(memory, src, dst, neg_dst)

  pos, neg, upd_src, msg_d, out_tbl = _make_dense(N, B, D, 2048, 64)(
      memory, mem_src, mem_dst, mem_neg, emb_W, embb, f1a, f1b, f1bias, f2r,
      f2b, w1a, w1b, mb1, msg_W2, mb2, gru_W_ih, gru_W_hh, bih, bhh)

  out_ref = jax.new_ref(out_tbl)
  _make_scatter(N, B, D)(out_ref, src, upd_src)
  cur_dst = _make_gather1(N, B, D)(out_ref, dst)
  upd_dst = _make_gru_dst(B, D, 2048)(msg_d, cur_dst, gru_W_ih, gru_W_hh,
                                      bih, bhh)
  _make_scatter(N, B, D)(out_ref, dst, upd_dst)
  return pos, neg, out_ref[...]

# --- scband reference (transcript-rebuilt; emitter-appended) ---
"""Pipeline reference for scband-tgn-43121471652162 (READ-ONLY COPY).

The authoritative reference and input builder live on the scoring server;
editing this copy changes nothing except your own understanding.
"""

import jax, jax.numpy as jnp
import numpy as np

B = 16384
N = 1000000
D = 128
EMB = 128


def _gru_cell(x, h, W_ih, W_hh, b_ih, b_hh):
    gx = x @ W_ih + b_ih
    gh = h @ W_hh + b_hh
    xr, xz, xn = jnp.split(gx, 3, axis=1)
    hr, hz, hn = jnp.split(gh, 3, axis=1)
    r = jax.nn.sigmoid(xr + hr)
    z = jax.nn.sigmoid(xz + hz)
    n = jnp.tanh(xn + r * hn)
    return (1.0 - z) * n + z * h


def setup_inputs(seed: int = 0) -> dict:
    key = jax.random.key(seed)
    ks = jax.random.split(key, 20)
    src = jax.random.randint(ks[0], (B,), 0, N)
    dst = jax.random.randint(ks[1], (B,), 0, N)
    neg_dst = jax.random.randint(ks[2], (B,), 0, N)
    t = jax.random.uniform(ks[3], (B,), dtype=jnp.float32)
    memory = jnp.zeros((N, D), jnp.float32)
    s = 0.05
    emb_W = s * jax.random.normal(ks[4], (D, EMB), jnp.float32)
    emb_b = jnp.zeros((EMB,), jnp.float32)
    fc1_W = s * jax.random.normal(ks[5], (2 * EMB, EMB), jnp.float32)
    fc1_b = jnp.zeros((EMB,), jnp.float32)
    fc2_W = s * jax.random.normal(ks[6], (EMB, 1), jnp.float32)
    fc2_b = jnp.zeros((1,), jnp.float32)
    msg_W1 = s * jax.random.normal(ks[7], (2 * D + 1, D), jnp.float32)
    msg_b1 = jnp.zeros((D,), jnp.float32)
    msg_W2 = s * jax.random.normal(ks[8], (D, D), jnp.float32)
    msg_b2 = jnp.zeros((D,), jnp.float32)
    gru_W_ih = s * jax.random.normal(ks[9], (D, 3 * D), jnp.float32)
    gru_W_hh = s * jax.random.normal(ks[10], (D, 3 * D), jnp.float32)
    gru_b_ih = jnp.zeros((3 * D,), jnp.float32)
    gru_b_hh = jnp.zeros((3 * D,), jnp.float32)
    return {"src": src, "dst": dst, "t": t, "neg_dst": neg_dst, "memory": memory,
            "emb_W": emb_W, "emb_b": emb_b, "fc1_W": fc1_W, "fc1_b": fc1_b,
            "fc2_W": fc2_W, "fc2_b": fc2_b, "msg_W1": msg_W1, "msg_b1": msg_b1,
            "msg_W2": msg_W2, "msg_b2": msg_b2, "gru_W_ih": gru_W_ih,
            "gru_W_hh": gru_W_hh, "gru_b_ih": gru_b_ih, "gru_b_hh": gru_b_hh}


def reference(src, dst, t, neg_dst, memory, emb_W, emb_b, fc1_W, fc1_b, fc2_W, fc2_b,
              msg_W1, msg_b1, msg_W2, msg_b2, gru_W_ih, gru_W_hh, gru_b_ih, gru_b_hh):
    # 1. gather memory (before update)
    mem_src = jnp.take(memory, src, axis=0)
    mem_dst = jnp.take(memory, dst, axis=0)
    mem_neg = jnp.take(memory, neg_dst, axis=0)
    # 2. temporal embeddings
    z_src = mem_src @ emb_W + emb_b
    z_dst = mem_dst @ emb_W + emb_b
    z_neg = mem_neg @ emb_W + emb_b
    # 3. link prediction
    def predict(za, zb):
        h = jax.nn.relu(jnp.concatenate([za, zb], axis=1) @ fc1_W + fc1_b)
        return h @ fc2_W + fc2_b
    pos_score = predict(z_src, z_dst)
    neg_score = predict(z_src, z_neg)
    # 4. messages
    delta_t = jnp.zeros((src.shape[0], 1), jnp.float32)
    def msg_fn(a, b):
        h = jax.nn.relu(jnp.concatenate([a, b, delta_t], axis=1) @ msg_W1 + msg_b1)
        return h @ msg_W2 + msg_b2
    msg_src = msg_fn(mem_src, mem_dst)
    msg_dst = msg_fn(mem_dst, mem_src)
    # 5. GRU memory update + scatter-overwrite (src first, then dst, like torch in-place order)
    upd_src = _gru_cell(msg_src, mem_src, gru_W_ih, gru_W_hh, gru_b_ih, gru_b_hh)
    mem1 = memory.at[src].set(upd_src)
    cur_dst = jnp.take(mem1, dst, axis=0)
    upd_dst = _gru_cell(msg_dst, cur_dst, gru_W_ih, gru_W_hh, gru_b_ih, gru_b_hh)
    mem2 = mem1.at[dst].set(upd_dst)
    return (pos_score, neg_score, mem2)

if __name__ == "__main__":
    import jax
    _d = setup_inputs()
    print(jax.jit(kernel)(*tuple(_d.values())))

</pallas_src>

<mosaic_0001>
#map = affine_map<(d0, d1) -> (0, 0)>
#map1 = affine_map<(d0, d1) -> (0)>
module attributes {stable_mosaic.version = 14 : i64} {
  func.func @new_body(%arg0: i32, %arg1: i32, %arg2: memref<1000000x128xf32, #tpu.memory_space<hbm>>, %arg3: memref<16384xi32, #tpu.memory_space<hbm>>, %arg4: memref<16384x128xf32, #tpu.memory_space<hbm>>, %arg5: memref<1000000x128xf32, #tpu.memory_space<hbm>>, %arg6: memref<128xi32, #tpu.memory_space<vmem>>, %arg7: memref<128x128xf32, #tpu.memory_space<vmem>>, %arg8: memref<!tpu.dma_semaphore, #tpu.memory_space<semaphore_mem>>) attributes {dimension_semantics = [#tpu.dimension_semantics<core_parallel>, #tpu.dimension_semantics<subcore_parallel>], iteration_bounds = array<i64: 2, 16>, scalar_prefetch = 0 : i64, scratch_operands = 3 : i64, tpu.core_type = #tpu.core_type<sc_vector_subcore>, window_params = [{transform_indices = #map}, {transform_indices = #map1}, {transform_indices = #map}, {transform_indices = #map}]} {
    %mul3A = arith.constant 2 : i32
    %mul3A_0 = arith.muli %arg1, %mul3A : i32
    %add3A = arith.addi %mul3A_0, %arg0 : i32
    %mul3A_1 = arith.constant 512 : i32
    %mul3A_2 = arith.muli %add3A, %mul3A_1 : i32
    %add3A_3 = arith.constant 0 : i32
    %add3A_4 = arith.addi %mul3A_2, %add3A_3 : i32
    "tpu.region"() ({
      %run_scoped3A = tpu.sem_alloc : memref<!tpu.dma_semaphore, #tpu.memory_space<semaphore_mem>>
      %dma_start3A_33 = tpu.memref_slice %arg3[%add3A_4] : memref<16384xi32, #tpu.memory_space<hbm>> -> memref<128xi32, #tpu.memory_space<hbm>>
      %dma_start3A_34 = tpu.memref_slice %arg3[%add3A_4] : memref<16384xi32, #tpu.memory_space<hbm>> -> memref<128xi32, #tpu.memory_space<hbm>>
      tpu.enqueue_dma source(%dma_start3A_34 : memref<128xi32, #tpu.memory_space<hbm>>) target(%arg6 : memref<128xi32, #tpu.memory_space<vmem>>) target_semaphore(%run_scoped3A : memref<!tpu.dma_semaphore, #tpu.memory_space<semaphore_mem>>)
      %dma_wait3A_35 = tpu.memref_slice %arg3[%add3A_4] : memref<16384xi32, #tpu.memory_space<hbm>> -> memref<128xi32, #tpu.memory_space<hbm>>
      %dma_wait3A_36 = tpu.memref_slice %arg3[%add3A_4] : memref<16384xi32, #tpu.memory_space<hbm>> -> memref<128xi32, #tpu.memory_space<hbm>>
      tpu.wait_dma2 semaphore(%run_scoped3A : memref<!tpu.dma_semaphore, #tpu.memory_space<semaphore_mem>>) src(%dma_wait3A_36 : memref<128xi32, #tpu.memory_space<hbm>>) dst(%arg6 : memref<128xi32, #tpu.memory_space<vmem>>)
      tpu.yield
    }) : () -> ()
    "tpu.region"() ({
      %run_scoped3A = tpu.sem_alloc : memref<!tpu.dma_semaphore, #tpu.memory_space<semaphore_mem>>
      %dma_start3A_33 = arith.constant 0 : i32
      %dma_start3A_34 = tpu.memref_slice %arg4[%add3A_4, %dma_start3A_33] : memref<16384x128xf32, #tpu.memory_space<hbm>> -> memref<128x128xf32, #tpu.memory_space<hbm>>
      %dma_start3A_35 = arith.constant 0 : i32
      %dma_start3A_36 = tpu.memref_slice %arg4[%add3A_4, %dma_start3A_35] : memref<16384x128xf32, #tpu.memory_space<hbm>> -> memref<128x128xf32, #tpu.memory_space<hbm>>
      tpu.enqueue_dma source(%dma_start3A_36 : memref<128x128xf32, #tpu.memory_space<hbm>>) target(%arg7 : memref<128x128xf32, #tpu.memory_space<vmem>>) target_semaphore(%run_scoped3A : memref<!tpu.dma_semaphore, #tpu.memory_space<semaphore_mem>>)
      %dma_wait3A_37 = arith.constant 0 : i32
      %dma_wait3A_38 = tpu.memref_slice %arg4[%add3A_4, %dma_wait3A_37] : memref<16384x128xf32, #tpu.memory_space<hbm>> -> memref<128x128xf32, #tpu.memory_space<hbm>>
      %dma_wait3A_39 = arith.constant 0 : i32
      %dma_wait3A_40 = tpu.memref_slice %arg4[%add3A_4, %dma_wait3A_39] : memref<16384x128xf32, #tpu.memory_space<hbm>> -> memref<128x128xf32, #tpu.memory_space<hbm>>
      tpu.wait_dma2 semaphore(%run_scoped3A : memref<!tpu.dma_semaphore, #tpu.memory_space<semaphore_mem>>) src(%dma_wait3A_40 : memref<128x128xf32, #tpu.memory_space<hbm>>) dst(%arg7 : memref<128x128xf32, #tpu.memory_space<vmem>>)
      tpu.yield
    }) : () -> ()
    %dma_start3A = arith.constant 0 : i32
    %dma_start3A_5 = arith.constant 0 : i32
    %dma_start3A_6 = tpu.memref_slice %arg2[%dma_start3A, %dma_start3A_5] : memref<1000000x128xf32, #tpu.memory_space<hbm>> -> memref<1000000x128xf32, #tpu.memory_space<hbm>>
    tpu.enqueue_indirect_dma source(%arg7 : memref<128x128xf32, #tpu.memory_space<vmem>>) target(%dma_start3A_6 : memref<1000000x128xf32, #tpu.memory_space<hbm>>) offsets(%arg6 : memref<128xi32, #tpu.memory_space<vmem>>) semaphore(%arg8 : memref<!tpu.dma_semaphore, #tpu.memory_space<semaphore_mem>>)
    %dma_wait3A = arith.constant 0 : i32
    %dma_wait3A_7 = arith.constant 0 : i32
    %dma_wait3A_8 = tpu.memref_slice %arg2[%dma_wait3A, %dma_wait3A_7] : memref<1000000x128xf32, #tpu.memory_space<hbm>> -> memref<1000000x128xf32, #tpu.memory_space<hbm>>
    tpu.wait_indirect_dma semaphore(%arg8 : memref<!tpu.dma_semaphore, #tpu.memory_space<semaphore_mem>>) src(%arg7 : memref<128x128xf32, #tpu.memory_space<vmem>>) dst(%dma_wait3A_8 : memref<1000000x128xf32, #tpu.memory_space<hbm>>)
    %add3A_9 = arith.constant 128 : i32
    %add3A_10 = arith.addi %mul3A_2, %add3A_9 : i32
    "tpu.region"() ({
      %run_scoped3A = tpu.sem_alloc : memref<!tpu.dma_semaphore, #tpu.memory_space<semaphore_mem>>
      %dma_start3A_33 = tpu.memref_slice %arg3[%add3A_10] : memref<16384xi32, #tpu.memory_space<hbm>> -> memref<128xi32, #tpu.memory_space<hbm>>
      %dma_start3A_34 = tpu.memref_slice %arg3[%add3A_10] : memref<16384xi32, #tpu.memory_space<hbm>> -> memref<128xi32, #tpu.memory_space<hbm>>
      tpu.enqueue_dma source(%dma_start3A_34 : memref<128xi32, #tpu.memory_space<hbm>>) target(%arg6 : memref<128xi32, #tpu.memory_space<vmem>>) target_semaphore(%run_scoped3A : memref<!tpu.dma_semaphore, #tpu.memory_space<semaphore_mem>>)
      %dma_wait3A_35 = tpu.memref_slice %arg3[%add3A_10] : memref<16384xi32, #tpu.memory_space<hbm>> -> memref<128xi32, #tpu.memory_space<hbm>>
      %dma_wait3A_36 = tpu.memref_slice %arg3[%add3A_10] : memref<16384xi32, #tpu.memory_space<hbm>> -> memref<128xi32, #tpu.memory_space<hbm>>
      tpu.wait_dma2 semaphore(%run_scoped3A : memref<!tpu.dma_semaphore, #tpu.memory_space<semaphore_mem>>) src(%dma_wait3A_36 : memref<128xi32, #tpu.memory_space<hbm>>) dst(%arg6 : memref<128xi32, #tpu.memory_space<vmem>>)
      tpu.yield
    }) : () -> ()
    "tpu.region"() ({
      %run_scoped3A = tpu.sem_alloc : memref<!tpu.dma_semaphore, #tpu.memory_space<semaphore_mem>>
      %dma_start3A_33 = arith.constant 0 : i32
      %dma_start3A_34 = tpu.memref_slice %arg4[%add3A_10, %dma_start3A_33] : memref<16384x128xf32, #tpu.memory_space<hbm>> -> memref<128x128xf32, #tpu.memory_space<hbm>>
      %dma_start3A_35 = arith.constant 0 : i32
      %dma_start3A_36 = tpu.memref_slice %arg4[%add3A_10, %dma_start3A_35] : memref<16384x128xf32, #tpu.memory_space<hbm>> -> memref<128x128xf32, #tpu.memory_space<hbm>>
      tpu.enqueue_dma source(%dma_start3A_36 : memref<128x128xf32, #tpu.memory_space<hbm>>) target(%arg7 : memref<128x128xf32, #tpu.memory_space<vmem>>) target_semaphore(%run_scoped3A : memref<!tpu.dma_semaphore, #tpu.memory_space<semaphore_mem>>)
      %dma_wait3A_37 = arith.constant 0 : i32
      %dma_wait3A_38 = tpu.memref_slice %arg4[%add3A_10, %dma_wait3A_37] : memref<16384x128xf32, #tpu.memory_space<hbm>> -> memref<128x128xf32, #tpu.memory_space<hbm>>
      %dma_wait3A_39 = arith.constant 0 : i32
      %dma_wait3A_40 = tpu.memref_slice %arg4[%add3A_10, %dma_wait3A_39] : memref<16384x128xf32, #tpu.memory_space<hbm>> -> memref<128x128xf32, #tpu.memory_space<hbm>>
      tpu.wait_dma2 semaphore(%run_scoped3A : memref<!tpu.dma_semaphore, #tpu.memory_space<semaphore_mem>>) src(%dma_wait3A_40 : memref<128x128xf32, #tpu.memory_space<hbm>>) dst(%arg7 : memref<128x128xf32, #tpu.memory_space<vmem>>)
      tpu.yield
    }) : () -> ()
    %dma_start3A_11 = arith.constant 0 : i32
    %dma_start3A_12 = arith.constant 0 : i32
    %dma_start3A_13 = tpu.memref_slice %arg2[%dma_start3A_11, %dma_start3A_12] : memref<1000000x128xf32, #tpu.memory_space<hbm>> -> memref<1000000x128xf32, #tpu.memory_space<hbm>>
    tpu.enqueue_indirect_dma source(%arg7 : memref<128x128xf32, #tpu.memory_space<vmem>>) target(%dma_start3A_13 : memref<1000000x128xf32, #tpu.memory_space<hbm>>) offsets(%arg6 : memref<128xi32, #tpu.memory_space<vmem>>) semaphore(%arg8 : memref<!tpu.dma_semaphore, #tpu.memory_space<semaphore_mem>>)
    %dma_wait3A_14 = arith.constant 0 : i32
    %dma_wait3A_15 = arith.constant 0 : i32
    %dma_wait3A_16 = tpu.memref_slice %arg2[%dma_wait3A_14, %dma_wait3A_15] : memref<1000000x128xf32, #tpu.memory_space<hbm>> -> memref<1000000x128xf32, #tpu.memory_space<hbm>>
    tpu.wait_indirect_dma semaphore(%arg8 : memref<!tpu.dma_semaphore, #tpu.memory_space<semaphore_mem>>) src(%arg7 : memref<128x128xf32, #tpu.memory_space<vmem>>) dst(%dma_wait3A_16 : memref<1000000x128xf32, #tpu.memory_space<hbm>>)
    %add3A_17 = arith.constant 256 : i32
    %add3A_18 = arith.addi %mul3A_2, %add3A_17 : i32
    "tpu.region"() ({
      %run_scoped3A = tpu.sem_alloc : memref<!tpu.dma_semaphore, #tpu.memory_space<semaphore_mem>>
      %dma_start3A_33 = tpu.memref_slice %arg3[%add3A_18] : memref<16384xi32, #tpu.memory_space<hbm>> -> memref<128xi32, #tpu.memory_space<hbm>>
      %dma_start3A_34 = tpu.memref_slice %arg3[%add3A_18] : memref<16384xi32, #tpu.memory_space<hbm>> -> memref<128xi32, #tpu.memory_space<hbm>>
      tpu.enqueue_dma source(%dma_start3A_34 : memref<128xi32, #tpu.memory_space<hbm>>) target(%arg6 : memref<128xi32, #tpu.memory_space<vmem>>) target_semaphore(%run_scoped3A : memref<!tpu.dma_semaphore, #tpu.memory_space<semaphore_mem>>)
      %dma_wait3A_35 = tpu.memref_slice %arg3[%add3A_18] : memref<16384xi32, #tpu.memory_space<hbm>> -> memref<128xi32, #tpu.memory_space<hbm>>
      %dma_wait3A_36 = tpu.memref_slice %arg3[%add3A_18] : memref<16384xi32, #tpu.memory_space<hbm>> -> memref<128xi32, #tpu.memory_space<hbm>>
      tpu.wait_dma2 semaphore(%run_scoped3A : memref<!tpu.dma_semaphore, #tpu.memory_space<semaphore_mem>>) src(%dma_wait3A_36 : memref<128xi32, #tpu.memory_space<hbm>>) dst(%arg6 : memref<128xi32, #tpu.memory_space<vmem>>)
      tpu.yield
    }) : () -> ()
    "tpu.region"() ({
      %run_scoped3A = tpu.sem_alloc : memref<!tpu.dma_semaphore, #tpu.memory_space<semaphore_mem>>
      %dma_start3A_33 = arith.constant 0 : i32
      %dma_start3A_34 = tpu.memref_slice %arg4[%add3A_18, %dma_start3A_33] : memref<16384x128xf32, #tpu.memory_space<hbm>> -> memref<128x128xf32, #tpu.memory_space<hbm>>
      %dma_start3A_35 = arith.constant 0 : i32
      %dma_start3A_36 = tpu.memref_slice %arg4[%add3A_18, %dma_start3A_35] : memref<16384x128xf32, #tpu.memory_space<hbm>> -> memref<128x128xf32, #tpu.memory_space<hbm>>
      tpu.enqueue_dma source(%dma_start3A_36 : memref<128x128xf32, #tpu.memory_space<hbm>>) target(%arg7 : memref<128x128xf32, #tpu.memory_space<vmem>>) target_semaphore(%run_scoped3A : memref<!tpu.dma_semaphore, #tpu.memory_space<semaphore_mem>>)
      %dma_wait3A_37 = arith.constant 0 : i32
      %dma_wait3A_38 = tpu.memref_slice %arg4[%add3A_18, %dma_wait3A_37] : memref<16384x128xf32, #tpu.memory_space<hbm>> -> memref<128x128xf32, #tpu.memory_space<hbm>>
      %dma_wait3A_39 = arith.constant 0 : i32
      %dma_wait3A_40 = tpu.memref_slice %arg4[%add3A_18, %dma_wait3A_39] : memref<16384x128xf32, #tpu.memory_space<hbm>> -> memref<128x128xf32, #tpu.memory_space<hbm>>
      tpu.wait_dma2 semaphore(%run_scoped3A : memref<!tpu.dma_semaphore, #tpu.memory_space<semaphore_mem>>) src(%dma_wait3A_40 : memref<128x128xf32, #tpu.memory_space<hbm>>) dst(%arg7 : memref<128x128xf32, #tpu.memory_space<vmem>>)
      tpu.yield
    }) : () -> ()
    %dma_start3A_19 = arith.constant 0 : i32
    %dma_start3A_20 = arith.constant 0 : i32
    %dma_start3A_21 = tpu.memref_slice %arg2[%dma_start3A_19, %dma_start3A_20] : memref<1000000x128xf32, #tpu.memory_space<hbm>> -> memref<1000000x128xf32, #tpu.memory_space<hbm>>
    tpu.enqueue_indirect_dma source(%arg7 : memref<128x128xf32, #tpu.memory_space<vmem>>) target(%dma_start3A_21 : memref<1000000x128xf32, #tpu.memory_space<hbm>>) offsets(%arg6 : memref<128xi32, #tpu.memory_space<vmem>>) semaphore(%arg8 : memref<!tpu.dma_semaphore, #tpu.memory_space<semaphore_mem>>)
    %dma_wait3A_22 = arith.constant 0 : i32
    %dma_wait3A_23 = arith.constant 0 : i32
    %dma_wait3A_24 = tpu.memref_slice %arg2[%dma_wait3A_22, %dma_wait3A_23] : memref<1000000x128xf32, #tpu.memory_space<hbm>> -> memref<1000000x128xf32, #tpu.memory_space<hbm>>
    tpu.wait_indirect_dma semaphore(%arg8 : memref<!tpu.dma_semaphore, #tpu.memory_space<semaphore_mem>>) src(%arg7 : memref<128x128xf32, #tpu.memory_space<vmem>>) dst(%dma_wait3A_24 : memref<1000000x128xf32, #tpu.memory_space<hbm>>)
    %add3A_25 = arith.constant 384 : i32
    %add3A_26 = arith.addi %mul3A_2, %add3A_25 : i32
    "tpu.region"() ({
      %run_scoped3A = tpu.sem_alloc : memref<!tpu.dma_semaphore, #tpu.memory_space<semaphore_mem>>
      %dma_start3A_33 = tpu.memref_slice %arg3[%add3A_26] : memref<16384xi32, #tpu.memory_space<hbm>> -> memref<128xi32, #tpu.memory_space<hbm>>
      %dma_start3A_34 = tpu.memref_slice %arg3[%add3A_26] : memref<16384xi32, #tpu.memory_space<hbm>> -> memref<128xi32, #tpu.memory_space<hbm>>
      tpu.enqueue_dma source(%dma_start3A_34 : memref<128xi32, #tpu.memory_space<hbm>>) target(%arg6 : memref<128xi32, #tpu.memory_space<vmem>>) target_semaphore(%run_scoped3A : memref<!tpu.dma_semaphore, #tpu.memory_space<semaphore_mem>>)
      %dma_wait3A_35 = tpu.memref_slice %arg3[%add3A_26] : memref<16384xi32, #tpu.memory_space<hbm>> -> memref<128xi32, #tpu.memory_space<hbm>>
      %dma_wait3A_36 = tpu.memref_slice %arg3[%add3A_26] : memref<16384xi32, #tpu.memory_space<hbm>> -> memref<128xi32, #tpu.memory_space<hbm>>
      tpu.wait_dma2 semaphore(%run_scoped3A : memref<!tpu.dma_semaphore, #tpu.memory_space<semaphore_mem>>) src(%dma_wait3A_36 : memref<128xi32, #tpu.memory_space<hbm>>) dst(%arg6 : memref<128xi32, #tpu.memory_space<vmem>>)
      tpu.yield
    }) : () -> ()
    "tpu.region"() ({
      %run_scoped3A = tpu.sem_alloc : memref<!tpu.dma_semaphore, #tpu.memory_space<semaphore_mem>>
      %dma_start3A_33 = arith.constant 0 : i32
      %dma_start3A_34 = tpu.memref_slice %arg4[%add3A_26, %dma_start3A_33] : memref<16384x128xf32, #tpu.memory_space<hbm>> -> memref<128x128xf32, #tpu.memory_space<hbm>>
      %dma_start3A_35 = arith.constant 0 : i32
      %dma_start3A_36 = tpu.memref_slice %arg4[%add3A_26, %dma_start3A_35] : memref<16384x128xf32, #tpu.memory_space<hbm>> -> memref<128x128xf32, #tpu.memory_space<hbm>>
      tpu.enqueue_dma source(%dma_start3A_36 : memref<128x128xf32, #tpu.memory_space<hbm>>) target(%arg7 : memref<128x128xf32, #tpu.memory_space<vmem>>) target_semaphore(%run_scoped3A : memref<!tpu.dma_semaphore, #tpu.memory_space<semaphore_mem>>)
      %dma_wait3A_37 = arith.constant 0 : i32
      %dma_wait3A_38 = tpu.memref_slice %arg4[%add3A_26, %dma_wait3A_37] : memref<16384x128xf32, #tpu.memory_space<hbm>> -> memref<128x128xf32, #tpu.memory_space<hbm>>
      %dma_wait3A_39 = arith.constant 0 : i32
      %dma_wait3A_40 = tpu.memref_slice %arg4[%add3A_26, %dma_wait3A_39] : memref<16384x128xf32, #tpu.memory_space<hbm>> -> memref<128x128xf32, #tpu.memory_space<hbm>>
      tpu.wait_dma2 semaphore(%run_scoped3A : memref<!tpu.dma_semaphore, #tpu.memory_space<semaphore_mem>>) src(%dma_wait3A_40 : memref<128x128xf32, #tpu.memory_space<hbm>>) dst(%arg7 : memref<128x128xf32, #tpu.memory_space<vmem>>)
      tpu.yield
    }) : () -> ()
    %dma_start3A_27 = arith.constant 0 : i32
    %dma_start3A_28 = arith.constant 0 : i32
    %dma_start3A_29 = tpu.memref_slice %arg2[%dma_start3A_27, %dma_start3A_28] : memref<1000000x128xf32, #tpu.memory_space<hbm>> -> memref<1000000x128xf32, #tpu.memory_space<hbm>>
    tpu.enqueue_indirect_dma source(%arg7 : memref<128x128xf32, #tpu.memory_space<vmem>>) target(%dma_start3A_29 : memref<1000000x128xf32, #tpu.memory_space<hbm>>) offsets(%arg6 : memref<128xi32, #tpu.memory_space<vmem>>) semaphore(%arg8 : memref<!tpu.dma_semaphore, #tpu.memory_space<semaphore_mem>>)
    %dma_wait3A_30 = arith.constant 0 : i32
    %dma_wait3A_31 = arith.constant 0 : i32
    %dma_wait3A_32 = tpu.memref_slice %arg2[%dma_wait3A_30, %dma_wait3A_31] : memref<1000000x128xf32, #tpu.memory_space<hbm>> -> memref<1000000x128xf32, #tpu.memory_space<hbm>>
    tpu.wait_indirect_dma semaphore(%arg8 : memref<!tpu.dma_semaphore, #tpu.memory_space<semaphore_mem>>) src(%arg7 : memref<128x128xf32, #tpu.memory_space<vmem>>) dst(%dma_wait3A_32 : memref<1000000x128xf32, #tpu.memory_space<hbm>>)
    return
  }
}

#map = affine_map<(d0, d1) -> (0, 0)>
#map1 = affine_map<(d0, d1) -> (0)>
module attributes {stable_mosaic.version = 14 : i64} {
  func.func @gather3(%arg0: i32, %arg1: i32, %arg2: memref<1000000x128xf32, #tpu.memory_space<hbm>>, %arg3: memref<16384xi32, #tpu.memory_space<hbm>>, %arg4: memref<16384xi32, #tpu.memory_space<hbm>>, %arg5: memref<16384xi32, #tpu.memory_space<hbm>>, %arg6: memref<16384x128xf32, #tpu.memory_space<hbm>>, %arg7: memref<16384x128xf32, #tpu.memory_space<hbm>>, %arg8: memref<16384x128xf32, #tpu.memory_space<hbm>>, %arg9: memref<128xi32, #tpu.memory_space<vmem>>, %arg10: memref<128x128xf32, #tpu.memory_space<vmem>>, %arg11: memref<!tpu.dma_semaphore, #tpu.memory_space<semaphore_mem>>) attributes {dimension_semantics = [#tpu.dimension_semantics<core_parallel>, #tpu.dimension_semantics<subcore_parallel>], iteration_bounds = array<i64: 2, 16>, scalar_prefetch = 0 : i64, scratch_operands = 3 : i64, tpu.core_type = #tpu.core_type<sc_vector_subcore>, window_params = [{transform_indices = #map}, {transform_indices = #map1}, {transform_indices = #map1}, {transform_indices = #map1}, {transform_indices = #map}, {transform_indices = #map}, {transform_indices = #map}]} {
    %mul3A = arith.constant 2 : i32
    %mul3A_0 = arith.muli %arg1, %mul3A : i32
    %add3A = arith.addi %mul3A_0, %arg0 : i32
    %mul3A_1 = arith.constant 512 : i32
    %mul3A_2 = arith.muli %add3A, %mul3A_1 : i32
    %add3A_3 = arith.constant 0 : i32
    %add3A_4 = arith.addi %mul3A_2, %add3A_3 : i32
    "tpu.region"() ({
      %run_scoped3A = tpu.sem_alloc : memref<!tpu.dma_semaphore, #tpu.memory_space<semaphore_mem>>
      %dma_start3A_97 = tpu.memref_slice %arg3[%add3A_4] : memref<16384xi32, #tpu.memory_space<hbm>> -> memref<128xi32, #tpu.memory_space<hbm>>
      %dma_start3A_98 = tpu.memref_slice %arg3[%add3A_4] : memref<16384xi32, #tpu.memory_space<hbm>> -> memref<128xi32, #tpu.memory_space<hbm>>
      tpu.enqueue_dma source(%dma_start3A_98 : memref<128xi32, #tpu.memory_space<hbm>>) target(%arg9 : memref<128xi32, #tpu.memory_space<vmem>>) target_semaphore(%run_scoped3A : memref<!tpu.dma_semaphore, #tpu.memory_space<semaphore_mem>>)
      %dma_wait3A_99 = tpu.memref_slice %arg3[%add3A_4] : memref<16384xi32, #tpu.memory_space<hbm>> -> memref<128xi32, #tpu.memory_space<hbm>>
      %dma_wait3A_100 = tpu.memref_slice %arg3[%add3A_4] : memref<16384xi32, #tpu.memory_space<hbm>> -> memref<128xi32, #tpu.memory_space<hbm>>
      tpu.wait_dma2 semaphore(%run_scoped3A : memref<!tpu.dma_semaphore, #tpu.memory_space<semaphore_mem>>) src(%dma_wait3A_100 : memref<128xi32, #tpu.memory_space<hbm>>) dst(%arg9 : memref<128xi32, #tpu.memory_space<vmem>>)
      tpu.yield
    }) : () -> ()
    %dma_start3A = arith.constant 0 : i32
    %dma_start3A_5 = arith.constant 0 : i32
    %dma_start3A_6 = tpu.memref_slice %arg2[%dma_start3A, %dma_start3A_5] : memref<1000000x128xf32, #tpu.memory_space<hbm>> -> memref<1000000x128xf32, #tpu.memory_space<hbm>>
    tpu.enqueue_indirect_dma source(%dma_start3A_6 : memref<1000000x128xf32, #tpu.memory_space<hbm>>) target(%arg10 : memref<128x128xf32, #tpu.memory_space<vmem>>) offsets(%arg9 : memref<128xi32, #tpu.memory_space<vmem>>) semaphore(%arg11 : memref<!tpu.dma_semaphore, #tpu.memory_space<semaphore_mem>>)
    %dma_wait3A = arith.constant 0 : i32
    %dma_wait3A_7 = arith.constant 0 : i32
    %dma_wait3A_8 = tpu.memref_slice %arg2[%dma_wait3A, %dma_wait3A_7] : memref<1000000x128xf32, #tpu.memory_space<hbm>> -> memref<1000000x128xf32, #tpu.memory_space<hbm>>
    tpu.wait_indirect_dma semaphore(%arg11 : memref<!tpu.dma_semaphore, #tpu.memory_space<semaphore_mem>>) src(%dma_wait3A_8 : memref<1000000x128xf32, #tpu.memory_space<hbm>>) dst(%arg10 : memref<128x128xf32, #tpu.memory_space<vmem>>)
    "tpu.region"() ({
      %run_scoped3A = tpu.sem_alloc : memref<!tpu.dma_semaphore, #tpu.memory_space<semaphore_mem>>
      %dma_start3A_97 = arith.constant 0 : i32
      %dma_start3A_98 = tpu.memref_slice %arg6[%add3A_4, %dma_start3A_97] : memref<16384x128xf32, #tpu.memory_space<hbm>> -> memref<128x128xf32, #tpu.memory_space<hbm>>
      %dma_start3A_99 = arith.constant 0 : i32
      %dma_start3A_100 = tpu.memref_slice %arg6[%add3A_4, %dma_start3A_99] : memref<16384x128xf32, #tpu.memory_space<hbm>> -> memref<128x128xf32, #tpu.memory_space<hbm>>
      tpu.enqueue_dma source(%arg10 : memref<128x128xf32, #tpu.memory_space<vmem>>) target(%dma_start3A_100 : memref<128x128xf32, #tpu.memory_space<hbm>>) target_semaphore(%run_scoped3A : memref<!tpu.dma_semaphore, #tpu.memory_space<semaphore_mem>>)
      %dma_wait3A_101 = arith.constant 0 : i32
      %dma_wait3A_102 = tpu.memref_slice %arg6[%add3A_4, %dma_wait3A_101] : memref<16384x128xf32, #tpu.memory_space<hbm>> -> memref<128x128xf32, #tpu.memory_space<hbm>>
      %dma_wait3A_103 = arith.constant 0 : i32
      %dma_wait3A_104 = tpu.memref_slice %arg6[%add3A_4, %dma_wait3A_103] : memref<16384x128xf32, #tpu.memory_space<hbm>> -> memref<128x128xf32, #tpu.memory_space<hbm>>
      tpu.wait_dma2 semaphore(%run_scoped3A : memref<!tpu.dma_semaphore, #tpu.memory_space<semaphore_mem>>) src(%arg10 : memref<128x128xf32, #tpu.memory_space<vmem>>) dst(%dma_wait3A_104 : memref<128x128xf32, #tpu.memory_space<hbm>>)
      tpu.yield
    }) : () -> ()
    %add3A_9 = arith.constant 128 : i32
    %add3A_10 = arith.addi %mul3A_2, %add3A_9 : i32
    "tpu.region"() ({
      %run_scoped3A = tpu.sem_alloc : memref<!tpu.dma_semaphore, #tpu.memory_space<semaphore_mem>>
      %dma_start3A_97 = tpu.memref_slice %arg3[%add3A_10] : memref<16384xi32, #tpu.memory_space<hbm>> -> memref<128xi32, #tpu.memory_space<hbm>>
      %dma_start3A_98 = tpu.memref_slice %arg3[%add3A_10] : memref<16384xi32, #tpu.memory_space<hbm>> -> memref<128xi32, #tpu.memory_space<hbm>>
      tpu.enqueue_dma source(%dma_start3A_98 : memref<128xi32, #tpu.memory_space<hbm>>) target(%arg9 : memref<128xi32, #tpu.memory_space<vmem>>) target_semaphore(%run_scoped3A : memref<!tpu.dma_semaphore, #tpu.memory_space<semaphore_mem>>)
      %dma_wait3A_99 = tpu.memref_slice %arg3[%add3A_10] : memref<16384xi32, #tpu.memory_space<hbm>> -> memref<128xi32, #tpu.memory_space<hbm>>
      %dma_wait3A_100 = tpu.memref_slice %arg3[%add3A_10] : memref<16384xi32, #tpu.memory_space<hbm>> -> memref<128xi32, #tpu.memory_space<hbm>>
      tpu.wait_dma2 semaphore(%run_scoped3A : memref<!tpu.dma_semaphore, #tpu.memory_space<semaphore_mem>>) src(%dma_wait3A_100 : memref<128xi32, #tpu.memory_space<hbm>>) dst(%arg9 : memref<128xi32, #tpu.memory_space<vmem>>)
      tpu.yield
    }) : () -> ()
    %dma_start3A_11 = arith.constant 0 : i32
    %dma_start3A_12 = arith.constant 0 : i32
    %dma_start3A_13 = tpu.memref_slice %arg2[%dma_start3A_11, %dma_start3A_12] : memref<1000000x128xf32, #tpu.memory_space<hbm>> -> memref<1000000x128xf32, #tpu.memory_space<hbm>>
    tpu.enqueue_indirect_dma source(%dma_start3A_13 : memref<1000000x128xf32, #tpu.memory_space<hbm>>) target(%arg10 : memref<128x128xf32, #tpu.memory_space<vmem>>) offsets(%arg9 : memref<128xi32, #tpu.memory_space<vmem>>) semaphore(%arg11 : memref<!tpu.dma_semaphore, #tpu.memory_space<semaphore_mem>>)
    %dma_wait3A_14 = arith.constant 0 : i32
    %dma_wait3A_15 = arith.constant 0 : i32
    %dma_wait3A_16 = tpu.memref_slice %arg2[%dma_wait3A_14, %dma_wait3A_15] : memref<1000000x128xf32, #tpu.memory_space<hbm>> -> memref<1000000x128xf32, #tpu.memory_space<hbm>>
    tpu.wait_indirect_dma semaphore(%arg11 : memref<!tpu.dma_semaphore, #tpu.memory_space<semaphore_mem>>) src(%dma_wait3A_16 : memref<1000000x128xf32, #tpu.memory_space<hbm>>) dst(%arg10 : memref<128x128xf32, #tpu.memory_space<vmem>>)
    "tpu.region"() ({
      %run_scoped3A = tpu.sem_alloc : memref<!tpu.dma_semaphore, #tpu.memory_space<semaphore_mem>>
      %dma_start3A_97 = arith.constant 0 : i32
      %dma_start3A_98 = tpu.memref_slice %arg6[%add3A_10, %dma_start3A_97] : memref<16384x128xf32, #tpu.memory_space<hbm>> -> memref<128x128xf32, #tpu.memory_space<hbm>>
      %dma_start3A_99 = arith.constant 0 : i32
      %dma_start3A_100 = tpu.memref_slice %arg6[%add3A_10, %dma_start3A_99] : memref<16384x128xf32, #tpu.memory_space<hbm>> -> memref<128x128xf32, #tpu.memory_space<hbm>>
      tpu.enqueue_dma source(%arg10 : memref<128x128xf32, #tpu.memory_space<vmem>>) target(%dma_start3A_100 : memref<128x128xf32, #tpu.memory_space<hbm>>) target_semaphore(%run_scoped3A : memref<!tpu.dma_semaphore, #tpu.memory_space<semaphore_mem>>)
      %dma_wait3A_101 = arith.constant 0 : i32
      %dma_wait3A_102 = tpu.memref_slice %arg6[%add3A_10, %dma_wait3A_101] : memref<16384x128xf32, #tpu.memory_space<hbm>> -> memref<128x128xf32, #tpu.memory_space<hbm>>
      %dma_wait3A_103 = arith.constant 0 : i32
      %dma_wait3A_104 = tpu.memref_slice %arg6[%add3A_10, %dma_wait3A_103] : memref<16384x128xf32, #tpu.memory_space<hbm>> -> memref<128x128xf32, #tpu.memory_space<hbm>>
      tpu.wait_dma2 semaphore(%run_scoped3A : memref<!tpu.dma_semaphore, #tpu.memory_space<semaphore_mem>>) src(%arg10 : memref<128x128xf32, #tpu.memory_space<vmem>>) dst(%dma_wait3A_104 : memref<128x128xf32, #tpu.memory_space<hbm>>)
      tpu.yield
    }) : () -> ()
    %add3A_17 = arith.constant 256 : i32
    %add3A_18 = arith.addi %mul3A_2, %add3A_17 : i32
    "tpu.region"() ({
      %run_scoped3A = tpu.sem_alloc : memref<!tpu.dma_semaphore, #tpu.memory_space<semaphore_mem>>
      %dma_start3A_97 = tpu.memref_slice %arg3[%add3A_18] : memref<16384xi32, #tpu.memory_space<hbm>> -> memref<128xi32, #tpu.memory_space<hbm>>
      %dma_start3A_98 = tpu.memref_slice %arg3[%add3A_18] : memref<16384xi32, #tpu.memory_space<hbm>> -> memref<128xi32, #tpu.memory_space<hbm>>
      tpu.enqueue_dma source(%dma_start3A_98 : memref<128xi32, #tpu.memory_space<hbm>>) target(%arg9 : memref<128xi32, #tpu.memory_space<vmem>>) target_semaphore(%run_scoped3A : memref<!tpu.dma_semaphore, #tpu.memory_space<semaphore_mem>>)
      %dma_wait3A_99 = tpu.memref_slice %arg3[%add3A_18] : memref<16384xi32, #tpu.memory_space<hbm>> -> memref<128xi32, #tpu.memory_space<hbm>>
      %dma_wait3A_100 = tpu.memref_slice %arg3[%add3A_18] : memref<16384xi32, #tpu.memory_space<hbm>> -> memref<128xi32, #tpu.memory_space<hbm>>
      tpu.wait_dma2 semaphore(%run_scoped3A : memref<!tpu.dma_semaphore, #tpu.memory_space<semaphore_mem>>) src(%dma_wait3A_100 : memref<128xi32, #tpu.memory_space<hbm>>) dst(%arg9 : memref<128xi32, #tpu.memory_space<vmem>>)
      tpu.yield
    }) : () -> ()
    %dma_start3A_19 = arith.constant 0 : i32
    %dma_start3A_20 = arith.constant 0 : i32
    %dma_start3A_21 = tpu.memref_slice %arg2[%dma_start3A_19, %dma_start3A_20] : memref<1000000x128xf32, #tpu.memory_space<hbm>> -> memref<1000000x128xf32, #tpu.memory_space<hbm>>
    tpu.enqueue_indirect_dma source(%dma_start3A_21 : memref<1000000x128xf32, #tpu.memory_space<hbm>>) target(%arg10 : memref<128x128xf32, #tpu.memory_space<vmem>>) offsets(%arg9 : memref<128xi32, #tpu.memory_space<vmem>>) semaphore(%arg11 : memref<!tpu.dma_semaphore, #tpu.memory_space<semaphore_mem>>)
    %dma_wait3A_22 = arith.constant 0 : i32
    %dma_wait3A_23 = arith.constant 0 : i32
    %dma_wait3A_24 = tpu.memref_slice %arg2[%dma_wait3A_22, %dma_wait3A_23] : memref<1000000x128xf32, #tpu.memory_space<hbm>> -> memref<1000000x128xf32, #tpu.memory_space<hbm>>
    tpu.wait_indirect_dma semaphore(%arg11 : memref<!tpu.dma_semaphore, #tpu.memory_space<semaphore_mem>>) src(%dma_wait3A_24 : memref<1000000x128xf32, #tpu.memory_space<hbm>>) dst(%arg10 : memref<128x128xf32, #tpu.memory_space<vmem>>)
    "tpu.region"() ({
      %run_scoped3A = tpu.sem_alloc : memref<!tpu.dma_semaphore, #tpu.memory_space<semaphore_mem>>
      %dma_start3A_97 = arith.constant 0 : i32
      %dma_start3A_98 = tpu.memref_slice %arg6[%add3A_18, %dma_start3A_97] : memref<16384x128xf32, #tpu.memory_space<hbm>> -> memref<128x128xf32, #tpu.memory_space<hbm>>
      %dma_start3A_99 = arith.constant 0 : i32
      %dma_start3A_100 = tpu.memref_slice %arg6[%add3A_18, %dma_start3A_99] : memref<16384x128xf32, #tpu.memory_space<hbm>> -> memref<128x128xf32, #tpu.memory_space<hbm>>
      tpu.enqueue_dma source(%arg10 : memref<128x128xf32, #tpu.memory_space<vmem>>) target(%dma_start3A_100 : memref<128x128xf32, #tpu.memory_space<hbm>>) target_semaphore(%run_scoped3A : memref<!tpu.dma_semaphore, #tpu.memory_space<semaphore_mem>>)
      %dma_wait3A_101 = arith.constant 0 : i32
      %dma_wait3A_102 = tpu.memref_slice %arg6[%add3A_18, %dma_wait3A_101] : memref<16384x128xf32, #tpu.memory_space<hbm>> -> memref<128x128xf32, #tpu.memory_space<hbm>>
      %dma_wait3A_103 = arith.constant 0 : i32
      %dma_wait3A_104 = tpu.memref_slice %arg6[%add3A_18, %dma_wait3A_103] : memref<16384x128xf32, #tpu.memory_space<hbm>> -> memref<128x128xf32, #tpu.memory_space<hbm>>
      tpu.wait_dma2 semaphore(%run_scoped3A : memref<!tpu.dma_semaphore, #tpu.memory_space<semaphore_mem>>) src(%arg10 : memref<128x128xf32, #tpu.memory_space<vmem>>) dst(%dma_wait3A_104 : memref<128x128xf32, #tpu.memory_space<hbm>>)
      tpu.yield
    }) : () -> ()
    %add3A_25 = arith.constant 384 : i32
    %add3A_26 = arith.addi %mul3A_2, %add3A_25 : i32
    "tpu.region"() ({
      %run_scoped3A = tpu.sem_alloc : memref<!tpu.dma_semaphore, #tpu.memory_space<semaphore_mem>>
      %dma_start3A_97 = tpu.memref_slice %arg3[%add3A_26] : memref<16384xi32, #tpu.memory_space<hbm>> -> memref<128xi32, #tpu.memory_space<hbm>>
      %dma_start3A_98 = tpu.memref_slice %arg3[%add3A_26] : memref<16384xi32, #tpu.memory_space<hbm>> -> memref<128xi32, #tpu.memory_space<hbm>>
      tpu.enqueue_dma source(%dma_start3A_98 : memref<128xi32, #tpu.memory_space<hbm>>) target(%arg9 : memref<128xi32, #tpu.memory_space<vmem>>) target_semaphore(%run_scoped3A : memref<!tpu.dma_semaphore, #tpu.memory_space<semaphore_mem>>)
      %dma_wait3A_99 = tpu.memref_slice %arg3[%add3A_26] : memref<16384xi32, #tpu.memory_space<hbm>> -> memref<128xi32, #tpu.memory_space<hbm>>
      %dma_wait3A_100 = tpu.memref_slice %arg3[%add3A_26] : memref<16384xi32, #tpu.memory_space<hbm>> -> memref<128xi32, #tpu.memory_space<hbm>>
      tpu.wait_dma2 semaphore(%run_scoped3A : memref<!tpu.dma_semaphore, #tpu.memory_space<semaphore_mem>>) src(%dma_wait3A_100 : memref<128xi32, #tpu.memory_space<hbm>>) dst(%arg9 : memref<128xi32, #tpu.memory_space<vmem>>)
      tpu.yield
    }) : () -> ()
    %dma_start3A_27 = arith.constant 0 : i32
    %dma_start3A_28 = arith.constant 0 : i32
    %dma_start3A_29 = tpu.memref_slice %arg2[%dma_start3A_27, %dma_start3A_28] : memref<1000000x128xf32, #tpu.memory_space<hbm>> -> memref<1000000x128xf32, #tpu.memory_space<hbm>>
    tpu.enqueue_indirect_dma source(%dma_start3A_29 : memref<1000000x128xf32, #tpu.memory_space<hbm>>) target(%arg10 : memref<128x128xf32, #tpu.memory_space<vmem>>) offsets(%arg9 : memref<128xi32, #tpu.memory_space<vmem>>) semaphore(%arg11 : memref<!tpu.dma_semaphore, #tpu.memory_space<semaphore_mem>>)
    %dma_wait3A_30 = arith.constant 0 : i32
    %dma_wait3A_31 = arith.constant 0 : i32
    %dma_wait3A_32 = tpu.memref_slice %arg2[%dma_wait3A_30, %dma_wait3A_31] : memref<1000000x128xf32, #tpu.memory_space<hbm>> -> memref<1000000x128xf32, #tpu.memory_space<hbm>>
    tpu.wait_indirect_dma semaphore(%arg11 : memref<!tpu.dma_semaphore, #tpu.memory_space<semaphore_mem>>) src(%dma_wait3A_32 : memref<1000000x128xf32, #tpu.memory_space<hbm>>) dst(%arg10 : memref<128x128xf32, #tpu.memory_space<vmem>>)
    "tpu.region"() ({
      %run_scoped3A = tpu.sem_alloc : memref<!tpu.dma_semaphore, #tpu.memory_space<semaphore_mem>>
      %dma_start3A_97 = arith.constant 0 : i32
      %dma_start3A_98 = tpu.memref_slice %arg6[%add3A_26, %dma_start3A_97] : memref<16384x128xf32, #tpu.memory_space<hbm>> -> memref<128x128xf32, #tpu.memory_space<hbm>>
      %dma_start3A_99 = arith.constant 0 : i32
      %dma_start3A_100 = tpu.memref_slice %arg6[%add3A_26, %dma_start3A_99] : memref<16384x128xf32, #tpu.memory_space<hbm>> -> memref<128x128xf32, #tpu.memory_space<hbm>>
      tpu.enqueue_dma source(%arg10 : memref<128x128xf32, #tpu.memory_space<vmem>>) target(%dma_start3A_100 : memref<128x128xf32, #tpu.memory_space<hbm>>) target_semaphore(%run_scoped3A : memref<!tpu.dma_semaphore, #tpu.memory_space<semaphore_mem>>)
      %dma_wait3A_101 = arith.constant 0 : i32
      %dma_wait3A_102 = tpu.memref_slice %arg6[%add3A_26, %dma_wait3A_101] : memref<16384x128xf32, #tpu.memory_space<hbm>> -> memref<128x128xf32, #tpu.memory_space<hbm>>
      %dma_wait3A_103 = arith.constant 0 : i32
      %dma_wait3A_104 = tpu.memref_slice %arg6[%add3A_26, %dma_wait3A_103] : memref<16384x128xf32, #tpu.memory_space<hbm>> -> memref<128x128xf32, #tpu.memory_space<hbm>>
      tpu.wait_dma2 semaphore(%run_scoped3A : memref<!tpu.dma_semaphore, #tpu.memory_space<semaphore_mem>>) src(%arg10 : memref<128x128xf32, #tpu.memory_space<vmem>>) dst(%dma_wait3A_104 : memref<128x128xf32, #tpu.memory_space<hbm>>)
      tpu.yield
    }) : () -> ()
    %add3A_33 = arith.constant 0 : i32
    %add3A_34 = arith.addi %mul3A_2, %add3A_33 : i32
    "tpu.region"() ({
      %run_scoped3A = tpu.sem_alloc : memref<!tpu.dma_semaphore, #tpu.memory_space<semaphore_mem>>
      %dma_start3A_97 = tpu.memref_slice %arg4[%add3A_34] : memref<16384xi32, #tpu.memory_space<hbm>> -> memref<128xi32, #tpu.memory_space<hbm>>
      %dma_start3A_98 = tpu.memref_slice %arg4[%add3A_34] : memref<16384xi32, #tpu.memory_space<hbm>> -> memref<128xi32, #tpu.memory_space<hbm>>
      tpu.enqueue_dma source(%dma_start3A_98 : memref<128xi32, #tpu.memory_space<hbm>>) target(%arg9 : memref<128xi32, #tpu.memory_space<vmem>>) target_semaphore(%run_scoped3A : memref<!tpu.dma_semaphore, #tpu.memory_space<semaphore_mem>>)
      %dma_wait3A_99 = tpu.memref_slice %arg4[%add3A_34] : memref<16384xi32, #tpu.memory_space<hbm>> -> memref<128xi32, #tpu.memory_space<hbm>>
      %dma_wait3A_100 = tpu.memref_slice %arg4[%add3A_34] : memref<16384xi32, #tpu.memory_space<hbm>> -> memref<128xi32, #tpu.memory_space<hbm>>
      tpu.wait_dma2 semaphore(%run_scoped3A : memref<!tpu.dma_semaphore, #tpu.memory_space<semaphore_mem>>) src(%dma_wait3A_100 : memref<128xi32, #tpu.memory_space<hbm>>) dst(%arg9 : memref<128xi32, #tpu.memory_space<vmem>>)
      tpu.yield
    }) : () -> ()
    %dma_start3A_35 = arith.constant 0 : i32
    %dma_start3A_36 = arith.constant 0 : i32
    %dma_start3A_37 = tpu.memref_slice %arg2[%dma_start3A_35, %dma_start3A_36] : memref<1000000x128xf32, #tpu.memory_space<hbm>> -> memref<1000000x128xf32, #tpu.memory_space<hbm>>
    tpu.enqueue_indirect_dma source(%dma_start3A_37 : memref<1000000x128xf32, #tpu.memory_space<hbm>>) target(%arg10 : memref<128x128xf32, #tpu.memory_space<vmem>>) offsets(%arg9 : memref<128xi32, #tpu.memory_space<vmem>>) semaphore(%arg11 : memref<!tpu.dma_semaphore, #tpu.memory_space<semaphore_mem>>)
    %dma_wait3A_38 = arith.constant 0 : i32
    %dma_wait3A_39 = arith.constant 0 : i32
    %dma_wait3A_40 = tpu.memref_slice %arg2[%dma_wait3A_38, %dma_wait3A_39] : memref<1000000x128xf32, #tpu.memory_space<hbm>> -> memref<1000000x128xf32, #tpu.memory_space<hbm>>
    tpu.wait_indirect_dma semaphore(%arg11 : memref<!tpu.dma_semaphore, #tpu.memory_space<semaphore_mem>>) src(%dma_wait3A_40 : memref<1000000x128xf32, #tpu.memory_space<hbm>>) dst(%arg10 : memref<128x128xf32, #tpu.memory_space<vmem>>)
    "tpu.region"() ({
      %run_scoped3A = tpu.sem_alloc : memref<!tpu.dma_semaphore, #tpu.memory_space<semaphore_mem>>
      %dma_start3A_97 = arith.constant 0 : i32
      %dma_start3A_98 = tpu.memref_slice %arg7[%add3A_34, %dma_start3A_97] : memref<16384x128xf32, #tpu.memory_space<hbm>> -> memref<128x128xf32, #tpu.memory_space<hbm>>
      %dma_start3A_99 = arith.constant 0 : i32
      %dma_start3A_100 = tpu.memref_slice %arg7[%add3A_34, %dma_start3A_99] : memref<16384x128xf32, #tpu.memory_space<hbm>> -> memref<128x128xf32, #tpu.memory_space<hbm>>
      tpu.enqueue_dma source(%arg10 : memref<128x128xf32, #tpu.memory_space<vmem>>) target(%dma_start3A_100 : memref<128x128xf32, #tpu.memory_space<hbm>>) target_semaphore(%run_scoped3A : memref<!tpu.dma_semaphore, #tpu.memory_space<semaphore_mem>>)
      %dma_wait3A_101 = arith.constant 0 : i32
      %dma_wait3A_102 = tpu.memref_slice %arg7[%add3A_34, %dma_wait3A_101] : memref<16384x128xf32, #tpu.memory_space<hbm>> -> memref<128x128xf32, #tpu.memory_space<hbm>>
      %dma_wait3A_103 = arith.constant 0 : i32
      %dma_wait3A_104 = tpu.memref_slice %arg7[%add3A_34, %dma_wait3A_103] : memref<16384x128xf32, #tpu.memory_space<hbm>> -> memref<128x128xf32, #tpu.memory_space<hbm>>
      tpu.wait_dma2 semaphore(%run_scoped3A : memref<!tpu.dma_semaphore, #tpu.memory_space<semaphore_mem>>) src(%arg10 : memref<128x128xf32, #tpu.memory_space<vmem>>) dst(%dma_wait3A_104 : memref<128x128xf32, #tpu.memory_space<hbm>>)
      tpu.yield
    }) : () -> ()
    %add3A_41 = arith.constant 128 : i32
    %add3A_42 = arith.addi %mul3A_2, %add3A_41 : i32
    "tpu.region"() ({
      %run_scoped3A = tpu.sem_alloc : memref<!tpu.dma_semaphore, #tpu.memory_space<semaphore_mem>>
      %dma_start3A_97 = tpu.memref_slice %arg4[%add3A_42] : memref<16384xi32, #tpu.memory_space<hbm>> -> memref<128xi32, #tpu.memory_space<hbm>>
      %dma_start3A_98 = tpu.memref_slice %arg4[%add3A_42] : memref<16384xi32, #tpu.memory_space<hbm>> -> memref<128xi32, #tpu.memory_space<hbm>>
      tpu.enqueue_dma source(%dma_start3A_98 : memref<128xi32, #tpu.memory_space<hbm>>) target(%arg9 : memref<128xi32, #tpu.memory_space<vmem>>) target_semaphore(%run_scoped3A : memref<!tpu.dma_semaphore, #tpu.memory_space<semaphore_mem>>)
      %dma_wait3A_99 = tpu.memref_slice %arg4[%add3A_42] : memref<16384xi32, #tpu.memory_space<hbm>> -> memref<128xi32, #tpu.memory_space<hbm>>
      %dma_wait3A_100 = tpu.memref_slice %arg4[%add3A_42] : memref<16384xi32, #tpu.memory_space<hbm>> -> memref<128xi32, #tpu.memory_space<hbm>>
      tpu.wait_dma2 semaphore(%run_scoped3A : memref<!tpu.dma_semaphore, #tpu.memory_space<semaphore_mem>>) src(%dma_wait3A_100 : memref<128xi32, #tpu.memory_space<hbm>>) dst(%arg9 : memref<128xi32, #tpu.memory_space<vmem>>)
      tpu.yield
    }) : () -> ()
    %dma_start3A_43 = arith.constant 0 : i32
    %dma_start3A_44 = arith.constant 0 : i32
    %dma_start3A_45 = tpu.memref_slice %arg2[%dma_start3A_43, %dma_start3A_44] : memref<1000000x128xf32, #tpu.memory_space<hbm>> -> memref<1000000x128xf32, #tpu.memory_space<hbm>>
    tpu.enqueue_indirect_dma source(%dma_start3A_45 : memref<1000000x128xf32, #tpu.memory_space<hbm>>) target(%arg10 : memref<128x128xf32, #tpu.memory_space<vmem>>) offsets(%arg9 : memref<128xi32, #tpu.memory_space<vmem>>) semaphore(%arg11 : memref<!tpu.dma_semaphore, #tpu.memory_space<semaphore_mem>>)
    %dma_wait3A_46 = arith.constant 0 : i32
    %dma_wait3A_47 = arith.constant 0 : i32
    %dma_wait3A_48 = tpu.memref_slice %arg2[%dma_wait3A_46, %dma_wait3A_47] : memref<1000000x128xf32, #tpu.memory_space<hbm>> -> memref<1000000x128xf32, #tpu.memory_space<hbm>>
    tpu.wait_indirect_dma semaphore(%arg11 : memref<!tpu.dma_semaphore, #tpu.memory_space<semaphore_mem>>) src(%dma_wait3A_48 : memref<1000000x128xf32, #tpu.memory_space<hbm>>) dst(%arg10 : memref<128x128xf32, #tpu.memory_space<vmem>>)
    "tpu.region"() ({
      %run_scoped3A = tpu.sem_alloc : memref<!tpu.dma_semaphore, #tpu.memory_space<semaphore_mem>>
      %dma_start3A_97 = arith.constant 0 : i32
      %dma_start3A_98 = tpu.memref_slice %arg7[%add3A_42, %dma_start3A_97] : memref<16384x128xf32, #tpu.memory_space<hbm>> -> memref<128x128xf32, #tpu.memory_space<hbm>>
      %dma_start3A_99 = arith.constant 0 : i32
      %dma_start3A_100 = tpu.memref_slice %arg7[%add3A_42, %dma_start3A_99] : memref<16384x128xf32, #tpu.memory_space<hbm>> -> memref<128x128xf32, #tpu.memory_space<hbm>>
      tpu.enqueue_dma source(%arg10 : memref<128x128xf32, #tpu.memory_space<vmem>>) target(%dma_start3A_100 : memref<128x128xf32, #tpu.memory_space<hbm>>) target_semaphore(%run_scoped3A : memref<!tpu.dma_semaphore, #tpu.memory_space<semaphore_mem>>)
      %dma_wait3A_101 = arith.constant 0 : i32
      %dma_wait3A_102 = tpu.memref_slice %arg7[%add3A_42, %dma_wait3A_101] : memref<16384x128xf32, #tpu.memory_space<hbm>> -> memref<128x128xf32, #tpu.memory_space<hbm>>
      %dma_wait3A_103 = arith.constant 0 : i32
      %dma_wait3A_104 = tpu.memref_slice %arg7[%add3A_42, %dma_wait3A_103] : memref<16384x128xf32, #tpu.memory_space<hbm>> -> memref<128x128xf32, #tpu.memory_space<hbm>>
      tpu.wait_dma2 semaphore(%run_scoped3A : memref<!tpu.dma_semaphore, #tpu.memory_space<semaphore_mem>>) src(%arg10 : memref<128x128xf32, #tpu.memory_space<vmem>>) dst(%dma_wait3A_104 : memref<128x128xf32, #tpu.memory_space<hbm>>)
      tpu.yield
    }) : () -> ()
    %add3A_49 = arith.constant 256 : i32
    %add3A_50 = arith.addi %mul3A_2, %add3A_49 : i32
    "tpu.region"() ({
      %run_scoped3A = tpu.sem_alloc : memref<!tpu.dma_semaphore, #tpu.memory_space<semaphore_mem>>
      %dma_start3A_97 = tpu.memref_slice %arg4[%add3A_50] : memref<16384xi32, #tpu.memory_space<hbm>> -> memref<128xi32, #tpu.memory_space<hbm>>
      %dma_start3A_98 = tpu.memref_slice %arg4[%add3A_50] : memref<16384xi32, #tpu.memory_space<hbm>> -> memref<128xi32, #tpu.memory_space<hbm>>
      tpu.enqueue_dma source(%dma_start3A_98 : memref<128xi32, #tpu.memory_space<hbm>>) target(%arg9 : memref<128xi32, #tpu.memory_space<vmem>>) target_semaphore(%run_scoped3A : memref<!tpu.dma_semaphore, #tpu.memory_space<semaphore_mem>>)
      %dma_wait3A_99 = tpu.memref_slice %arg4[%add3A_50] : memref<16384xi32, #tpu.memory_space<hbm>> -> memref<128xi32, #tpu.memory_space<hbm>>
      %dma_wait3A_100 = tpu.memref_slice %arg4[%add3A_50] : memref<16384xi32, #tpu.memory_space<hbm>> -> memref<128xi32, #tpu.memory_space<hbm>>
      tpu.wait_dma2 semaphore(%run_scoped3A : memref<!tpu.dma_semaphore, #tpu.memory_space<semaphore_mem>>) src(%dma_wait3A_100 : memref<128xi32, #tpu.memory_space<hbm>>) dst(%arg9 : memref<128xi32, #tpu.memory_space<vmem>>)
      tpu.yield
    }) : () -> ()
    %dma_start3A_51 = arith.constant 0 : i32
    %dma_start3A_52 = arith.constant 0 : i32
    %dma_start3A_53 = tpu.memref_slice %arg2[%dma_start3A_51, %dma_start3A_52] : memref<1000000x128xf32, #tpu.memory_space<hbm>> -> memref<1000000x128xf32, #tpu.memory_space<hbm>>
    tpu.enqueue_indirect_dma source(%dma_start3A_53 : memref<1000000x128xf32, #tpu.memory_space<hbm>>) target(%arg10 : memref<128x128xf32, #tpu.memory_space<vmem>>) offsets(%arg9 : memref<128xi32, #tpu.memory_space<vmem>>) semaphore(%arg11 : memref<!tpu.dma_semaphore, #tpu.memory_space<semaphore_mem>>)
    %dma_wait3A_54 = arith.constant 0 : i32
    %dma_wait3A_55 = arith.constant 0 : i32
    %dma_wait3A_56 = tpu.memref_slice %arg2[%dma_wait3A_54, %dma_wait3A_55] : memref<1000000x128xf32, #tpu.memory_space<hbm>> -> memref<1000000x128xf32, #tpu.memory_space<hbm>>
    tpu.wait_indirect_dma semaphore(%arg11 : memref<!tpu.dma_semaphore, #tpu.memory_space<semaphore_mem>>) src(%dma_wait3A_56 : memref<1000000x128xf32, #tpu.memory_space<hbm>>) dst(%arg10 : memref<128x128xf32, #tpu.memory_space<vmem>>)
    "tpu.region"() ({
      %run_scoped3A = tpu.sem_alloc : memref<!tpu.dma_semaphore, #tpu.memory_space<semaphore_mem>>
      %dma_start3A_97 = arith.constant 0 : i32
      %dma_start3A_98 = tpu.memref_slice %arg7[%add3A_50, %dma_start3A_97] : memref<16384x128xf32, #tpu.memory_space<hbm>> -> memref<128x128xf32, #tpu.memory_space<hbm>>
      %dma_start3A_99 = arith.constant 0 : i32
      %dma_start3A_100 = tpu.memref_slice %arg7[%add3A_50, %dma_start3A_99] : memref<16384x128xf32, #tpu.memory_space<hbm>> -> memref<128x128xf32, #tpu.memory_space<hbm>>
      tpu.enqueue_dma source(%arg10 : memref<128x128xf32, #tpu.memory_space<vmem>>) target(%dma_start3A_100 : memref<128x128xf32, #tpu.memory_space<hbm>>) target_semaphore(%run_scoped3A : memref<!tpu.dma_semaphore, #tpu.memory_space<semaphore_mem>>)
      %dma_wait3A_101 = arith.constant 0 : i32
      %dma_wait3A_102 = tpu.memref_slice %arg7[%add3A_50, %dma_wait3A_101] : memref<16384x128xf32, #tpu.memory_space<hbm>> -> memref<128x128xf32, #tpu.memory_space<hbm>>
      %dma_wait3A_103 = arith.constant 0 : i32
      %dma_wait3A_104 = tpu.memref_slice %arg7[%add3A_50, %dma_wait3A_103] : memref<16384x128xf32, #tpu.memory_space<hbm>> -> memref<128x128xf32, #tpu.memory_space<hbm>>
      tpu.wait_dma2 semaphore(%run_scoped3A : memref<!tpu.dma_semaphore, #tpu.memory_space<semaphore_mem>>) src(%arg10 : memref<128x128xf32, #tpu.memory_space<vmem>>) dst(%dma_wait3A_104 : memref<128x128xf32, #tpu.memory_space<hbm>>)
      tpu.yield
    }) : () -> ()
    %add3A_57 = arith.constant 384 : i32
    %add3A_58 = arith.addi %mul3A_2, %add3A_57 : i32
    "tpu.region"() ({
      %run_scoped3A = tpu.sem_alloc : memref<!tpu.dma_semaphore, #tpu.memory_space<semaphore_mem>>
      %dma_start3A_97 = tpu.memref_slice %arg4[%add3A_58] : memref<16384xi32, #tpu.memory_space<hbm>> -> memref<128xi32, #tpu.memory_space<hbm>>
      %dma_start3A_98 = tpu.memref_slice %arg4[%add3A_58] : memref<16384xi32, #tpu.memory_space<hbm>> -> memref<128xi32, #tpu.memory_space<hbm>>
      tpu.enqueue_dma source(%dma_start3A_98 : memref<128xi32, #tpu.memory_space<hbm>>) target(%arg9 : memref<128xi32, #tpu.memory_space<vmem>>) target_semaphore(%run_scoped3A : memref<!tpu.dma_semaphore, #tpu.memory_space<semaphore_mem>>)
      %dma_wait3A_99 = tpu.memref_slice %arg4[%add3A_58] : memref<16384xi32, #tpu.memory_space<hbm>> -> memref<128xi32, #tpu.memory_space<hbm>>
      %dma_wait3A_100 = tpu.memref_slice %arg4[%add3A_58] : memref<16384xi32, #tpu.memory_space<hbm>> -> memref<128xi32, #tpu.memory_space<hbm>>
      tpu.wait_dma2 semaphore(%run_scoped3A : memref<!tpu.dma_semaphore, #tpu.memory_space<semaphore_mem>>) src(%dma_wait3A_100 : memref<128xi32, #tpu.memory_space<hbm>>) dst(%arg9 : memref<128xi32, #tpu.memory_space<vmem>>)
      tpu.yield
    }) : () -> ()
    %dma_start3A_59 = arith.constant 0 : i32
    %dma_start3A_60 = arith.constant 0 : i32
    %dma_start3A_61 = tpu.memref_slice %arg2[%dma_start3A_59, %dma_start3A_60] : memref<1000000x128xf32, #tpu.memory_space<hbm>> -> memref<1000000x128xf32, #tpu.memory_space<hbm>>
    tpu.enqueue_indirect_dma source(%dma_start3A_61 : memref<1000000x128xf32, #tpu.memory_space<hbm>>) target(%arg10 : memref<128x128xf32, #tpu.memory_space<vmem>>) offsets(%arg9 : memref<128xi32, #tpu.memory_space<vmem>>) semaphore(%arg11 : memref<!tpu.dma_semaphore, #tpu.memory_space<semaphore_mem>>)
    %dma_wait3A_62 = arith.constant 0 : i32
    %dma_wait3A_63 = arith.constant 0 : i32
    %dma_wait3A_64 = tpu.memref_slice %arg2[%dma_wait3A_62, %dma_wait3A_63] : memref<1000000x128xf32, #tpu.memory_space<hbm>> -> memref<1000000x128xf32, #tpu.memory_space<hbm>>
    tpu.wait_indirect_dma semaphore(%arg11 : memref<!tpu.dma_semaphore, #tpu.memory_space<semaphore_mem>>) src(%dma_wait3A_64 : memref<1000000x128xf32, #tpu.memory_space<hbm>>) dst(%arg10 : memref<128x128xf32, #tpu.memory_space<vmem>>)
    "tpu.region"() ({
      %run_scoped3A = tpu.sem_alloc : memref<!tpu.dma_semaphore, #tpu.memory_space<semaphore_mem>>
      %dma_start3A_97 = arith.constant 0 : i32
      %dma_start3A_98 = tpu.memref_slice %arg7[%add3A_58, %dma_start3A_97] : memref<16384x128xf32, #tpu.memory_space<hbm>> -> memref<128x128xf32, #tpu.memory_space<hbm>>
      %dma_start3A_99 = arith.constant 0 : i32
      %dma_start3A_100 = tpu.memref_slice %arg7[%add3A_58, %dma_start3A_99] : memref<16384x128xf32, #tpu.memory_space<hbm>> -> memref<128x128xf32, #tpu.memory_space<hbm>>
      tpu.enqueue_dma source(%arg10 : memref<128x128xf32, #tpu.memory_space<vmem>>) target(%dma_start3A_100 : memref<128x128xf32, #tpu.memory_space<hbm>>) target_semaphore(%run_scoped3A : memref<!tpu.dma_semaphore, #tpu.memory_space<semaphore_mem>>)
      %dma_wait3A_101 = arith.constant 0 : i32
      %dma_wait3A_102 = tpu.memref_slice %arg7[%add3A_58, %dma_wait3A_101] : memref<16384x128xf32, #tpu.memory_space<hbm>> -> memref<128x128xf32, #tpu.memory_space<hbm>>
      %dma_wait3A_103 = arith.constant 0 : i32
      %dma_wait3A_104 = tpu.memref_slice %arg7[%add3A_58, %dma_wait3A_103] : memref<16384x128xf32, #tpu.memory_space<hbm>> -> memref<128x128xf32, #tpu.memory_space<hbm>>
      tpu.wait_dma2 semaphore(%run_scoped3A : memref<!tpu.dma_semaphore, #tpu.memory_space<semaphore_mem>>) src(%arg10 : memref<128x128xf32, #tpu.memory_space<vmem>>) dst(%dma_wait3A_104 : memref<128x128xf32, #tpu.memory_space<hbm>>)
      tpu.yield
    }) : () -> ()
    %add3A_65 = arith.constant 0 : i32
    %add3A_66 = arith.addi %mul3A_2, %add3A_65 : i32
    "tpu.region"() ({
      %run_scoped3A = tpu.sem_alloc : memref<!tpu.dma_semaphore, #tpu.memory_space<semaphore_mem>>
      %dma_start3A_97 = tpu.memref_slice %arg5[%add3A_66] : memref<16384xi32, #tpu.memory_space<hbm>> -> memref<128xi32, #tpu.memory_space<hbm>>
      %dma_start3A_98 = tpu.memref_slice %arg5[%add3A_66] : memref<16384xi32, #tpu.memory_space<hbm>> -> memref<128xi32, #tpu.memory_space<hbm>>
      tpu.enqueue_dma source(%dma_start3A_98 : memref<128xi32, #tpu.memory_space<hbm>>) target(%arg9 : memref<128xi32, #tpu.memory_space<vmem>>) target_semaphore(%run_scoped3A : memref<!tpu.dma_semaphore, #tpu.memory_space<semaphore_mem>>)
      %dma_wait3A_99 = tpu.memref_slice %arg5[%add3A_66] : memref<16384xi32, #tpu.memory_space<hbm>> -> memref<128xi32, #tpu.memory_space<hbm>>
      %dma_wait3A_100 = tpu.memref_slice %arg5[%add3A_66] : memref<16384xi32, #tpu.memory_space<hbm>> -> memref<128xi32, #tpu.memory_space<hbm>>
      tpu.wait_dma2 semaphore(%run_scoped3A : memref<!tpu.dma_semaphore, #tpu.memory_space<semaphore_mem>>) src(%dma_wait3A_100 : memref<128xi32, #tpu.memory_space<hbm>>) dst(%arg9 : memref<128xi32, #tpu.memory_space<vmem>>)
      tpu.yield
    }) : () -> ()
    %dma_start3A_67 = arith.constant 0 : i32
    %dma_start3A_68 = arith.constant 0 : i32
    %dma_start3A_69 = tpu.memref_slice %arg2[%dma_start3A_67, %dma_start3A_68] : memref<1000000x128xf32, #tpu.memory_space<hbm>> -> memref<1000000x128xf32, #tpu.memory_space<hbm>>
    tpu.enqueue_indirect_dma source(%dma_start3A_69 : memref<1000000x128xf32, #tpu.memory_space<hbm>>) target(%arg10 : memref<128x128xf32, #tpu.memory_space<vmem>>) offsets(%arg9 : memref<128xi32, #tpu.memory_space<vmem>>) semaphore(%arg11 : memref<!tpu.dma_semaphore, #tpu.memory_space<semaphore_mem>>)
    %dma_wait3A_70 = arith.constant 0 : i32
    %dma_wait3A_71 = arith.constant 0 : i32
    %dma_wait3A_72 = tpu.memref_slice %arg2[%dma_wait3A_70, %dma_wait3A_71] : memref<1000000x128xf32, #tpu.memory_space<hbm>> -> memref<1000000x128xf32, #tpu.memory_space<hbm>>
    tpu.wait_indirect_dma semaphore(%arg11 : memref<!tpu.dma_semaphore, #tpu.memory_space<semaphore_mem>>) src(%dma_wait3A_72 : memref<1000000x128xf32, #tpu.memory_space<hbm>>) dst(%arg10 : memref<128x128xf32, #tpu.memory_space<vmem>>)
    "tpu.region"() ({
      %run_scoped3A = tpu.sem_alloc : memref<!tpu.dma_semaphore, #tpu.memory_space<semaphore_mem>>
      %dma_start3A_97 = arith.constant 0 : i32
      %dma_start3A_98 = tpu.memref_slice %arg8[%add3A_66, %dma_start3A_97] : memref<16384x128xf32, #tpu.memory_space<hbm>> -> memref<128x128xf32, #tpu.memory_space<hbm>>
      %dma_start3A_99 = arith.constant 0 : i32
      %dma_start3A_100 = tpu.memref_slice %arg8[%add3A_66, %dma_start3A_99] : memref<16384x128xf32, #tpu.memory_space<hbm>> -> memref<128x128xf32, #tpu.memory_space<hbm>>
      tpu.enqueue_dma source(%arg10 : memref<128x128xf32, #tpu.memory_space<vmem>>) target(%dma_start3A_100 : memref<128x128xf32, #tpu.memory_space<hbm>>) target_semaphore(%run_scoped3A : memref<!tpu.dma_semaphore, #tpu.memory_space<semaphore_mem>>)
      %dma_wait3A_101 = arith.constant 0 : i32
      %dma_wait3A_102 = tpu.memref_slice %arg8[%add3A_66, %dma_wait3A_101] : memref<16384x128xf32, #tpu.memory_space<hbm>> -> memref<128x128xf32, #tpu.memory_space<hbm>>
      %dma_wait3A_103 = arith.constant 0 : i32
      %dma_wait3A_104 = tpu.memref_slice %arg8[%add3A_66, %dma_wait3A_103] : memref<16384x128xf32, #tpu.memory_space<hbm>> -> memref<128x128xf32, #tpu.memory_space<hbm>>
      tpu.wait_dma2 semaphore(%run_scoped3A : memref<!tpu.dma_semaphore, #tpu.memory_space<semaphore_mem>>) src(%arg10 : memref<128x128xf32, #tpu.memory_space<vmem>>) dst(%dma_wait3A_104 : memref<128x128xf32, #tpu.memory_space<hbm>>)
      tpu.yield
    }) : () -> ()
    %add3A_73 = arith.constant 128 : i32
    %add3A_74 = arith.addi %mul3A_2, %add3A_73 : i32
    "tpu.region"() ({
      %run_scoped3A = tpu.sem_alloc : memref<!tpu.dma_semaphore, #tpu.memory_space<semaphore_mem>>
      %dma_start3A_97 = tpu.memref_slice %arg5[%add3A_74] : memref<16384xi32, #tpu.memory_space<hbm>> -> memref<128xi32, #tpu.memory_space<hbm>>
      %dma_start3A_98 = tpu.memref_slice %arg5[%add3A_74] : memref<16384xi32, #tpu.memory_space<hbm>> -> memref<128xi32, #tpu.memory_space<hbm>>
      tpu.enqueue_dma source(%dma_start3A_98 : memref<128xi32, #tpu.memory_space<hbm>>) target(%arg9 : memref<128xi32, #tpu.memory_space<vmem>>) target_semaphore(%run_scoped3A : memref<!tpu.dma_semaphore, #tpu.memory_space<semaphore_mem>>)
      %dma_wait3A_99 = tpu.memref_slice %arg5[%add3A_74] : memref<16384xi32, #tpu.memory_space<hbm>> -> memref<128xi32, #tpu.memory_space<hbm>>
      %dma_wait3A_100 = tpu.memref_slice %arg5[%add3A_74] : memref<16384xi32, #tpu.memory_space<hbm>> -> memref<128xi32, #tpu.memory_space<hbm>>
      tpu.wait_dma2 semaphore(%run_scoped3A : memref<!tpu.dma_semaphore, #tpu.memory_space<semaphore_mem>>) src(%dma_wait3A_100 : memref<128xi32, #tpu.memory_space<hbm>>) dst(%arg9 : memref<128xi32, #tpu.memory_space<vmem>>)
      tpu.yield
    }) : () -> ()
    %dma_start3A_75 = arith.constant 0 : i32
    %dma_start3A_76 = arith.constant 0 : i32
    %dma_start3A_77 = tpu.memref_slice %arg2[%dma_start3A_75, %dma_start3A_76] : memref<1000000x128xf32, #tpu.memory_space<hbm>> -> memref<1000000x128xf32, #tpu.memory_space<hbm>>
    tpu.enqueue_indirect_dma source(%dma_start3A_77 : memref<1000000x128xf32, #tpu.memory_space<hbm>>) target(%arg10 : memref<128x128xf32, #tpu.memory_space<vmem>>) offsets(%arg9 : memref<128xi32, #tpu.memory_space<vmem>>) semaphore(%arg11 : memref<!tpu.dma_semaphore, #tpu.memory_space<semaphore_mem>>)
    %dma_wait3A_78 = arith.constant 0 : i32
    %dma_wait3A_79 = arith.constant 0 : i32
    %dma_wait3A_80 = tpu.memref_slice %arg2[%dma_wait3A_78, %dma_wait3A_79] : memref<1000000x128xf32, #tpu.memory_space<hbm>> -> memref<1000000x128xf32, #tpu.memory_space<hbm>>
    tpu.wait_indirect_dma semaphore(%arg11 : memref<!tpu.dma_semaphore, #tpu.memory_space<semaphore_mem>>) src(%dma_wait3A_80 : memref<1000000x128xf32, #tpu.memory_space<hbm>>) dst(%arg10 : memref<128x128xf32, #tpu.memory_space<vmem>>)
    "tpu.region"() ({
      %run_scoped3A = tpu.sem_alloc : memref<!tpu.dma_semaphore, #tpu.memory_space<semaphore_mem>>
      %dma_start3A_97 = arith.constant 0 : i32
      %dma_start3A_98 = tpu.memref_slice %arg8[%add3A_74, %dma_start3A_97] : memref<16384x128xf32, #tpu.memory_space<hbm>> -> memref<128x128xf32, #tpu.memory_space<hbm>>
      %dma_start3A_99 = arith.constant 0 : i32
      %dma_start3A_100 = tpu.memref_slice %arg8[%add3A_74, %dma_start3A_99] : memref<16384x128xf32, #tpu.memory_space<hbm>> -> memref<128x128xf32, #tpu.memory_space<hbm>>
      tpu.enqueue_dma source(%arg10 : memref<128x128xf32, #tpu.memory_space<vmem>>) target(%dma_start3A_100 : memref<128x128xf32, #tpu.memory_space<hbm>>) target_semaphore(%run_scoped3A : memref<!tpu.dma_semaphore, #tpu.memory_space<semaphore_mem>>)
      %dma_wait3A_101 = arith.constant 0 : i32
      %dma_wait3A_102 = tpu.memref_slice %arg8[%add3A_74, %dma_wait3A_101] : memref<16384x128xf32, #tpu.memory_space<hbm>> -> memref<128x128xf32, #tpu.memory_space<hbm>>
      %dma_wait3A_103 = arith.constant 0 : i32
      %dma_wait3A_104 = tpu.memref_slice %arg8[%add3A_74, %dma_wait3A_103] : memref<16384x128xf32, #tpu.memory_space<hbm>> -> memref<128x128xf32, #tpu.memory_space<hbm>>
      tpu.wait_dma2 semaphore(%run_scoped3A : memref<!tpu.dma_semaphore, #tpu.memory_space<semaphore_mem>>) src(%arg10 : memref<128x128xf32, #tpu.memory_space<vmem>>) dst(%dma_wait3A_104 : memref<128x128xf32, #tpu.memory_space<hbm>>)
      tpu.yield
    }) : () -> ()
    %add3A_81 = arith.constant 256 : i32
    %add3A_82 = arith.addi %mul3A_2, %add3A_81 : i32
    "tpu.region"() ({
      %run_scoped3A = tpu.sem_alloc : memref<!tpu.dma_semaphore, #tpu.memory_space<semaphore_mem>>
      %dma_start3A_97 = tpu.memref_slice %arg5[%add3A_82] : memref<16384xi32, #tpu.memory_space<hbm>> -> memref<128xi32, #tpu.memory_space<hbm>>
      %dma_start3A_98 = tpu.memref_slice %arg5[%add3A_82] : memref<16384xi32, #tpu.memory_space<hbm>> -> memref<128xi32, #tpu.memory_space<hbm>>
      tpu.enqueue_dma source(%dma_start3A_98 : memref<128xi32, #tpu.memory_space<hbm>>) target(%arg9 : memref<128xi32, #tpu.memory_space<vmem>>) target_semaphore(%run_scoped3A : memref<!tpu.dma_semaphore, #tpu.memory_space<semaphore_mem>>)
      %dma_wait3A_99 = tpu.memref_slice %arg5[%add3A_82] : memref<16384xi32, #tpu.memory_space<hbm>> -> memref<128xi32, #tpu.memory_space<hbm>>
      %dma_wait3A_100 = tpu.memref_slice %arg5[%add3A_82] : memref<16384xi32, #tpu.memory_space<hbm>> -> memref<128xi32, #tpu.memory_space<hbm>>
      tpu.wait_dma2 semaphore(%run_scoped3A : memref<!tpu.dma_semaphore, #tpu.memory_space<semaphore_mem>>) src(%dma_wait3A_100 : memref<128xi32, #tpu.memory_space<hbm>>) dst(%arg9 : memref<128xi32, #tpu.memory_space<vmem>>)
      tpu.yield
    }) : () -> ()
    %dma_start3A_83 = arith.constant 0 : i32
    %dma_start3A_84 = arith.constant 0 : i32
    %dma_start3A_85 = tpu.memref_slice %arg2[%dma_start3A_83, %dma_start3A_84] : memref<1000000x128xf32, #tpu.memory_space<hbm>> -> memref<1000000x128xf32, #tpu.memory_space<hbm>>
    tpu.enqueue_indirect_dma source(%dma_start3A_85 : memref<1000000x128xf32, #tpu.memory_space<hbm>>) target(%arg10 : memref<128x128xf32, #tpu.memory_space<vmem>>) offsets(%arg9 : memref<128xi32, #tpu.memory_space<vmem>>) semaphore(%arg11 : memref<!tpu.dma_semaphore, #tpu.memory_space<semaphore_mem>>)
    %dma_wait3A_86 = arith.constant 0 : i32
    %dma_wait3A_87 = arith.constant 0 : i32
    %dma_wait3A_88 = tpu.memref_slice %arg2[%dma_wait3A_86, %dma_wait3A_87] : memref<1000000x128xf32, #tpu.memory_space<hbm>> -> memref<1000000x128xf32, #tpu.memory_space<hbm>>
    tpu.wait_indirect_dma semaphore(%arg11 : memref<!tpu.dma_semaphore, #tpu.memory_space<semaphore_mem>>) src(%dma_wait3A_88 : memref<1000000x128xf32, #tpu.memory_space<hbm>>) dst(%arg10 : memref<128x128xf32, #tpu.memory_space<vmem>>)
    "tpu.region"() ({
      %run_scoped3A = tpu.sem_alloc : memref<!tpu.dma_semaphore, #tpu.memory_space<semaphore_mem>>
      %dma_start3A_97 = arith.constant 0 : i32
      %dma_start3A_98 = tpu.memref_slice %arg8[%add3A_82, %dma_start3A_97] : memref<16384x128xf32, #tpu.memory_space<hbm>> -> memref<128x128xf32, #tpu.memory_space<hbm>>
      %dma_start3A_99 = arith.constant 0 : i32
      %dma_start3A_100 = tpu.memref_slice %arg8[%add3A_82, %dma_start3A_99] : memref<16384x128xf32, #tpu.memory_space<hbm>> -> memref<128x128xf32, #tpu.memory_space<hbm>>
      tpu.enqueue_dma source(%arg10 : memref<128x128xf32, #tpu.memory_space<vmem>>) target(%dma_start3A_100 : memref<128x128xf32, #tpu.memory_space<hbm>>) target_semaphore(%run_scoped3A : memref<!tpu.dma_semaphore, #tpu.memory_space<semaphore_mem>>)
      %dma_wait3A_101 = arith.constant 0 : i32
      %dma_wait3A_102 = tpu.memref_slice %arg8[%add3A_82, %dma_wait3A_101] : memref<16384x128xf32, #tpu.memory_space<hbm>> -> memref<128x128xf32, #tpu.memory_space<hbm>>
      %dma_wait3A_103 = arith.constant 0 : i32
      %dma_wait3A_104 = tpu.memref_slice %arg8[%add3A_82, %dma_wait3A_103] : memref<16384x128xf32, #tpu.memory_space<hbm>> -> memref<128x128xf32, #tpu.memory_space<hbm>>
      tpu.wait_dma2 semaphore(%run_scoped3A : memref<!tpu.dma_semaphore, #tpu.memory_space<semaphore_mem>>) src(%arg10 : memref<128x128xf32, #tpu.memory_space<vmem>>) dst(%dma_wait3A_104 : memref<128x128xf32, #tpu.memory_space<hbm>>)
      tpu.yield
    }) : () -> ()
    %add3A_89 = arith.constant 384 : i32
    %add3A_90 = arith.addi %mul3A_2, %add3A_89 : i32
    "tpu.region"() ({
      %run_scoped3A = tpu.sem_alloc : memref<!tpu.dma_semaphore, #tpu.memory_space<semaphore_mem>>
      %dma_start3A_97 = tpu.memref_slice %arg5[%add3A_90] : memref<16384xi32, #tpu.memory_space<hbm>> -> memref<128xi32, #tpu.memory_space<hbm>>
      %dma_start3A_98 = tpu.memref_slice %arg5[%add3A_90] : memref<16384xi32, #tpu.memory_space<hbm>> -> memref<128xi32, #tpu.memory_space<hbm>>
      tpu.enqueue_dma source(%dma_start3A_98 : memref<128xi32, #tpu.memory_space<hbm>>) target(%arg9 : memref<128xi32, #tpu.memory_space<vmem>>) target_semaphore(%run_scoped3A : memref<!tpu.dma_semaphore, #tpu.memory_space<semaphore_mem>>)
      %dma_wait3A_99 = tpu.memref_slice %arg5[%add3A_90] : memref<16384xi32, #tpu.memory_space<hbm>> -> memref<128xi32, #tpu.memory_space<hbm>>
      %dma_wait3A_100 = tpu.memref_slice %arg5[%add3A_90] : memref<16384xi32, #tpu.memory_space<hbm>> -> memref<128xi32, #tpu.memory_space<hbm>>
      tpu.wait_dma2 semaphore(%run_scoped3A : memref<!tpu.dma_semaphore, #tpu.memory_space<semaphore_mem>>) src(%dma_wait3A_100 : memref<128xi32, #tpu.memory_space<hbm>>) dst(%arg9 : memref<128xi32, #tpu.memory_space<vmem>>)
      tpu.yield
    }) : () -> ()
    %dma_start3A_91 = arith.constant 0 : i32
    %dma_start3A_92 = arith.constant 0 : i32
    %dma_start3A_93 = tpu.memref_slice %arg2[%dma_start3A_91, %dma_start3A_92] : memref<1000000x128xf32, #tpu.memory_space<hbm>> -> memref<1000000x128xf32, #tpu.memory_space<hbm>>
    tpu.enqueue_indirect_dma source(%dma_start3A_93 : memref<1000000x128xf32, #tpu.memory_space<hbm>>) target(%arg10 : memref<128x128xf32, #tpu.memory_space<vmem>>) offsets(%arg9 : memref<128xi32, #tpu.memory_space<vmem>>) semaphore(%arg11 : memref<!tpu.dma_semaphore, #tpu.memory_space<semaphore_mem>>)
    %dma_wait3A_94 = arith.constant 0 : i32
    %dma_wait3A_95 = arith.constant 0 : i32
    %dma_wait3A_96 = tpu.memref_slice %arg2[%dma_wait3A_94, %dma_wait3A_95] : memref<1000000x128xf32, #tpu.memory_space<hbm>> -> memref<1000000x128xf32, #tpu.memory_space<hbm>>
    tpu.wait_indirect_dma semaphore(%arg11 : memref<!tpu.dma_semaphore, #tpu.memory_space<semaphore_mem>>) src(%dma_wait3A_96 : memref<1000000x128xf32, #tpu.memory_space<hbm>>) dst(%arg10 : memref<128x128xf32, #tpu.memory_space<vmem>>)
    "tpu.region"() ({
      %run_scoped3A = tpu.sem_alloc : memref<!tpu.dma_semaphore, #tpu.memory_space<semaphore_mem>>
      %dma_start3A_97 = arith.constant 0 : i32
      %dma_start3A_98 = tpu.memref_slice %arg8[%add3A_90, %dma_start3A_97] : memref<16384x128xf32, #tpu.memory_space<hbm>> -> memref<128x128xf32, #tpu.memory_space<hbm>>
      %dma_start3A_99 = arith.constant 0 : i32
      %dma_start3A_100 = tpu.memref_slice %arg8[%add3A_90, %dma_start3A_99] : memref<16384x128xf32, #tpu.memory_space<hbm>> -> memref<128x128xf32, #tpu.memory_space<hbm>>
      tpu.enqueue_dma source(%arg10 : memref<128x128xf32, #tpu.memory_space<vmem>>) target(%dma_start3A_100 : memref<128x128xf32, #tpu.memory_space<hbm>>) target_semaphore(%run_scoped3A : memref<!tpu.dma_semaphore, #tpu.memory_space<semaphore_mem>>)
      %dma_wait3A_101 = arith.constant 0 : i32
      %dma_wait3A_102 = tpu.memref_slice %arg8[%add3A_90, %dma_wait3A_101] : memref<16384x128xf32, #tpu.memory_space<hbm>> -> memref<128x128xf32, #tpu.memory_space<hbm>>
      %dma_wait3A_103 = arith.constant 0 : i32
      %dma_wait3A_104 = tpu.memref_slice %arg8[%add3A_90, %dma_wait3A_103] : memref<16384x128xf32, #tpu.memory_space<hbm>> -> memref<128x128xf32, #tpu.memory_space<hbm>>
      tpu.wait_dma2 semaphore(%run_scoped3A : memref<!tpu.dma_semaphore, #tpu.memory_space<semaphore_mem>>) src(%arg10 : memref<128x128xf32, #tpu.memory_space<vmem>>) dst(%dma_wait3A_104 : memref<128x128xf32, #tpu.memory_space<hbm>>)
      tpu.yield
    }) : () -> ()
    return
  }
}

#map = affine_map<(d0, d1) -> (0, 0)>
#map1 = affine_map<(d0, d1) -> (0)>
module attributes {stable_mosaic.version = 14 : i64} {
  func.func @new_body(%arg0: i32, %arg1: i32, %arg2: memref<1000000x128xf32, #tpu.memory_space<hbm>>, %arg3: memref<16384xi32, #tpu.memory_space<hbm>>, %arg4: memref<16384x128xf32, #tpu.memory_space<hbm>>, %arg5: memref<1000000x128xf32, #tpu.memory_space<hbm>>, %arg6: memref<128xi32, #tpu.memory_space<vmem>>, %arg7: memref<128x128xf32, #tpu.memory_space<vmem>>, %arg8: memref<!tpu.dma_semaphore, #tpu.memory_space<semaphore_mem>>) attributes {dimension_semantics = [#tpu.dimension_semantics<core_parallel>, #tpu.dimension_semantics<subcore_parallel>], iteration_bounds = array<i64: 2, 16>, scalar_prefetch = 0 : i64, scratch_operands = 3 : i64, tpu.core_type = #tpu.core_type<sc_vector_subcore>, window_params = [{transform_indices = #map}, {transform_indices = #map1}, {transform_indices = #map}, {transform_indices = #map}]} {
    %mul3A = arith.constant 2 : i32
    %mul3A_0 = arith.muli %arg1, %mul3A : i32
    %add3A = arith.addi %mul3A_0, %arg0 : i32
    %mul3A_1 = arith.constant 512 : i32
    %mul3A_2 = arith.muli %add3A, %mul3A_1 : i32
    %add3A_3 = arith.constant 0 : i32
    %add3A_4 = arith.addi %mul3A_2, %add3A_3 : i32
    "tpu.region"() ({
      %run_scoped3A = tpu.sem_alloc : memref<!tpu.dma_semaphore, #tpu.memory_space<semaphore_mem>>
      %dma_start3A_33 = tpu.memref_slice %arg3[%add3A_4] : memref<16384xi32, #tpu.memory_space<hbm>> -> memref<128xi32, #tpu.memory_space<hbm>>
      %dma_start3A_34 = tpu.memref_slice %arg3[%add3A_4] : memref<16384xi32, #tpu.memory_space<hbm>> -> memref<128xi32, #tpu.memory_space<hbm>>
      tpu.enqueue_dma source(%dma_start3A_34 : memref<128xi32, #tpu.memory_space<hbm>>) target(%arg6 : memref<128xi32, #tpu.memory_space<vmem>>) target_semaphore(%run_scoped3A : memref<!tpu.dma_semaphore, #tpu.memory_space<semaphore_mem>>)
      %dma_wait3A_35 = tpu.memref_slice %arg3[%add3A_4] : memref<16384xi32, #tpu.memory_space<hbm>> -> memref<128xi32, #tpu.memory_space<hbm>>
      %dma_wait3A_36 = tpu.memref_slice %arg3[%add3A_4] : memref<16384xi32, #tpu.memory_space<hbm>> -> memref<128xi32, #tpu.memory_space<hbm>>
      tpu.wait_dma2 semaphore(%run_scoped3A : memref<!tpu.dma_semaphore, #tpu.memory_space<semaphore_mem>>) src(%dma_wait3A_36 : memref<128xi32, #tpu.memory_space<hbm>>) dst(%arg6 : memref<128xi32, #tpu.memory_space<vmem>>)
      tpu.yield
    }) : () -> ()
    %dma_start3A = arith.constant 0 : i32
    %dma_start3A_5 = arith.constant 0 : i32
    %dma_start3A_6 = tpu.memref_slice %arg2[%dma_start3A, %dma_start3A_5] : memref<1000000x128xf32, #tpu.memory_space<hbm>> -> memref<1000000x128xf32, #tpu.memory_space<hbm>>
    tpu.enqueue_indirect_dma source(%dma_start3A_6 : memref<1000000x128xf32, #tpu.memory_space<hbm>>) target(%arg7 : memref<128x128xf32, #tpu.memory_space<vmem>>) offsets(%arg6 : memref<128xi32, #tpu.memory_space<vmem>>) semaphore(%arg8 : memref<!tpu.dma_semaphore, #tpu.memory_space<semaphore_mem>>)
    %dma_wait3A = arith.constant 0 : i32
    %dma_wait3A_7 = arith.constant 0 : i32
    %dma_wait3A_8 = tpu.memref_slice %arg2[%dma_wait3A, %dma_wait3A_7] : memref<1000000x128xf32, #tpu.memory_space<hbm>> -> memref<1000000x128xf32, #tpu.memory_space<hbm>>
    tpu.wait_indirect_dma semaphore(%arg8 : memref<!tpu.dma_semaphore, #tpu.memory_space<semaphore_mem>>) src(%dma_wait3A_8 : memref<1000000x128xf32, #tpu.memory_space<hbm>>) dst(%arg7 : memref<128x128xf32, #tpu.memory_space<vmem>>)
    "tpu.region"() ({
      %run_scoped3A = tpu.sem_alloc : memref<!tpu.dma_semaphore, #tpu.memory_space<semaphore_mem>>
      %dma_start3A_33 = arith.constant 0 : i32
      %dma_start3A_34 = tpu.memref_slice %arg4[%add3A_4, %dma_start3A_33] : memref<16384x128xf32, #tpu.memory_space<hbm>> -> memref<128x128xf32, #tpu.memory_space<hbm>>
      %dma_start3A_35 = arith.constant 0 : i32
      %dma_start3A_36 = tpu.memref_slice %arg4[%add3A_4, %dma_start3A_35] : memref<16384x128xf32, #tpu.memory_space<hbm>> -> memref<128x128xf32, #tpu.memory_space<hbm>>
      tpu.enqueue_dma source(%arg7 : memref<128x128xf32, #tpu.memory_space<vmem>>) target(%dma_start3A_36 : memref<128x128xf32, #tpu.memory_space<hbm>>) target_semaphore(%run_scoped3A : memref<!tpu.dma_semaphore, #tpu.memory_space<semaphore_mem>>)
      %dma_wait3A_37 = arith.constant 0 : i32
      %dma_wait3A_38 = tpu.memref_slice %arg4[%add3A_4, %dma_wait3A_37] : memref<16384x128xf32, #tpu.memory_space<hbm>> -> memref<128x128xf32, #tpu.memory_space<hbm>>
      %dma_wait3A_39 = arith.constant 0 : i32
      %dma_wait3A_40 = tpu.memref_slice %arg4[%add3A_4, %dma_wait3A_39] : memref<16384x128xf32, #tpu.memory_space<hbm>> -> memref<128x128xf32, #tpu.memory_space<hbm>>
      tpu.wait_dma2 semaphore(%run_scoped3A : memref<!tpu.dma_semaphore, #tpu.memory_space<semaphore_mem>>) src(%arg7 : memref<128x128xf32, #tpu.memory_space<vmem>>) dst(%dma_wait3A_40 : memref<128x128xf32, #tpu.memory_space<hbm>>)
      tpu.yield
    }) : () -> ()
    %add3A_9 = arith.constant 128 : i32
    %add3A_10 = arith.addi %mul3A_2, %add3A_9 : i32
    "tpu.region"() ({
      %run_scoped3A = tpu.sem_alloc : memref<!tpu.dma_semaphore, #tpu.memory_space<semaphore_mem>>
      %dma_start3A_33 = tpu.memref_slice %arg3[%add3A_10] : memref<16384xi32, #tpu.memory_space<hbm>> -> memref<128xi32, #tpu.memory_space<hbm>>
      %dma_start3A_34 = tpu.memref_slice %arg3[%add3A_10] : memref<16384xi32, #tpu.memory_space<hbm>> -> memref<128xi32, #tpu.memory_space<hbm>>
      tpu.enqueue_dma source(%dma_start3A_34 : memref<128xi32, #tpu.memory_space<hbm>>) target(%arg6 : memref<128xi32, #tpu.memory_space<vmem>>) target_semaphore(%run_scoped3A : memref<!tpu.dma_semaphore, #tpu.memory_space<semaphore_mem>>)
      %dma_wait3A_35 = tpu.memref_slice %arg3[%add3A_10] : memref<16384xi32, #tpu.memory_space<hbm>> -> memref<128xi32, #tpu.memory_space<hbm>>
      %dma_wait3A_36 = tpu.memref_slice %arg3[%add3A_10] : memref<16384xi32, #tpu.memory_space<hbm>> -> memref<128xi32, #tpu.memory_space<hbm>>
      tpu.wait_dma2 semaphore(%run_scoped3A : memref<!tpu.dma_semaphore, #tpu.memory_space<semaphore_mem>>) src(%dma_wait3A_36 : memref<128xi32, #tpu.memory_space<hbm>>) dst(%arg6 : memref<128xi32, #tpu.memory_space<vmem>>)
      tpu.yield
    }) : () -> ()
    %dma_start3A_11 = arith.constant 0 : i32
    %dma_start3A_12 = arith.constant 0 : i32
    %dma_start3A_13 = tpu.memref_slice %arg2[%dma_start3A_11, %dma_start3A_12] : memref<1000000x128xf32, #tpu.memory_space<hbm>> -> memref<1000000x128xf32, #tpu.memory_space<hbm>>
    tpu.enqueue_indirect_dma source(%dma_start3A_13 : memref<1000000x128xf32, #tpu.memory_space<hbm>>) target(%arg7 : memref<128x128xf32, #tpu.memory_space<vmem>>) offsets(%arg6 : memref<128xi32, #tpu.memory_space<vmem>>) semaphore(%arg8 : memref<!tpu.dma_semaphore, #tpu.memory_space<semaphore_mem>>)
    %dma_wait3A_14 = arith.constant 0 : i32
    %dma_wait3A_15 = arith.constant 0 : i32
    %dma_wait3A_16 = tpu.memref_slice %arg2[%dma_wait3A_14, %dma_wait3A_15] : memref<1000000x128xf32, #tpu.memory_space<hbm>> -> memref<1000000x128xf32, #tpu.memory_space<hbm>>
    tpu.wait_indirect_dma semaphore(%arg8 : memref<!tpu.dma_semaphore, #tpu.memory_space<semaphore_mem>>) src(%dma_wait3A_16 : memref<1000000x128xf32, #tpu.memory_space<hbm>>) dst(%arg7 : memref<128x128xf32, #tpu.memory_space<vmem>>)
    "tpu.region"() ({
      %run_scoped3A = tpu.sem_alloc : memref<!tpu.dma_semaphore, #tpu.memory_space<semaphore_mem>>
      %dma_start3A_33 = arith.constant 0 : i32
      %dma_start3A_34 = tpu.memref_slice %arg4[%add3A_10, %dma_start3A_33] : memref<16384x128xf32, #tpu.memory_space<hbm>> -> memref<128x128xf32, #tpu.memory_space<hbm>>
      %dma_start3A_35 = arith.constant 0 : i32
      %dma_start3A_36 = tpu.memref_slice %arg4[%add3A_10, %dma_start3A_35] : memref<16384x128xf32, #tpu.memory_space<hbm>> -> memref<128x128xf32, #tpu.memory_space<hbm>>
      tpu.enqueue_dma source(%arg7 : memref<128x128xf32, #tpu.memory_space<vmem>>) target(%dma_start3A_36 : memref<128x128xf32, #tpu.memory_space<hbm>>) target_semaphore(%run_scoped3A : memref<!tpu.dma_semaphore, #tpu.memory_space<semaphore_mem>>)
      %dma_wait3A_37 = arith.constant 0 : i32
      %dma_wait3A_38 = tpu.memref_slice %arg4[%add3A_10, %dma_wait3A_37] : memref<16384x128xf32, #tpu.memory_space<hbm>> -> memref<128x128xf32, #tpu.memory_space<hbm>>
      %dma_wait3A_39 = arith.constant 0 : i32
      %dma_wait3A_40 = tpu.memref_slice %arg4[%add3A_10, %dma_wait3A_39] : memref<16384x128xf32, #tpu.memory_space<hbm>> -> memref<128x128xf32, #tpu.memory_space<hbm>>
      tpu.wait_dma2 semaphore(%run_scoped3A : memref<!tpu.dma_semaphore, #tpu.memory_space<semaphore_mem>>) src(%arg7 : memref<128x128xf32, #tpu.memory_space<vmem>>) dst(%dma_wait3A_40 : memref<128x128xf32, #tpu.memory_space<hbm>>)
      tpu.yield
    }) : () -> ()
    %add3A_17 = arith.constant 256 : i32
    %add3A_18 = arith.addi %mul3A_2, %add3A_17 : i32
    "tpu.region"() ({
      %run_scoped3A = tpu.sem_alloc : memref<!tpu.dma_semaphore, #tpu.memory_space<semaphore_mem>>
      %dma_start3A_33 = tpu.memref_slice %arg3[%add3A_18] : memref<16384xi32, #tpu.memory_space<hbm>> -> memref<128xi32, #tpu.memory_space<hbm>>
      %dma_start3A_34 = tpu.memref_slice %arg3[%add3A_18] : memref<16384xi32, #tpu.memory_space<hbm>> -> memref<128xi32, #tpu.memory_space<hbm>>
      tpu.enqueue_dma source(%dma_start3A_34 : memref<128xi32, #tpu.memory_space<hbm>>) target(%arg6 : memref<128xi32, #tpu.memory_space<vmem>>) target_semaphore(%run_scoped3A : memref<!tpu.dma_semaphore, #tpu.memory_space<semaphore_mem>>)
      %dma_wait3A_35 = tpu.memref_slice %arg3[%add3A_18] : memref<16384xi32, #tpu.memory_space<hbm>> -> memref<128xi32, #tpu.memory_space<hbm>>
      %dma_wait3A_36 = tpu.memref_slice %arg3[%add3A_18] : memref<16384xi32, #tpu.memory_space<hbm>> -> memref<128xi32, #tpu.memory_space<hbm>>
      tpu.wait_dma2 semaphore(%run_scoped3A : memref<!tpu.dma_semaphore, #tpu.memory_space<semaphore_mem>>) src(%dma_wait3A_36 : memref<128xi32, #tpu.memory_space<hbm>>) dst(%arg6 : memref<128xi32, #tpu.memory_space<vmem>>)
      tpu.yield
    }) : () -> ()
    %dma_start3A_19 = arith.constant 0 : i32
    %dma_start3A_20 = arith.constant 0 : i32
    %dma_start3A_21 = tpu.memref_slice %arg2[%dma_start3A_19, %dma_start3A_20] : memref<1000000x128xf32, #tpu.memory_space<hbm>> -> memref<1000000x128xf32, #tpu.memory_space<hbm>>
    tpu.enqueue_indirect_dma source(%dma_start3A_21 : memref<1000000x128xf32, #tpu.memory_space<hbm>>) target(%arg7 : memref<128x128xf32, #tpu.memory_space<vmem>>) offsets(%arg6 : memref<128xi32, #tpu.memory_space<vmem>>) semaphore(%arg8 : memref<!tpu.dma_semaphore, #tpu.memory_space<semaphore_mem>>)
    %dma_wait3A_22 = arith.constant 0 : i32
    %dma_wait3A_23 = arith.constant 0 : i32
    %dma_wait3A_24 = tpu.memref_slice %arg2[%dma_wait3A_22, %dma_wait3A_23] : memref<1000000x128xf32, #tpu.memory_space<hbm>> -> memref<1000000x128xf32, #tpu.memory_space<hbm>>
    tpu.wait_indirect_dma semaphore(%arg8 : memref<!tpu.dma_semaphore, #tpu.memory_space<semaphore_mem>>) src(%dma_wait3A_24 : memref<1000000x128xf32, #tpu.memory_space<hbm>>) dst(%arg7 : memref<128x128xf32, #tpu.memory_space<vmem>>)
    "tpu.region"() ({
      %run_scoped3A = tpu.sem_alloc : memref<!tpu.dma_semaphore, #tpu.memory_space<semaphore_mem>>
      %dma_start3A_33 = arith.constant 0 : i32
      %dma_start3A_34 = tpu.memref_slice %arg4[%add3A_18, %dma_start3A_33] : memref<16384x128xf32, #tpu.memory_space<hbm>> -> memref<128x128xf32, #tpu.memory_space<hbm>>
      %dma_start3A_35 = arith.constant 0 : i32
      %dma_start3A_36 = tpu.memref_slice %arg4[%add3A_18, %dma_start3A_35] : memref<16384x128xf32, #tpu.memory_space<hbm>> -> memref<128x128xf32, #tpu.memory_space<hbm>>
      tpu.enqueue_dma source(%arg7 : memref<128x128xf32, #tpu.memory_space<vmem>>) target(%dma_start3A_36 : memref<128x128xf32, #tpu.memory_space<hbm>>) target_semaphore(%run_scoped3A : memref<!tpu.dma_semaphore, #tpu.memory_space<semaphore_mem>>)
      %dma_wait3A_37 = arith.constant 0 : i32
      %dma_wait3A_38 = tpu.memref_slice %arg4[%add3A_18, %dma_wait3A_37] : memref<16384x128xf32, #tpu.memory_space<hbm>> -> memref<128x128xf32, #tpu.memory_space<hbm>>
      %dma_wait3A_39 = arith.constant 0 : i32
      %dma_wait3A_40 = tpu.memref_slice %arg4[%add3A_18, %dma_wait3A_39] : memref<16384x128xf32, #tpu.memory_space<hbm>> -> memref<128x128xf32, #tpu.memory_space<hbm>>
      tpu.wait_dma2 semaphore(%run_scoped3A : memref<!tpu.dma_semaphore, #tpu.memory_space<semaphore_mem>>) src(%arg7 : memref<128x128xf32, #tpu.memory_space<vmem>>) dst(%dma_wait3A_40 : memref<128x128xf32, #tpu.memory_space<hbm>>)
      tpu.yield
    }) : () -> ()
    %add3A_25 = arith.constant 384 : i32
    %add3A_26 = arith.addi %mul3A_2, %add3A_25 : i32
    "tpu.region"() ({
      %run_scoped3A = tpu.sem_alloc : memref<!tpu.dma_semaphore, #tpu.memory_space<semaphore_mem>>
      %dma_start3A_33 = tpu.memref_slice %arg3[%add3A_26] : memref<16384xi32, #tpu.memory_space<hbm>> -> memref<128xi32, #tpu.memory_space<hbm>>
      %dma_start3A_34 = tpu.memref_slice %arg3[%add3A_26] : memref<16384xi32, #tpu.memory_space<hbm>> -> memref<128xi32, #tpu.memory_space<hbm>>
      tpu.enqueue_dma source(%dma_start3A_34 : memref<128xi32, #tpu.memory_space<hbm>>) target(%arg6 : memref<128xi32, #tpu.memory_space<vmem>>) target_semaphore(%run_scoped3A : memref<!tpu.dma_semaphore, #tpu.memory_space<semaphore_mem>>)
      %dma_wait3A_35 = tpu.memref_slice %arg3[%add3A_26] : memref<16384xi32, #tpu.memory_space<hbm>> -> memref<128xi32, #tpu.memory_space<hbm>>
      %dma_wait3A_36 = tpu.memref_slice %arg3[%add3A_26] : memref<16384xi32, #tpu.memory_space<hbm>> -> memref<128xi32, #tpu.memory_space<hbm>>
      tpu.wait_dma2 semaphore(%run_scoped3A : memref<!tpu.dma_semaphore, #tpu.memory_space<semaphore_mem>>) src(%dma_wait3A_36 : memref<128xi32, #tpu.memory_space<hbm>>) dst(%arg6 : memref<128xi32, #tpu.memory_space<vmem>>)
      tpu.yield
    }) : () -> ()
    %dma_start3A_27 = arith.constant 0 : i32
    %dma_start3A_28 = arith.constant 0 : i32
    %dma_start3A_29 = tpu.memref_slice %arg2[%dma_start3A_27, %dma_start3A_28] : memref<1000000x128xf32, #tpu.memory_space<hbm>> -> memref<1000000x128xf32, #tpu.memory_space<hbm>>
    tpu.enqueue_indirect_dma source(%dma_start3A_29 : memref<1000000x128xf32, #tpu.memory_space<hbm>>) target(%arg7 : memref<128x128xf32, #tpu.memory_space<vmem>>) offsets(%arg6 : memref<128xi32, #tpu.memory_space<vmem>>) semaphore(%arg8 : memref<!tpu.dma_semaphore, #tpu.memory_space<semaphore_mem>>)
    %dma_wait3A_30 = arith.constant 0 : i32
    %dma_wait3A_31 = arith.constant 0 : i32
    %dma_wait3A_32 = tpu.memref_slice %arg2[%dma_wait3A_30, %dma_wait3A_31] : memref<1000000x128xf32, #tpu.memory_space<hbm>> -> memref<1000000x128xf32, #tpu.memory_space<hbm>>
    tpu.wait_indirect_dma semaphore(%arg8 : memref<!tpu.dma_semaphore, #tpu.memory_space<semaphore_mem>>) src(%dma_wait3A_32 : memref<1000000x128xf32, #tpu.memory_space<hbm>>) dst(%arg7 : memref<128x128xf32, #tpu.memory_space<vmem>>)
    "tpu.region"() ({
      %run_scoped3A = tpu.sem_alloc : memref<!tpu.dma_semaphore, #tpu.memory_space<semaphore_mem>>
      %dma_start3A_33 = arith.constant 0 : i32
      %dma_start3A_34 = tpu.memref_slice %arg4[%add3A_26, %dma_start3A_33] : memref<16384x128xf32, #tpu.memory_space<hbm>> -> memref<128x128xf32, #tpu.memory_space<hbm>>
      %dma_start3A_35 = arith.constant 0 : i32
      %dma_start3A_36 = tpu.memref_slice %arg4[%add3A_26, %dma_start3A_35] : memref<16384x128xf32, #tpu.memory_space<hbm>> -> memref<128x128xf32, #tpu.memory_space<hbm>>
      tpu.enqueue_dma source(%arg7 : memref<128x128xf32, #tpu.memory_space<vmem>>) target(%dma_start3A_36 : memref<128x128xf32, #tpu.memory_space<hbm>>) target_semaphore(%run_scoped3A : memref<!tpu.dma_semaphore, #tpu.memory_space<semaphore_mem>>)
      %dma_wait3A_37 = arith.constant 0 : i32
      %dma_wait3A_38 = tpu.memref_slice %arg4[%add3A_26, %dma_wait3A_37] : memref<16384x128xf32, #tpu.memory_space<hbm>> -> memref<128x128xf32, #tpu.memory_space<hbm>>
      %dma_wait3A_39 = arith.constant 0 : i32
      %dma_wait3A_40 = tpu.memref_slice %arg4[%add3A_26, %dma_wait3A_39] : memref<16384x128xf32, #tpu.memory_space<hbm>> -> memref<128x128xf32, #tpu.memory_space<hbm>>
      tpu.wait_dma2 semaphore(%run_scoped3A : memref<!tpu.dma_semaphore, #tpu.memory_space<semaphore_mem>>) src(%arg7 : memref<128x128xf32, #tpu.memory_space<vmem>>) dst(%dma_wait3A_40 : memref<128x128xf32, #tpu.memory_space<hbm>>)
      tpu.yield
    }) : () -> ()
    return
  }
}

#map = affine_map<(d0, d1) -> (0, 0)>
#map1 = affine_map<(d0, d1) -> (0)>
module attributes {stable_mosaic.version = 14 : i64} {
  func.func @new_body(%arg0: i32, %arg1: i32, %arg2: memref<1000000x128xf32, #tpu.memory_space<hbm>>, %arg3: memref<16384xi32, #tpu.memory_space<hbm>>, %arg4: memref<16384x128xf32, #tpu.memory_space<hbm>>, %arg5: memref<1000000x128xf32, #tpu.memory_space<hbm>>, %arg6: memref<128xi32, #tpu.memory_space<vmem>>, %arg7: memref<128x128xf32, #tpu.memory_space<vmem>>, %arg8: memref<!tpu.dma_semaphore, #tpu.memory_space<semaphore_mem>>) attributes {dimension_semantics = [#tpu.dimension_semantics<core_parallel>, #tpu.dimension_semantics<subcore_parallel>], iteration_bounds = array<i64: 2, 16>, scalar_prefetch = 0 : i64, scratch_operands = 3 : i64, tpu.core_type = #tpu.core_type<sc_vector_subcore>, window_params = [{transform_indices = #map}, {transform_indices = #map1}, {transform_indices = #map}, {transform_indices = #map}]} {
    %mul3A = arith.constant 2 : i32
    %mul3A_0 = arith.muli %arg1, %mul3A : i32
    %add3A = arith.addi %mul3A_0, %arg0 : i32
    %mul3A_1 = arith.constant 512 : i32
    %mul3A_2 = arith.muli %add3A, %mul3A_1 : i32
    %add3A_3 = arith.constant 0 : i32
    %add3A_4 = arith.addi %mul3A_2, %add3A_3 : i32
    "tpu.region"() ({
      %run_scoped3A = tpu.sem_alloc : memref<!tpu.dma_semaphore, #tpu.memory_space<semaphore_mem>>
      %dma_start3A_33 = tpu.memref_slice %arg3[%add3A_4] : memref<16384xi32, #tpu.memory_space<hbm>> -> memref<128xi32, #tpu.memory_space<hbm>>
      %dma_start3A_34 = tpu.memref_slice %arg3[%add3A_4] : memref<16384xi32, #tpu.memory_space<hbm>> -> memref<128xi32, #tpu.memory_space<hbm>>
      tpu.enqueue_dma source(%dma_start3A_34 : memref<128xi32, #tpu.memory_space<hbm>>) target(%arg6 : memref<128xi32, #tpu.memory_space<vmem>>) target_semaphore(%run_scoped3A : memref<!tpu.dma_semaphore, #tpu.memory_space<semaphore_mem>>)
      %dma_wait3A_35 = tpu.memref_slice %arg3[%add3A_4] : memref<16384xi32, #tpu.memory_space<hbm>> -> memref<128xi32, #tpu.memory_space<hbm>>
      %dma_wait3A_36 = tpu.memref_slice %arg3[%add3A_4] : memref<16384xi32, #tpu.memory_space<hbm>> -> memref<128xi32, #tpu.memory_space<hbm>>
      tpu.wait_dma2 semaphore(%run_scoped3A : memref<!tpu.dma_semaphore, #tpu.memory_space<semaphore_mem>>) src(%dma_wait3A_36 : memref<128xi32, #tpu.memory_space<hbm>>) dst(%arg6 : memref<128xi32, #tpu.memory_space<vmem>>)
      tpu.yield
    }) : () -> ()
    "tpu.region"() ({
      %run_scoped3A = tpu.sem_alloc : memref<!tpu.dma_semaphore, #tpu.memory_space<semaphore_mem>>
      %dma_start3A_33 = arith.constant 0 : i32
      %dma_start3A_34 = tpu.memref_slice %arg4[%add3A_4, %dma_start3A_33] : memref<16384x128xf32, #tpu.memory_space<hbm>> -> memref<128x128xf32, #tpu.memory_space<hbm>>
      %dma_start3A_35 = arith.constant 0 : i32
      %dma_start3A_36 = tpu.memref_slice %arg4[%add3A_4, %dma_start3A_35] : memref<16384x128xf32, #tpu.memory_space<hbm>> -> memref<128x128xf32, #tpu.memory_space<hbm>>
      tpu.enqueue_dma source(%dma_start3A_36 : memref<128x128xf32, #tpu.memory_space<hbm>>) target(%arg7 : memref<128x128xf32, #tpu.memory_space<vmem>>) target_semaphore(%run_scoped3A : memref<!tpu.dma_semaphore, #tpu.memory_space<semaphore_mem>>)
      %dma_wait3A_37 = arith.constant 0 : i32
      %dma_wait3A_38 = tpu.memref_slice %arg4[%add3A_4, %dma_wait3A_37] : memref<16384x128xf32, #tpu.memory_space<hbm>> -> memref<128x128xf32, #tpu.memory_space<hbm>>
      %dma_wait3A_39 = arith.constant 0 : i32
      %dma_wait3A_40 = tpu.memref_slice %arg4[%add3A_4, %dma_wait3A_39] : memref<16384x128xf32, #tpu.memory_space<hbm>> -> memref<128x128xf32, #tpu.memory_space<hbm>>
      tpu.wait_dma2 semaphore(%run_scoped3A : memref<!tpu.dma_semaphore, #tpu.memory_space<semaphore_mem>>) src(%dma_wait3A_40 : memref<128x128xf32, #tpu.memory_space<hbm>>) dst(%arg7 : memref<128x128xf32, #tpu.memory_space<vmem>>)
      tpu.yield
    }) : () -> ()
    %dma_start3A = arith.constant 0 : i32
    %dma_start3A_5 = arith.constant 0 : i32
    %dma_start3A_6 = tpu.memref_slice %arg2[%dma_start3A, %dma_start3A_5] : memref<1000000x128xf32, #tpu.memory_space<hbm>> -> memref<1000000x128xf32, #tpu.memory_space<hbm>>
    tpu.enqueue_indirect_dma source(%arg7 : memref<128x128xf32, #tpu.memory_space<vmem>>) target(%dma_start3A_6 : memref<1000000x128xf32, #tpu.memory_space<hbm>>) offsets(%arg6 : memref<128xi32, #tpu.memory_space<vmem>>) semaphore(%arg8 : memref<!tpu.dma_semaphore, #tpu.memory_space<semaphore_mem>>)
    %dma_wait3A = arith.constant 0 : i32
    %dma_wait3A_7 = arith.constant 0 : i32
    %dma_wait3A_8 = tpu.memref_slice %arg2[%dma_wait3A, %dma_wait3A_7] : memref<1000000x128xf32, #tpu.memory_space<hbm>> -> memref<1000000x128xf32, #tpu.memory_space<hbm>>
    tpu.wait_indirect_dma semaphore(%arg8 : memref<!tpu.dma_semaphore, #tpu.memory_space<semaphore_mem>>) src(%arg7 : memref<128x128xf32, #tpu.memory_space<vmem>>) dst(%dma_wait3A_8 : memref<1000000x128xf32, #tpu.memory_space<hbm>>)
    %add3A_9 = arith.constant 128 : i32
    %add3A_10 = arith.addi %mul3A_2, %add3A_9 : i32
    "tpu.region"() ({
      %run_scoped3A = tpu.sem_alloc : memref<!tpu.dma_semaphore, #tpu.memory_space<semaphore_mem>>
      %dma_start3A_33 = tpu.memref_slice %arg3[%add3A_10] : memref<16384xi32, #tpu.memory_space<hbm>> -> memref<128xi32, #tpu.memory_space<hbm>>
      %dma_start3A_34 = tpu.memref_slice %arg3[%add3A_10] : memref<16384xi32, #tpu.memory_space<hbm>> -> memref<128xi32, #tpu.memory_space<hbm>>
      tpu.enqueue_dma source(%dma_start3A_34 : memref<128xi32, #tpu.memory_space<hbm>>) target(%arg6 : memref<128xi32, #tpu.memory_space<vmem>>) target_semaphore(%run_scoped3A : memref<!tpu.dma_semaphore, #tpu.memory_space<semaphore_mem>>)
      %dma_wait3A_35 = tpu.memref_slice %arg3[%add3A_10] : memref<16384xi32, #tpu.memory_space<hbm>> -> memref<128xi32, #tpu.memory_space<hbm>>
      %dma_wait3A_36 = tpu.memref_slice %arg3[%add3A_10] : memref<16384xi32, #tpu.memory_space<hbm>> -> memref<128xi32, #tpu.memory_space<hbm>>
      tpu.wait_dma2 semaphore(%run_scoped3A : memref<!tpu.dma_semaphore, #tpu.memory_space<semaphore_mem>>) src(%dma_wait3A_36 : memref<128xi32, #tpu.memory_space<hbm>>) dst(%arg6 : memref<128xi32, #tpu.memory_space<vmem>>)
      tpu.yield
    }) : () -> ()
    "tpu.region"() ({
      %run_scoped3A = tpu.sem_alloc : memref<!tpu.dma_semaphore, #tpu.memory_space<semaphore_mem>>
      %dma_start3A_33 = arith.constant 0 : i32
      %dma_start3A_34 = tpu.memref_slice %arg4[%add3A_10, %dma_start3A_33] : memref<16384x128xf32, #tpu.memory_space<hbm>> -> memref<128x128xf32, #tpu.memory_space<hbm>>
      %dma_start3A_35 = arith.constant 0 : i32
      %dma_start3A_36 = tpu.memref_slice %arg4[%add3A_10, %dma_start3A_35] : memref<16384x128xf32, #tpu.memory_space<hbm>> -> memref<128x128xf32, #tpu.memory_space<hbm>>
      tpu.enqueue_dma source(%dma_start3A_36 : memref<128x128xf32, #tpu.memory_space<hbm>>) target(%arg7 : memref<128x128xf32, #tpu.memory_space<vmem>>) target_semaphore(%run_scoped3A : memref<!tpu.dma_semaphore, #tpu.memory_space<semaphore_mem>>)
      %dma_wait3A_37 = arith.constant 0 : i32
      %dma_wait3A_38 = tpu.memref_slice %arg4[%add3A_10, %dma_wait3A_37] : memref<16384x128xf32, #tpu.memory_space<hbm>> -> memref<128x128xf32, #tpu.memory_space<hbm>>
      %dma_wait3A_39 = arith.constant 0 : i32
      %dma_wait3A_40 = tpu.memref_slice %arg4[%add3A_10, %dma_wait3A_39] : memref<16384x128xf32, #tpu.memory_space<hbm>> -> memref<128x128xf32, #tpu.memory_space<hbm>>
      tpu.wait_dma2 semaphore(%run_scoped3A : memref<!tpu.dma_semaphore, #tpu.memory_space<semaphore_mem>>) src(%dma_wait3A_40 : memref<128x128xf32, #tpu.memory_space<hbm>>) dst(%arg7 : memref<128x128xf32, #tpu.memory_space<vmem>>)
      tpu.yield
    }) : () -> ()
    %dma_start3A_11 = arith.constant 0 : i32
    %dma_start3A_12 = arith.constant 0 : i32
    %dma_start3A_13 = tpu.memref_slice %arg2[%dma_start3A_11, %dma_start3A_12] : memref<1000000x128xf32, #tpu.memory_space<hbm>> -> memref<1000000x128xf32, #tpu.memory_space<hbm>>
    tpu.enqueue_indirect_dma source(%arg7 : memref<128x128xf32, #tpu.memory_space<vmem>>) target(%dma_start3A_13 : memref<1000000x128xf32, #tpu.memory_space<hbm>>) offsets(%arg6 : memref<128xi32, #tpu.memory_space<vmem>>) semaphore(%arg8 : memref<!tpu.dma_semaphore, #tpu.memory_space<semaphore_mem>>)
    %dma_wait3A_14 = arith.constant 0 : i32
    %dma_wait3A_15 = arith.constant 0 : i32
    %dma_wait3A_16 = tpu.memref_slice %arg2[%dma_wait3A_14, %dma_wait3A_15] : memref<1000000x128xf32, #tpu.memory_space<hbm>> -> memref<1000000x128xf32, #tpu.memory_space<hbm>>
    tpu.wait_indirect_dma semaphore(%arg8 : memref<!tpu.dma_semaphore, #tpu.memory_space<semaphore_mem>>) src(%arg7 : memref<128x128xf32, #tpu.memory_space<vmem>>) dst(%dma_wait3A_16 : memref<1000000x128xf32, #tpu.memory_space<hbm>>)
    %add3A_17 = arith.constant 256 : i32
    %add3A_18 = arith.addi %mul3A_2, %add3A_17 : i32
    "tpu.region"() ({
      %run_scoped3A = tpu.sem_alloc : memref<!tpu.dma_semaphore, #tpu.memory_space<semaphore_mem>>
      %dma_start3A_33 = tpu.memref_slice %arg3[%add3A_18] : memref<16384xi32, #tpu.memory_space<hbm>> -> memref<128xi32, #tpu.memory_space<hbm>>
      %dma_start3A_34 = tpu.memref_slice %arg3[%add3A_18] : memref<16384xi32, #tpu.memory_space<hbm>> -> memref<128xi32, #tpu.memory_space<hbm>>
      tpu.enqueue_dma source(%dma_start3A_34 : memref<128xi32, #tpu.memory_space<hbm>>) target(%arg6 : memref<128xi32, #tpu.memory_space<vmem>>) target_semaphore(%run_scoped3A : memref<!tpu.dma_semaphore, #tpu.memory_space<semaphore_mem>>)
      %dma_wait3A_35 = tpu.memref_slice %arg3[%add3A_18] : memref<16384xi32, #tpu.memory_space<hbm>> -> memref<128xi32, #tpu.memory_space<hbm>>
      %dma_wait3A_36 = tpu.memref_slice %arg3[%add3A_18] : memref<16384xi32, #tpu.memory_space<hbm>> -> memref<128xi32, #tpu.memory_space<hbm>>
      tpu.wait_dma2 semaphore(%run_scoped3A : memref<!tpu.dma_semaphore, #tpu.memory_space<semaphore_mem>>) src(%dma_wait3A_36 : memref<128xi32, #tpu.memory_space<hbm>>) dst(%arg6 : memref<128xi32, #tpu.memory_space<vmem>>)
      tpu.yield
    }) : () -> ()
    "tpu.region"() ({
      %run_scoped3A = tpu.sem_alloc : memref<!tpu.dma_semaphore, #tpu.memory_space<semaphore_mem>>
      %dma_start3A_33 = arith.constant 0 : i32
      %dma_start3A_34 = tpu.memref_slice %arg4[%add3A_18, %dma_start3A_33] : memref<16384x128xf32, #tpu.memory_space<hbm>> -> memref<128x128xf32, #tpu.memory_space<hbm>>
      %dma_start3A_35 = arith.constant 0 : i32
      %dma_start3A_36 = tpu.memref_slice %arg4[%add3A_18, %dma_start3A_35] : memref<16384x128xf32, #tpu.memory_space<hbm>> -> memref<128x128xf32, #tpu.memory_space<hbm>>
      tpu.enqueue_dma source(%dma_start3A_36 : memref<128x128xf32, #tpu.memory_space<hbm>>) target(%arg7 : memref<128x128xf32, #tpu.memory_space<vmem>>) target_semaphore(%run_scoped3A : memref<!tpu.dma_semaphore, #tpu.memory_space<semaphore_mem>>)
      %dma_wait3A_37 = arith.constant 0 : i32
      %dma_wait3A_38 = tpu.memref_slice %arg4[%add3A_18, %dma_wait3A_37] : memref<16384x128xf32, #tpu.memory_space<hbm>> -> memref<128x128xf32, #tpu.memory_space<hbm>>
      %dma_wait3A_39 = arith.constant 0 : i32
      %dma_wait3A_40 = tpu.memref_slice %arg4[%add3A_18, %dma_wait3A_39] : memref<16384x128xf32, #tpu.memory_space<hbm>> -> memref<128x128xf32, #tpu.memory_space<hbm>>
      tpu.wait_dma2 semaphore(%run_scoped3A : memref<!tpu.dma_semaphore, #tpu.memory_space<semaphore_mem>>) src(%dma_wait3A_40 : memref<128x128xf32, #tpu.memory_space<hbm>>) dst(%arg7 : memref<128x128xf32, #tpu.memory_space<vmem>>)
      tpu.yield
    }) : () -> ()
    %dma_start3A_19 = arith.constant 0 : i32
    %dma_start3A_20 = arith.constant 0 : i32
    %dma_start3A_21 = tpu.memref_slice %arg2[%dma_start3A_19, %dma_start3A_20] : memref<1000000x128xf32, #tpu.memory_space<hbm>> -> memref<1000000x128xf32, #tpu.memory_space<hbm>>
    tpu.enqueue_indirect_dma source(%arg7 : memref<128x128xf32, #tpu.memory_space<vmem>>) target(%dma_start3A_21 : memref<1000000x128xf32, #tpu.memory_space<hbm>>) offsets(%arg6 : memref<128xi32, #tpu.memory_space<vmem>>) semaphore(%arg8 : memref<!tpu.dma_semaphore, #tpu.memory_space<semaphore_mem>>)
    %dma_wait3A_22 = arith.constant 0 : i32
    %dma_wait3A_23 = arith.constant 0 : i32
    %dma_wait3A_24 = tpu.memref_slice %arg2[%dma_wait3A_22, %dma_wait3A_23] : memref<1000000x128xf32, #tpu.memory_space<hbm>> -> memref<1000000x128xf32, #tpu.memory_space<hbm>>
    tpu.wait_indirect_dma semaphore(%arg8 : memref<!tpu.dma_semaphore, #tpu.memory_space<semaphore_mem>>) src(%arg7 : memref<128x128xf32, #tpu.memory_space<vmem>>) dst(%dma_wait3A_24 : memref<1000000x128xf32, #tpu.memory_space<hbm>>)
    %add3A_25 = arith.constant 384 : i32
    %add3A_26 = arith.addi %mul3A_2, %add3A_25 : i32
    "tpu.region"() ({
      %run_scoped3A = tpu.sem_alloc : memref<!tpu.dma_semaphore, #tpu.memory_space<semaphore_mem>>
      %dma_start3A_33 = tpu.memref_slice %arg3[%add3A_26] : memref<16384xi32, #tpu.memory_space<hbm>> -> memref<128xi32, #tpu.memory_space<hbm>>
      %dma_start3A_34 = tpu.memref_slice %arg3[%add3A_26] : memref<16384xi32, #tpu.memory_space<hbm>> -> memref<128xi32, #tpu.memory_space<hbm>>
      tpu.enqueue_dma source(%dma_start3A_34 : memref<128xi32, #tpu.memory_space<hbm>>) target(%arg6 : memref<128xi32, #tpu.memory_space<vmem>>) target_semaphore(%run_scoped3A : memref<!tpu.dma_semaphore, #tpu.memory_space<semaphore_mem>>)
      %dma_wait3A_35 = tpu.memref_slice %arg3[%add3A_26] : memref<16384xi32, #tpu.memory_space<hbm>> -> memref<128xi32, #tpu.memory_space<hbm>>
      %dma_wait3A_36 = tpu.memref_slice %arg3[%add3A_26] : memref<16384xi32, #tpu.memory_space<hbm>> -> memref<128xi32, #tpu.memory_space<hbm>>
      tpu.wait_dma2 semaphore(%run_scoped3A : memref<!tpu.dma_semaphore, #tpu.memory_space<semaphore_mem>>) src(%dma_wait3A_36 : memref<128xi32, #tpu.memory_space<hbm>>) dst(%arg6 : memref<128xi32, #tpu.memory_space<vmem>>)
      tpu.yield
    }) : () -> ()
    "tpu.region"() ({
      %run_scoped3A = tpu.sem_alloc : memref<!tpu.dma_semaphore, #tpu.memory_space<semaphore_mem>>
      %dma_start3A_33 = arith.constant 0 : i32
      %dma_start3A_34 = tpu.memref_slice %arg4[%add3A_26, %dma_start3A_33] : memref<16384x128xf32, #tpu.memory_space<hbm>> -> memref<128x128xf32, #tpu.memory_space<hbm>>
      %dma_start3A_35 = arith.constant 0 : i32
      %dma_start3A_36 = tpu.memref_slice %arg4[%add3A_26, %dma_start3A_35] : memref<16384x128xf32, #tpu.memory_space<hbm>> -> memref<128x128xf32, #tpu.memory_space<hbm>>
      tpu.enqueue_dma source(%dma_start3A_36 : memref<128x128xf32, #tpu.memory_space<hbm>>) target(%arg7 : memref<128x128xf32, #tpu.memory_space<vmem>>) target_semaphore(%run_scoped3A : memref<!tpu.dma_semaphore, #tpu.memory_space<semaphore_mem>>)
      %dma_wait3A_37 = arith.constant 0 : i32
      %dma_wait3A_38 = tpu.memref_slice %arg4[%add3A_26, %dma_wait3A_37] : memref<16384x128xf32, #tpu.memory_space<hbm>> -> memref<128x128xf32, #tpu.memory_space<hbm>>
      %dma_wait3A_39 = arith.constant 0 : i32
      %dma_wait3A_40 = tpu.memref_slice %arg4[%add3A_26, %dma_wait3A_39] : memref<16384x128xf32, #tpu.memory_space<hbm>> -> memref<128x128xf32, #tpu.memory_space<hbm>>
      tpu.wait_dma2 semaphore(%run_scoped3A : memref<!tpu.dma_semaphore, #tpu.memory_space<semaphore_mem>>) src(%dma_wait3A_40 : memref<128x128xf32, #tpu.memory_space<hbm>>) dst(%arg7 : memref<128x128xf32, #tpu.memory_space<vmem>>)
      tpu.yield
    }) : () -> ()
    %dma_start3A_27 = arith.constant 0 : i32
    %dma_start3A_28 = arith.constant 0 : i32
    %dma_start3A_29 = tpu.memref_slice %arg2[%dma_start3A_27, %dma_start3A_28] : memref<1000000x128xf32, #tpu.memory_space<hbm>> -> memref<1000000x128xf32, #tpu.memory_space<hbm>>
    tpu.enqueue_indirect_dma source(%arg7 : memref<128x128xf32, #tpu.memory_space<vmem>>) target(%dma_start3A_29 : memref<1000000x128xf32, #tpu.memory_space<hbm>>) offsets(%arg6 : memref<128xi32, #tpu.memory_space<vmem>>) semaphore(%arg8 : memref<!tpu.dma_semaphore, #tpu.memory_space<semaphore_mem>>)
    %dma_wait3A_30 = arith.constant 0 : i32
    %dma_wait3A_31 = arith.constant 0 : i32
    %dma_wait3A_32 = tpu.memref_slice %arg2[%dma_wait3A_30, %dma_wait3A_31] : memref<1000000x128xf32, #tpu.memory_space<hbm>> -> memref<1000000x128xf32, #tpu.memory_space<hbm>>
    tpu.wait_indirect_dma semaphore(%arg8 : memref<!tpu.dma_semaphore, #tpu.memory_space<semaphore_mem>>) src(%arg7 : memref<128x128xf32, #tpu.memory_space<vmem>>) dst(%dma_wait3A_32 : memref<1000000x128xf32, #tpu.memory_space<hbm>>)
    return
  }
}

module attributes {stable_mosaic.version = 14 : i64} {
  func.func @body(%arg0: i32, %arg1: memref<2048x128xf32, #tpu.memory_space<vmem>>, %arg2: memref<2048x128xf32, #tpu.memory_space<vmem>>, %arg3: memref<128x384xf32, #tpu.memory_space<vmem>>, %arg4: memref<128x384xf32, #tpu.memory_space<vmem>>, %arg5: memref<1x384xf32, #tpu.memory_space<vmem>>, %arg6: memref<1x384xf32, #tpu.memory_space<vmem>>, %arg7: memref<2048x128xf32, #tpu.memory_space<vmem>>) attributes {dimension_semantics = [#tpu.dimension_semantics<arbitrary>], iteration_bounds = array<i64: 8>, scalar_prefetch = 0 : i64, scratch_operands = 0 : i64, tpu.core_type = #tpu.core_type<tc>, window_params = [{transform_indices = @transform_0, window_bounds = array<i64: 2048, 128>}, {transform_indices = @transform_1, window_bounds = array<i64: 2048, 128>}, {pipeline_mode = #tpu.pipeline_mode<synchronous>, transform_indices = @transform_2, window_bounds = array<i64: 128, 384>}, {pipeline_mode = #tpu.pipeline_mode<synchronous>, transform_indices = @transform_3, window_bounds = array<i64: 128, 384>}, {pipeline_mode = #tpu.pipeline_mode<synchronous>, transform_indices = @transform_4, window_bounds = array<i64: 1, 384>}, {pipeline_mode = #tpu.pipeline_mode<synchronous>, transform_indices = @transform_5, window_bounds = array<i64: 1, 384>}, {transform_indices = @transform_6, window_bounds = array<i64: 2048, 128>}]} {
    %get3A = arith.constant 0 : index
    %get3A_0 = arith.constant 0 : index
    %get3A_1 = vector.load %arg1[%get3A, %get3A_0] : memref<2048x128xf32, #tpu.memory_space<vmem>>, vector<2048x128xf32>
    %get3A_2 = arith.constant 0 : index
    %get3A_3 = arith.constant 0 : index
    %get3A_4 = vector.load %arg2[%get3A_2, %get3A_3] : memref<2048x128xf32, #tpu.memory_space<vmem>>, vector<2048x128xf32>
    %get3A_5 = arith.constant 0 : index
    %get3A_6 = arith.constant 0 : index
    %get3A_7 = vector.load %arg3[%get3A_5, %get3A_6] : memref<128x384xf32, #tpu.memory_space<vmem>>, vector<128x384xf32>
    %get3A_8 = arith.constant 0 : index
    %get3A_9 = arith.constant 0 : index
    %get3A_10 = vector.load %arg4[%get3A_8, %get3A_9] : memref<128x384xf32, #tpu.memory_space<vmem>>, vector<128x384xf32>
    %get3A_11 = arith.constant 0 : index
    %get3A_12 = arith.constant 0 : index
    %get3A_13 = vector.load %arg5[%get3A_11, %get3A_12] : memref<1x384xf32, #tpu.memory_space<vmem>>, vector<1x384xf32>
    %get3A_14 = arith.constant 0 : index
    %get3A_15 = arith.constant 0 : index
    %get3A_16 = vector.load %arg6[%get3A_14, %get3A_15] : memref<1x384xf32, #tpu.memory_space<vmem>>, vector<1x384xf32>
    %dot_general3A = arith.constant dense<0.000000e+00> : vector<2048x384xf32>
    %dot_general3A_17 = tpu.matmul %get3A_1, %get3A_7, %dot_general3A {dimension_numbers = #tpu.dot_dimension_numbers<[1], [0], [0], [1], [0, 0, 1, 1], [], []>, transpose_lhs_hint = false} : vector<2048x128xf32>, vector<128x384xf32>, vector<2048x384xf32> -> vector<2048x384xf32>
    %add3A = vector.broadcast %get3A_13 : vector<1x384xf32> to vector<2048x384xf32>
    %add3A_18 = arith.addf %dot_general3A_17, %add3A : vector<2048x384xf32>
    %dot_general3A_19 = arith.constant dense<0.000000e+00> : vector<2048x384xf32>
    %dot_general3A_20 = tpu.matmul %get3A_4, %get3A_10, %dot_general3A_19 {dimension_numbers = #tpu.dot_dimension_numbers<[1], [0], [0], [1], [0, 0, 1, 1], [], []>, transpose_lhs_hint = false} : vector<2048x128xf32>, vector<128x384xf32>, vector<2048x384xf32> -> vector<2048x384xf32>
    %add3A_21 = vector.broadcast %get3A_16 : vector<1x384xf32> to vector<2048x384xf32>
    %add3A_22 = arith.addf %dot_general3A_20, %add3A_21 : vector<2048x384xf32>
    %slice3A = vector.extract_strided_slice %add3A_18 {offsets = [0, 0], sizes = [2048, 128], strides = [1, 1]} : vector<2048x384xf32> to vector<2048x128xf32>
    %slice3A_23 = vector.extract_strided_slice %add3A_22 {offsets = [0, 0], sizes = [2048, 128], strides = [1, 1]} : vector<2048x384xf32> to vector<2048x128xf32>
    %add3A_24 = arith.addf %slice3A, %slice3A_23 : vector<2048x128xf32>
    %logistic3A = arith.negf %add3A_24 : vector<2048x128xf32>
    %logistic3A_25 = math.exp %logistic3A : vector<2048x128xf32>
    %logistic3A_26 = arith.constant 1.000000e+00 : f32
    %logistic3A_27 = vector.broadcast %logistic3A_26 : f32 to vector<2048x128xf32>
    %logistic3A_28 = arith.addf %logistic3A_27, %logistic3A_25 : vector<2048x128xf32>
    %logistic3A_29 = arith.divf %logistic3A_27, %logistic3A_28 : vector<2048x128xf32>
    %slice3A_30 = vector.extract_strided_slice %add3A_18 {offsets = [0, 128], sizes = [2048, 128], strides = [1, 1]} : vector<2048x384xf32> to vector<2048x128xf32>
    %slice3A_31 = vector.extract_strided_slice %add3A_22 {offsets = [0, 128], sizes = [2048, 128], strides = [1, 1]} : vector<2048x384xf32> to vector<2048x128xf32>
    %add3A_32 = arith.addf %slice3A_30, %slice3A_31 : vector<2048x128xf32>
    %logistic3A_33 = arith.negf %add3A_32 : vector<2048x128xf32>
    %logistic3A_34 = math.exp %logistic3A_33 : vector<2048x128xf32>
    %logistic3A_35 = arith.constant 1.000000e+00 : f32
    %logistic3A_36 = vector.broadcast %logistic3A_35 : f32 to vector<2048x128xf32>
    %logistic3A_37 = arith.addf %logistic3A_36, %logistic3A_34 : vector<2048x128xf32>
    %logistic3A_38 = arith.divf %logistic3A_36, %logistic3A_37 : vector<2048x128xf32>
    %slice3A_39 = vector.extract_strided_slice %add3A_18 {offsets = [0, 256], sizes = [2048, 128], strides = [1, 1]} : vector<2048x384xf32> to vector<2048x128xf32>
    %slice3A_40 = vector.extract_strided_slice %add3A_22 {offsets = [0, 256], sizes = [2048, 128], strides = [1, 1]} : vector<2048x384xf32> to vector<2048x128xf32>
    %mul3A = arith.mulf %logistic3A_29, %slice3A_40 : vector<2048x128xf32>
    %add3A_41 = arith.addf %slice3A_39, %mul3A : vector<2048x128xf32>
    %tanh3A = math.tanh %add3A_41 : vector<2048x128xf32>
    %sub3A = arith.constant 1.000000e+00 : f32
    %sub3A_42 = vector.broadcast %sub3A : f32 to vector<2048x128xf32>
    %sub3A_43 = arith.subf %sub3A_42, %logistic3A_38 : vector<2048x128xf32>
    %mul3A_44 = arith.mulf %sub3A_43, %tanh3A : vector<2048x128xf32>
    %mul3A_45 = arith.mulf %logistic3A_38, %get3A_4 : vector<2048x128xf32>
    %add3A_46 = arith.addf %mul3A_44, %mul3A_45 : vector<2048x128xf32>
    %swap3A = arith.constant 0 : index
    %swap3A_47 = arith.constant 0 : index
    %swap3A_48 = vector.load %arg7[%swap3A, %swap3A_47] : memref<2048x128xf32, #tpu.memory_space<vmem>>, vector<2048x128xf32>
    tpu.vector_store %arg7[%swap3A, %swap3A_47], %add3A_46 {strides = array<i32>} : memref<2048x128xf32, #tpu.memory_space<vmem>>, vector<2048x128xf32>,
    return
  }
  func.func @transform_0(%arg0: i32) -> (i32, i32) {
    %c0_i32 = arith.constant 0 : i32
    %c0_i32_0 = arith.constant 0 : i32
    return %arg0, %c0_i32 : i32, i32
  }
  func.func @transform_1(%arg0: i32) -> (i32, i32) {
    %c0_i32 = arith.constant 0 : i32
    %c0_i32_0 = arith.constant 0 : i32
    return %arg0, %c0_i32 : i32, i32
  }
  func.func @transform_2(%arg0: i32) -> (i32, i32) {
    %c0_i32 = arith.constant 0 : i32
    %c0_i32_0 = arith.constant 0 : i32
    %c0_i32_1 = arith.constant 0 : i32
    return %c0_i32, %c0_i32_0 : i32, i32
  }
  func.func @transform_3(%arg0: i32) -> (i32, i32) {
    %c0_i32 = arith.constant 0 : i32
    %c0_i32_0 = arith.constant 0 : i32
    %c0_i32_1 = arith.constant 0 : i32
    return %c0_i32, %c0_i32_0 : i32, i32
  }
  func.func @transform_4(%arg0: i32) -> (i32, i32) {
    %c0_i32 = arith.constant 0 : i32
    %c0_i32_0 = arith.constant 0 : i32
    %c0_i32_1 = arith.constant 0 : i32
    return %c0_i32, %c0_i32_0 : i32, i32
  }
  func.func @transform_5(%arg0: i32) -> (i32, i32) {
    %c0_i32 = arith.constant 0 : i32
    %c0_i32_0 = arith.constant 0 : i32
    %c0_i32_1 = arith.constant 0 : i32
    return %c0_i32, %c0_i32_0 : i32, i32
  }
  func.func @transform_6(%arg0: i32) -> (i32, i32) {
    %c0_i32 = arith.constant 0 : i32
    %c0_i32_0 = arith.constant 0 : i32
    return %arg0, %c0_i32 : i32, i32
  }
}

module attributes {stable_mosaic.version = 14 : i64} {
  func.func @body(%arg0: i32, %arg1: memref<1000000x128xf32, #tpu.memory_space<hbm>>, %arg2: memref<2048x128xf32, #tpu.memory_space<vmem>>, %arg3: memref<2048x128xf32, #tpu.memory_space<vmem>>, %arg4: memref<2048x128xf32, #tpu.memory_space<vmem>>, %arg5: memref<128x128xf32, #tpu.memory_space<vmem>>, %arg6: memref<1x128xf32, #tpu.memory_space<vmem>>, %arg7: memref<128x128xf32, #tpu.memory_space<vmem>>, %arg8: memref<128x128xf32, #tpu.memory_space<vmem>>, %arg9: memref<1x128xf32, #tpu.memory_space<vmem>>, %arg10: memref<1x128xf32, #tpu.memory_space<vmem>>, %arg11: memref<1x1xf32, #tpu.memory_space<vmem>>, %arg12: memref<128x128xf32, #tpu.memory_space<vmem>>, %arg13: memref<128x128xf32, #tpu.memory_space<vmem>>, %arg14: memref<1x128xf32, #tpu.memory_space<vmem>>, %arg15: memref<128x128xf32, #tpu.memory_space<vmem>>, %arg16: memref<1x128xf32, #tpu.memory_space<vmem>>, %arg17: memref<128x384xf32, #tpu.memory_space<vmem>>, %arg18: memref<128x384xf32, #tpu.memory_space<vmem>>, %arg19: memref<1x384xf32, #tpu.memory_space<vmem>>, %arg20: memref<1x384xf32, #tpu.memory_space<vmem>>, %arg21: memref<2048x1xf32, #tpu.memory_space<vmem>>, %arg22: memref<2048x1xf32, #tpu.memory_space<vmem>>, %arg23: memref<2048x128xf32, #tpu.memory_space<vmem>>, %arg24: memref<2048x128xf32, #tpu.memory_space<vmem>>, %arg25: memref<1000000x128xf32, #tpu.memory_space<hbm>>, %arg26: memref<!tpu.dma_semaphore, #tpu.memory_space<semaphore_mem>>) attributes {dimension_semantics = [#tpu.dimension_semantics<arbitrary>], iteration_bounds = array<i64: 8>, scalar_prefetch = 0 : i64, scratch_operands = 1 : i64, tpu.core_type = #tpu.core_type<tc>, window_params = [{}, {transform_indices = @transform_1, window_bounds = array<i64: 2048, 128>}, {transform_indices = @transform_2, window_bounds = array<i64: 2048, 128>}, {transform_indices = @transform_3, window_bounds = array<i64: 2048, 128>}, {pipeline_mode = #tpu.pipeline_mode<synchronous>, transform_indices = @transform_4, window_bounds = array<i64: 128, 128>}, {pipeline_mode = #tpu.pipeline_mode<synchronous>, transform_indices = @transform_5, window_bounds = array<i64: 1, 128>}, {pipeline_mode = #tpu.pipeline_mode<synchronous>, transform_indices = @transform_6, window_bounds = array<i64: 128, 128>}, {pipeline_mode = #tpu.pipeline_mode<synchronous>, transform_indices = @transform_7, window_bounds = array<i64: 128, 128>}, {pipeline_mode = #tpu.pipeline_mode<synchronous>, transform_indices = @transform_8, window_bounds = array<i64: 1, 128>}, {pipeline_mode = #tpu.pipeline_mode<synchronous>, transform_indices = @transform_9, window_bounds = array<i64: 1, 128>}, {pipeline_mode = #tpu.pipeline_mode<synchronous>, transform_indices = @transform_10, window_bounds = array<i64: 1, 1>}, {pipeline_mode = #tpu.pipeline_mode<synchronous>, transform_indices = @transform_11, window_bounds = array<i64: 128, 128>}, {pipeline_mode = #tpu.pipeline_mode<synchronous>, transform_indices = @transform_12, window_bounds = array<i64: 128, 128>}, {pipeline_mode = #tpu.pipeline_mode<synchronous>, transform_indices = @transform_13, window_bounds = array<i64: 1, 128>}, {pipeline_mode = #tpu.pipeline_mode<synchronous>, transform_indices = @transform_14, window_bounds = array<i64: 128, 128>}, {pipeline_mode = #tpu.pipeline_mode<synchronous>, transform_indices = @transform_15, window_bounds = array<i64: 1, 128>}, {pipeline_mode = #tpu.pipeline_mode<synchronous>, transform_indices = @transform_16, window_bounds = array<i64: 128, 384>}, {pipeline_mode = #tpu.pipeline_mode<synchronous>, transform_indices = @transform_17, window_bounds = array<i64: 128, 384>}, {pipeline_mode = #tpu.pipeline_mode<synchronous>, transform_indices = @transform_18, window_bounds = array<i64: 1, 384>}, {pipeline_mode = #tpu.pipeline_mode<synchronous>, transform_indices = @transform_19, window_bounds = array<i64: 1, 384>}, {transform_indices = @transform_20, window_bounds = array<i64: 2048, 1>}, {transform_indices = @transform_21, window_bounds = array<i64: 2048, 1>}, {transform_indices = @transform_22, window_bounds = array<i64: 2048, 128>}, {transform_indices = @transform_23, window_bounds = array<i64: 2048, 128>}, {}]} {
    %eq3A = arith.constant 0 : i32
    %eq3A_0 = arith.cmpi eq, %arg0, %eq3A : i32
    %convert_element_type3A = arith.extui %eq3A_0 : i1 to i32
    %cond3A = arith.constant 0 : i32
    %cond3A_1 = arith.cmpi ne, %convert_element_type3A, %cond3A : i32
    scf.if %cond3A_1 {
      %dma_start3A = arith.constant 0 : i32
      %dma_start3A_212 = arith.constant 0 : i32
      %dma_start3A_213 = tpu.memref_slice %arg25[%dma_start3A, %dma_start3A_212] : memref<1000000x128xf32, #tpu.memory_space<hbm>> -> memref<15625x128xf32, #tpu.memory_space<hbm>>
      %dma_start3A_214 = arith.constant 0 : i32
      %dma_start3A_215 = arith.constant 0 : i32
      %dma_start3A_216 = tpu.memref_slice %arg1[%dma_start3A_214, %dma_start3A_215] : memref<1000000x128xf32, #tpu.memory_space<hbm>> -> memref<15625x128xf32, #tpu.memory_space<hbm>>
      tpu.enqueue_dma source(%dma_start3A_216 : memref<15625x128xf32, #tpu.memory_space<hbm>>) target(%dma_start3A_213 : memref<15625x128xf32, #tpu.memory_space<hbm>>) target_semaphore(%arg26 : memref<!tpu.dma_semaphore, #tpu.memory_space<semaphore_mem>>)
      %dma_start3A_217 = arith.constant 15625 : i32
      %dma_start3A_218 = arith.constant 0 : i32
      %dma_start3A_219 = tpu.memref_slice %arg25[%dma_start3A_217, %dma_start3A_218] : memref<1000000x128xf32, #tpu.memory_space<hbm>> -> memref<15625x128xf32, #tpu.memory_space<hbm>>
      %dma_start3A_220 = arith.constant 15625 : i32
      %dma_start3A_221 = arith.constant 0 : i32
      %dma_start3A_222 = tpu.memref_slice %arg1[%dma_start3A_220, %dma_start3A_221] : memref<1000000x128xf32, #tpu.memory_space<hbm>> -> memref<15625x128xf32, #tpu.memory_space<hbm>>
      tpu.enqueue_dma source(%dma_start3A_222 : memref<15625x128xf32, #tpu.memory_space<hbm>>) target(%dma_start3A_219 : memref<15625x128xf32, #tpu.memory_space<hbm>>) target_semaphore(%arg26 : memref<!tpu.dma_semaphore, #tpu.memory_space<semaphore_mem>>)
      %dma_start3A_223 = arith.constant 31250 : i32
      %dma_start3A_224 = arith.constant 0 : i32
      %dma_start3A_225 = tpu.memref_slice %arg25[%dma_start3A_223, %dma_start3A_224] : memref<1000000x128xf32, #tpu.memory_space<hbm>> -> memref<15625x128xf32, #tpu.memory_space<hbm>>
      %dma_start3A_226 = arith.constant 31250 : i32
      %dma_start3A_227 = arith.constant 0 : i32
      %dma_start3A_228 = tpu.memref_slice %arg1[%dma_start3A_226, %dma_start3A_227] : memref<1000000x128xf32, #tpu.memory_space<hbm>> -> memref<15625x128xf32, #tpu.memory_space<hbm>>
      tpu.enqueue_dma source(%dma_start3A_228 : memref<15625x128xf32, #tpu.memory_space<hbm>>) target(%dma_start3A_225 : memref<15625x128xf32, #tpu.memory_space<hbm>>) target_semaphore(%arg26 : memref<!tpu.dma_semaphore, #tpu.memory_space<semaphore_mem>>)
      %dma_start3A_229 = arith.constant 46875 : i32
      %dma_start3A_230 = arith.constant 0 : i32
      %dma_start3A_231 = tpu.memref_slice %arg25[%dma_start3A_229, %dma_start3A_230] : memref<1000000x128xf32, #tpu.memory_space<hbm>> -> memref<15625x128xf32, #tpu.memory_space<hbm>>
      %dma_start3A_232 = arith.constant 46875 : i32
      %dma_start3A_233 = arith.constant 0 : i32
      %dma_start3A_234 = tpu.memref_slice %arg1[%dma_start3A_232, %dma_start3A_233] : memref<1000000x128xf32, #tpu.memory_space<hbm>> -> memref<15625x128xf32, #tpu.memory_space<hbm>>
      tpu.enqueue_dma source(%dma_start3A_234 : memref<15625x128xf32, #tpu.memory_space<hbm>>) target(%dma_start3A_231 : memref<15625x128xf32, #tpu.memory_space<hbm>>) target_semaphore(%arg26 : memref<!tpu.dma_semaphore, #tpu.memory_space<semaphore_mem>>)
      %dma_start3A_235 = arith.constant 62500 : i32
      %dma_start3A_236 = arith.constant 0 : i32
      %dma_start3A_237 = tpu.memref_slice %arg25[%dma_start3A_235, %dma_start3A_236] : memref<1000000x128xf32, #tpu.memory_space<hbm>> -> memref<15625x128xf32, #tpu.memory_space<hbm>>
      %dma_start3A_238 = arith.constant 62500 : i32
      %dma_start3A_239 = arith.constant 0 : i32
      %dma_start3A_240 = tpu.memref_slice %arg1[%dma_start3A_238, %dma_start3A_239] : memref<1000000x128xf32, #tpu.memory_space<hbm>> -> memref<15625x128xf32, #tpu.memory_space<hbm>>
      tpu.enqueue_dma source(%dma_start3A_240 : memref<15625x128xf32, #tpu.memory_space<hbm>>) target(%dma_start3A_237 : memref<15625x128xf32, #tpu.memory_space<hbm>>) target_semaphore(%arg26 : memref<!tpu.dma_semaphore, #tpu.memory_space<semaphore_mem>>)
      %dma_start3A_241 = arith.constant 78125 : i32
      %dma_start3A_242 = arith.constant 0 : i32
      %dma_start3A_243 = tpu.memref_slice %arg25[%dma_start3A_241, %dma_start3A_242] : memref<1000000x128xf32, #tpu.memory_space<hbm>> -> memref<15625x128xf32, #tpu.memory_space<hbm>>
      %dma_start3A_244 = arith.constant 78125 : i32
      %dma_start3A_245 = arith.constant 0 : i32
      %dma_start3A_246 = tpu.memref_slice %arg1[%dma_start3A_244, %dma_start3A_245] : memref<1000000x128xf32, #tpu.memory_space<hbm>> -> memref<15625x128xf32, #tpu.memory_space<hbm>>
      tpu.enqueue_dma source(%dma_start3A_246 : memref<15625x128xf32, #tpu.memory_space<hbm>>) target(%dma_start3A_243 : memref<15625x128xf32, #tpu.memory_space<hbm>>) target_semaphore(%arg26 : memref<!tpu.dma_semaphore, #tpu.memory_space<semaphore_mem>>)
      %dma_start3A_247 = arith.constant 93750 : i32
      %dma_start3A_248 = arith.constant 0 : i32
      %dma_start3A_249 = tpu.memref_slice %arg25[%dma_start3A_247, %dma_start3A_248] : memref<1000000x128xf32, #tpu.memory_space<hbm>> -> memref<15625x128xf32, #tpu.memory_space<hbm>>
      %dma_start3A_250 = arith.constant 93750 : i32
      %dma_start3A_251 = arith.constant 0 : i32
      %dma_start3A_252 = tpu.memref_slice %arg1[%dma_start3A_250, %dma_start3A_251] : memref<1000000x128xf32, #tpu.memory_space<hbm>> -> memref<15625x128xf32, #tpu.memory_space<hbm>>
      tpu.enqueue_dma source(%dma_start3A_252 : memref<15625x128xf32, #tpu.memory_space<hbm>>) target(%dma_start3A_249 : memref<15625x128xf32, #tpu.memory_space<hbm>>) target_semaphore(%arg26 : memref<!tpu.dma_semaphore, #tpu.memory_space<semaphore_mem>>)
      %dma_start3A_253 = arith.constant 109375 : i32
      %dma_start3A_254 = arith.constant 0 : i32
      %dma_start3A_255 = tpu.memref_slice %arg25[%dma_start3A_253, %dma_start3A_254] : memref<1000000x128xf32, #tpu.memory_space<hbm>> -> memref<15625x128xf32, #tpu.memory_space<hbm>>
      %dma_start3A_256 = arith.constant 109375 : i32
      %dma_start3A_257 = arith.constant 0 : i32
      %dma_start3A_258 = tpu.memref_slice %arg1[%dma_start3A_256, %dma_start3A_257] : memref<1000000x128xf32, #tpu.memory_space<hbm>> -> memref<15625x128xf32, #tpu.memory_space<hbm>>
      tpu.enqueue_dma source(%dma_start3A_258 : memref<15625x128xf32, #tpu.memory_space<hbm>>) target(%dma_start3A_255 : memref<15625x128xf32, #tpu.memory_space<hbm>>) target_semaphore(%arg26 : memref<!tpu.dma_semaphore, #tpu.memory_space<semaphore_mem>>)
      %dma_start3A_259 = arith.constant 125000 : i32
      %dma_start3A_260 = arith.constant 0 : i32
      %dma_start3A_261 = tpu.memref_slice %arg25[%dma_start3A_259, %dma_start3A_260] : memref<1000000x128xf32, #tpu.memory_space<hbm>> -> memref<15625x128xf32, #tpu.memory_space<hbm>>
      %dma_start3A_262 = arith.constant 125000 : i32
      %dma_start3A_263 = arith.constant 0 : i32
      %dma_start3A_264 = tpu.memref_slice %arg1[%dma_start3A_262, %dma_start3A_263] : memref<1000000x128xf32, #tpu.memory_space<hbm>> -> memref<15625x128xf32, #tpu.memory_space<hbm>>
      tpu.enqueue_dma source(%dma_start3A_264 : memref<15625x128xf32, #tpu.memory_space<hbm>>) target(%dma_start3A_261 : memref<15625x128xf32, #tpu.memory_space<hbm>>) target_semaphore(%arg26 : memref<!tpu.dma_semaphore, #tpu.memory_space<semaphore_mem>>)
      %dma_start3A_265 = arith.constant 140625 : i32
      %dma_start3A_266 = arith.constant 0 : i32
      %dma_start3A_267 = tpu.memref_slice %arg25[%dma_start3A_265, %dma_start3A_266] : memref<1000000x128xf32, #tpu.memory_space<hbm>> -> memref<15625x128xf32, #tpu.memory_space<hbm>>
      %dma_start3A_268 = arith.constant 140625 : i32
      %dma_start3A_269 = arith.constant 0 : i32
      %dma_start3A_270 = tpu.memref_slice %arg1[%dma_start3A_268, %dma_start3A_269] : memref<1000000x128xf32, #tpu.memory_space<hbm>> -> memref<15625x128xf32, #tpu.memory_space<hbm>>
      tpu.enqueue_dma source(%dma_start3A_270 : memref<15625x128xf32, #tpu.memory_space<hbm>>) target(%dma_start3A_267 : memref<15625x128xf32, #tpu.memory_space<hbm>>) target_semaphore(%arg26 : memref<!tpu.dma_semaphore, #tpu.memory_space<semaphore_mem>>)
      %dma_start3A_271 = arith.constant 156250 : i32
      %dma_start3A_272 = arith.constant 0 : i32
      %dma_start3A_273 = tpu.memref_slice %arg25[%dma_start3A_271, %dma_start3A_272] : memref<1000000x128xf32, #tpu.memory_space<hbm>> -> memref<15625x128xf32, #tpu.memory_space<hbm>>
      %dma_start3A_274 = arith.constant 156250 : i32
      %dma_start3A_275 = arith.constant 0 : i32
      %dma_start3A_276 = tpu.memref_slice %arg1[%dma_start3A_274, %dma_start3A_275] : memref<1000000x128xf32, #tpu.memory_space<hbm>> -> memref<15625x128xf32, #tpu.memory_space<hbm>>
      tpu.enqueue_dma source(%dma_start3A_276 : memref<15625x128xf32, #tpu.memory_space<hbm>>) target(%dma_start3A_273 : memref<15625x128xf32, #tpu.memory_space<hbm>>) target_semaphore(%arg26 : memref<!tpu.dma_semaphore, #tpu.memory_space<semaphore_mem>>)
      %dma_start3A_277 = arith.constant 171875 : i32
      %dma_start3A_278 = arith.constant 0 : i32
      %dma_start3A_279 = tpu.memref_slice %arg25[%dma_start3A_277, %dma_start3A_278] : memref<1000000x128xf32, #tpu.memory_space<hbm>> -> memref<15625x128xf32, #tpu.memory_space<hbm>>
      %dma_start3A_280 = arith.constant 171875 : i32
      %dma_start3A_281 = arith.constant 0 : i32
      %dma_start3A_282 = tpu.memref_slice %arg1[%dma_start3A_280, %dma_start3A_281] : memref<1000000x128xf32, #tpu.memory_space<hbm>> -> memref<15625x128xf32, #tpu.memory_space<hbm>>
      tpu.enqueue_dma source(%dma_start3A_282 : memref<15625x128xf32, #tpu.memory_space<hbm>>) target(%dma_start3A_279 : memref<15625x128xf32, #tpu.memory_space<hbm>>) target_semaphore(%arg26 : memref<!tpu.dma_semaphore, #tpu.memory_space<semaphore_mem>>)
      %dma_start3A_283 = arith.constant 187500 : i32
      %dma_start3A_284 = arith.constant 0 : i32
      %dma_start3A_285 = tpu.memref_slice %arg25[%dma_start3A_283, %dma_start3A_284] : memref<1000000x128xf32, #tpu.memory_space<hbm>> -> memref<15625x128xf32, #tpu.memory_space<hbm>>
      %dma_start3A_286 = arith.constant 187500 : i32
      %dma_start3A_287 = arith.constant 0 : i32
      %dma_start3A_288 = tpu.memref_slice %arg1[%dma_start3A_286, %dma_start3A_287] : memref<1000000x128xf32, #tpu.memory_space<hbm>> -> memref<15625x128xf32, #tpu.memory_space<hbm>>
      tpu.enqueue_dma source(%dma_start3A_288 : memref<15625x128xf32, #tpu.memory_space<hbm>>) target(%dma_start3A_285 : memref<15625x128xf32, #tpu.memory_space<hbm>>) target_semaphore(%arg26 : memref<!tpu.dma_semaphore, #tpu.memory_space<semaphore_mem>>)
      %dma_start3A_289 = arith.constant 203125 : i32
      %dma_start3A_290 = arith.constant 0 : i32
      %dma_start3A_291 = tpu.memref_slice %arg25[%dma_start3A_289, %dma_start3A_290] : memref<1000000x128xf32, #tpu.memory_space<hbm>> -> memref<15625x128xf32, #tpu.memory_space<hbm>>
      %dma_start3A_292 = arith.constant 203125 : i32
      %dma_start3A_293 = arith.constant 0 : i32
      %dma_start3A_294 = tpu.memref_slice %arg1[%dma_start3A_292, %dma_start3A_293] : memref<1000000x128xf32, #tpu.memory_space<hbm>> -> memref<15625x128xf32, #tpu.memory_space<hbm>>
      tpu.enqueue_dma source(%dma_start3A_294 : memref<15625x128xf32, #tpu.memory_space<hbm>>) target(%dma_start3A_291 : memref<15625x128xf32, #tpu.memory_space<hbm>>) target_semaphore(%arg26 : memref<!tpu.dma_semaphore, #tpu.memory_space<semaphore_mem>>)
      %dma_start3A_295 = arith.constant 218750 : i32
      %dma_start3A_296 = arith.constant 0 : i32
      %dma_start3A_297 = tpu.memref_slice %arg25[%dma_start3A_295, %dma_start3A_296] : memref<1000000x128xf32, #tpu.memory_space<hbm>> -> memref<15625x128xf32, #tpu.memory_space<hbm>>
      %dma_start3A_298 = arith.constant 218750 : i32
      %dma_start3A_299 = arith.constant 0 : i32
      %dma_start3A_300 = tpu.memref_slice %arg1[%dma_start3A_298, %dma_start3A_299] : memref<1000000x128xf32, #tpu.memory_space<hbm>> -> memref<15625x128xf32, #tpu.memory_space<hbm>>
      tpu.enqueue_dma source(%dma_start3A_300 : memref<15625x128xf32, #tpu.memory_space<hbm>>) target(%dma_start3A_297 : memref<15625x128xf32, #tpu.memory_space<hbm>>) target_semaphore(%arg26 : memref<!tpu.dma_semaphore, #tpu.memory_space<semaphore_mem>>)
      %dma_start3A_301 = arith.constant 234375 : i32
      %dma_start3A_302 = arith.constant 0 : i32
      %dma_start3A_303 = tpu.memref_slice %arg25[%dma_start3A_301, %dma_start3A_302] : memref<1000000x128xf32, #tpu.memory_space<hbm>> -> memref<15625x128xf32, #tpu.memory_space<hbm>>
      %dma_start3A_304 = arith.constant 234375 : i32
      %dma_start3A_305 = arith.constant 0 : i32
      %dma_start3A_306 = tpu.memref_slice %arg1[%dma_start3A_304, %dma_start3A_305] : memref<1000000x128xf32, #tpu.memory_space<hbm>> -> memref<15625x128xf32, #tpu.memory_space<hbm>>
      tpu.enqueue_dma source(%dma_start3A_306 : memref<15625x128xf32, #tpu.memory_space<hbm>>) target(%dma_start3A_303 : memref<15625x128xf32, #tpu.memory_space<hbm>>) target_semaphore(%arg26 : memref<!tpu.dma_semaphore, #tpu.memory_space<semaphore_mem>>)
      %dma_start3A_307 = arith.constant 250000 : i32
      %dma_start3A_308 = arith.constant 0 : i32
      %dma_start3A_309 = tpu.memref_slice %arg25[%dma_start3A_307, %dma_start3A_308] : memref<1000000x128xf32, #tpu.memory_space<hbm>> -> memref<15625x128xf32, #tpu.memory_space<hbm>>
      %dma_start3A_310 = arith.constant 250000 : i32
      %dma_start3A_311 = arith.constant 0 : i32
      %dma_start3A_312 = tpu.memref_slice %arg1[%dma_start3A_310, %dma_start3A_311] : memref<1000000x128xf32, #tpu.memory_space<hbm>> -> memref<15625x128xf32, #tpu.memory_space<hbm>>
      tpu.enqueue_dma source(%dma_start3A_312 : memref<15625x128xf32, #tpu.memory_space<hbm>>) target(%dma_start3A_309 : memref<15625x128xf32, #tpu.memory_space<hbm>>) target_semaphore(%arg26 : memref<!tpu.dma_semaphore, #tpu.memory_space<semaphore_mem>>)
      %dma_start3A_313 = arith.constant 265625 : i32
      %dma_start3A_314 = arith.constant 0 : i32
      %dma_start3A_315 = tpu.memref_slice %arg25[%dma_start3A_313, %dma_start3A_314] : memref<1000000x128xf32, #tpu.memory_space<hbm>> -> memref<15625x128xf32, #tpu.memory_space<hbm>>
      %dma_start3A_316 = arith.constant 265625 : i32
      %dma_start3A_317 = arith.constant 0 : i32
      %dma_start3A_318 = tpu.memref_slice %arg1[%dma_start3A_316, %dma_start3A_317] : memref<1000000x128xf32, #tpu.memory_space<hbm>> -> memref<15625x128xf32, #tpu.memory_space<hbm>>
      tpu.enqueue_dma source(%dma_start3A_318 : memref<15625x128xf32, #tpu.memory_space<hbm>>) target(%dma_start3A_315 : memref<15625x128xf32, #tpu.memory_space<hbm>>) target_semaphore(%arg26 : memref<!tpu.dma_semaphore, #tpu.memory_space<semaphore_mem>>)
      %dma_start3A_319 = arith.constant 281250 : i32
      %dma_start3A_320 = arith.constant 0 : i32
      %dma_start3A_321 = tpu.memref_slice %arg25[%dma_start3A_319, %dma_start3A_320] : memref<1000000x128xf32, #tpu.memory_space<hbm>> -> memref<15625x128xf32, #tpu.memory_space<hbm>>
      %dma_start3A_322 = arith.constant 281250 : i32
      %dma_start3A_323 = arith.constant 0 : i32
      %dma_start3A_324 = tpu.memref_slice %arg1[%dma_start3A_322, %dma_start3A_323] : memref<1000000x128xf32, #tpu.memory_space<hbm>> -> memref<15625x128xf32, #tpu.memory_space<hbm>>
      tpu.enqueue_dma source(%dma_start3A_324 : memref<15625x128xf32, #tpu.memory_space<hbm>>) target(%dma_start3A_321 : memref<15625x128xf32, #tpu.memory_space<hbm>>) target_semaphore(%arg26 : memref<!tpu.dma_semaphore, #tpu.memory_space<semaphore_mem>>)
      %dma_start3A_325 = arith.constant 296875 : i32
      %dma_start3A_326 = arith.constant 0 : i32
      %dma_start3A_327 = tpu.memref_slice %arg25[%dma_start3A_325, %dma_start3A_326] : memref<1000000x128xf32, #tpu.memory_space<hbm>> -> memref<15625x128xf32, #tpu.memory_space<hbm>>
      %dma_start3A_328 = arith.constant 296875 : i32
      %dma_start3A_329 = arith.constant 0 : i32
      %dma_start3A_330 = tpu.memref_slice %arg1[%dma_start3A_328, %dma_start3A_329] : memref<1000000x128xf32, #tpu.memory_space<hbm>> -> memref<15625x128xf32, #tpu.memory_space<hbm>>
      tpu.enqueue_dma source(%dma_start3A_330 : memref<15625x128xf32, #tpu.memory_space<hbm>>) target(%dma_start3A_327 : memref<15625x128xf32, #tpu.memory_space<hbm>>) target_semaphore(%arg26 : memref<!tpu.dma_semaphore, #tpu.memory_space<semaphore_mem>>)
      %dma_start3A_331 = arith.constant 312500 : i32
      %dma_start3A_332 = arith.constant 0 : i32
      %dma_start3A_333 = tpu.memref_slice %arg25[%dma_start3A_331, %dma_start3A_332] : memref<1000000x128xf32, #tpu.memory_space<hbm>> -> memref<15625x128xf32, #tpu.memory_space<hbm>>
      %dma_start3A_334 = arith.constant 312500 : i32
      %dma_start3A_335 = arith.constant 0 : i32
      %dma_start3A_336 = tpu.memref_slice %arg1[%dma_start3A_334, %dma_start3A_335] : memref<1000000x128xf32, #tpu.memory_space<hbm>> -> memref<15625x128xf32, #tpu.memory_space<hbm>>
      tpu.enqueue_dma source(%dma_start3A_336 : memref<15625x128xf32, #tpu.memory_space<hbm>>) target(%dma_start3A_333 : memref<15625x128xf32, #tpu.memory_space<hbm>>) target_semaphore(%arg26 : memref<!tpu.dma_semaphore, #tpu.memory_space<semaphore_mem>>)
      %dma_start3A_337 = arith.constant 328125 : i32
      %dma_start3A_338 = arith.constant 0 : i32
      %dma_start3A_339 = tpu.memref_slice %arg25[%dma_start3A_337, %dma_start3A_338] : memref<1000000x128xf32, #tpu.memory_space<hbm>> -> memref<15625x128xf32, #tpu.memory_space<hbm>>
      %dma_start3A_340 = arith.constant 328125 : i32
      %dma_start3A_341 = arith.constant 0 : i32
      %dma_start3A_342 = tpu.memref_slice %arg1[%dma_start3A_340, %dma_start3A_341] : memref<1000000x128xf32, #tpu.memory_space<hbm>> -> memref<15625x128xf32, #tpu.memory_space<hbm>>
      tpu.enqueue_dma source(%dma_start3A_342 : memref<15625x128xf32, #tpu.memory_space<hbm>>) target(%dma_start3A_339 : memref<15625x128xf32, #tpu.memory_space<hbm>>) target_semaphore(%arg26 : memref<!tpu.dma_semaphore, #tpu.memory_space<semaphore_mem>>)
      %dma_start3A_343 = arith.constant 343750 : i32
      %dma_start3A_344 = arith.constant 0 : i32
      %dma_start3A_345 = tpu.memref_slice %arg25[%dma_start3A_343, %dma_start3A_344] : memref<1000000x128xf32, #tpu.memory_space<hbm>> -> memref<15625x128xf32, #tpu.memory_space<hbm>>
      %dma_start3A_346 = arith.constant 343750 : i32
      %dma_start3A_347 = arith.constant 0 : i32
      %dma_start3A_348 = tpu.memref_slice %arg1[%dma_start3A_346, %dma_start3A_347] : memref<1000000x128xf32, #tpu.memory_space<hbm>> -> memref<15625x128xf32, #tpu.memory_space<hbm>>
      tpu.enqueue_dma source(%dma_start3A_348 : memref<15625x128xf32, #tpu.memory_space<hbm>>) target(%dma_start3A_345 : memref<15625x128xf32, #tpu.memory_space<hbm>>) target_semaphore(%arg26 : memref<!tpu.dma_semaphore, #tpu.memory_space<semaphore_mem>>)
      %dma_start3A_349 = arith.constant 359375 : i32
      %dma_start3A_350 = arith.constant 0 : i32
      %dma_start3A_351 = tpu.memref_slice %arg25[%dma_start3A_349, %dma_start3A_350] : memref<1000000x128xf32, #tpu.memory_space<hbm>> -> memref<15625x128xf32, #tpu.memory_space<hbm>>
      %dma_start3A_352 = arith.constant 359375 : i32
      %dma_start3A_353 = arith.constant 0 : i32
      %dma_start3A_354 = tpu.memref_slice %arg1[%dma_start3A_352, %dma_start3A_353] : memref<1000000x128xf32, #tpu.memory_space<hbm>> -> memref<15625x128xf32, #tpu.memory_space<hbm>>
      tpu.enqueue_dma source(%dma_start3A_354 : memref<15625x128xf32, #tpu.memory_space<hbm>>) target(%dma_start3A_351 : memref<15625x128xf32, #tpu.memory_space<hbm>>) target_semaphore(%arg26 : memref<!tpu.dma_semaphore, #tpu.memory_space<semaphore_mem>>)
      %dma_start3A_355 = arith.constant 375000 : i32
      %dma_start3A_356 = arith.constant 0 : i32
      %dma_start3A_357 = tpu.memref_slice %arg25[%dma_start3A_355, %dma_start3A_356] : memref<1000000x128xf32, #tpu.memory_space<hbm>> -> memref<15625x128xf32, #tpu.memory_space<hbm>>
      %dma_start3A_358 = arith.constant 375000 : i32
      %dma_start3A_359 = arith.constant 0 : i32
      %dma_start3A_360 = tpu.memref_slice %arg1[%dma_start3A_358, %dma_start3A_359] : memref<1000000x128xf32, #tpu.memory_space<hbm>> -> memref<15625x128xf32, #tpu.memory_space<hbm>>
      tpu.enqueue_dma source(%dma_start3A_360 : memref<15625x128xf32, #tpu.memory_space<hbm>>) target(%dma_start3A_357 : memref<15625x128xf32, #tpu.memory_space<hbm>>) target_semaphore(%arg26 : memref<!tpu.dma_semaphore, #tpu.memory_space<semaphore_mem>>)
      %dma_start3A_361 = arith.constant 390625 : i32
      %dma_start3A_362 = arith.constant 0 : i32
      %dma_start3A_363 = tpu.memref_slice %arg25[%dma_start3A_361, %dma_start3A_362] : memref<1000000x128xf32, #tpu.memory_space<hbm>> -> memref<15625x128xf32, #tpu.memory_space<hbm>>
      %dma_start3A_364 = arith.constant 390625 : i32
      %dma_start3A_365 = arith.constant 0 : i32
      %dma_start3A_366 = tpu.memref_slice %arg1[%dma_start3A_364, %dma_start3A_365] : memref<1000000x128xf32, #tpu.memory_space<hbm>> -> memref<15625x128xf32, #tpu.memory_space<hbm>>
      tpu.enqueue_dma source(%dma_start3A_366 : memref<15625x128xf32, #tpu.memory_space<hbm>>) target(%dma_start3A_363 : memref<15625x128xf32, #tpu.memory_space<hbm>>) target_semaphore(%arg26 : memref<!tpu.dma_semaphore, #tpu.memory_space<semaphore_mem>>)
      %dma_start3A_367 = arith.constant 406250 : i32
      %dma_start3A_368 = arith.constant 0 : i32
      %dma_start3A_369 = tpu.memref_slice %arg25[%dma_start3A_367, %dma_start3A_368] : memref<1000000x128xf32, #tpu.memory_space<hbm>> -> memref<15625x128xf32, #tpu.memory_space<hbm>>
      %dma_start3A_370 = arith.constant 406250 : i32
      %dma_start3A_371 = arith.constant 0 : i32
      %dma_start3A_372 = tpu.memref_slice %arg1[%dma_start3A_370, %dma_start3A_371] : memref<1000000x128xf32, #tpu.memory_space<hbm>> -> memref<15625x128xf32, #tpu.memory_space<hbm>>
      tpu.enqueue_dma source(%dma_start3A_372 : memref<15625x128xf32, #tpu.memory_space<hbm>>) target(%dma_start3A_369 : memref<15625x128xf32, #tpu.memory_space<hbm>>) target_semaphore(%arg26 : memref<!tpu.dma_semaphore, #tpu.memory_space<semaphore_mem>>)
      %dma_start3A_373 = arith.constant 421875 : i32
      %dma_start3A_374 = arith.constant 0 : i32
      %dma_start3A_375 = tpu.memref_slice %arg25[%dma_start3A_373, %dma_start3A_374] : memref<1000000x128xf32, #tpu.memory_space<hbm>> -> memref<15625x128xf32, #tpu.memory_space<hbm>>
      %dma_start3A_376 = arith.constant 421875 : i32
      %dma_start3A_377 = arith.constant 0 : i32
      %dma_start3A_378 = tpu.memref_slice %arg1[%dma_start3A_376, %dma_start3A_377] : memref<1000000x128xf32, #tpu.memory_space<hbm>> -> memref<15625x128xf32, #tpu.memory_space<hbm>>
      tpu.enqueue_dma source(%dma_start3A_378 : memref<15625x128xf32, #tpu.memory_space<hbm>>) target(%dma_start3A_375 : memref<15625x128xf32, #tpu.memory_space<hbm>>) target_semaphore(%arg26 : memref<!tpu.dma_semaphore, #tpu.memory_space<semaphore_mem>>)
      %dma_start3A_379 = arith.constant 437500 : i32
      %dma_start3A_380 = arith.constant 0 : i32
      %dma_start3A_381 = tpu.memref_slice %arg25[%dma_start3A_379, %dma_start3A_380] : memref<1000000x128xf32, #tpu.memory_space<hbm>> -> memref<15625x128xf32, #tpu.memory_space<hbm>>
      %dma_start3A_382 = arith.constant 437500 : i32
      %dma_start3A_383 = arith.constant 0 : i32
      %dma_start3A_384 = tpu.memref_slice %arg1[%dma_start3A_382, %dma_start3A_383] : memref<1000000x128xf32, #tpu.memory_space<hbm>> -> memref<15625x128xf32, #tpu.memory_space<hbm>>
      tpu.enqueue_dma source(%dma_start3A_384 : memref<15625x128xf32, #tpu.memory_space<hbm>>) target(%dma_start3A_381 : memref<15625x128xf32, #tpu.memory_space<hbm>>) target_semaphore(%arg26 : memref<!tpu.dma_semaphore, #tpu.memory_space<semaphore_mem>>)
      %dma_start3A_385 = arith.constant 453125 : i32
      %dma_start3A_386 = arith.constant 0 : i32
      %dma_start3A_387 = tpu.memref_slice %arg25[%dma_start3A_385, %dma_start3A_386] : memref<1000000x128xf32, #tpu.memory_space<hbm>> -> memref<15625x128xf32, #tpu.memory_space<hbm>>
      %dma_start3A_388 = arith.constant 453125 : i32
      %dma_start3A_389 = arith.constant 0 : i32
      %dma_start3A_390 = tpu.memref_slice %arg1[%dma_start3A_388, %dma_start3A_389] : memref<1000000x128xf32, #tpu.memory_space<hbm>> -> memref<15625x128xf32, #tpu.memory_space<hbm>>
      tpu.enqueue_dma source(%dma_start3A_390 : memref<15625x128xf32, #tpu.memory_space<hbm>>) target(%dma_start3A_387 : memref<15625x128xf32, #tpu.memory_space<hbm>>) target_semaphore(%arg26 : memref<!tpu.dma_semaphore, #tpu.memory_space<semaphore_mem>>)
      %dma_start3A_391 = arith.constant 468750 : i32
      %dma_start3A_392 = arith.constant 0 : i32
      %dma_start3A_393 = tpu.memref_slice %arg25[%dma_start3A_391, %dma_start3A_392] : memref<1000000x128xf32, #tpu.memory_space<hbm>> -> memref<15625x128xf32, #tpu.memory_space<hbm>>
      %dma_start3A_394 = arith.constant 468750 : i32
      %dma_start3A_395 = arith.constant 0 : i32
      %dma_start3A_396 = tpu.memref_slice %arg1[%dma_start3A_394, %dma_start3A_395] : memref<1000000x128xf32, #tpu.memory_space<hbm>> -> memref<15625x128xf32, #tpu.memory_space<hbm>>
      tpu.enqueue_dma source(%dma_start3A_396 : memref<15625x128xf32, #tpu.memory_space<hbm>>) target(%dma_start3A_393 : memref<15625x128xf32, #tpu.memory_space<hbm>>) target_semaphore(%arg26 : memref<!tpu.dma_semaphore, #tpu.memory_space<semaphore_mem>>)
      %dma_start3A_397 = arith.constant 484375 : i32
      %dma_start3A_398 = arith.constant 0 : i32
      %dma_start3A_399 = tpu.memref_slice %arg25[%dma_start3A_397, %dma_start3A_398] : memref<1000000x128xf32, #tpu.memory_space<hbm>> -> memref<15625x128xf32, #tpu.memory_space<hbm>>
      %dma_start3A_400 = arith.constant 484375 : i32
      %dma_start3A_401 = arith.constant 0 : i32
      %dma_start3A_402 = tpu.memref_slice %arg1[%dma_start3A_400, %dma_start3A_401] : memref<1000000x128xf32, #tpu.memory_space<hbm>> -> memref<15625x128xf32, #tpu.memory_space<hbm>>
      tpu.enqueue_dma source(%dma_start3A_402 : memref<15625x128xf32, #tpu.memory_space<hbm>>) target(%dma_start3A_399 : memref<15625x128xf32, #tpu.memory_space<hbm>>) target_semaphore(%arg26 : memref<!tpu.dma_semaphore, #tpu.memory_space<semaphore_mem>>)
      %dma_start3A_403 = arith.constant 500000 : i32
      %dma_start3A_404 = arith.constant 0 : i32
      %dma_start3A_405 = tpu.memref_slice %arg25[%dma_start3A_403, %dma_start3A_404] : memref<1000000x128xf32, #tpu.memory_space<hbm>> -> memref<15625x128xf32, #tpu.memory_space<hbm>>
      %dma_start3A_406 = arith.constant 500000 : i32
      %dma_start3A_407 = arith.constant 0 : i32
      %dma_start3A_408 = tpu.memref_slice %arg1[%dma_start3A_406, %dma_start3A_407] : memref<1000000x128xf32, #tpu.memory_space<hbm>> -> memref<15625x128xf32, #tpu.memory_space<hbm>>
      tpu.enqueue_dma source(%dma_start3A_408 : memref<15625x128xf32, #tpu.memory_space<hbm>>) target(%dma_start3A_405 : memref<15625x128xf32, #tpu.memory_space<hbm>>) target_semaphore(%arg26 : memref<!tpu.dma_semaphore, #tpu.memory_space<semaphore_mem>>)
      %dma_start3A_409 = arith.constant 515625 : i32
      %dma_start3A_410 = arith.constant 0 : i32
      %dma_start3A_411 = tpu.memref_slice %arg25[%dma_start3A_409, %dma_start3A_410] : memref<1000000x128xf32, #tpu.memory_space<hbm>> -> memref<15625x128xf32, #tpu.memory_space<hbm>>
      %dma_start3A_412 = arith.constant 515625 : i32
      %dma_start3A_413 = arith.constant 0 : i32
      %dma_start3A_414 = tpu.memref_slice %arg1[%dma_start3A_412, %dma_start3A_413] : memref<1000000x128xf32, #tpu.memory_space<hbm>> -> memref<15625x128xf32, #tpu.memory_space<hbm>>
      tpu.enqueue_dma source(%dma_start3A_414 : memref<15625x128xf32, #tpu.memory_space<hbm>>) target(%dma_start3A_411 : memref<15625x128xf32, #tpu.memory_space<hbm>>) target_semaphore(%arg26 : memref<!tpu.dma_semaphore, #tpu.memory_space<semaphore_mem>>)
      %dma_start3A_415 = arith.constant 531250 : i32
      %dma_start3A_416 = arith.constant 0 : i32
      %dma_start3A_417 = tpu.memref_slice %arg25[%dma_start3A_415, %dma_start3A_416] : memref<1000000x128xf32, #tpu.memory_space<hbm>> -> memref<15625x128xf32, #tpu.memory_space<hbm>>
      %dma_start3A_418 = arith.constant 531250 : i32
      %dma_start3A_419 = arith.constant 0 : i32
      %dma_start3A_420 = tpu.memref_slice %arg1[%dma_start3A_418, %dma_start3A_419] : memref<1000000x128xf32, #tpu.memory_space<hbm>> -> memref<15625x128xf32, #tpu.memory_space<hbm>>
      tpu.enqueue_dma source(%dma_start3A_420 : memref<15625x128xf32, #tpu.memory_space<hbm>>) target(%dma_start3A_417 : memref<15625x128xf32, #tpu.memory_space<hbm>>) target_semaphore(%arg26 : memref<!tpu.dma_semaphore, #tpu.memory_space<semaphore_mem>>)
      %dma_start3A_421 = arith.constant 546875 : i32
      %dma_start3A_422 = arith.constant 0 : i32
      %dma_start3A_423 = tpu.memref_slice %arg25[%dma_start3A_421, %dma_start3A_422] : memref<1000000x128xf32, #tpu.memory_space<hbm>> -> memref<15625x128xf32, #tpu.memory_space<hbm>>
      %dma_start3A_424 = arith.constant 546875 : i32
      %dma_start3A_425 = arith.constant 0 : i32
      %dma_start3A_426 = tpu.memref_slice %arg1[%dma_start3A_424, %dma_start3A_425] : memref<1000000x128xf32, #tpu.memory_space<hbm>> -> memref<15625x128xf32, #tpu.memory_space<hbm>>
      tpu.enqueue_dma source(%dma_start3A_426 : memref<15625x128xf32, #tpu.memory_space<hbm>>) target(%dma_start3A_423 : memref<15625x128xf32, #tpu.memory_space<hbm>>) target_semaphore(%arg26 : memref<!tpu.dma_semaphore, #tpu.memory_space<semaphore_mem>>)
      %dma_start3A_427 = arith.constant 562500 : i32
      %dma_start3A_428 = arith.constant 0 : i32
      %dma_start3A_429 = tpu.memref_slice %arg25[%dma_start3A_427, %dma_start3A_428] : memref<1000000x128xf32, #tpu.memory_space<hbm>> -> memref<15625x128xf32, #tpu.memory_space<hbm>>
      %dma_start3A_430 = arith.constant 562500 : i32
      %dma_start3A_431 = arith.constant 0 : i32
      %dma_start3A_432 = tpu.memref_slice %arg1[%dma_start3A_430, %dma_start3A_431] : memref<1000000x128xf32, #tpu.memory_space<hbm>> -> memref<15625x128xf32, #tpu.memory_space<hbm>>
      tpu.enqueue_dma source(%dma_start3A_432 : memref<15625x128xf32, #tpu.memory_space<hbm>>) target(%dma_start3A_429 : memref<15625x128xf32, #tpu.memory_space<hbm>>) target_semaphore(%arg26 : memref<!tpu.dma_semaphore, #tpu.memory_space<semaphore_mem>>)
      %dma_start3A_433 = arith.constant 578125 : i32
      %dma_start3A_434 = arith.constant 0 : i32
      %dma_start3A_435 = tpu.memref_slice %arg25[%dma_start3A_433, %dma_start3A_434] : memref<1000000x128xf32, #tpu.memory_space<hbm>> -> memref<15625x128xf32, #tpu.memory_space<hbm>>
      %dma_start3A_436 = arith.constant 578125 : i32
      %dma_start3A_437 = arith.constant 0 : i32
      %dma_start3A_438 = tpu.memref_slice %arg1[%dma_start3A_436, %dma_start3A_437] : memref<1000000x128xf32, #tpu.memory_space<hbm>> -> memref<15625x128xf32, #tpu.memory_space<hbm>>
      tpu.enqueue_dma source(%dma_start3A_438 : memref<15625x128xf32, #tpu.memory_space<hbm>>) target(%dma_start3A_435 : memref<15625x128xf32, #tpu.memory_space<hbm>>) target_semaphore(%arg26 : memref<!tpu.dma_semaphore, #tpu.memory_space<semaphore_mem>>)
      %dma_start3A_439 = arith.constant 593750 : i32
      %dma_start3A_440 = arith.constant 0 : i32
      %dma_start3A_441 = tpu.memref_slice %arg25[%dma_start3A_439, %dma_start3A_440] : memref<1000000x128xf32, #tpu.memory_space<hbm>> -> memref<15625x128xf32, #tpu.memory_space<hbm>>
      %dma_start3A_442 = arith.constant 593750 : i32
      %dma_start3A_443 = arith.constant 0 : i32
      %dma_start3A_444 = tpu.memref_slice %arg1[%dma_start3A_442, %dma_start3A_443] : memref<1000000x128xf32, #tpu.memory_space<hbm>> -> memref<15625x128xf32, #tpu.memory_space<hbm>>
      tpu.enqueue_dma source(%dma_start3A_444 : memref<15625x128xf32, #tpu.memory_space<hbm>>) target(%dma_start3A_441 : memref<15625x128xf32, #tpu.memory_space<hbm>>) target_semaphore(%arg26 : memref<!tpu.dma_semaphore, #tpu.memory_space<semaphore_mem>>)
      %dma_start3A_445 = arith.constant 609375 : i32
      %dma_start3A_446 = arith.constant 0 : i32
      %dma_start3A_447 = tpu.memref_slice %arg25[%dma_start3A_445, %dma_start3A_446] : memref<1000000x128xf32, #tpu.memory_space<hbm>> -> memref<15625x128xf32, #tpu.memory_space<hbm>>
      %dma_start3A_448 = arith.constant 609375 : i32
      %dma_start3A_449 = arith.constant 0 : i32
      %dma_start3A_450 = tpu.memref_slice %arg1[%dma_start3A_448, %dma_start3A_449] : memref<1000000x128xf32, #tpu.memory_space<hbm>> -> memref<15625x128xf32, #tpu.memory_space<hbm>>
      tpu.enqueue_dma source(%dma_start3A_450 : memref<15625x128xf32, #tpu.memory_space<hbm>>) target(%dma_start3A_447 : memref<15625x128xf32, #tpu.memory_space<hbm>>) target_semaphore(%arg26 : memref<!tpu.dma_semaphore, #tpu.memory_space<semaphore_mem>>)
      %dma_start3A_451 = arith.constant 625000 : i32
      %dma_start3A_452 = arith.constant 0 : i32
      %dma_start3A_453 = tpu.memref_slice %arg25[%dma_start3A_451, %dma_start3A_452] : memref<1000000x128xf32, #tpu.memory_space<hbm>> -> memref<15625x128xf32, #tpu.memory_space<hbm>>
      %dma_start3A_454 = arith.constant 625000 : i32
      %dma_start3A_455 = arith.constant 0 : i32
      %dma_start3A_456 = tpu.memref_slice %arg1[%dma_start3A_454, %dma_start3A_455] : memref<1000000x128xf32, #tpu.memory_space<hbm>> -> memref<15625x128xf32, #tpu.memory_space<hbm>>
      tpu.enqueue_dma source(%dma_start3A_456 : memref<15625x128xf32, #tpu.memory_space<hbm>>) target(%dma_start3A_453 : memref<15625x128xf32, #tpu.memory_space<hbm>>) target_semaphore(%arg26 : memref<!tpu.dma_semaphore, #tpu.memory_space<semaphore_mem>>)
      %dma_start3A_457 = arith.constant 640625 : i32
      %dma_start3A_458 = arith.constant 0 : i32
      %dma_start3A_459 = tpu.memref_slice %arg25[%dma_start3A_457, %dma_start3A_458] : memref<1000000x128xf32, #tpu.memory_space<hbm>> -> memref<15625x128xf32, #tpu.memory_space<hbm>>
      %dma_start3A_460 = arith.constant 640625 : i32
      %dma_start3A_461 = arith.constant 0 : i32
      %dma_start3A_462 = tpu.memref_slice %arg1[%dma_start3A_460, %dma_start3A_461] : memref<1000000x128xf32, #tpu.memory_space<hbm>> -> memref<15625x128xf32, #tpu.memory_space<hbm>>
      tpu.enqueue_dma source(%dma_start3A_462 : memref<15625x128xf32, #tpu.memory_space<hbm>>) target(%dma_start3A_459 : memref<15625x128xf32, #tpu.memory_space<hbm>>) target_semaphore(%arg26 : memref<!tpu.dma_semaphore, #tpu.memory_space<semaphore_mem>>)
      %dma_start3A_463 = arith.constant 656250 : i32
      %dma_start3A_464 = arith.constant 0 : i32
      %dma_start3A_465 = tpu.memref_slice %arg25[%dma_start3A_463, %dma_start3A_464] : memref<1000000x128xf32, #tpu.memory_space<hbm>> -> memref<15625x128xf32, #tpu.memory_space<hbm>>
      %dma_start3A_466 = arith.constant 656250 : i32
      %dma_start3A_467 = arith.constant 0 : i32
      %dma_start3A_468 = tpu.memref_slice %arg1[%dma_start3A_466, %dma_start3A_467] : memref<1000000x128xf32, #tpu.memory_space<hbm>> -> memref<15625x128xf32, #tpu.memory_space<hbm>>
      tpu.enqueue_dma source(%dma_start3A_468 : memref<15625x128xf32, #tpu.memory_space<hbm>>) target(%dma_start3A_465 : memref<15625x128xf32, #tpu.memory_space<hbm>>) target_semaphore(%arg26 : memref<!tpu.dma_semaphore, #tpu.memory_space<semaphore_mem>>)
      %dma_start3A_469 = arith.constant 671875 : i32
      %dma_start3A_470 = arith.constant 0 : i32
      %dma_start3A_471 = tpu.memref_slice %arg25[%dma_start3A_469, %dma_start3A_470] : memref<1000000x128xf32, #tpu.memory_space<hbm>> -> memref<15625x128xf32, #tpu.memory_space<hbm>>
      %dma_start3A_472 = arith.constant 671875 : i32
      %dma_start3A_473 = arith.constant 0 : i32
      %dma_start3A_474 = tpu.memref_slice %arg1[%dma_start3A_472, %dma_start3A_473] : memref<1000000x128xf32, #tpu.memory_space<hbm>> -> memref<15625x128xf32, #tpu.memory_space<hbm>>
      tpu.enqueue_dma source(%dma_start3A_474 : memref<15625x128xf32, #tpu.memory_space<hbm>>) target(%dma_start3A_471 : memref<15625x128xf32, #tpu.memory_space<hbm>>) target_semaphore(%arg26 : memref<!tpu.dma_semaphore, #tpu.memory_space<semaphore_mem>>)
      %dma_start3A_475 = arith.constant 687500 : i32
      %dma_start3A_476 = arith.constant 0 : i32
      %dma_start3A_477 = tpu.memref_slice %arg25[%dma_start3A_475, %dma_start3A_476] : memref<1000000x128xf32, #tpu.memory_space<hbm>> -> memref<15625x128xf32, #tpu.memory_space<hbm>>
      %dma_start3A_478 = arith.constant 687500 : i32
      %dma_start3A_479 = arith.constant 0 : i32
      %dma_start3A_480 = tpu.memref_slice %arg1[%dma_start3A_478, %dma_start3A_479] : memref<1000000x128xf32, #tpu.memory_space<hbm>> -> memref<15625x128xf32, #tpu.memory_space<hbm>>
      tpu.enqueue_dma source(%dma_start3A_480 : memref<15625x128xf32, #tpu.memory_space<hbm>>) target(%dma_start3A_477 : memref<15625x128xf32, #tpu.memory_space<hbm>>) target_semaphore(%arg26 : memref<!tpu.dma_semaphore, #tpu.memory_space<semaphore_mem>>)
      %dma_start3A_481 = arith.constant 703125 : i32
      %dma_start3A_482 = arith.constant 0 : i32
      %dma_start3A_483 = tpu.memref_slice %arg25[%dma_start3A_481, %dma_start3A_482] : memref<1000000x128xf32, #tpu.memory_space<hbm>> -> memref<15625x128xf32, #tpu.memory_space<hbm>>
      %dma_start3A_484 = arith.constant 703125 : i32
      %dma_start3A_485 = arith.constant 0 : i32
      %dma_start3A_486 = tpu.memref_slice %arg1[%dma_start3A_484, %dma_start3A_485] : memref<1000000x128xf32, #tpu.memory_space<hbm>> -> memref<15625x128xf32, #tpu.memory_space<hbm>>
      tpu.enqueue_dma source(%dma_start3A_486 : memref<15625x128xf32, #tpu.memory_space<hbm>>) target(%dma_start3A_483 : memref<15625x128xf32, #tpu.memory_space<hbm>>) target_semaphore(%arg26 : memref<!tpu.dma_semaphore, #tpu.memory_space<semaphore_mem>>)
      %dma_start3A_487 = arith.constant 718750 : i32
      %dma_start3A_488 = arith.constant 0 : i32
      %dma_start3A_489 = tpu.memref_slice %arg25[%dma_start3A_487, %dma_start3A_488] : memref<1000000x128xf32, #tpu.memory_space<hbm>> -> memref<15625x128xf32, #tpu.memory_space<hbm>>
      %dma_start3A_490 = arith.constant 718750 : i32
      %dma_start3A_491 = arith.constant 0 : i32
      %dma_start3A_492 = tpu.memref_slice %arg1[%dma_start3A_490, %dma_start3A_491] : memref<1000000x128xf32, #tpu.memory_space<hbm>> -> memref<15625x128xf32, #tpu.memory_space<hbm>>
      tpu.enqueue_dma source(%dma_start3A_492 : memref<15625x128xf32, #tpu.memory_space<hbm>>) target(%dma_start3A_489 : memref<15625x128xf32, #tpu.memory_space<hbm>>) target_semaphore(%arg26 : memref<!tpu.dma_semaphore, #tpu.memory_space<semaphore_mem>>)
      %dma_start3A_493 = arith.constant 734375 : i32
      %dma_start3A_494 = arith.constant 0 : i32
      %dma_start3A_495 = tpu.memref_slice %arg25[%dma_start3A_493, %dma_start3A_494] : memref<1000000x128xf32, #tpu.memory_space<hbm>> -> memref<15625x128xf32, #tpu.memory_space<hbm>>
      %dma_start3A_496 = arith.constant 734375 : i32
      %dma_start3A_497 = arith.constant 0 : i32
      %dma_start3A_498 = tpu.memref_slice %arg1[%dma_start3A_496, %dma_start3A_497] : memref<1000000x128xf32, #tpu.memory_space<hbm>> -> memref<15625x128xf32, #tpu.memory_space<hbm>>
      tpu.enqueue_dma source(%dma_start3A_498 : memref<15625x128xf32, #tpu.memory_space<hbm>>) target(%dma_start3A_495 : memref<15625x128xf32, #tpu.memory_space<hbm>>) target_semaphore(%arg26 : memref<!tpu.dma_semaphore, #tpu.memory_space<semaphore_mem>>)
      %dma_start3A_499 = arith.constant 750000 : i32
      %dma_start3A_500 = arith.constant 0 : i32
      %dma_start3A_501 = tpu.memref_slice %arg25[%dma_start3A_499, %dma_start3A_500] : memref<1000000x128xf32, #tpu.memory_space<hbm>> -> memref<15625x128xf32, #tpu.memory_space<hbm>>
      %dma_start3A_502 = arith.constant 750000 : i32
      %dma_start3A_503 = arith.constant 0 : i32
      %dma_start3A_504 = tpu.memref_slice %arg1[%dma_start3A_502, %dma_start3A_503] : memref<1000000x128xf32, #tpu.memory_space<hbm>> -> memref<15625x128xf32, #tpu.memory_space<hbm>>
      tpu.enqueue_dma source(%dma_start3A_504 : memref<15625x128xf32, #tpu.memory_space<hbm>>) target(%dma_start3A_501 : memref<15625x128xf32, #tpu.memory_space<hbm>>) target_semaphore(%arg26 : memref<!tpu.dma_semaphore, #tpu.memory_space<semaphore_mem>>)
      %dma_start3A_505 = arith.constant 765625 : i32
      %dma_start3A_506 = arith.constant 0 : i32
      %dma_start3A_507 = tpu.memref_slice %arg25[%dma_start3A_505, %dma_start3A_506] : memref<1000000x128xf32, #tpu.memory_space<hbm>> -> memref<15625x128xf32, #tpu.memory_space<hbm>>
      %dma_start3A_508 = arith.constant 765625 : i32
      %dma_start3A_509 = arith.constant 0 : i32
      %dma_start3A_510 = tpu.memref_slice %arg1[%dma_start3A_508, %dma_start3A_509] : memref<1000000x128xf32, #tpu.memory_space<hbm>> -> memref<15625x128xf32, #tpu.memory_space<hbm>>
      tpu.enqueue_dma source(%dma_start3A_510 : memref<15625x128xf32, #tpu.memory_space<hbm>>) target(%dma_start3A_507 : memref<15625x128xf32, #tpu.memory_space<hbm>>) target_semaphore(%arg26 : memref<!tpu.dma_semaphore, #tpu.memory_space<semaphore_mem>>)
      %dma_start3A_511 = arith.constant 781250 : i32
      %dma_start3A_512 = arith.constant 0 : i32
      %dma_start3A_513 = tpu.memref_slice %arg25[%dma_start3A_511, %dma_start3A_512] : memref<1000000x128xf32, #tpu.memory_space<hbm>> -> memref<15625x128xf32, #tpu.memory_space<hbm>>
      %dma_start3A_514 = arith.constant 781250 : i32
      %dma_start3A_515 = arith.constant 0 : i32
      %dma_start3A_516 = tpu.memref_slice %arg1[%dma_start3A_514, %dma_start3A_515] : memref<1000000x128xf32, #tpu.memory_space<hbm>> -> memref<15625x128xf32, #tpu.memory_space<hbm>>
      tpu.enqueue_dma source(%dma_start3A_516 : memref<15625x128xf32, #tpu.memory_space<hbm>>) target(%dma_start3A_513 : memref<15625x128xf32, #tpu.memory_space<hbm>>) target_semaphore(%arg26 : memref<!tpu.dma_semaphore, #tpu.memory_space<semaphore_mem>>)
      %dma_start3A_517 = arith.constant 796875 : i32
      %dma_start3A_518 = arith.constant 0 : i32
      %dma_start3A_519 = tpu.memref_slice %arg25[%dma_start3A_517, %dma_start3A_518] : memref<1000000x128xf32, #tpu.memory_space<hbm>> -> memref<15625x128xf32, #tpu.memory_space<hbm>>
      %dma_start3A_520 = arith.constant 796875 : i32
      %dma_start3A_521 = arith.constant 0 : i32
      %dma_start3A_522 = tpu.memref_slice %arg1[%dma_start3A_520, %dma_start3A_521] : memref<1000000x128xf32, #tpu.memory_space<hbm>> -> memref<15625x128xf32, #tpu.memory_space<hbm>>
      tpu.enqueue_dma source(%dma_start3A_522 : memref<15625x128xf32, #tpu.memory_space<hbm>>) target(%dma_start3A_519 : memref<15625x128xf32, #tpu.memory_space<hbm>>) target_semaphore(%arg26 : memref<!tpu.dma_semaphore, #tpu.memory_space<semaphore_mem>>)
      %dma_start3A_523 = arith.constant 812500 : i32
      %dma_start3A_524 = arith.constant 0 : i32
      %dma_start3A_525 = tpu.memref_slice %arg25[%dma_start3A_523, %dma_start3A_524] : memref<1000000x128xf32, #tpu.memory_space<hbm>> -> memref<15625x128xf32, #tpu.memory_space<hbm>>
      %dma_start3A_526 = arith.constant 812500 : i32
      %dma_start3A_527 = arith.constant 0 : i32
      %dma_start3A_528 = tpu.memref_slice %arg1[%dma_start3A_526, %dma_start3A_527] : memref<1000000x128xf32, #tpu.memory_space<hbm>> -> memref<15625x128xf32, #tpu.memory_space<hbm>>
      tpu.enqueue_dma source(%dma_start3A_528 : memref<15625x128xf32, #tpu.memory_space<hbm>>) target(%dma_start3A_525 : memref<15625x128xf32, #tpu.memory_space<hbm>>) target_semaphore(%arg26 : memref<!tpu.dma_semaphore, #tpu.memory_space<semaphore_mem>>)
      %dma_start3A_529 = arith.constant 828125 : i32
      %dma_start3A_530 = arith.constant 0 : i32
      %dma_start3A_531 = tpu.memref_slice %arg25[%dma_start3A_529, %dma_start3A_530] : memref<1000000x128xf32, #tpu.memory_space<hbm>> -> memref<15625x128xf32, #tpu.memory_space<hbm>>
      %dma_start3A_532 = arith.constant 828125 : i32
      %dma_start3A_533 = arith.constant 0 : i32
      %dma_start3A_534 = tpu.memref_slice %arg1[%dma_start3A_532, %dma_start3A_533] : memref<1000000x128xf32, #tpu.memory_space<hbm>> -> memref<15625x128xf32, #tpu.memory_space<hbm>>
      tpu.enqueue_dma source(%dma_start3A_534 : memref<15625x128xf32, #tpu.memory_space<hbm>>) target(%dma_start3A_531 : memref<15625x128xf32, #tpu.memory_space<hbm>>) target_semaphore(%arg26 : memref<!tpu.dma_semaphore, #tpu.memory_space<semaphore_mem>>)
      %dma_start3A_535 = arith.constant 843750 : i32
      %dma_start3A_536 = arith.constant 0 : i32
      %dma_start3A_537 = tpu.memref_slice %arg25[%dma_start3A_535, %dma_start3A_536] : memref<1000000x128xf32, #tpu.memory_space<hbm>> -> memref<15625x128xf32, #tpu.memory_space<hbm>>
      %dma_start3A_538 = arith.constant 843750 : i32
      %dma_start3A_539 = arith.constant 0 : i32
      %dma_start3A_540 = tpu.memref_slice %arg1[%dma_start3A_538, %dma_start3A_539] : memref<1000000x128xf32, #tpu.memory_space<hbm>> -> memref<15625x128xf32, #tpu.memory_space<hbm>>
      tpu.enqueue_dma source(%dma_start3A_540 : memref<15625x128xf32, #tpu.memory_space<hbm>>) target(%dma_start3A_537 : memref<15625x128xf32, #tpu.memory_space<hbm>>) target_semaphore(%arg26 : memref<!tpu.dma_semaphore, #tpu.memory_space<semaphore_mem>>)
      %dma_start3A_541 = arith.constant 859375 : i32
      %dma_start3A_542 = arith.constant 0 : i32
      %dma_start3A_543 = tpu.memref_slice %arg25[%dma_start3A_541, %dma_start3A_542] : memref<1000000x128xf32, #tpu.memory_space<hbm>> -> memref<15625x128xf32, #tpu.memory_space<hbm>>
      %dma_start3A_544 = arith.constant 859375 : i32
      %dma_start3A_545 = arith.constant 0 : i32
      %dma_start3A_546 = tpu.memref_slice %arg1[%dma_start3A_544, %dma_start3A_545] : memref<1000000x128xf32, #tpu.memory_space<hbm>> -> memref<15625x128xf32, #tpu.memory_space<hbm>>
      tpu.enqueue_dma source(%dma_start3A_546 : memref<15625x128xf32, #tpu.memory_space<hbm>>) target(%dma_start3A_543 : memref<15625x128xf32, #tpu.memory_space<hbm>>) target_semaphore(%arg26 : memref<!tpu.dma_semaphore, #tpu.memory_space<semaphore_mem>>)
      %dma_start3A_547 = arith.constant 875000 : i32
      %dma_start3A_548 = arith.constant 0 : i32
      %dma_start3A_549 = tpu.memref_slice %arg25[%dma_start3A_547, %dma_start3A_548] : memref<1000000x128xf32, #tpu.memory_space<hbm>> -> memref<15625x128xf32, #tpu.memory_space<hbm>>
      %dma_start3A_550 = arith.constant 875000 : i32
      %dma_start3A_551 = arith.constant 0 : i32
      %dma_start3A_552 = tpu.memref_slice %arg1[%dma_start3A_550, %dma_start3A_551] : memref<1000000x128xf32, #tpu.memory_space<hbm>> -> memref<15625x128xf32, #tpu.memory_space<hbm>>
      tpu.enqueue_dma source(%dma_start3A_552 : memref<15625x128xf32, #tpu.memory_space<hbm>>) target(%dma_start3A_549 : memref<15625x128xf32, #tpu.memory_space<hbm>>) target_semaphore(%arg26 : memref<!tpu.dma_semaphore, #tpu.memory_space<semaphore_mem>>)
      %dma_start3A_553 = arith.constant 890625 : i32
      %dma_start3A_554 = arith.constant 0 : i32
      %dma_start3A_555 = tpu.memref_slice %arg25[%dma_start3A_553, %dma_start3A_554] : memref<1000000x128xf32, #tpu.memory_space<hbm>> -> memref<15625x128xf32, #tpu.memory_space<hbm>>
      %dma_start3A_556 = arith.constant 890625 : i32
      %dma_start3A_557 = arith.constant 0 : i32
      %dma_start3A_558 = tpu.memref_slice %arg1[%dma_start3A_556, %dma_start3A_557] : memref<1000000x128xf32, #tpu.memory_space<hbm>> -> memref<15625x128xf32, #tpu.memory_space<hbm>>
      tpu.enqueue_dma source(%dma_start3A_558 : memref<15625x128xf32, #tpu.memory_space<hbm>>) target(%dma_start3A_555 : memref<15625x128xf32, #tpu.memory_space<hbm>>) target_semaphore(%arg26 : memref<!tpu.dma_semaphore, #tpu.memory_space<semaphore_mem>>)
      %dma_start3A_559 = arith.constant 906250 : i32
      %dma_start3A_560 = arith.constant 0 : i32
      %dma_start3A_561 = tpu.memref_slice %arg25[%dma_start3A_559, %dma_start3A_560] : memref<1000000x128xf32, #tpu.memory_space<hbm>> -> memref<15625x128xf32, #tpu.memory_space<hbm>>
      %dma_start3A_562 = arith.constant 906250 : i32
      %dma_start3A_563 = arith.constant 0 : i32
      %dma_start3A_564 = tpu.memref_slice %arg1[%dma_start3A_562, %dma_start3A_563] : memref<1000000x128xf32, #tpu.memory_space<hbm>> -> memref<15625x128xf32, #tpu.memory_space<hbm>>
      tpu.enqueue_dma source(%dma_start3A_564 : memref<15625x128xf32, #tpu.memory_space<hbm>>) target(%dma_start3A_561 : memref<15625x128xf32, #tpu.memory_space<hbm>>) target_semaphore(%arg26 : memref<!tpu.dma_semaphore, #tpu.memory_space<semaphore_mem>>)
      %dma_start3A_565 = arith.constant 921875 : i32
      %dma_start3A_566 = arith.constant 0 : i32
      %dma_start3A_567 = tpu.memref_slice %arg25[%dma_start3A_565, %dma_start3A_566] : memref<1000000x128xf32, #tpu.memory_space<hbm>> -> memref<15625x128xf32, #tpu.memory_space<hbm>>
      %dma_start3A_568 = arith.constant 921875 : i32
      %dma_start3A_569 = arith.constant 0 : i32
      %dma_start3A_570 = tpu.memref_slice %arg1[%dma_start3A_568, %dma_start3A_569] : memref<1000000x128xf32, #tpu.memory_space<hbm>> -> memref<15625x128xf32, #tpu.memory_space<hbm>>
      tpu.enqueue_dma source(%dma_start3A_570 : memref<15625x128xf32, #tpu.memory_space<hbm>>) target(%dma_start3A_567 : memref<15625x128xf32, #tpu.memory_space<hbm>>) target_semaphore(%arg26 : memref<!tpu.dma_semaphore, #tpu.memory_space<semaphore_mem>>)
      %dma_start3A_571 = arith.constant 937500 : i32
      %dma_start3A_572 = arith.constant 0 : i32
      %dma_start3A_573 = tpu.memref_slice %arg25[%dma_start3A_571, %dma_start3A_572] : memref<1000000x128xf32, #tpu.memory_space<hbm>> -> memref<15625x128xf32, #tpu.memory_space<hbm>>
      %dma_start3A_574 = arith.constant 937500 : i32
      %dma_start3A_575 = arith.constant 0 : i32
      %dma_start3A_576 = tpu.memref_slice %arg1[%dma_start3A_574, %dma_start3A_575] : memref<1000000x128xf32, #tpu.memory_space<hbm>> -> memref<15625x128xf32, #tpu.memory_space<hbm>>
      tpu.enqueue_dma source(%dma_start3A_576 : memref<15625x128xf32, #tpu.memory_space<hbm>>) target(%dma_start3A_573 : memref<15625x128xf32, #tpu.memory_space<hbm>>) target_semaphore(%arg26 : memref<!tpu.dma_semaphore, #tpu.memory_space<semaphore_mem>>)
      %dma_start3A_577 = arith.constant 953125 : i32
      %dma_start3A_578 = arith.constant 0 : i32
      %dma_start3A_579 = tpu.memref_slice %arg25[%dma_start3A_577, %dma_start3A_578] : memref<1000000x128xf32, #tpu.memory_space<hbm>> -> memref<15625x128xf32, #tpu.memory_space<hbm>>
      %dma_start3A_580 = arith.constant 953125 : i32
      %dma_start3A_581 = arith.constant 0 : i32
      %dma_start3A_582 = tpu.memref_slice %arg1[%dma_start3A_580, %dma_start3A_581] : memref<1000000x128xf32, #tpu.memory_space<hbm>> -> memref<15625x128xf32, #tpu.memory_space<hbm>>
      tpu.enqueue_dma source(%dma_start3A_582 : memref<15625x128xf32, #tpu.memory_space<hbm>>) target(%dma_start3A_579 : memref<15625x128xf32, #tpu.memory_space<hbm>>) target_semaphore(%arg26 : memref<!tpu.dma_semaphore, #tpu.memory_space<semaphore_mem>>)
      %dma_start3A_583 = arith.constant 968750 : i32
      %dma_start3A_584 = arith.constant 0 : i32
      %dma_start3A_585 = tpu.memref_slice %arg25[%dma_start3A_583, %dma_start3A_584] : memref<1000000x128xf32, #tpu.memory_space<hbm>> -> memref<15625x128xf32, #tpu.memory_space<hbm>>
      %dma_start3A_586 = arith.constant 968750 : i32
      %dma_start3A_587 = arith.constant 0 : i32
      %dma_start3A_588 = tpu.memref_slice %arg1[%dma_start3A_586, %dma_start3A_587] : memref<1000000x128xf32, #tpu.memory_space<hbm>> -> memref<15625x128xf32, #tpu.memory_space<hbm>>
      tpu.enqueue_dma source(%dma_start3A_588 : memref<15625x128xf32, #tpu.memory_space<hbm>>) target(%dma_start3A_585 : memref<15625x128xf32, #tpu.memory_space<hbm>>) target_semaphore(%arg26 : memref<!tpu.dma_semaphore, #tpu.memory_space<semaphore_mem>>)
      %dma_start3A_589 = arith.constant 984375 : i32
      %dma_start3A_590 = arith.constant 0 : i32
      %dma_start3A_591 = tpu.memref_slice %arg25[%dma_start3A_589, %dma_start3A_590] : memref<1000000x128xf32, #tpu.memory_space<hbm>> -> memref<15625x128xf32, #tpu.memory_space<hbm>>
      %dma_start3A_592 = arith.constant 984375 : i32
      %dma_start3A_593 = arith.constant 0 : i32
      %dma_start3A_594 = tpu.memref_slice %arg1[%dma_start3A_592, %dma_start3A_593] : memref<1000000x128xf32, #tpu.memory_space<hbm>> -> memref<15625x128xf32, #tpu.memory_space<hbm>>
      tpu.enqueue_dma source(%dma_start3A_594 : memref<15625x128xf32, #tpu.memory_space<hbm>>) target(%dma_start3A_591 : memref<15625x128xf32, #tpu.memory_space<hbm>>) target_semaphore(%arg26 : memref<!tpu.dma_semaphore, #tpu.memory_space<semaphore_mem>>)
    } else {
    }
    %eq3A_2 = arith.constant 7 : i32
    %eq3A_3 = arith.cmpi eq, %arg0, %eq3A_2 : i32
    %convert_element_type3A_4 = arith.extui %eq3A_3 : i1 to i32
    %cond3A_5 = arith.constant 0 : i32
    %cond3A_6 = arith.cmpi ne, %convert_element_type3A_4, %cond3A_5 : i32
    scf.if %cond3A_6 {
      %dma_wait3A = arith.constant 0 : i32
      %dma_wait3A_212 = arith.constant 0 : i32
      %dma_wait3A_213 = tpu.memref_slice %arg25[%dma_wait3A, %dma_wait3A_212] : memref<1000000x128xf32, #tpu.memory_space<hbm>> -> memref<15625x128xf32, #tpu.memory_space<hbm>>
      %dma_wait3A_214 = arith.constant 0 : i32
      %dma_wait3A_215 = arith.constant 0 : i32
      %dma_wait3A_216 = tpu.memref_slice %arg1[%dma_wait3A_214, %dma_wait3A_215] : memref<1000000x128xf32, #tpu.memory_space<hbm>> -> memref<15625x128xf32, #tpu.memory_space<hbm>>
      tpu.wait_dma2 semaphore(%arg26 : memref<!tpu.dma_semaphore, #tpu.memory_space<semaphore_mem>>) src(%dma_wait3A_216 : memref<15625x128xf32, #tpu.memory_space<hbm>>) dst(%dma_wait3A_213 : memref<15625x128xf32, #tpu.memory_space<hbm>>)
      %dma_wait3A_217 = arith.constant 15625 : i32
      %dma_wait3A_218 = arith.constant 0 : i32
      %dma_wait3A_219 = tpu.memref_slice %arg25[%dma_wait3A_217, %dma_wait3A_218] : memref<1000000x128xf32, #tpu.memory_space<hbm>> -> memref<15625x128xf32, #tpu.memory_space<hbm>>
      %dma_wait3A_220 = arith.constant 15625 : i32
      %dma_wait3A_221 = arith.constant 0 : i32
      %dma_wait3A_222 = tpu.memref_slice %arg1[%dma_wait3A_220, %dma_wait3A_221] : memref<1000000x128xf32, #tpu.memory_space<hbm>> -> memref<15625x128xf32, #tpu.memory_space<hbm>>
      tpu.wait_dma2 semaphore(%arg26 : memref<!tpu.dma_semaphore, #tpu.memory_space<semaphore_mem>>) src(%dma_wait3A_222 : memref<15625x128xf32, #tpu.memory_space<hbm>>) dst(%dma_wait3A_219 : memref<15625x128xf32, #tpu.memory_space<hbm>>)
      %dma_wait3A_223 = arith.constant 31250 : i32
      %dma_wait3A_224 = arith.constant 0 : i32
      %dma_wait3A_225 = tpu.memref_slice %arg25[%dma_wait3A_223, %dma_wait3A_224] : memref<1000000x128xf32, #tpu.memory_space<hbm>> -> memref<15625x128xf32, #tpu.memory_space<hbm>>
      %dma_wait3A_226 = arith.constant 31250 : i32
      %dma_wait3A_227 = arith.constant 0 : i32
      %dma_wait3A_228 = tpu.memref_slice %arg1[%dma_wait3A_226, %dma_wait3A_227] : memref<1000000x128xf32, #tpu.memory_space<hbm>> -> memref<15625x128xf32, #tpu.memory_space<hbm>>
      tpu.wait_dma2 semaphore(%arg26 : memref<!tpu.dma_semaphore, #tpu.memory_space<semaphore_mem>>) src(%dma_wait3A_228 : memref<15625x128xf32, #tpu.memory_space<hbm>>) dst(%dma_wait3A_225 : memref<15625x128xf32, #tpu.memory_space<hbm>>)
      %dma_wait3A_229 = arith.constant 46875 : i32
      %dma_wait3A_230 = arith.constant 0 : i32
      %dma_wait3A_231 = tpu.memref_slice %arg25[%dma_wait3A_229, %dma_wait3A_230] : memref<1000000x128xf32, #tpu.memory_space<hbm>> -> memref<15625x128xf32, #tpu.memory_space<hbm>>
      %dma_wait3A_232 = arith.constant 46875 : i32
      %dma_wait3A_233 = arith.constant 0 : i32
      %dma_wait3A_234 = tpu.memref_slice %arg1[%dma_wait3A_232, %dma_wait3A_233] : memref<1000000x128xf32, #tpu.memory_space<hbm>> -> memref<15625x128xf32, #tpu.memory_space<hbm>>
      tpu.wait_dma2 semaphore(%arg26 : memref<!tpu.dma_semaphore, #tpu.memory_space<semaphore_mem>>) src(%dma_wait3A_234 : memref<15625x128xf32, #tpu.memory_space<hbm>>) dst(%dma_wait3A_231 : memref<15625x128xf32, #tpu.memory_space<hbm>>)
      %dma_wait3A_235 = arith.constant 62500 : i32
      %dma_wait3A_236 = arith.constant 0 : i32
      %dma_wait3A_237 = tpu.memref_slice %arg25[%dma_wait3A_235, %dma_wait3A_236] : memref<1000000x128xf32, #tpu.memory_space<hbm>> -> memref<15625x128xf32, #tpu.memory_space<hbm>>
      %dma_wait3A_238 = arith.constant 62500 : i32
      %dma_wait3A_239 = arith.constant 0 : i32
      %dma_wait3A_240 = tpu.memref_slice %arg1[%dma_wait3A_238, %dma_wait3A_239] : memref<1000000x128xf32, #tpu.memory_space<hbm>> -> memref<15625x128xf32, #tpu.memory_space<hbm>>
      tpu.wait_dma2 semaphore(%arg26 : memref<!tpu.dma_semaphore, #tpu.memory_space<semaphore_mem>>) src(%dma_wait3A_240 : memref<15625x128xf32, #tpu.memory_space<hbm>>) dst(%dma_wait3A_237 : memref<15625x128xf32, #tpu.memory_space<hbm>>)
      %dma_wait3A_241 = arith.constant 78125 : i32
      %dma_wait3A_242 = arith.constant 0 : i32
      %dma_wait3A_243 = tpu.memref_slice %arg25[%dma_wait3A_241, %dma_wait3A_242] : memref<1000000x128xf32, #tpu.memory_space<hbm>> -> memref<15625x128xf32, #tpu.memory_space<hbm>>
      %dma_wait3A_244 = arith.constant 78125 : i32
      %dma_wait3A_245 = arith.constant 0 : i32
      %dma_wait3A_246 = tpu.memref_slice %arg1[%dma_wait3A_244, %dma_wait3A_245] : memref<1000000x128xf32, #tpu.memory_space<hbm>> -> memref<15625x128xf32, #tpu.memory_space<hbm>>
      tpu.wait_dma2 semaphore(%arg26 : memref<!tpu.dma_semaphore, #tpu.memory_space<semaphore_mem>>) src(%dma_wait3A_246 : memref<15625x128xf32, #tpu.memory_space<hbm>>) dst(%dma_wait3A_243 : memref<15625x128xf32, #tpu.memory_space<hbm>>)
      %dma_wait3A_247 = arith.constant 93750 : i32
      %dma_wait3A_248 = arith.constant 0 : i32
      %dma_wait3A_249 = tpu.memref_slice %arg25[%dma_wait3A_247, %dma_wait3A_248] : memref<1000000x128xf32, #tpu.memory_space<hbm>> -> memref<15625x128xf32, #tpu.memory_space<hbm>>
      %dma_wait3A_250 = arith.constant 93750 : i32
      %dma_wait3A_251 = arith.constant 0 : i32
      %dma_wait3A_252 = tpu.memref_slice %arg1[%dma_wait3A_250, %dma_wait3A_251] : memref<1000000x128xf32, #tpu.memory_space<hbm>> -> memref<15625x128xf32, #tpu.memory_space<hbm>>
      tpu.wait_dma2 semaphore(%arg26 : memref<!tpu.dma_semaphore, #tpu.memory_space<semaphore_mem>>) src(%dma_wait3A_252 : memref<15625x128xf32, #tpu.memory_space<hbm>>) dst(%dma_wait3A_249 : memref<15625x128xf32, #tpu.memory_space<hbm>>)
      %dma_wait3A_253 = arith.constant 109375 : i32
      %dma_wait3A_254 = arith.constant 0 : i32
      %dma_wait3A_255 = tpu.memref_slice %arg25[%dma_wait3A_253, %dma_wait3A_254] : memref<1000000x128xf32, #tpu.memory_space<hbm>> -> memref<15625x128xf32, #tpu.memory_space<hbm>>
      %dma_wait3A_256 = arith.constant 109375 : i32
      %dma_wait3A_257 = arith.constant 0 : i32
      %dma_wait3A_258 = tpu.memref_slice %arg1[%dma_wait3A_256, %dma_wait3A_257] : memref<1000000x128xf32, #tpu.memory_space<hbm>> -> memref<15625x128xf32, #tpu.memory_space<hbm>>
      tpu.wait_dma2 semaphore(%arg26 : memref<!tpu.dma_semaphore, #tpu.memory_space<semaphore_mem>>) src(%dma_wait3A_258 : memref<15625x128xf32, #tpu.memory_space<hbm>>) dst(%dma_wait3A_255 : memref<15625x128xf32, #tpu.memory_space<hbm>>)
      %dma_wait3A_259 = arith.constant 125000 : i32
      %dma_wait3A_260 = arith.constant 0 : i32
      %dma_wait3A_261 = tpu.memref_slice %arg25[%dma_wait3A_259, %dma_wait3A_260] : memref<1000000x128xf32, #tpu.memory_space<hbm>> -> memref<15625x128xf32, #tpu.memory_space<hbm>>
      %dma_wait3A_262 = arith.constant 125000 : i32
      %dma_wait3A_263 = arith.constant 0 : i32
      %dma_wait3A_264 = tpu.memref_slice %arg1[%dma_wait3A_262, %dma_wait3A_263] : memref<1000000x128xf32, #tpu.memory_space<hbm>> -> memref<15625x128xf32, #tpu.memory_space<hbm>>
      tpu.wait_dma2 semaphore(%arg26 : memref<!tpu.dma_semaphore, #tpu.memory_space<semaphore_mem>>) src(%dma_wait3A_264 : memref<15625x128xf32, #tpu.memory_space<hbm>>) dst(%dma_wait3A_261 : memref<15625x128xf32, #tpu.memory_space<hbm>>)
      %dma_wait3A_265 = arith.constant 140625 : i32
      %dma_wait3A_266 = arith.constant 0 : i32
      %dma_wait3A_267 = tpu.memref_slice %arg25[%dma_wait3A_265, %dma_wait3A_266] : memref<1000000x128xf32, #tpu.memory_space<hbm>> -> memref<15625x128xf32, #tpu.memory_space<hbm>>
      %dma_wait3A_268 = arith.constant 140625 : i32
      %dma_wait3A_269 = arith.constant 0 : i32
      %dma_wait3A_270 = tpu.memref_slice %arg1[%dma_wait3A_268, %dma_wait3A_269] : memref<1000000x128xf32, #tpu.memory_space<hbm>> -> memref<15625x128xf32, #tpu.memory_space<hbm>>
      tpu.wait_dma2 semaphore(%arg26 : memref<!tpu.dma_semaphore, #tpu.memory_space<semaphore_mem>>) src(%dma_wait3A_270 : memref<15625x128xf32, #tpu.memory_space<hbm>>) dst(%dma_wait3A_267 : memref<15625x128xf32, #tpu.memory_space<hbm>>)
      %dma_wait3A_271 = arith.constant 156250 : i32
      %dma_wait3A_272 = arith.constant 0 : i32
      %dma_wait3A_273 = tpu.memref_slice %arg25[%dma_wait3A_271, %dma_wait3A_272] : memref<1000000x128xf32, #tpu.memory_space<hbm>> -> memref<15625x128xf32, #tpu.memory_space<hbm>>
      %dma_wait3A_274 = arith.constant 156250 : i32
      %dma_wait3A_275 = arith.constant 0 : i32
      %dma_wait3A_276 = tpu.memref_slice %arg1[%dma_wait3A_274, %dma_wait3A_275] : memref<1000000x128xf32, #tpu.memory_space<hbm>> -> memref<15625x128xf32, #tpu.memory_space<hbm>>
      tpu.wait_dma2 semaphore(%arg26 : memref<!tpu.dma_semaphore, #tpu.memory_space<semaphore_mem>>) src(%dma_wait3A_276 : memref<15625x128xf32, #tpu.memory_space<hbm>>) dst(%dma_wait3A_273 : memref<15625x128xf32, #tpu.memory_space<hbm>>)
      %dma_wait3A_277 = arith.constant 171875 : i32
      %dma_wait3A_278 = arith.constant 0 : i32
      %dma_wait3A_279 = tpu.memref_slice %arg25[%dma_wait3A_277, %dma_wait3A_278] : memref<1000000x128xf32, #tpu.memory_space<hbm>> -> memref<15625x128xf32, #tpu.memory_space<hbm>>
      %dma_wait3A_280 = arith.constant 171875 : i32
      %dma_wait3A_281 = arith.constant 0 : i32
      %dma_wait3A_282 = tpu.memref_slice %arg1[%dma_wait3A_280, %dma_wait3A_281] : memref<1000000x128xf32, #tpu.memory_space<hbm>> -> memref<15625x128xf32, #tpu.memory_space<hbm>>
      tpu.wait_dma2 semaphore(%arg26 : memref<!tpu.dma_semaphore, #tpu.memory_space<semaphore_mem>>) src(%dma_wait3A_282 : memref<15625x128xf32, #tpu.memory_space<hbm>>) dst(%dma_wait3A_279 : memref<15625x128xf32, #tpu.memory_space<hbm>>)
      %dma_wait3A_283 = arith.constant 187500 : i32
      %dma_wait3A_284 = arith.constant 0 : i32
      %dma_wait3A_285 = tpu.memref_slice %arg25[%dma_wait3A_283, %dma_wait3A_284] : memref<1000000x128xf32, #tpu.memory_space<hbm>> -> memref<15625x128xf32, #tpu.memory_space<hbm>>
      %dma_wait3A_286 = arith.constant 187500 : i32
      %dma_wait3A_287 = arith.constant 0 : i32
      %dma_wait3A_288 = tpu.memref_slice %arg1[%dma_wait3A_286, %dma_wait3A_287] : memref<1000000x128xf32, #tpu.memory_space<hbm>> -> memref<15625x128xf32, #tpu.memory_space<hbm>>
      tpu.wait_dma2 semaphore(%arg26 : memref<!tpu.dma_semaphore, #tpu.memory_space<semaphore_mem>>) src(%dma_wait3A_288 : memref<15625x128xf32, #tpu.memory_space<hbm>>) dst(%dma_wait3A_285 : memref<15625x128xf32, #tpu.memory_space<hbm>>)
      %dma_wait3A_289 = arith.constant 203125 : i32
      %dma_wait3A_290 = arith.constant 0 : i32
      %dma_wait3A_291 = tpu.memref_slice %arg25[%dma_wait3A_289, %dma_wait3A_290] : memref<1000000x128xf32, #tpu.memory_space<hbm>> -> memref<15625x128xf32, #tpu.memory_space<hbm>>
      %dma_wait3A_292 = arith.constant 203125 : i32
      %dma_wait3A_293 = arith.constant 0 : i32
      %dma_wait3A_294 = tpu.memref_slice %arg1[%dma_wait3A_292, %dma_wait3A_293] : memref<1000000x128xf32, #tpu.memory_space<hbm>> -> memref<15625x128xf32, #tpu.memory_space<hbm>>
      tpu.wait_dma2 semaphore(%arg26 : memref<!tpu.dma_semaphore, #tpu.memory_space<semaphore_mem>>) src(%dma_wait3A_294 : memref<15625x128xf32, #tpu.memory_space<hbm>>) dst(%dma_wait3A_291 : memref<15625x128xf32, #tpu.memory_space<hbm>>)
      %dma_wait3A_295 = arith.constant 218750 : i32
      %dma_wait3A_296 = arith.constant 0 : i32
      %dma_wait3A_297 = tpu.memref_slice %arg25[%dma_wait3A_295, %dma_wait3A_296] : memref<1000000x128xf32, #tpu.memory_space<hbm>> -> memref<15625x128xf32, #tpu.memory_space<hbm>>
      %dma_wait3A_298 = arith.constant 218750 : i32
      %dma_wait3A_299 = arith.constant 0 : i32
      %dma_wait3A_300 = tpu.memref_slice %arg1[%dma_wait3A_298, %dma_wait3A_299] : memref<1000000x128xf32, #tpu.memory_space<hbm>> -> memref<15625x128xf32, #tpu.memory_space<hbm>>
      tpu.wait_dma2 semaphore(%arg26 : memref<!tpu.dma_semaphore, #tpu.memory_space<semaphore_mem>>) src(%dma_wait3A_300 : memref<15625x128xf32, #tpu.memory_space<hbm>>) dst(%dma_wait3A_297 : memref<15625x128xf32, #tpu.memory_space<hbm>>)
      %dma_wait3A_301 = arith.constant 234375 : i32
      %dma_wait3A_302 = arith.constant 0 : i32
      %dma_wait3A_303 = tpu.memref_slice %arg25[%dma_wait3A_301, %dma_wait3A_302] : memref<1000000x128xf32, #tpu.memory_space<hbm>> -> memref<15625x128xf32, #tpu.memory_space<hbm>>
      %dma_wait3A_304 = arith.constant 234375 : i32
      %dma_wait3A_305 = arith.constant 0 : i32
      %dma_wait3A_306 = tpu.memref_slice %arg1[%dma_wait3A_304, %dma_wait3A_305] : memref<1000000x128xf32, #tpu.memory_space<hbm>> -> memref<15625x128xf32, #tpu.memory_space<hbm>>
      tpu.wait_dma2 semaphore(%arg26 : memref<!tpu.dma_semaphore, #tpu.memory_space<semaphore_mem>>) src(%dma_wait3A_306 : memref<15625x128xf32, #tpu.memory_space<hbm>>) dst(%dma_wait3A_303 : memref<15625x128xf32, #tpu.memory_space<hbm>>)
      %dma_wait3A_307 = arith.constant 250000 : i32
      %dma_wait3A_308 = arith.constant 0 : i32
      %dma_wait3A_309 = tpu.memref_slice %arg25[%dma_wait3A_307, %dma_wait3A_308] : memref<1000000x128xf32, #tpu.memory_space<hbm>> -> memref<15625x128xf32, #tpu.memory_space<hbm>>
      %dma_wait3A_310 = arith.constant 250000 : i32
      %dma_wait3A_311 = arith.constant 0 : i32
      %dma_wait3A_312 = tpu.memref_slice %arg1[%dma_wait3A_310, %dma_wait3A_311] : memref<1000000x128xf32, #tpu.memory_space<hbm>> -> memref<15625x128xf32, #tpu.memory_space<hbm>>
      tpu.wait_dma2 semaphore(%arg26 : memref<!tpu.dma_semaphore, #tpu.memory_space<semaphore_mem>>) src(%dma_wait3A_312 : memref<15625x128xf32, #tpu.memory_space<hbm>>) dst(%dma_wait3A_309 : memref<15625x128xf32, #tpu.memory_space<hbm>>)
      %dma_wait3A_313 = arith.constant 265625 : i32
      %dma_wait3A_314 = arith.constant 0 : i32
      %dma_wait3A_315 = tpu.memref_slice %arg25[%dma_wait3A_313, %dma_wait3A_314] : memref<1000000x128xf32, #tpu.memory_space<hbm>> -> memref<15625x128xf32, #tpu.memory_space<hbm>>
      %dma_wait3A_316 = arith.constant 265625 : i32
      %dma_wait3A_317 = arith.constant 0 : i32
      %dma_wait3A_318 = tpu.memref_slice %arg1[%dma_wait3A_316, %dma_wait3A_317] : memref<1000000x128xf32, #tpu.memory_space<hbm>> -> memref<15625x128xf32, #tpu.memory_space<hbm>>
      tpu.wait_dma2 semaphore(%arg26 : memref<!tpu.dma_semaphore, #tpu.memory_space<semaphore_mem>>) src(%dma_wait3A_318 : memref<15625x128xf32, #tpu.memory_space<hbm>>) dst(%dma_wait3A_315 : memref<15625x128xf32, #tpu.memory_space<hbm>>)
      %dma_wait3A_319 = arith.constant 281250 : i32
      %dma_wait3A_320 = arith.constant 0 : i32
      %dma_wait3A_321 = tpu.memref_slice %arg25[%dma_wait3A_319, %dma_wait3A_320] : memref<1000000x128xf32, #tpu.memory_space<hbm>> -> memref<15625x128xf32, #tpu.memory_space<hbm>>
      %dma_wait3A_322 = arith.constant 281250 : i32
      %dma_wait3A_323 = arith.constant 0 : i32
      %dma_wait3A_324 = tpu.memref_slice %arg1[%dma_wait3A_322, %dma_wait3A_323] : memref<1000000x128xf32, #tpu.memory_space<hbm>> -> memref<15625x128xf32, #tpu.memory_space<hbm>>
      tpu.wait_dma2 semaphore(%arg26 : memref<!tpu.dma_semaphore, #tpu.memory_space<semaphore_mem>>) src(%dma_wait3A_324 : memref<15625x128xf32, #tpu.memory_space<hbm>>) dst(%dma_wait3A_321 : memref<15625x128xf32, #tpu.memory_space<hbm>>)
      %dma_wait3A_325 = arith.constant 296875 : i32
      %dma_wait3A_326 = arith.constant 0 : i32
      %dma_wait3A_327 = tpu.memref_slice %arg25[%dma_wait3A_325, %dma_wait3A_326] : memref<1000000x128xf32, #tpu.memory_space<hbm>> -> memref<15625x128xf32, #tpu.memory_space<hbm>>
      %dma_wait3A_328 = arith.constant 296875 : i32
      %dma_wait3A_329 = arith.constant 0 : i32
      %dma_wait3A_330 = tpu.memref_slice %arg1[%dma_wait3A_328, %dma_wait3A_329] : memref<1000000x128xf32, #tpu.memory_space<hbm>> -> memref<15625x128xf32, #tpu.memory_space<hbm>>
      tpu.wait_dma2 semaphore(%arg26 : memref<!tpu.dma_semaphore, #tpu.memory_space<semaphore_mem>>) src(%dma_wait3A_330 : memref<15625x128xf32, #tpu.memory_space<hbm>>) dst(%dma_wait3A_327 : memref<15625x128xf32, #tpu.memory_space<hbm>>)
      %dma_wait3A_331 = arith.constant 312500 : i32
      %dma_wait3A_332 = arith.constant 0 : i32
      %dma_wait3A_333 = tpu.memref_slice %arg25[%dma_wait3A_331, %dma_wait3A_332] : memref<1000000x128xf32, #tpu.memory_space<hbm>> -> memref<15625x128xf32, #tpu.memory_space<hbm>>
      %dma_wait3A_334 = arith.constant 312500 : i32
      %dma_wait3A_335 = arith.constant 0 : i32
      %dma_wait3A_336 = tpu.memref_slice %arg1[%dma_wait3A_334, %dma_wait3A_335] : memref<1000000x128xf32, #tpu.memory_space<hbm>> -> memref<15625x128xf32, #tpu.memory_space<hbm>>
      tpu.wait_dma2 semaphore(%arg26 : memref<!tpu.dma_semaphore, #tpu.memory_space<semaphore_mem>>) src(%dma_wait3A_336 : memref<15625x128xf32, #tpu.memory_space<hbm>>) dst(%dma_wait3A_333 : memref<15625x128xf32, #tpu.memory_space<hbm>>)
      %dma_wait3A_337 = arith.constant 328125 : i32
      %dma_wait3A_338 = arith.constant 0 : i32
      %dma_wait3A_339 = tpu.memref_slice %arg25[%dma_wait3A_337, %dma_wait3A_338] : memref<1000000x128xf32, #tpu.memory_space<hbm>> -> memref<15625x128xf32, #tpu.memory_space<hbm>>
      %dma_wait3A_340 = arith.constant 328125 : i32
      %dma_wait3A_341 = arith.constant 0 : i32
      %dma_wait3A_342 = tpu.memref_slice %arg1[%dma_wait3A_340, %dma_wait3A_341] : memref<1000000x128xf32, #tpu.memory_space<hbm>> -> memref<15625x128xf32, #tpu.memory_space<hbm>>
      tpu.wait_dma2 semaphore(%arg26 : memref<!tpu.dma_semaphore, #tpu.memory_space<semaphore_mem>>) src(%dma_wait3A_342 : memref<15625x128xf32, #tpu.memory_space<hbm>>) dst(%dma_wait3A_339 : memref<15625x128xf32, #tpu.memory_space<hbm>>)
      %dma_wait3A_343 = arith.constant 343750 : i32
      %dma_wait3A_344 = arith.constant 0 : i32
      %dma_wait3A_345 = tpu.memref_slice %arg25[%dma_wait3A_343, %dma_wait3A_344] : memref<1000000x128xf32, #tpu.memory_space<hbm>> -> memref<15625x128xf32, #tpu.memory_space<hbm>>
      %dma_wait3A_346 = arith.constant 343750 : i32
      %dma_wait3A_347 = arith.constant 0 : i32
      %dma_wait3A_348 = tpu.memref_slice %arg1[%dma_wait3A_346, %dma_wait3A_347] : memref<1000000x128xf32, #tpu.memory_space<hbm>> -> memref<15625x128xf32, #tpu.memory_space<hbm>>
      tpu.wait_dma2 semaphore(%arg26 : memref<!tpu.dma_semaphore, #tpu.memory_space<semaphore_mem>>) src(%dma_wait3A_348 : memref<15625x128xf32, #tpu.memory_space<hbm>>) dst(%dma_wait3A_345 : memref<15625x128xf32, #tpu.memory_space<hbm>>)
      %dma_wait3A_349 = arith.constant 359375 : i32
      %dma_wait3A_350 = arith.constant 0 : i32
      %dma_wait3A_351 = tpu.memref_slice %arg25[%dma_wait3A_349, %dma_wait3A_350] : memref<1000000x128xf32, #tpu.memory_space<hbm>> -> memref<15625x128xf32, #tpu.memory_space<hbm>>
      %dma_wait3A_352 = arith.constant 359375 : i32
      %dma_wait3A_353 = arith.constant 0 : i32
      %dma_wait3A_354 = tpu.memref_slice %arg1[%dma_wait3A_352, %dma_wait3A_353] : memref<1000000x128xf32, #tpu.memory_space<hbm>> -> memref<15625x128xf32, #tpu.memory_space<hbm>>
      tpu.wait_dma2 semaphore(%arg26 : memref<!tpu.dma_semaphore, #tpu.memory_space<semaphore_mem>>) src(%dma_wait3A_354 : memref<15625x128xf32, #tpu.memory_space<hbm>>) dst(%dma_wait3A_351 : memref<15625x128xf32, #tpu.memory_space<hbm>>)
      %dma_wait3A_355 = arith.constant 375000 : i32
      %dma_wait3A_356 = arith.constant 0 : i32
      %dma_wait3A_357 = tpu.memref_slice %arg25[%dma_wait3A_355, %dma_wait3A_356] : memref<1000000x128xf32, #tpu.memory_space<hbm>> -> memref<15625x128xf32, #tpu.memory_space<hbm>>
      %dma_wait3A_358 = arith.constant 375000 : i32
      %dma_wait3A_359 = arith.constant 0 : i32
      %dma_wait3A_360 = tpu.memref_slice %arg1[%dma_wait3A_358, %dma_wait3A_359] : memref<1000000x128xf32, #tpu.memory_space<hbm>> -> memref<15625x128xf32, #tpu.memory_space<hbm>>
      tpu.wait_dma2 semaphore(%arg26 : memref<!tpu.dma_semaphore, #tpu.memory_space<semaphore_mem>>) src(%dma_wait3A_360 : memref<15625x128xf32, #tpu.memory_space<hbm>>) dst(%dma_wait3A_357 : memref<15625x128xf32, #tpu.memory_space<hbm>>)
      %dma_wait3A_361 = arith.constant 390625 : i32
      %dma_wait3A_362 = arith.constant 0 : i32
      %dma_wait3A_363 = tpu.memref_slice %arg25[%dma_wait3A_361, %dma_wait3A_362] : memref<1000000x128xf32, #tpu.memory_space<hbm>> -> memref<15625x128xf32, #tpu.memory_space<hbm>>
      %dma_wait3A_364 = arith.constant 390625 : i32
      %dma_wait3A_365 = arith.constant 0 : i32
      %dma_wait3A_366 = tpu.memref_slice %arg1[%dma_wait3A_364, %dma_wait3A_365] : memref<1000000x128xf32, #tpu.memory_space<hbm>> -> memref<15625x128xf32, #tpu.memory_space<hbm>>
      tpu.wait_dma2 semaphore(%arg26 : memref<!tpu.dma_semaphore, #tpu.memory_space<semaphore_mem>>) src(%dma_wait3A_366 : memref<15625x128xf32, #tpu.memory_space<hbm>>) dst(%dma_wait3A_363 : memref<15625x128xf32, #tpu.memory_space<hbm>>)
      %dma_wait3A_367 = arith.constant 406250 : i32
      %dma_wait3A_368 = arith.constant 0 : i32
      %dma_wait3A_369 = tpu.memref_slice %arg25[%dma_wait3A_367, %dma_wait3A_368] : memref<1000000x128xf32, #tpu.memory_space<hbm>> -> memref<15625x128xf32, #tpu.memory_space<hbm>>
      %dma_wait3A_370 = arith.constant 406250 : i32
      %dma_wait3A_371 = arith.constant 0 : i32
      %dma_wait3A_372 = tpu.memref_slice %arg1[%dma_wait3A_370, %dma_wait3A_371] : memref<1000000x128xf32, #tpu.memory_space<hbm>> -> memref<15625x128xf32, #tpu.memory_space<hbm>>
      tpu.wait_dma2 semaphore(%arg26 : memref<!tpu.dma_semaphore, #tpu.memory_space<semaphore_mem>>) src(%dma_wait3A_372 : memref<15625x128xf32, #tpu.memory_space<hbm>>) dst(%dma_wait3A_369 : memref<15625x128xf32, #tpu.memory_space<hbm>>)
      %dma_wait3A_373 = arith.constant 421875 : i32
      %dma_wait3A_374 = arith.constant 0 : i32
      %dma_wait3A_375 = tpu.memref_slice %arg25[%dma_wait3A_373, %dma_wait3A_374] : memref<1000000x128xf32, #tpu.memory_space<hbm>> -> memref<15625x128xf32, #tpu.memory_space<hbm>>
      %dma_wait3A_376 = arith.constant 421875 : i32
      %dma_wait3A_377 = arith.constant 0 : i32
      %dma_wait3A_378 = tpu.memref_slice %arg1[%dma_wait3A_376, %dma_wait3A_377] : memref<1000000x128xf32, #tpu.memory_space<hbm>> -> memref<15625x128xf32, #tpu.memory_space<hbm>>
      tpu.wait_dma2 semaphore(%arg26 : memref<!tpu.dma_semaphore, #tpu.memory_space<semaphore_mem>>) src(%dma_wait3A_378 : memref<15625x128xf32, #tpu.memory_space<hbm>>) dst(%dma_wait3A_375 : memref<15625x128xf32, #tpu.memory_space<hbm>>)
      %dma_wait3A_379 = arith.constant 437500 : i32
      %dma_wait3A_380 = arith.constant 0 : i32
      %dma_wait3A_381 = tpu.memref_slice %arg25[%dma_wait3A_379, %dma_wait3A_380] : memref<1000000x128xf32, #tpu.memory_space<hbm>> -> memref<15625x128xf32, #tpu.memory_space<hbm>>
      %dma_wait3A_382 = arith.constant 437500 : i32
      %dma_wait3A_383 = arith.constant 0 : i32
      %dma_wait3A_384 = tpu.memref_slice %arg1[%dma_wait3A_382, %dma_wait3A_383] : memref<1000000x128xf32, #tpu.memory_space<hbm>> -> memref<15625x128xf32, #tpu.memory_space<hbm>>
      tpu.wait_dma2 semaphore(%arg26 : memref<!tpu.dma_semaphore, #tpu.memory_space<semaphore_mem>>) src(%dma_wait3A_384 : memref<15625x128xf32, #tpu.memory_space<hbm>>) dst(%dma_wait3A_381 : memref<15625x128xf32, #tpu.memory_space<hbm>>)
      %dma_wait3A_385 = arith.constant 453125 : i32
      %dma_wait3A_386 = arith.constant 0 : i32
      %dma_wait3A_387 = tpu.memref_slice %arg25[%dma_wait3A_385, %dma_wait3A_386] : memref<1000000x128xf32, #tpu.memory_space<hbm>> -> memref<15625x128xf32, #tpu.memory_space<hbm>>
      %dma_wait3A_388 = arith.constant 453125 : i32
      %dma_wait3A_389 = arith.constant 0 : i32
      %dma_wait3A_390 = tpu.memref_slice %arg1[%dma_wait3A_388, %dma_wait3A_389] : memref<1000000x128xf32, #tpu.memory_space<hbm>> -> memref<15625x128xf32, #tpu.memory_space<hbm>>
      tpu.wait_dma2 semaphore(%arg26 : memref<!tpu.dma_semaphore, #tpu.memory_space<semaphore_mem>>) src(%dma_wait3A_390 : memref<15625x128xf32, #tpu.memory_space<hbm>>) dst(%dma_wait3A_387 : memref<15625x128xf32, #tpu.memory_space<hbm>>)
      %dma_wait3A_391 = arith.constant 468750 : i32
      %dma_wait3A_392 = arith.constant 0 : i32
      %dma_wait3A_393 = tpu.memref_slice %arg25[%dma_wait3A_391, %dma_wait3A_392] : memref<1000000x128xf32, #tpu.memory_space<hbm>> -> memref<15625x128xf32, #tpu.memory_space<hbm>>
      %dma_wait3A_394 = arith.constant 468750 : i32
      %dma_wait3A_395 = arith.constant 0 : i32
      %dma_wait3A_396 = tpu.memref_slice %arg1[%dma_wait3A_394, %dma_wait3A_395] : memref<1000000x128xf32, #tpu.memory_space<hbm>> -> memref<15625x128xf32, #tpu.memory_space<hbm>>
      tpu.wait_dma2 semaphore(%arg26 : memref<!tpu.dma_semaphore, #tpu.memory_space<semaphore_mem>>) src(%dma_wait3A_396 : memref<15625x128xf32, #tpu.memory_space<hbm>>) dst(%dma_wait3A_393 : memref<15625x128xf32, #tpu.memory_space<hbm>>)
      %dma_wait3A_397 = arith.constant 484375 : i32
      %dma_wait3A_398 = arith.constant 0 : i32
      %dma_wait3A_399 = tpu.memref_slice %arg25[%dma_wait3A_397, %dma_wait3A_398] : memref<1000000x128xf32, #tpu.memory_space<hbm>> -> memref<15625x128xf32, #tpu.memory_space<hbm>>
      %dma_wait3A_400 = arith.constant 484375 : i32
      %dma_wait3A_401 = arith.constant 0 : i32
      %dma_wait3A_402 = tpu.memref_slice %arg1[%dma_wait3A_400, %dma_wait3A_401] : memref<1000000x128xf32, #tpu.memory_space<hbm>> -> memref<15625x128xf32, #tpu.memory_space<hbm>>
      tpu.wait_dma2 semaphore(%arg26 : memref<!tpu.dma_semaphore, #tpu.memory_space<semaphore_mem>>) src(%dma_wait3A_402 : memref<15625x128xf32, #tpu.memory_space<hbm>>) dst(%dma_wait3A_399 : memref<15625x128xf32, #tpu.memory_space<hbm>>)
      %dma_wait3A_403 = arith.constant 500000 : i32
      %dma_wait3A_404 = arith.constant 0 : i32
      %dma_wait3A_405 = tpu.memref_slice %arg25[%dma_wait3A_403, %dma_wait3A_404] : memref<1000000x128xf32, #tpu.memory_space<hbm>> -> memref<15625x128xf32, #tpu.memory_space<hbm>>
      %dma_wait3A_406 = arith.constant 500000 : i32
      %dma_wait3A_407 = arith.constant 0 : i32
      %dma_wait3A_408 = tpu.memref_slice %arg1[%dma_wait3A_406, %dma_wait3A_407] : memref<1000000x128xf32, #tpu.memory_space<hbm>> -> memref<15625x128xf32, #tpu.memory_space<hbm>>
      tpu.wait_dma2 semaphore(%arg26 : memref<!tpu.dma_semaphore, #tpu.memory_space<semaphore_mem>>) src(%dma_wait3A_408 : memref<15625x128xf32, #tpu.memory_space<hbm>>) dst(%dma_wait3A_405 : memref<15625x128xf32, #tpu.memory_space<hbm>>)
      %dma_wait3A_409 = arith.constant 515625 : i32
      %dma_wait3A_410 = arith.constant 0 : i32
      %dma_wait3A_411 = tpu.memref_slice %arg25[%dma_wait3A_409, %dma_wait3A_410] : memref<1000000x128xf32, #tpu.memory_space<hbm>> -> memref<15625x128xf32, #tpu.memory_space<hbm>>
      %dma_wait3A_412 = arith.constant 515625 : i32
      %dma_wait3A_413 = arith.constant 0 : i32
      %dma_wait3A_414 = tpu.memref_slice %arg1[%dma_wait3A_412, %dma_wait3A_413] : memref<1000000x128xf32, #tpu.memory_space<hbm>> -> memref<15625x128xf32, #tpu.memory_space<hbm>>
      tpu.wait_dma2 semaphore(%arg26 : memref<!tpu.dma_semaphore, #tpu.memory_space<semaphore_mem>>) src(%dma_wait3A_414 : memref<15625x128xf32, #tpu.memory_space<hbm>>) dst(%dma_wait3A_411 : memref<15625x128xf32, #tpu.memory_space<hbm>>)
      %dma_wait3A_415 = arith.constant 531250 : i32
      %dma_wait3A_416 = arith.constant 0 : i32
      %dma_wait3A_417 = tpu.memref_slice %arg25[%dma_wait3A_415, %dma_wait3A_416] : memref<1000000x128xf32, #tpu.memory_space<hbm>> -> memref<15625x128xf32, #tpu.memory_space<hbm>>
      %dma_wait3A_418 = arith.constant 531250 : i32
      %dma_wait3A_419 = arith.constant 0 : i32
      %dma_wait3A_420 = tpu.memref_slice %arg1[%dma_wait3A_418, %dma_wait3A_419] : memref<1000000x128xf32, #tpu.memory_space<hbm>> -> memref<15625x128xf32, #tpu.memory_space<hbm>>
      tpu.wait_dma2 semaphore(%arg26 : memref<!tpu.dma_semaphore, #tpu.memory_space<semaphore_mem>>) src(%dma_wait3A_420 : memref<15625x128xf32, #tpu.memory_space<hbm>>) dst(%dma_wait3A_417 : memref<15625x128xf32, #tpu.memory_space<hbm>>)
      %dma_wait3A_421 = arith.constant 546875 : i32
      %dma_wait3A_422 = arith.constant 0 : i32
      %dma_wait3A_423 = tpu.memref_slice %arg25[%dma_wait3A_421, %dma_wait3A_422] : memref<1000000x128xf32, #tpu.memory_space<hbm>> -> memref<15625x128xf32, #tpu.memory_space<hbm>>
      %dma_wait3A_424 = arith.constant 546875 : i32
      %dma_wait3A_425 = arith.constant 0 : i32
      %dma_wait3A_426 = tpu.memref_slice %arg1[%dma_wait3A_424, %dma_wait3A_425] : memref<1000000x128xf32, #tpu.memory_space<hbm>> -> memref<15625x128xf32, #tpu.memory_space<hbm>>
      tpu.wait_dma2 semaphore(%arg26 : memref<!tpu.dma_semaphore, #tpu.memory_space<semaphore_mem>>) src(%dma_wait3A_426 : memref<15625x128xf32, #tpu.memory_space<hbm>>) dst(%dma_wait3A_423 : memref<15625x128xf32, #tpu.memory_space<hbm>>)
      %dma_wait3A_427 = arith.constant 562500 : i32
      %dma_wait3A_428 = arith.constant 0 : i32
      %dma_wait3A_429 = tpu.memref_slice %arg25[%dma_wait3A_427, %dma_wait3A_428] : memref<1000000x128xf32, #tpu.memory_space<hbm>> -> memref<15625x128xf32, #tpu.memory_space<hbm>>
      %dma_wait3A_430 = arith.constant 562500 : i32
      %dma_wait3A_431 = arith.constant 0 : i32
      %dma_wait3A_432 = tpu.memref_slice %arg1[%dma_wait3A_430, %dma_wait3A_431] : memref<1000000x128xf32, #tpu.memory_space<hbm>> -> memref<15625x128xf32, #tpu.memory_space<hbm>>
      tpu.wait_dma2 semaphore(%arg26 : memref<!tpu.dma_semaphore, #tpu.memory_space<semaphore_mem>>) src(%dma_wait3A_432 : memref<15625x128xf32, #tpu.memory_space<hbm>>) dst(%dma_wait3A_429 : memref<15625x128xf32, #tpu.memory_space<hbm>>)
      %dma_wait3A_433 = arith.constant 578125 : i32
      %dma_wait3A_434 = arith.constant 0 : i32
      %dma_wait3A_435 = tpu.memref_slice %arg25[%dma_wait3A_433, %dma_wait3A_434] : memref<1000000x128xf32, #tpu.memory_space<hbm>> -> memref<15625x128xf32, #tpu.memory_space<hbm>>
      %dma_wait3A_436 = arith.constant 578125 : i32
      %dma_wait3A_437 = arith.constant 0 : i32
      %dma_wait3A_438 = tpu.memref_slice %arg1[%dma_wait3A_436, %dma_wait3A_437] : memref<1000000x128xf32, #tpu.memory_space<hbm>> -> memref<15625x128xf32, #tpu.memory_space<hbm>>
      tpu.wait_dma2 semaphore(%arg26 : memref<!tpu.dma_semaphore, #tpu.memory_space<semaphore_mem>>) src(%dma_wait3A_438 : memref<15625x128xf32, #tpu.memory_space<hbm>>) dst(%dma_wait3A_435 : memref<15625x128xf32, #tpu.memory_space<hbm>>)
      %dma_wait3A_439 = arith.constant 593750 : i32
      %dma_wait3A_440 = arith.constant 0 : i32
      %dma_wait3A_441 = tpu.memref_slice %arg25[%dma_wait3A_439, %dma_wait3A_440] : memref<1000000x128xf32, #tpu.memory_space<hbm>> -> memref<15625x128xf32, #tpu.memory_space<hbm>>
      %dma_wait3A_442 = arith.constant 593750 : i32
      %dma_wait3A_443 = arith.constant 0 : i32
      %dma_wait3A_444 = tpu.memref_slice %arg1[%dma_wait3A_442, %dma_wait3A_443] : memref<1000000x128xf32, #tpu.memory_space<hbm>> -> memref<15625x128xf32, #tpu.memory_space<hbm>>
      tpu.wait_dma2 semaphore(%arg26 : memref<!tpu.dma_semaphore, #tpu.memory_space<semaphore_mem>>) src(%dma_wait3A_444 : memref<15625x128xf32, #tpu.memory_space<hbm>>) dst(%dma_wait3A_441 : memref<15625x128xf32, #tpu.memory_space<hbm>>)
      %dma_wait3A_445 = arith.constant 609375 : i32
      %dma_wait3A_446 = arith.constant 0 : i32
      %dma_wait3A_447 = tpu.memref_slice %arg25[%dma_wait3A_445, %dma_wait3A_446] : memref<1000000x128xf32, #tpu.memory_space<hbm>> -> memref<15625x128xf32, #tpu.memory_space<hbm>>
      %dma_wait3A_448 = arith.constant 609375 : i32
      %dma_wait3A_449 = arith.constant 0 : i32
      %dma_wait3A_450 = tpu.memref_slice %arg1[%dma_wait3A_448, %dma_wait3A_449] : memref<1000000x128xf32, #tpu.memory_space<hbm>> -> memref<15625x128xf32, #tpu.memory_space<hbm>>
      tpu.wait_dma2 semaphore(%arg26 : memref<!tpu.dma_semaphore, #tpu.memory_space<semaphore_mem>>) src(%dma_wait3A_450 : memref<15625x128xf32, #tpu.memory_space<hbm>>) dst(%dma_wait3A_447 : memref<15625x128xf32, #tpu.memory_space<hbm>>)
      %dma_wait3A_451 = arith.constant 625000 : i32
      %dma_wait3A_452 = arith.constant 0 : i32
      %dma_wait3A_453 = tpu.memref_slice %arg25[%dma_wait3A_451, %dma_wait3A_452] : memref<1000000x128xf32, #tpu.memory_space<hbm>> -> memref<15625x128xf32, #tpu.memory_space<hbm>>
      %dma_wait3A_454 = arith.constant 625000 : i32
      %dma_wait3A_455 = arith.constant 0 : i32
      %dma_wait3A_456 = tpu.memref_slice %arg1[%dma_wait3A_454, %dma_wait3A_455] : memref<1000000x128xf32, #tpu.memory_space<hbm>> -> memref<15625x128xf32, #tpu.memory_space<hbm>>
      tpu.wait_dma2 semaphore(%arg26 : memref<!tpu.dma_semaphore, #tpu.memory_space<semaphore_mem>>) src(%dma_wait3A_456 : memref<15625x128xf32, #tpu.memory_space<hbm>>) dst(%dma_wait3A_453 : memref<15625x128xf32, #tpu.memory_space<hbm>>)
      %dma_wait3A_457 = arith.constant 640625 : i32
      %dma_wait3A_458 = arith.constant 0 : i32
      %dma_wait3A_459 = tpu.memref_slice %arg25[%dma_wait3A_457, %dma_wait3A_458] : memref<1000000x128xf32, #tpu.memory_space<hbm>> -> memref<15625x128xf32, #tpu.memory_space<hbm>>
      %dma_wait3A_460 = arith.constant 640625 : i32
      %dma_wait3A_461 = arith.constant 0 : i32
      %dma_wait3A_462 = tpu.memref_slice %arg1[%dma_wait3A_460, %dma_wait3A_461] : memref<1000000x128xf32, #tpu.memory_space<hbm>> -> memref<15625x128xf32, #tpu.memory_space<hbm>>
      tpu.wait_dma2 semaphore(%arg26 : memref<!tpu.dma_semaphore, #tpu.memory_space<semaphore_mem>>) src(%dma_wait3A_462 : memref<15625x128xf32, #tpu.memory_space<hbm>>) dst(%dma_wait3A_459 : memref<15625x128xf32, #tpu.memory_space<hbm>>)
      %dma_wait3A_463 = arith.constant 656250 : i32
      %dma_wait3A_464 = arith.constant 0 : i32
      %dma_wait3A_465 = tpu.memref_slice %arg25[%dma_wait3A_463, %dma_wait3A_464] : memref<1000000x128xf32, #tpu.memory_space<hbm>> -> memref<15625x128xf32, #tpu.memory_space<hbm>>
      %dma_wait3A_466 = arith.constant 656250 : i32
      %dma_wait3A_467 = arith.constant 0 : i32
      %dma_wait3A_468 = tpu.memref_slice %arg1[%dma_wait3A_466, %dma_wait3A_467] : memref<1000000x128xf32, #tpu.memory_space<hbm>> -> memref<15625x128xf32, #tpu.memory_space<hbm>>
      tpu.wait_dma2 semaphore(%arg26 : memref<!tpu.dma_semaphore, #tpu.memory_space<semaphore_mem>>) src(%dma_wait3A_468 : memref<15625x128xf32, #tpu.memory_space<hbm>>) dst(%dma_wait3A_465 : memref<15625x128xf32, #tpu.memory_space<hbm>>)
      %dma_wait3A_469 = arith.constant 671875 : i32
      %dma_wait3A_470 = arith.constant 0 : i32
      %dma_wait3A_471 = tpu.memref_slice %arg25[%dma_wait3A_469, %dma_wait3A_470] : memref<1000000x128xf32, #tpu.memory_space<hbm>> -> memref<15625x128xf32, #tpu.memory_space<hbm>>
      %dma_wait3A_472 = arith.constant 671875 : i32
      %dma_wait3A_473 = arith.constant 0 : i32
      %dma_wait3A_474 = tpu.memref_slice %arg1[%dma_wait3A_472, %dma_wait3A_473] : memref<1000000x128xf32, #tpu.memory_space<hbm>> -> memref<15625x128xf32, #tpu.memory_space<hbm>>
      tpu.wait_dma2 semaphore(%arg26 : memref<!tpu.dma_semaphore, #tpu.memory_space<semaphore_mem>>) src(%dma_wait3A_474 : memref<15625x128xf32, #tpu.memory_space<hbm>>) dst(%dma_wait3A_471 : memref<15625x128xf32, #tpu.memory_space<hbm>>)
      %dma_wait3A_475 = arith.constant 687500 : i32
      %dma_wait3A_476 = arith.constant 0 : i32
      %dma_wait3A_477 = tpu.memref_slice %arg25[%dma_wait3A_475, %dma_wait3A_476] : memref<1000000x128xf32, #tpu.memory_space<hbm>> -> memref<15625x128xf32, #tpu.memory_space<hbm>>
      %dma_wait3A_478 = arith.constant 687500 : i32
      %dma_wait3A_479 = arith.constant 0 : i32
      %dma_wait3A_480 = tpu.memref_slice %arg1[%dma_wait3A_478, %dma_wait3A_479] : memref<1000000x128xf32, #tpu.memory_space<hbm>> -> memref<15625x128xf32, #tpu.memory_space<hbm>>
      tpu.wait_dma2 semaphore(%arg26 : memref<!tpu.dma_semaphore, #tpu.memory_space<semaphore_mem>>) src(%dma_wait3A_480 : memref<15625x128xf32, #tpu.memory_space<hbm>>) dst(%dma_wait3A_477 : memref<15625x128xf32, #tpu.memory_space<hbm>>)
      %dma_wait3A_481 = arith.constant 703125 : i32
      %dma_wait3A_482 = arith.constant 0 : i32
      %dma_wait3A_483 = tpu.memref_slice %arg25[%dma_wait3A_481, %dma_wait3A_482] : memref<1000000x128xf32, #tpu.memory_space<hbm>> -> memref<15625x128xf32, #tpu.memory_space<hbm>>
      %dma_wait3A_484 = arith.constant 703125 : i32
      %dma_wait3A_485 = arith.constant 0 : i32
      %dma_wait3A_486 = tpu.memref_slice %arg1[%dma_wait3A_484, %dma_wait3A_485] : memref<1000000x128xf32, #tpu.memory_space<hbm>> -> memref<15625x128xf32, #tpu.memory_space<hbm>>
      tpu.wait_dma2 semaphore(%arg26 : memref<!tpu.dma_semaphore, #tpu.memory_space<semaphore_mem>>) src(%dma_wait3A_486 : memref<15625x128xf32, #tpu.memory_space<hbm>>) dst(%dma_wait3A_483 : memref<15625x128xf32, #tpu.memory_space<hbm>>)
      %dma_wait3A_487 = arith.constant 718750 : i32
      %dma_wait3A_488 = arith.constant 0 : i32
      %dma_wait3A_489 = tpu.memref_slice %arg25[%dma_wait3A_487, %dma_wait3A_488] : memref<1000000x128xf32, #tpu.memory_space<hbm>> -> memref<15625x128xf32, #tpu.memory_space<hbm>>
      %dma_wait3A_490 = arith.constant 718750 : i32
      %dma_wait3A_491 = arith.constant 0 : i32
      %dma_wait3A_492 = tpu.memref_slice %arg1[%dma_wait3A_490, %dma_wait3A_491] : memref<1000000x128xf32, #tpu.memory_space<hbm>> -> memref<15625x128xf32, #tpu.memory_space<hbm>>
      tpu.wait_dma2 semaphore(%arg26 : memref<!tpu.dma_semaphore, #tpu.memory_space<semaphore_mem>>) src(%dma_wait3A_492 : memref<15625x128xf32, #tpu.memory_space<hbm>>) dst(%dma_wait3A_489 : memref<15625x128xf32, #tpu.memory_space<hbm>>)
      %dma_wait3A_493 = arith.constant 734375 : i32
      %dma_wait3A_494 = arith.constant 0 : i32
      %dma_wait3A_495 = tpu.memref_slice %arg25[%dma_wait3A_493, %dma_wait3A_494] : memref<1000000x128xf32, #tpu.memory_space<hbm>> -> memref<15625x128xf32, #tpu.memory_space<hbm>>
      %dma_wait3A_496 = arith.constant 734375 : i32
      %dma_wait3A_497 = arith.constant 0 : i32
      %dma_wait3A_498 = tpu.memref_slice %arg1[%dma_wait3A_496, %dma_wait3A_497] : memref<1000000x128xf32, #tpu.memory_space<hbm>> -> memref<15625x128xf32, #tpu.memory_space<hbm>>
      tpu.wait_dma2 semaphore(%arg26 : memref<!tpu.dma_semaphore, #tpu.memory_space<semaphore_mem>>) src(%dma_wait3A_498 : memref<15625x128xf32, #tpu.memory_space<hbm>>) dst(%dma_wait3A_495 : memref<15625x128xf32, #tpu.memory_space<hbm>>)
      %dma_wait3A_499 = arith.constant 750000 : i32
      %dma_wait3A_500 = arith.constant 0 : i32
      %dma_wait3A_501 = tpu.memref_slice %arg25[%dma_wait3A_499, %dma_wait3A_500] : memref<1000000x128xf32, #tpu.memory_space<hbm>> -> memref<15625x128xf32, #tpu.memory_space<hbm>>
      %dma_wait3A_502 = arith.constant 750000 : i32
      %dma_wait3A_503 = arith.constant 0 : i32
      %dma_wait3A_504 = tpu.memref_slice %arg1[%dma_wait3A_502, %dma_wait3A_503] : memref<1000000x128xf32, #tpu.memory_space<hbm>> -> memref<15625x128xf32, #tpu.memory_space<hbm>>
      tpu.wait_dma2 semaphore(%arg26 : memref<!tpu.dma_semaphore, #tpu.memory_space<semaphore_mem>>) src(%dma_wait3A_504 : memref<15625x128xf32, #tpu.memory_space<hbm>>) dst(%dma_wait3A_501 : memref<15625x128xf32, #tpu.memory_space<hbm>>)
      %dma_wait3A_505 = arith.constant 765625 : i32
      %dma_wait3A_506 = arith.constant 0 : i32
      %dma_wait3A_507 = tpu.memref_slice %arg25[%dma_wait3A_505, %dma_wait3A_506] : memref<1000000x128xf32, #tpu.memory_space<hbm>> -> memref<15625x128xf32, #tpu.memory_space<hbm>>
      %dma_wait3A_508 = arith.constant 765625 : i32
      %dma_wait3A_509 = arith.constant 0 : i32
      %dma_wait3A_510 = tpu.memref_slice %arg1[%dma_wait3A_508, %dma_wait3A_509] : memref<1000000x128xf32, #tpu.memory_space<hbm>> -> memref<15625x128xf32, #tpu.memory_space<hbm>>
      tpu.wait_dma2 semaphore(%arg26 : memref<!tpu.dma_semaphore, #tpu.memory_space<semaphore_mem>>) src(%dma_wait3A_510 : memref<15625x128xf32, #tpu.memory_space<hbm>>) dst(%dma_wait3A_507 : memref<15625x128xf32, #tpu.memory_space<hbm>>)
      %dma_wait3A_511 = arith.constant 781250 : i32
      %dma_wait3A_512 = arith.constant 0 : i32
      %dma_wait3A_513 = tpu.memref_slice %arg25[%dma_wait3A_511, %dma_wait3A_512] : memref<1000000x128xf32, #tpu.memory_space<hbm>> -> memref<15625x128xf32, #tpu.memory_space<hbm>>
      %dma_wait3A_514 = arith.constant 781250 : i32
      %dma_wait3A_515 = arith.constant 0 : i32
      %dma_wait3A_516 = tpu.memref_slice %arg1[%dma_wait3A_514, %dma_wait3A_515] : memref<1000000x128xf32, #tpu.memory_space<hbm>> -> memref<15625x128xf32, #tpu.memory_space<hbm>>
      tpu.wait_dma2 semaphore(%arg26 : memref<!tpu.dma_semaphore, #tpu.memory_space<semaphore_mem>>) src(%dma_wait3A_516 : memref<15625x128xf32, #tpu.memory_space<hbm>>) dst(%dma_wait3A_513 : memref<15625x128xf32, #tpu.memory_space<hbm>>)
      %dma_wait3A_517 = arith.constant 796875 : i32
      %dma_wait3A_518 = arith.constant 0 : i32
      %dma_wait3A_519 = tpu.memref_slice %arg25[%dma_wait3A_517, %dma_wait3A_518] : memref<1000000x128xf32, #tpu.memory_space<hbm>> -> memref<15625x128xf32, #tpu.memory_space<hbm>>
      %dma_wait3A_520 = arith.constant 796875 : i32
      %dma_wait3A_521 = arith.constant 0 : i32
      %dma_wait3A_522 = tpu.memref_slice %arg1[%dma_wait3A_520, %dma_wait3A_521] : memref<1000000x128xf32, #tpu.memory_space<hbm>> -> memref<15625x128xf32, #tpu.memory_space<hbm>>
      tpu.wait_dma2 semaphore(%arg26 : memref<!tpu.dma_semaphore, #tpu.memory_space<semaphore_mem>>) src(%dma_wait3A_522 : memref<15625x128xf32, #tpu.memory_space<hbm>>) dst(%dma_wait3A_519 : memref<15625x128xf32, #tpu.memory_space<hbm>>)
      %dma_wait3A_523 = arith.constant 812500 : i32
      %dma_wait3A_524 = arith.constant 0 : i32
      %dma_wait3A_525 = tpu.memref_slice %arg25[%dma_wait3A_523, %dma_wait3A_524] : memref<1000000x128xf32, #tpu.memory_space<hbm>> -> memref<15625x128xf32, #tpu.memory_space<hbm>>
      %dma_wait3A_526 = arith.constant 812500 : i32
      %dma_wait3A_527 = arith.constant 0 : i32
      %dma_wait3A_528 = tpu.memref_slice %arg1[%dma_wait3A_526, %dma_wait3A_527] : memref<1000000x128xf32, #tpu.memory_space<hbm>> -> memref<15625x128xf32, #tpu.memory_space<hbm>>
      tpu.wait_dma2 semaphore(%arg26 : memref<!tpu.dma_semaphore, #tpu.memory_space<semaphore_mem>>) src(%dma_wait3A_528 : memref<15625x128xf32, #tpu.memory_space<hbm>>) dst(%dma_wait3A_525 : memref<15625x128xf32, #tpu.memory_space<hbm>>)
      %dma_wait3A_529 = arith.constant 828125 : i32
      %dma_wait3A_530 = arith.constant 0 : i32
      %dma_wait3A_531 = tpu.memref_slice %arg25[%dma_wait3A_529, %dma_wait3A_530] : memref<1000000x128xf32, #tpu.memory_space<hbm>> -> memref<15625x128xf32, #tpu.memory_space<hbm>>
      %dma_wait3A_532 = arith.constant 828125 : i32
      %dma_wait3A_533 = arith.constant 0 : i32
      %dma_wait3A_534 = tpu.memref_slice %arg1[%dma_wait3A_532, %dma_wait3A_533] : memref<1000000x128xf32, #tpu.memory_space<hbm>> -> memref<15625x128xf32, #tpu.memory_space<hbm>>
      tpu.wait_dma2 semaphore(%arg26 : memref<!tpu.dma_semaphore, #tpu.memory_space<semaphore_mem>>) src(%dma_wait3A_534 : memref<15625x128xf32, #tpu.memory_space<hbm>>) dst(%dma_wait3A_531 : memref<15625x128xf32, #tpu.memory_space<hbm>>)
      %dma_wait3A_535 = arith.constant 843750 : i32
      %dma_wait3A_536 = arith.constant 0 : i32
      %dma_wait3A_537 = tpu.memref_slice %arg25[%dma_wait3A_535, %dma_wait3A_536] : memref<1000000x128xf32, #tpu.memory_space<hbm>> -> memref<15625x128xf32, #tpu.memory_space<hbm>>
      %dma_wait3A_538 = arith.constant 843750 : i32
      %dma_wait3A_539 = arith.constant 0 : i32
      %dma_wait3A_540 = tpu.memref_slice %arg1[%dma_wait3A_538, %dma_wait3A_539] : memref<1000000x128xf32, #tpu.memory_space<hbm>> -> memref<15625x128xf32, #tpu.memory_space<hbm>>
      tpu.wait_dma2 semaphore(%arg26 : memref<!tpu.dma_semaphore, #tpu.memory_space<semaphore_mem>>) src(%dma_wait3A_540 : memref<15625x128xf32, #tpu.memory_space<hbm>>) dst(%dma_wait3A_537 : memref<15625x128xf32, #tpu.memory_space<hbm>>)
      %dma_wait3A_541 = arith.constant 859375 : i32
      %dma_wait3A_542 = arith.constant 0 : i32
      %dma_wait3A_543 = tpu.memref_slice %arg25[%dma_wait3A_541, %dma_wait3A_542] : memref<1000000x128xf32, #tpu.memory_space<hbm>> -> memref<15625x128xf32, #tpu.memory_space<hbm>>
      %dma_wait3A_544 = arith.constant 859375 : i32
      %dma_wait3A_545 = arith.constant 0 : i32
      %dma_wait3A_546 = tpu.memref_slice %arg1[%dma_wait3A_544, %dma_wait3A_545] : memref<1000000x128xf32, #tpu.memory_space<hbm>> -> memref<15625x128xf32, #tpu.memory_space<hbm>>
      tpu.wait_dma2 semaphore(%arg26 : memref<!tpu.dma_semaphore, #tpu.memory_space<semaphore_mem>>) src(%dma_wait3A_546 : memref<15625x128xf32, #tpu.memory_space<hbm>>) dst(%dma_wait3A_543 : memref<15625x128xf32, #tpu.memory_space<hbm>>)
      %dma_wait3A_547 = arith.constant 875000 : i32
      %dma_wait3A_548 = arith.constant 0 : i32
      %dma_wait3A_549 = tpu.memref_slice %arg25[%dma_wait3A_547, %dma_wait3A_548] : memref<1000000x128xf32, #tpu.memory_space<hbm>> -> memref<15625x128xf32, #tpu.memory_space<hbm>>
      %dma_wait3A_550 = arith.constant 875000 : i32
      %dma_wait3A_551 = arith.constant 0 : i32
      %dma_wait3A_552 = tpu.memref_slice %arg1[%dma_wait3A_550, %dma_wait3A_551] : memref<1000000x128xf32, #tpu.memory_space<hbm>> -> memref<15625x128xf32, #tpu.memory_space<hbm>>
      tpu.wait_dma2 semaphore(%arg26 : memref<!tpu.dma_semaphore, #tpu.memory_space<semaphore_mem>>) src(%dma_wait3A_552 : memref<15625x128xf32, #tpu.memory_space<hbm>>) dst(%dma_wait3A_549 : memref<15625x128xf32, #tpu.memory_space<hbm>>)
      %dma_wait3A_553 = arith.constant 890625 : i32
      %dma_wait3A_554 = arith.constant 0 : i32
      %dma_wait3A_555 = tpu.memref_slice %arg25[%dma_wait3A_553, %dma_wait3A_554] : memref<1000000x128xf32, #tpu.memory_space<hbm>> -> memref<15625x128xf32, #tpu.memory_space<hbm>>
      %dma_wait3A_556 = arith.constant 890625 : i32
      %dma_wait3A_557 = arith.constant 0 : i32
      %dma_wait3A_558 = tpu.memref_slice %arg1[%dma_wait3A_556, %dma_wait3A_557] : memref<1000000x128xf32, #tpu.memory_space<hbm>> -> memref<15625x128xf32, #tpu.memory_space<hbm>>
      tpu.wait_dma2 semaphore(%arg26 : memref<!tpu.dma_semaphore, #tpu.memory_space<semaphore_mem>>) src(%dma_wait3A_558 : memref<15625x128xf32, #tpu.memory_space<hbm>>) dst(%dma_wait3A_555 : memref<15625x128xf32, #tpu.memory_space<hbm>>)
      %dma_wait3A_559 = arith.constant 906250 : i32
      %dma_wait3A_560 = arith.constant 0 : i32
      %dma_wait3A_561 = tpu.memref_slice %arg25[%dma_wait3A_559, %dma_wait3A_560] : memref<1000000x128xf32, #tpu.memory_space<hbm>> -> memref<15625x128xf32, #tpu.memory_space<hbm>>
      %dma_wait3A_562 = arith.constant 906250 : i32
      %dma_wait3A_563 = arith.constant 0 : i32
      %dma_wait3A_564 = tpu.memref_slice %arg1[%dma_wait3A_562, %dma_wait3A_563] : memref<1000000x128xf32, #tpu.memory_space<hbm>> -> memref<15625x128xf32, #tpu.memory_space<hbm>>
      tpu.wait_dma2 semaphore(%arg26 : memref<!tpu.dma_semaphore, #tpu.memory_space<semaphore_mem>>) src(%dma_wait3A_564 : memref<15625x128xf32, #tpu.memory_space<hbm>>) dst(%dma_wait3A_561 : memref<15625x128xf32, #tpu.memory_space<hbm>>)
      %dma_wait3A_565 = arith.constant 921875 : i32
      %dma_wait3A_566 = arith.constant 0 : i32
      %dma_wait3A_567 = tpu.memref_slice %arg25[%dma_wait3A_565, %dma_wait3A_566] : memref<1000000x128xf32, #tpu.memory_space<hbm>> -> memref<15625x128xf32, #tpu.memory_space<hbm>>
      %dma_wait3A_568 = arith.constant 921875 : i32
      %dma_wait3A_569 = arith.constant 0 : i32
      %dma_wait3A_570 = tpu.memref_slice %arg1[%dma_wait3A_568, %dma_wait3A_569] : memref<1000000x128xf32, #tpu.memory_space<hbm>> -> memref<15625x128xf32, #tpu.memory_space<hbm>>
      tpu.wait_dma2 semaphore(%arg26 : memref<!tpu.dma_semaphore, #tpu.memory_space<semaphore_mem>>) src(%dma_wait3A_570 : memref<15625x128xf32, #tpu.memory_space<hbm>>) dst(%dma_wait3A_567 : memref<15625x128xf32, #tpu.memory_space<hbm>>)
      %dma_wait3A_571 = arith.constant 937500 : i32
      %dma_wait3A_572 = arith.constant 0 : i32
      %dma_wait3A_573 = tpu.memref_slice %arg25[%dma_wait3A_571, %dma_wait3A_572] : memref<1000000x128xf32, #tpu.memory_space<hbm>> -> memref<15625x128xf32, #tpu.memory_space<hbm>>
      %dma_wait3A_574 = arith.constant 937500 : i32
      %dma_wait3A_575 = arith.constant 0 : i32
      %dma_wait3A_576 = tpu.memref_slice %arg1[%dma_wait3A_574, %dma_wait3A_575] : memref<1000000x128xf32, #tpu.memory_space<hbm>> -> memref<15625x128xf32, #tpu.memory_space<hbm>>
      tpu.wait_dma2 semaphore(%arg26 : memref<!tpu.dma_semaphore, #tpu.memory_space<semaphore_mem>>) src(%dma_wait3A_576 : memref<15625x128xf32, #tpu.memory_space<hbm>>) dst(%dma_wait3A_573 : memref<15625x128xf32, #tpu.memory_space<hbm>>)
      %dma_wait3A_577 = arith.constant 953125 : i32
      %dma_wait3A_578 = arith.constant 0 : i32
      %dma_wait3A_579 = tpu.memref_slice %arg25[%dma_wait3A_577, %dma_wait3A_578] : memref<1000000x128xf32, #tpu.memory_space<hbm>> -> memref<15625x128xf32, #tpu.memory_space<hbm>>
      %dma_wait3A_580 = arith.constant 953125 : i32
      %dma_wait3A_581 = arith.constant 0 : i32
      %dma_wait3A_582 = tpu.memref_slice %arg1[%dma_wait3A_580, %dma_wait3A_581] : memref<1000000x128xf32, #tpu.memory_space<hbm>> -> memref<15625x128xf32, #tpu.memory_space<hbm>>
      tpu.wait_dma2 semaphore(%arg26 : memref<!tpu.dma_semaphore, #tpu.memory_space<semaphore_mem>>) src(%dma_wait3A_582 : memref<15625x128xf32, #tpu.memory_space<hbm>>) dst(%dma_wait3A_579 : memref<15625x128xf32, #tpu.memory_space<hbm>>)
      %dma_wait3A_583 = arith.constant 968750 : i32
      %dma_wait3A_584 = arith.constant 0 : i32
      %dma_wait3A_585 = tpu.memref_slice %arg25[%dma_wait3A_583, %dma_wait3A_584] : memref<1000000x128xf32, #tpu.memory_space<hbm>> -> memref<15625x128xf32, #tpu.memory_space<hbm>>
      %dma_wait3A_586 = arith.constant 968750 : i32
      %dma_wait3A_587 = arith.constant 0 : i32
      %dma_wait3A_588 = tpu.memref_slice %arg1[%dma_wait3A_586, %dma_wait3A_587] : memref<1000000x128xf32, #tpu.memory_space<hbm>> -> memref<15625x128xf32, #tpu.memory_space<hbm>>
      tpu.wait_dma2 semaphore(%arg26 : memref<!tpu.dma_semaphore, #tpu.memory_space<semaphore_mem>>) src(%dma_wait3A_588 : memref<15625x128xf32, #tpu.memory_space<hbm>>) dst(%dma_wait3A_585 : memref<15625x128xf32, #tpu.memory_space<hbm>>)
      %dma_wait3A_589 = arith.constant 984375 : i32
      %dma_wait3A_590 = arith.constant 0 : i32
      %dma_wait3A_591 = tpu.memref_slice %arg25[%dma_wait3A_589, %dma_wait3A_590] : memref<1000000x128xf32, #tpu.memory_space<hbm>> -> memref<15625x128xf32, #tpu.memory_space<hbm>>
      %dma_wait3A_592 = arith.constant 984375 : i32
      %dma_wait3A_593 = arith.constant 0 : i32
      %dma_wait3A_594 = tpu.memref_slice %arg1[%dma_wait3A_592, %dma_wait3A_593] : memref<1000000x128xf32, #tpu.memory_space<hbm>> -> memref<15625x128xf32, #tpu.memory_space<hbm>>
      tpu.wait_dma2 semaphore(%arg26 : memref<!tpu.dma_semaphore, #tpu.memory_space<semaphore_mem>>) src(%dma_wait3A_594 : memref<15625x128xf32, #tpu.memory_space<hbm>>) dst(%dma_wait3A_591 : memref<15625x128xf32, #tpu.memory_space<hbm>>)
    } else {
    }
    %get3A = arith.constant 0 : index
    %get3A_7 = arith.constant 0 : index
    %get3A_8 = vector.load %arg2[%get3A, %get3A_7] : memref<2048x128xf32, #tpu.memory_space<vmem>>, vector<2048x128xf32>
    %get3A_9 = arith.constant 0 : index
    %get3A_10 = arith.constant 0 : index
    %get3A_11 = vector.load %arg3[%get3A_9, %get3A_10] : memref<2048x128xf32, #tpu.memory_space<vmem>>, vector<2048x128xf32>
    %get3A_12 = arith.constant 0 : index
    %get3A_13 = arith.constant 0 : index
    %get3A_14 = vector.load %arg4[%get3A_12, %get3A_13] : memref<2048x128xf32, #tpu.memory_space<vmem>>, vector<2048x128xf32>
    %get3A_15 = arith.constant 0 : index
    %get3A_16 = arith.constant 0 : index
    %get3A_17 = vector.load %arg5[%get3A_15, %get3A_16] : memref<128x128xf32, #tpu.memory_space<vmem>>, vector<128x128xf32>
    %dot_general3A = arith.constant dense<0.000000e+00> : vector<2048x128xf32>
    %dot_general3A_18 = tpu.matmul %get3A_8, %get3A_17, %dot_general3A {dimension_numbers = #tpu.dot_dimension_numbers<[1], [0], [0], [1], [0, 0, 1, 1], [], []>, transpose_lhs_hint = false} : vector<2048x128xf32>, vector<128x128xf32>, vector<2048x128xf32> -> vector<2048x128xf32>
    %get3A_19 = arith.constant 0 : index
    %get3A_20 = arith.constant 0 : index
    %get3A_21 = vector.load %arg6[%get3A_19, %get3A_20] : memref<1x128xf32, #tpu.memory_space<vmem>>, vector<1x128xf32>
    %add3A = vector.broadcast %get3A_21 : vector<1x128xf32> to vector<2048x128xf32>
    %add3A_22 = arith.addf %dot_general3A_18, %add3A : vector<2048x128xf32>
    %get3A_23 = arith.constant 0 : index
    %get3A_24 = arith.constant 0 : index
    %get3A_25 = vector.load %arg5[%get3A_23, %get3A_24] : memref<128x128xf32, #tpu.memory_space<vmem>>, vector<128x128xf32>
    %dot_general3A_26 = arith.constant dense<0.000000e+00> : vector<2048x128xf32>
    %dot_general3A_27 = tpu.matmul %get3A_11, %get3A_25, %dot_general3A_26 {dimension_numbers = #tpu.dot_dimension_numbers<[1], [0], [0], [1], [0, 0, 1, 1], [], []>, transpose_lhs_hint = false} : vector<2048x128xf32>, vector<128x128xf32>, vector<2048x128xf32> -> vector<2048x128xf32>
    %get3A_28 = arith.constant 0 : index
    %get3A_29 = arith.constant 0 : index
    %get3A_30 = vector.load %arg6[%get3A_28, %get3A_29] : memref<1x128xf32, #tpu.memory_space<vmem>>, vector<1x128xf32>
    %add3A_31 = vector.broadcast %get3A_30 : vector<1x128xf32> to vector<2048x128xf32>
    %add3A_32 = arith.addf %dot_general3A_27, %add3A_31 : vector<2048x128xf32>
    %get3A_33 = arith.constant 0 : index
    %get3A_34 = arith.constant 0 : index
    %get3A_35 = vector.load %arg5[%get3A_33, %get3A_34] : memref<128x128xf32, #tpu.memory_space<vmem>>, vector<128x128xf32>
    %dot_general3A_36 = arith.constant dense<0.000000e+00> : vector<2048x128xf32>
    %dot_general3A_37 = tpu.matmul %get3A_14, %get3A_35, %dot_general3A_36 {dimension_numbers = #tpu.dot_dimension_numbers<[1], [0], [0], [1], [0, 0, 1, 1], [], []>, transpose_lhs_hint = false} : vector<2048x128xf32>, vector<128x128xf32>, vector<2048x128xf32> -> vector<2048x128xf32>
    %get3A_38 = arith.constant 0 : index
    %get3A_39 = arith.constant 0 : index
    %get3A_40 = vector.load %arg6[%get3A_38, %get3A_39] : memref<1x128xf32, #tpu.memory_space<vmem>>, vector<1x128xf32>
    %add3A_41 = vector.broadcast %get3A_40 : vector<1x128xf32> to vector<2048x128xf32>
    %add3A_42 = arith.addf %dot_general3A_37, %add3A_41 : vector<2048x128xf32>
    %get3A_43 = arith.constant 0 : index
    %get3A_44 = arith.constant 0 : index
    %get3A_45 = vector.load %arg7[%get3A_43, %get3A_44] : memref<128x128xf32, #tpu.memory_space<vmem>>, vector<128x128xf32>
    %dot_general3A_46 = arith.constant dense<0.000000e+00> : vector<2048x128xf32>
    %dot_general3A_47 = tpu.matmul %add3A_22, %get3A_45, %dot_general3A_46 {dimension_numbers = #tpu.dot_dimension_numbers<[1], [0], [0], [1], [0, 0, 1, 1], [], []>, transpose_lhs_hint = false} : vector<2048x128xf32>, vector<128x128xf32>, vector<2048x128xf32> -> vector<2048x128xf32>
    %get3A_48 = arith.constant 0 : index
    %get3A_49 = arith.constant 0 : index
    %get3A_50 = vector.load %arg8[%get3A_48, %get3A_49] : memref<128x128xf32, #tpu.memory_space<vmem>>, vector<128x128xf32>
    %dot_general3A_51 = arith.constant dense<0.000000e+00> : vector<2048x128xf32>
    %dot_general3A_52 = tpu.matmul %add3A_32, %get3A_50, %dot_general3A_51 {dimension_numbers = #tpu.dot_dimension_numbers<[1], [0], [0], [1], [0, 0, 1, 1], [], []>, transpose_lhs_hint = false} : vector<2048x128xf32>, vector<128x128xf32>, vector<2048x128xf32> -> vector<2048x128xf32>
    %add3A_53 = arith.addf %dot_general3A_47, %dot_general3A_52 : vector<2048x128xf32>
    %get3A_54 = arith.constant 0 : index
    %get3A_55 = arith.constant 0 : index
    %get3A_56 = vector.load %arg9[%get3A_54, %get3A_55] : memref<1x128xf32, #tpu.memory_space<vmem>>, vector<1x128xf32>
    %add3A_57 = vector.broadcast %get3A_56 : vector<1x128xf32> to vector<2048x128xf32>
    %add3A_58 = arith.addf %add3A_53, %add3A_57 : vector<2048x128xf32>
    %max3A = arith.constant 0.000000e+00 : f32
    %max3A_59 = vector.broadcast %max3A : f32 to vector<2048x128xf32>
    %max3A_60 = arith.maximumf %add3A_58, %max3A_59 : vector<2048x128xf32>
    %get3A_61 = arith.constant 0 : index
    %get3A_62 = arith.constant 0 : index
    %get3A_63 = vector.load %arg8[%get3A_61, %get3A_62] : memref<128x128xf32, #tpu.memory_space<vmem>>, vector<128x128xf32>
    %dot_general3A_64 = arith.constant dense<0.000000e+00> : vector<2048x128xf32>
    %dot_general3A_65 = tpu.matmul %add3A_42, %get3A_63, %dot_general3A_64 {dimension_numbers = #tpu.dot_dimension_numbers<[1], [0], [0], [1], [0, 0, 1, 1], [], []>, transpose_lhs_hint = false} : vector<2048x128xf32>, vector<128x128xf32>, vector<2048x128xf32> -> vector<2048x128xf32>
    %add3A_66 = arith.addf %dot_general3A_47, %dot_general3A_65 : vector<2048x128xf32>
    %get3A_67 = arith.constant 0 : index
    %get3A_68 = arith.constant 0 : index
    %get3A_69 = vector.load %arg9[%get3A_67, %get3A_68] : memref<1x128xf32, #tpu.memory_space<vmem>>, vector<1x128xf32>
    %add3A_70 = vector.broadcast %get3A_69 : vector<1x128xf32> to vector<2048x128xf32>
    %add3A_71 = arith.addf %add3A_66, %add3A_70 : vector<2048x128xf32>
    %max3A_72 = arith.constant 0.000000e+00 : f32
    %max3A_73 = vector.broadcast %max3A_72 : f32 to vector<2048x128xf32>
    %max3A_74 = arith.maximumf %add3A_71, %max3A_73 : vector<2048x128xf32>
    %get3A_75 = arith.constant 0 : index
    %get3A_76 = arith.constant 0 : index
    %get3A_77 = vector.load %arg10[%get3A_75, %get3A_76] : memref<1x128xf32, #tpu.memory_space<vmem>>, vector<1x128xf32>
    %mul3A = vector.broadcast %get3A_77 : vector<1x128xf32> to vector<2048x128xf32>
    %mul3A_78 = arith.mulf %max3A_60, %mul3A : vector<2048x128xf32>
    %reduce_sum3A = arith.constant dense<0.000000e+00> : vector<2048xf32>
    %reduce_sum3A_79 = vector.multi_reduction <add>, %mul3A_78, %reduce_sum3A [1] : vector<2048x128xf32> to vector<2048xf32>
    %broadcast_in_dim3A = vector.shape_cast %reduce_sum3A_79 : vector<2048xf32> to vector<2048x1xf32>
    %get3A_80 = arith.constant 0 : index
    %get3A_81 = arith.constant 0 : index
    %get3A_82 = vector.load %arg11[%get3A_80, %get3A_81] : memref<1x1xf32, #tpu.memory_space<vmem>>, vector<1x1xf32>
    %add3A_83 = vector.broadcast %get3A_82 : vector<1x1xf32> to vector<2048x1xf32>
    %add3A_84 = arith.addf %broadcast_in_dim3A, %add3A_83 : vector<2048x1xf32>
    %swap3A = arith.constant 0 : index
    %swap3A_85 = arith.constant 0 : index
    %swap3A_86 = vector.load %arg21[%swap3A, %swap3A_85] : memref<2048x1xf32, #tpu.memory_space<vmem>>, vector<2048x1xf32>
    tpu.vector_store %arg21[%swap3A, %swap3A_85], %add3A_84 {strides = array<i32>} : memref<2048x1xf32, #tpu.memory_space<vmem>>, vector<2048x1xf32>,
    %get3A_87 = arith.constant 0 : index
    %get3A_88 = arith.constant 0 : index
    %get3A_89 = vector.load %arg10[%get3A_87, %get3A_88] : memref<1x128xf32, #tpu.memory_space<vmem>>, vector<1x128xf32>
    %mul3A_90 = vector.broadcast %get3A_89 : vector<1x128xf32> to vector<2048x128xf32>
    %mul3A_91 = arith.mulf %max3A_74, %mul3A_90 : vector<2048x128xf32>
    %reduce_sum3A_92 = arith.constant dense<0.000000e+00> : vector<2048xf32>
    %reduce_sum3A_93 = vector.multi_reduction <add>, %mul3A_91, %reduce_sum3A_92 [1] : vector<2048x128xf32> to vector<2048xf32>
    %broadcast_in_dim3A_94 = vector.shape_cast %reduce_sum3A_93 : vector<2048xf32> to vector<2048x1xf32>
    %get3A_95 = arith.constant 0 : index
    %get3A_96 = arith.constant 0 : index
    %get3A_97 = vector.load %arg11[%get3A_95, %get3A_96] : memref<1x1xf32, #tpu.memory_space<vmem>>, vector<1x1xf32>
    %add3A_98 = vector.broadcast %get3A_97 : vector<1x1xf32> to vector<2048x1xf32>
    %add3A_99 = arith.addf %broadcast_in_dim3A_94, %add3A_98 : vector<2048x1xf32>
    %swap3A_100 = arith.constant 0 : index
    %swap3A_101 = arith.constant 0 : index
    %swap3A_102 = vector.load %arg22[%swap3A_100, %swap3A_101] : memref<2048x1xf32, #tpu.memory_space<vmem>>, vector<2048x1xf32>
    tpu.vector_store %arg22[%swap3A_100, %swap3A_101], %add3A_99 {strides = array<i32>} : memref<2048x1xf32, #tpu.memory_space<vmem>>, vector<2048x1xf32>,
    %get3A_103 = arith.constant 0 : index
    %get3A_104 = arith.constant 0 : index
    %get3A_105 = vector.load %arg12[%get3A_103, %get3A_104] : memref<128x128xf32, #tpu.memory_space<vmem>>, vector<128x128xf32>
    %dot_general3A_106 = arith.constant dense<0.000000e+00> : vector<2048x128xf32>
    %dot_general3A_107 = tpu.matmul %get3A_8, %get3A_105, %dot_general3A_106 {dimension_numbers = #tpu.dot_dimension_numbers<[1], [0], [0], [1], [0, 0, 1, 1], [], []>, transpose_lhs_hint = false} : vector<2048x128xf32>, vector<128x128xf32>, vector<2048x128xf32> -> vector<2048x128xf32>
    %get3A_108 = arith.constant 0 : index
    %get3A_109 = arith.constant 0 : index
    %get3A_110 = vector.load %arg12[%get3A_108, %get3A_109] : memref<128x128xf32, #tpu.memory_space<vmem>>, vector<128x128xf32>
    %dot_general3A_111 = arith.constant dense<0.000000e+00> : vector<2048x128xf32>
    %dot_general3A_112 = tpu.matmul %get3A_11, %get3A_110, %dot_general3A_111 {dimension_numbers = #tpu.dot_dimension_numbers<[1], [0], [0], [1], [0, 0, 1, 1], [], []>, transpose_lhs_hint = false} : vector<2048x128xf32>, vector<128x128xf32>, vector<2048x128xf32> -> vector<2048x128xf32>
    %get3A_113 = arith.constant 0 : index
    %get3A_114 = arith.constant 0 : index
    %get3A_115 = vector.load %arg13[%get3A_113, %get3A_114] : memref<128x128xf32, #tpu.memory_space<vmem>>, vector<128x128xf32>
    %dot_general3A_116 = arith.constant dense<0.000000e+00> : vector<2048x128xf32>
    %dot_general3A_117 = tpu.matmul %get3A_11, %get3A_115, %dot_general3A_116 {dimension_numbers = #tpu.dot_dimension_numbers<[1], [0], [0], [1], [0, 0, 1, 1], [], []>, transpose_lhs_hint = false} : vector<2048x128xf32>, vector<128x128xf32>, vector<2048x128xf32> -> vector<2048x128xf32>
    %get3A_118 = arith.constant 0 : index
    %get3A_119 = arith.constant 0 : index
    %get3A_120 = vector.load %arg13[%get3A_118, %get3A_119] : memref<128x128xf32, #tpu.memory_space<vmem>>, vector<128x128xf32>
    %dot_general3A_121 = arith.constant dense<0.000000e+00> : vector<2048x128xf32>
    %dot_general3A_122 = tpu.matmul %get3A_8, %get3A_120, %dot_general3A_121 {dimension_numbers = #tpu.dot_dimension_numbers<[1], [0], [0], [1], [0, 0, 1, 1], [], []>, transpose_lhs_hint = false} : vector<2048x128xf32>, vector<128x128xf32>, vector<2048x128xf32> -> vector<2048x128xf32>
    %add3A_123 = arith.addf %dot_general3A_107, %dot_general3A_117 : vector<2048x128xf32>
    %get3A_124 = arith.constant 0 : index
    %get3A_125 = arith.constant 0 : index
    %get3A_126 = vector.load %arg14[%get3A_124, %get3A_125] : memref<1x128xf32, #tpu.memory_space<vmem>>, vector<1x128xf32>
    %add3A_127 = vector.broadcast %get3A_126 : vector<1x128xf32> to vector<2048x128xf32>
    %add3A_128 = arith.addf %add3A_123, %add3A_127 : vector<2048x128xf32>
    %max3A_129 = arith.constant 0.000000e+00 : f32
    %max3A_130 = vector.broadcast %max3A_129 : f32 to vector<2048x128xf32>
    %max3A_131 = arith.maximumf %add3A_128, %max3A_130 : vector<2048x128xf32>
    %get3A_132 = arith.constant 0 : index
    %get3A_133 = arith.constant 0 : index
    %get3A_134 = vector.load %arg15[%get3A_132, %get3A_133] : memref<128x128xf32, #tpu.memory_space<vmem>>, vector<128x128xf32>
    %dot_general3A_135 = arith.constant dense<0.000000e+00> : vector<2048x128xf32>
    %dot_general3A_136 = tpu.matmul %max3A_131, %get3A_134, %dot_general3A_135 {dimension_numbers = #tpu.dot_dimension_numbers<[1], [0], [0], [1], [0, 0, 1, 1], [], []>, transpose_lhs_hint = false} : vector<2048x128xf32>, vector<128x128xf32>, vector<2048x128xf32> -> vector<2048x128xf32>
    %get3A_137 = arith.constant 0 : index
    %get3A_138 = arith.constant 0 : index
    %get3A_139 = vector.load %arg16[%get3A_137, %get3A_138] : memref<1x128xf32, #tpu.memory_space<vmem>>, vector<1x128xf32>
    %add3A_140 = vector.broadcast %get3A_139 : vector<1x128xf32> to vector<2048x128xf32>
    %add3A_141 = arith.addf %dot_general3A_136, %add3A_140 : vector<2048x128xf32>
    %add3A_142 = arith.addf %dot_general3A_112, %dot_general3A_122 : vector<2048x128xf32>
    %get3A_143 = arith.constant 0 : index
    %get3A_144 = arith.constant 0 : index
    %get3A_145 = vector.load %arg14[%get3A_143, %get3A_144] : memref<1x128xf32, #tpu.memory_space<vmem>>, vector<1x128xf32>
    %add3A_146 = vector.broadcast %get3A_145 : vector<1x128xf32> to vector<2048x128xf32>
    %add3A_147 = arith.addf %add3A_142, %add3A_146 : vector<2048x128xf32>
    %max3A_148 = arith.constant 0.000000e+00 : f32
    %max3A_149 = vector.broadcast %max3A_148 : f32 to vector<2048x128xf32>
    %max3A_150 = arith.maximumf %add3A_147, %max3A_149 : vector<2048x128xf32>
    %get3A_151 = arith.constant 0 : index
    %get3A_152 = arith.constant 0 : index
    %get3A_153 = vector.load %arg15[%get3A_151, %get3A_152] : memref<128x128xf32, #tpu.memory_space<vmem>>, vector<128x128xf32>
    %dot_general3A_154 = arith.constant dense<0.000000e+00> : vector<2048x128xf32>
    %dot_general3A_155 = tpu.matmul %max3A_150, %get3A_153, %dot_general3A_154 {dimension_numbers = #tpu.dot_dimension_numbers<[1], [0], [0], [1], [0, 0, 1, 1], [], []>, transpose_lhs_hint = false} : vector<2048x128xf32>, vector<128x128xf32>, vector<2048x128xf32> -> vector<2048x128xf32>
    %get3A_156 = arith.constant 0 : index
    %get3A_157 = arith.constant 0 : index
    %get3A_158 = vector.load %arg16[%get3A_156, %get3A_157] : memref<1x128xf32, #tpu.memory_space<vmem>>, vector<1x128xf32>
    %add3A_159 = vector.broadcast %get3A_158 : vector<1x128xf32> to vector<2048x128xf32>
    %add3A_160 = arith.addf %dot_general3A_155, %add3A_159 : vector<2048x128xf32>
    %swap3A_161 = arith.constant 0 : index
    %swap3A_162 = arith.constant 0 : index
    %swap3A_163 = vector.load %arg24[%swap3A_161, %swap3A_162] : memref<2048x128xf32, #tpu.memory_space<vmem>>, vector<2048x128xf32>
    tpu.vector_store %arg24[%swap3A_161, %swap3A_162], %add3A_160 {strides = array<i32>} : memref<2048x128xf32, #tpu.memory_space<vmem>>, vector<2048x128xf32>,
    %get3A_164 = arith.constant 0 : index
    %get3A_165 = arith.constant 0 : index
    %get3A_166 = vector.load %arg17[%get3A_164, %get3A_165] : memref<128x384xf32, #tpu.memory_space<vmem>>, vector<128x384xf32>
    %get3A_167 = arith.constant 0 : index
    %get3A_168 = arith.constant 0 : index
    %get3A_169 = vector.load %arg18[%get3A_167, %get3A_168] : memref<128x384xf32, #tpu.memory_space<vmem>>, vector<128x384xf32>
    %get3A_170 = arith.constant 0 : index
    %get3A_171 = arith.constant 0 : index
    %get3A_172 = vector.load %arg19[%get3A_170, %get3A_171] : memref<1x384xf32, #tpu.memory_space<vmem>>, vector<1x384xf32>
    %get3A_173 = arith.constant 0 : index
    %get3A_174 = arith.constant 0 : index
    %get3A_175 = vector.load %arg20[%get3A_173, %get3A_174] : memref<1x384xf32, #tpu.memory_space<vmem>>, vector<1x384xf32>
    %dot_general3A_176 = arith.constant dense<0.000000e+00> : vector<2048x384xf32>
    %dot_general3A_177 = tpu.matmul %add3A_141, %get3A_166, %dot_general3A_176 {dimension_numbers = #tpu.dot_dimension_numbers<[1], [0], [0], [1], [0, 0, 1, 1], [], []>, transpose_lhs_hint = false} : vector<2048x128xf32>, vector<128x384xf32>, vector<2048x384xf32> -> vector<2048x384xf32>
    %add3A_178 = vector.broadcast %get3A_172 : vector<1x384xf32> to vector<2048x384xf32>
    %add3A_179 = arith.addf %dot_general3A_177, %add3A_178 : vector<2048x384xf32>
    %dot_general3A_180 = arith.constant dense<0.000000e+00> : vector<2048x384xf32>
    %dot_general3A_181 = tpu.matmul %get3A_8, %get3A_169, %dot_general3A_180 {dimension_numbers = #tpu.dot_dimension_numbers<[1], [0], [0], [1], [0, 0, 1, 1], [], []>, transpose_lhs_hint = false} : vector<2048x128xf32>, vector<128x384xf32>, vector<2048x384xf32> -> vector<2048x384xf32>
    %add3A_182 = vector.broadcast %get3A_175 : vector<1x384xf32> to vector<2048x384xf32>
    %add3A_183 = arith.addf %dot_general3A_181, %add3A_182 : vector<2048x384xf32>
    %slice3A = vector.extract_strided_slice %add3A_179 {offsets = [0, 0], sizes = [2048, 128], strides = [1, 1]} : vector<2048x384xf32> to vector<2048x128xf32>
    %slice3A_184 = vector.extract_strided_slice %add3A_183 {offsets = [0, 0], sizes = [2048, 128], strides = [1, 1]} : vector<2048x384xf32> to vector<2048x128xf32>
    %add3A_185 = arith.addf %slice3A, %slice3A_184 : vector<2048x128xf32>
    %logistic3A = arith.negf %add3A_185 : vector<2048x128xf32>
    %logistic3A_186 = math.exp %logistic3A : vector<2048x128xf32>
    %logistic3A_187 = arith.constant 1.000000e+00 : f32
    %logistic3A_188 = vector.broadcast %logistic3A_187 : f32 to vector<2048x128xf32>
    %logistic3A_189 = arith.addf %logistic3A_188, %logistic3A_186 : vector<2048x128xf32>
    %logistic3A_190 = arith.divf %logistic3A_188, %logistic3A_189 : vector<2048x128xf32>
    %slice3A_191 = vector.extract_strided_slice %add3A_179 {offsets = [0, 128], sizes = [2048, 128], strides = [1, 1]} : vector<2048x384xf32> to vector<2048x128xf32>
    %slice3A_192 = vector.extract_strided_slice %add3A_183 {offsets = [0, 128], sizes = [2048, 128], strides = [1, 1]} : vector<2048x384xf32> to vector<2048x128xf32>
    %add3A_193 = arith.addf %slice3A_191, %slice3A_192 : vector<2048x128xf32>
    %logistic3A_194 = arith.negf %add3A_193 : vector<2048x128xf32>
    %logistic3A_195 = math.exp %logistic3A_194 : vector<2048x128xf32>
    %logistic3A_196 = arith.constant 1.000000e+00 : f32
    %logistic3A_197 = vector.broadcast %logistic3A_196 : f32 to vector<2048x128xf32>
    %logistic3A_198 = arith.addf %logistic3A_197, %logistic3A_195 : vector<2048x128xf32>
    %logistic3A_199 = arith.divf %logistic3A_197, %logistic3A_198 : vector<2048x128xf32>
    %slice3A_200 = vector.extract_strided_slice %add3A_179 {offsets = [0, 256], sizes = [2048, 128], strides = [1, 1]} : vector<2048x384xf32> to vector<2048x128xf32>
    %slice3A_201 = vector.extract_strided_slice %add3A_183 {offsets = [0, 256], sizes = [2048, 128], strides = [1, 1]} : vector<2048x384xf32> to vector<2048x128xf32>
    %mul3A_202 = arith.mulf %logistic3A_190, %slice3A_201 : vector<2048x128xf32>
    %add3A_203 = arith.addf %slice3A_200, %mul3A_202 : vector<2048x128xf32>
    %tanh3A = math.tanh %add3A_203 : vector<2048x128xf32>
    %sub3A = arith.constant 1.000000e+00 : f32
    %sub3A_204 = vector.broadcast %sub3A : f32 to vector<2048x128xf32>
    %sub3A_205 = arith.subf %sub3A_204, %logistic3A_199 : vector<2048x128xf32>
    %mul3A_206 = arith.mulf %sub3A_205, %tanh3A : vector<2048x128xf32>
    %mul3A_207 = arith.mulf %logistic3A_199, %get3A_8 : vector<2048x128xf32>
    %add3A_208 = arith.addf %mul3A_206, %mul3A_207 : vector<2048x128xf32>
    %swap3A_209 = arith.constant 0 : index
    %swap3A_210 = arith.constant 0 : index
    %swap3A_211 = vector.load %arg23[%swap3A_209, %swap3A_210] : memref<2048x128xf32, #tpu.memory_space<vmem>>, vector<2048x128xf32>
    tpu.vector_store %arg23[%swap3A_209, %swap3A_210], %add3A_208 {strides = array<i32>} : memref<2048x128xf32, #tpu.memory_space<vmem>>, vector<2048x128xf32>,
    return
  }
  func.func @transform_1(%arg0: i32) -> (i32, i32) {
    %c0_i32 = arith.constant 0 : i32
    %c0_i32_0 = arith.constant 0 : i32
    return %arg0, %c0_i32 : i32, i32
  }
  func.func @transform_2(%arg0: i32) -> (i32, i32) {
    %c0_i32 = arith.constant 0 : i32
    %c0_i32_0 = arith.constant 0 : i32
    return %arg0, %c0_i32 : i32, i32
  }
  func.func @transform_3(%arg0: i32) -> (i32, i32) {
    %c0_i32 = arith.constant 0 : i32
    %c0_i32_0 = arith.constant 0 : i32
    return %arg0, %c0_i32 : i32, i32
  }
  func.func @transform_4(%arg0: i32) -> (i32, i32) {
    %c0_i32 = arith.constant 0 : i32
    %c0_i32_0 = arith.constant 0 : i32
    %c0_i32_1 = arith.constant 0 : i32
    return %c0_i32, %c0_i32_0 : i32, i32
  }
  func.func @transform_5(%arg0: i32) -> (i32, i32) {
    %c0_i32 = arith.constant 0 : i32
    %c0_i32_0 = arith.constant 0 : i32
    %c0_i32_1 = arith.constant 0 : i32
    return %c0_i32, %c0_i32_0 : i32, i32
  }
  func.func @transform_6(%arg0: i32) -> (i32, i32) {
    %c0_i32 = arith.constant 0 : i32
    %c0_i32_0 = arith.constant 0 : i32
    %c0_i32_1 = arith.constant 0 : i32
    return %c0_i32, %c0_i32_0 : i32, i32
  }
  func.func @transform_7(%arg0: i32) -> (i32, i32) {
    %c0_i32 = arith.constant 0 : i32
    %c0_i32_0 = arith.constant 0 : i32
    %c0_i32_1 = arith.constant 0 : i32
    return %c0_i32, %c0_i32_0 : i32, i32
  }
  func.func @transform_8(%arg0: i32) -> (i32, i32) {
    %c0_i32 = arith.constant 0 : i32
    %c0_i32_0 = arith.constant 0 : i32
    %c0_i32_1 = arith.constant 0 : i32
    return %c0_i32, %c0_i32_0 : i32, i32
  }
  func.func @transform_9(%arg0: i32) -> (i32, i32) {
    %c0_i32 = arith.constant 0 : i32
    %c0_i32_0 = arith.constant 0 : i32
    %c0_i32_1 = arith.constant 0 : i32
    return %c0_i32, %c0_i32_0 : i32, i32
  }
  func.func @transform_10(%arg0: i32) -> (i32, i32) {
    %c0_i32 = arith.constant 0 : i32
    %c0_i32_0 = arith.constant 0 : i32
    %c0_i32_1 = arith.constant 0 : i32
    return %c0_i32, %c0_i32_0 : i32, i32
  }
  func.func @transform_11(%arg0: i32) -> (i32, i32) {
    %c0_i32 = arith.constant 0 : i32
    %c0_i32_0 = arith.constant 0 : i32
    %c0_i32_1 = arith.constant 0 : i32
    return %c0_i32, %c0_i32_0 : i32, i32
  }
  func.func @transform_12(%arg0: i32) -> (i32, i32) {
    %c0_i32 = arith.constant 0 : i32
    %c0_i32_0 = arith.constant 0 : i32
    %c0_i32_1 = arith.constant 0 : i32
    return %c0_i32, %c0_i32_0 : i32, i32
  }
  func.func @transform_13(%arg0: i32) -> (i32, i32) {
    %c0_i32 = arith.constant 0 : i32
    %c0_i32_0 = arith.constant 0 : i32
    %c0_i32_1 = arith.constant 0 : i32
    return %c0_i32, %c0_i32_0 : i32, i32
  }
  func.func @transform_14(%arg0: i32) -> (i32, i32) {
    %c0_i32 = arith.constant 0 : i32
    %c0_i32_0 = arith.constant 0 : i32
    %c0_i32_1 = arith.constant 0 : i32
    return %c0_i32, %c0_i32_0 : i32, i32
  }
  func.func @transform_15(%arg0: i32) -> (i32, i32) {
    %c0_i32 = arith.constant 0 : i32
    %c0_i32_0 = arith.constant 0 : i32
    %c0_i32_1 = arith.constant 0 : i32
    return %c0_i32, %c0_i32_0 : i32, i32
  }
  func.func @transform_16(%arg0: i32) -> (i32, i32) {
    %c0_i32 = arith.constant 0 : i32
    %c0_i32_0 = arith.constant 0 : i32
    %c0_i32_1 = arith.constant 0 : i32
    return %c0_i32, %c0_i32_0 : i32, i32
  }
  func.func @transform_17(%arg0: i32) -> (i32, i32) {
    %c0_i32 = arith.constant 0 : i32
    %c0_i32_0 = arith.constant 0 : i32
    %c0_i32_1 = arith.constant 0 : i32
    return %c0_i32, %c0_i32_0 : i32, i32
  }
  func.func @transform_18(%arg0: i32) -> (i32, i32) {
    %c0_i32 = arith.constant 0 : i32
    %c0_i32_0 = arith.constant 0 : i32
    %c0_i32_1 = arith.constant 0 : i32
    return %c0_i32, %c0_i32_0 : i32, i32
  }
  func.func @transform_19(%arg0: i32) -> (i32, i32) {
    %c0_i32 = arith.constant 0 : i32
    %c0_i32_0 = arith.constant 0 : i32
    %c0_i32_1 = arith.constant 0 : i32
    return %c0_i32, %c0_i32_0 : i32, i32
  }
  func.func @transform_20(%arg0: i32) -> (i32, i32) {
    %c0_i32 = arith.constant 0 : i32
    %c0_i32_0 = arith.constant 0 : i32
    return %arg0, %c0_i32 : i32, i32
  }
  func.func @transform_21(%arg0: i32) -> (i32, i32) {
    %c0_i32 = arith.constant 0 : i32
    %c0_i32_0 = arith.constant 0 : i32
    return %arg0, %c0_i32 : i32, i32
  }
  func.func @transform_22(%arg0: i32) -> (i32, i32) {
    %c0_i32 = arith.constant 0 : i32
    %c0_i32_0 = arith.constant 0 : i32
    return %arg0, %c0_i32 : i32, i32
  }
  func.func @transform_23(%arg0: i32) -> (i32, i32) {
    %c0_i32 = arith.constant 0 : i32
    %c0_i32_0 = arith.constant 0 : i32
    return %arg0, %c0_i32 : i32, i32
  }
}

</mosaic_0001>

<sc_bundles>
// kernel: kernel.11.cloned.1.call-start
scs
__scs_entry_jumppad:
0x0: {  	(pc) =	sbr.rel $0x88, $3  }
0x1: {  	(tag) =	ssettag $0x0;
	lr =	simm.s32 $0x1  }
0x2: {  	[smem:$0x3F8F] =	sst lr;
	_ =	strace $0xD0000000  }
0x3: {  	_ = 	snop  }
0x4: {  	_ = 	snop  }
0x5: {  	_ = 	snop  }
0x6: {  	_ = 	snop  }
0x7: {  	_ = 	snop  }
__scs_overlays_trampoline_lowered:
0x8: {  	[smem:$0x3F9E] =	sst s0  }
0x9: {  	[smem:$0x3F9F] =	sst s1  }
0xa: {  	[smem:$0x3FA0] =	sst s2  }
0xb: {  	[smem:$0x3FA1] =	sst s3  }
0xc: {  	[smem:$0x3FA2] =	sst s4  }
0xd: {  	[smem:$0x3FA3] =	sst s5  }
0xe: {  	[smem:$0x3FA4] =	sst s6  }
0xf: {  	[smem:$0x3FA5] =	sst s7  }
0x10: {  	[smem:$0x3FA6] =	sst s8  }
0x11: {  	[smem:$0x3FA7] =	sst s9;
	s0 =	simm.s32 @!p0 $0x0  }
0x12: {  	s1 =	sld [smem:$0x3F8D];
	s0 =	simm.s32 @p0 $0x1  }
0x13: {  	[smem:$0x3FA8] =	sst s0;
	s0 =	simm.s32 @!p1 $0x0  }
0x14: {  	s2 =	sld [smem:$0x3F8C];
	s0 =	simm.s32 @p1 $0x1  }
0x15: {  	[smem:$0x3FA9] =	sst s0;
	s0 =	simm.s32 @!p2 $0x0  }
0x16: {  	s3 =	sld [smem:$0x3FDB];
	s0 =	simm.s32 @p2 $0x1  }
0x17: {  	s4 =	simm.s32 $0x1BF5;
	[smem:$0x3FAB] =	sst s0  }
0x18: {  	s0 =	sld [smem:$0x3F8E];
	_ =	swait.ge [sflag:s4], $0x0  }
0x19: {  	s7 =	sld [smem:$0x3F8F]  }
0x1a: {  	s8 =	sadd.s32 $0xFFFFE003, lr  }
0x1b: {  	s9 =	sadd.s32 $0xFFFFFEF7, lr;
	s5 =	simm.s32 $0xFFFFFFFF;
	p2 =	slt.u32 s8, $0xFFFFF086  }
0x1c: {  	p1 =	slt.u32 s9, $0xF7A;
	s5 =	simm.s32 @!p2 $0x0  }
0x1d: {  	s5 =	simm.s32 @p1 $0x1;
	p0 =	seq.s32 s7, s2  }
0x1e: {  	s7 =	smul.u32 @!p0 $0xF7A, s2;
	p2 =	seq.s32 @!p0 s5, $0x0  }
0x1f: {  	s9 =	smul.u32 $0xF7A, s1;
	s8 =	simm.s32 @!p0 $0x1BF5;
	p2 =	por !p2, p0  }
0x20: {  	[sflag:s8] =	ssyncset.s32 @!p0 $0xFFFFF086;
	s6 =	sadd.s32 @!p0 s3, s7;
	s7 =	simm.s32 @!p0 $0x108  }
0x21: {  	s3 =	sadd.s32 s3, s9;
	s6 =	sadd.s32 @!p0 $0x88, s6;
	s7 =	simm.s32 @p2 $0x1082  }
0x22: {  	[simem:s7], [sflag:s8] =	dma.local @!p0 [hbm:s6], $0xF7A  }
0x23: {  	s9 =	sor.u32 $0xD0000000, s2;
	s6 =	simm.s32 $0x108;
	_ =	swait.ge @!p0 [sflag:s8], $0x0  }
0x24: {  	s3 =	sadd.s32 $0x88, s3;
	s6 =	simm.s32 @!p1 $0x1082;
	[sflag:s4] =	ssyncset.s32 $0xFFFFF086  }
0x25: {  	[simem:s6], [sflag:s4] =	dma.local [hbm:s3], $0xF7A  }
0x26: {  	[smem:$0x3F8F] =	sst s1;
	(tag) =	ssettag s2;
	_ =	strace s9  }
0x27: {  	s1 =	sld [smem:$0x3F9F]  }
0x28: {  	s2 =	sld [smem:$0x3FA0]  }
0x29: {  	s4 =	sld [smem:$0x3FA2]  }
0x2a: {  	p0 =	seq.s32 s5, $0x0;
	s5 =	sld [smem:$0x3FA3]  }
0x2b: {  	s6 =	sld [smem:$0x3FA4]  }
0x2c: {  	s7 =	sld [smem:$0x3FA5]  }
0x2d: {  	s3 =	simm.s32 $0x108;
	s8 =	sld [smem:$0x3FA6]  }
0x2e: {  	s3 =	simm.s32 @!p0 $0x1082;
	s9 =	sld [smem:$0x3FA7]  }
0x2f: {  	lr =	sadd.s32 s0, s3;
	s0 =	sld [smem:$0x3F9E]  }
0x30: {  	s3 =	sld [smem:$0x3FA1]  }
0x31: {  	[smem:$0x3FAA] =	sst s10  }
0x32: {  	s10 =	sld [smem:$0x3FA8];
	_ =	sdelay $0x3  }
0x33: {  	p0 =	seq.s32 s10, $0x1;
	s10 =	sld [smem:$0x3FAA];
	_ =	sdelay $0x3  }
0x34: {  	[smem:$0x3FAA] =	sst s10  }
0x35: {  	s10 =	sld [smem:$0x3FA9];
	_ =	sdelay $0x3  }
0x36: {  	p1 =	seq.s32 s10, $0x1;
	s10 =	sld [smem:$0x3FAA];
	_ =	sdelay $0x3  }
0x37: {  	[smem:$0x3FAA] =	sst s10  }
0x38: {  	s10 =	sld [smem:$0x3FAB]  }
0x39: {  	_ = 	snop;
	(pc) =	sbr.ind lr, $3  }
0x3a: {  	_ = 	snop  }
0x3b: {  	_ = 	snop  }
0x3c: {  	p2 =	seq.s32 s10, $0x1;
	s10 =	sld [smem:$0x3FAA]  }
0x3d: {  	_ =	shalt  }
0x3e: {  	_ =	shalt  }
0x3f: {  	_ =	shalt  }
0x40: {  	_ =	shalt  }
0x41: {  	_ =	shalt  }
0x42: {  	_ =	shalt  }
0x43: {  	_ =	shalt  }
0x44: {  	_ =	shalt  }
0x45: {  	_ =	shalt  }
0x46: {  	_ =	shalt  }
0x47: {  	_ =	shalt  }
0x48: {  	_ =	shalt  }
0x49: {  	_ =	shalt  }
0x4a: {  	_ =	shalt  }
0x4b: {  	_ =	shalt  }
0x4c: {  	_ =	shalt  }
0x4d: {  	_ =	shalt  }
0x4e: {  	_ =	shalt  }
0x4f: {  	_ =	shalt  }
0x50: {  	_ =	shalt  }
0x51: {  	_ =	shalt  }
0x52: {  	_ =	shalt  }
0x53: {  	_ =	shalt  }
0x54: {  	_ =	shalt  }
0x55: {  	_ =	shalt  }
0x56: {  	_ =	shalt  }
0x57: {  	_ =	shalt  }
0x58: {  	_ =	shalt  }
0x59: {  	_ =	shalt  }
0x5a: {  	_ =	shalt  }
0x5b: {  	_ =	shalt  }
0x5c: {  	_ =	shalt  }
0x5d: {  	_ =	shalt  }
0x5e: {  	_ =	shalt  }
0x5f: {  	_ =	shalt  }
0x60: {  	_ =	shalt  }
0x61: {  	_ =	shalt  }
0x62: {  	_ =	shalt  }
0x63: {  	_ =	shalt  }
0x64: {  	_ =	shalt  }
0x65: {  	_ =	shalt  }
0x66: {  	_ =	shalt  }
0x67: {  	_ =	shalt  }
0x68: {  	_ =	shalt  }
0x69: {  	_ =	shalt  }
0x6a: {  	_ =	shalt  }
0x6b: {  	_ =	shalt  }
0x6c: {  	_ =	shalt  }
0x6d: {  	_ =	shalt  }
0x6e: {  	_ =	shalt  }
0x6f: {  	_ =	shalt  }
0x70: {  	_ =	shalt  }
0x71: {  	_ =	shalt  }
0x72: {  	_ =	shalt  }
0x73: {  	_ =	shalt  }
0x74: {  	_ =	shalt  }
0x75: {  	_ =	shalt  }
0x76: {  	_ =	shalt  }
0x77: {  	_ =	shalt  }
0x78: {  	_ =	shalt  }
0x79: {  	_ =	shalt  }
0x7a: {  	_ =	shalt  }
0x7b: {  	_ =	shalt  }
0x7c: {  	_ =	shalt  }
0x7d: {  	_ =	shalt  }
0x7e: {  	_ =	shalt  }
0x7f: {  	_ =	shalt  }
0x80: {  	_ =	shalt  }
0x81: {  	_ =	shalt  }
0x82: {  	_ =	shalt  }
0x83: {  	_ =	shalt  }
0x84: {  	_ =	shalt  }
0x85: {  	_ =	shalt  }
0x86: {  	_ =	shalt  }
0x87: {  	_ =	shalt  }
.Lfunc_end0:
.L_simem_size_0:
called_computation.1_lowered:
.L_overlay_start_0:
0x88: {  	s2 =	sld [smem:$0x3FD9]  }
0x89: {  	s3 =	sld [smem:$0x3FFE];
	_ =	sdelay $0x1  }
0x8a: {  	s1 =	srdreg.scid  }
0x8b: {  	s0 =	sand.u32 $0x1, s1  }
0x8c: {  	s14 =	sshll.u32 s0, $0xA;
	s2 =	sadd.s32 s3, s2  }
0x8d: {  	s2 =	sadd.s32 s2, s14  }
0x8e: {  	[smem:$0x3FB6] =	sst s2  }
0x8f: {  	_ = 	snop  }
0x90: {  	s2 =	sld [smem:$0x3FD0];
	_ =	sdelay $0x2  }
0x91: {  	s4 =	simm.s32 $0xA;
	s5 =	simm.s32 $0x10;
	s15 =	sld [smem:$0x3FC9]  }
0x92: {  	[smem:s5], [sflag:s4] =	dma.local [hbm:s2], $0x1  }
0x93: {  	_ =	swait.eq [sflag:s4], $0x1  }
0x94: {  	[sflag:s4] =	ssyncset.done $0x0  }
0x95: {  	[sflag:s4] =	ssyncadd.s32 $0xFFFFFFFF  }
0x96: {  	s16 =	sld [smem:$0x12];
	(tm) =	ssettm $0x1  }
0x97: {  	s17 =	sld [smem:$0x3FFB];
	_ =	sdelay $0x3  }
0x98: {  	_ =	strace s17  }
0x99: {  	s4 =	sld [smem:$0x3FFC];
	_ =	sdelay $0x3  }
0x9a: {  	_ =	strace s4  }
0x9b: {  	s4 =	sld [smem:$0x3FFD];
	_ =	sdelay $0x3  }
0x9c: {  	_ =	strace s4  }
0x9d: {  	_ =	strace $0x8FFFFFFF  }
0x9e: {  	s18 =	sld [smem:$0x3FDB];
	_ =	sdelay $0x1  }
0x9f: {  	s19 =	simm.s32 $_scs_section_size  }
0xa0: {  	s6 =	simm.s32 $_size__tile_overlayer_lowered;
	s7 =	simm.s32 $_tile_overlayer_lowered  }
0xa1: {  	s22 =	simm.s32 $0x1BFF;
	s21 =	sshll.u32 s7, $0x1;
	s4 =	sadd.s32 s19, s18  }
0xa2: {  	s8 =	simm.s32 $0x0;
	s20 =	sshll.u32 s6, $0x1;
	s6 =	sadd.s32 s21, s4  }
0xa3: {  	[timem:s8], [sflag:s22] =	dma.local [hbm:s6], s20  }
0xa4: {  	_ =	swait.ge [sflag:s22], s20  }
0xa5: {  	s5 =	ssub.s32 $0x0, s20;
	[sflag:s22] =	ssyncset.done $0x0  }
0xa6: {  	[sflag:s22] =	ssyncadd.s32 s5;
	_ =	sdelay $0x1  }
0xa7: {  	s23 =	simm.s32 $0x1B8B  }
0xa8: {  	_ =	swait.ge [sflag:s23], $0x1  }
0xa9: {  	[sflag:s23] =	ssyncset.done $0x0  }
0xaa: {  	s25 =	simm.s32 $0x1B8E;
	s24 =	sld [smem:$0x3FFE];
	[sflag:s23] =	ssyncadd.s32 $0xFFFFFFFF  }
0xab: {  	s26 =	simm.s32 $execute0_lowered;
	[smem:$0x3FD2] =	sst s25  }
0xac: {  	s6 =	sshll.u32 s26, $0x1;
	_ =	strace $0x80000049;
	[dreg:$0x1] =	wrdreg $0xFFFFFFFF  }
0xad: {  	s28 =	simm.s32 $_size_execute0_lowered;
	s4 =	sadd.s32 s4, s6;
	[dreg:$0x0] =	wrdreg $0x0  }
0xae: {  	s6 =	sshll.u32 s28, $0x1;
	[dreg:$0x2] =	wrdreg s4  }
0xaf: {  	[dreg:$0x3] =	wrdreg s6  }
0xb0: {  	[dreg:$0x4] =	wrdreg $0xC0  }
0xb1: {  	_ =	task [dreg:s8], $0x5FFFF  }
0xb2: {  	[dreg:$0x1] =	wrdreg $0xFFFFFFFF  }
0xb3: {  	[dreg:$0x0] =	wrdreg $0x60  }
0xb4: {  	[dreg:$0x2] =	wrdreg s16  }
0xb5: {  	[dreg:$0x3] =	wrdreg s15  }
0xb6: {  	[dreg:$0x4] =	wrdreg s24  }
0xb7: {  	[dreg:$0x5] =	wrdreg $0x9  }
0xb8: {  	_ =	task.clear_ibuf [dreg:s8], $0x6FFFF;
	_ =	strace $0x90000049  }
0xb9: {  	s29 =	simm.s32 $0x9;
	_ =	strace $0x8000004B  }
0xba: {  	_ =	swait.ge [sflag:s29], $0x1  }
0xbb: {  	[sflag:s29] =	ssyncadd.s32 $0xFFFFFFFF  }
0xbc: {  	_ =	strace $0x9000004B  }
0xbd: {  	_ =	sfence  }
0xbe: {  	s30 =	sld [smem:$0x0];
	_ =	sdelay $0x2  }
0xbf: {  	s31 =	sshll.u32 s1, $0xD;
	s1 =	sshrl.u32 s1, $0x2  }
0xc0: {  	s3 =	sand.u32 $0x4000, s31;
	s1 =	sadd.s32 s1, s30  }
0xc1: {  	s0 =	sor.u32 s3, s0;
	s1 =	sshll.u32 s1, $0x11  }
0xc2: {  	s0 =	sor.u32 s1, s0  }
0xc3: {  	s0 =	sadd.s32 $0x8F2B, s0  }
0xc4: {  	[sflag:s0] =	ssyncadd.remote.s32 $0x1  }
0xc5: {  	_ =	sfence.sel $0xFFFF  }
0xc6: {  	[dreg:$0x0] =	wrdreg $0xFFFFFFFF;
	(pc) =	sbr.abs _section_cstart, $3  }
0xc7: {  	[dreg:$0x1] =	wrdreg $0xFFFFFFFF  }
0xc8: {  	_ =	task.clear_ibuf [dreg:s8], $0x2FFFF;
	_ =	strace $0x9FFFFFFF  }
0xc9: {  	(tm) =	ssettm $0x7FFFFFFF  }
tec
execute0_lowered:
.L_overlay_start_1:
0x0: {  	(tag) =	ssettag $0x1  }
0x1: {  	s1 =	rddreg [dreg:$0x0];
	s2 =	srdreg.scid  }
0x2: {  	s13 =	rddreg [dreg:$0x1];
	s0 =	stileid.u32;
	s14 =	sand.u32 $0x1, s2  }
0x3: {  	s6 =	rddreg [dreg:$0x2];
	s4 =	sshll.u32 s0, $0xA;
	s5 =	sshll.u32 s14, $0x9  }
0x4: {  	s3 =	simm.s32 $0x0;
	s2 =	rddreg [dreg:$0x3];
	s15 =	sor.u32 s5, s4  }
0x5: {  	[smem:$0x7FF] =	sst s3;
	s4 =	sshrl.u32 s15, $0x3  }
0x6: {  	_ =	strace $0x8000004A;
	s5 =	simm.s32 $0x2;
	s4 =	sadd.s32 s13, s4  }
0x7: {  	[tilespmem:s3], [sflag:$0x2] =	stream.linear.gather [hbm4b:s4+s3], $0x80, $0x38;
	[tilespmem:$0x4080] =	vst v63  }
0x8: {  	_ =	swait.ge [sflag:s5], $0x80  }
0x9: {  	s16 =	sadd.s32 $0xC5000, s6;
	s29 =	sshll.u32 s15, $0x4;
	[sflag:s5] =	ssyncset.done $0x0  }
0xa: {  	s7 =	simm.s32 $0x80;
	s6 =	sadd.s32 s16, s29;
	[sflag:s5] =	ssyncadd.s32 $0xFFFFFF80  }
0xb: {  	[tilespmem:s7], [sflag:$0x2] =	stream.linear.gather [hbm4b:s6+s3], $0x4000, $0x38;
	[tilespmem:$0x4080] =	vst v63  }
0xc: {  	_ =	swait.ge [sflag:s5], $0x4000  }
0xd: {  	[sflag:s5] =	ssyncset.done $0x0  }
0xe: {  	s8 =	simm.s32 $0x1;
	[sflag:s5] =	ssyncadd.s32 $0xFFFFC000  }
0xf: {  	[hbm4b:s1+s7] =	stream.indirect.scatter [tilespmem:s7], [sflag:$0x1], $0x80, s3, s7, $0xb8;
	[tilespmem:$0x4080] =	vst v63  }
0x10: {  	s10 =	sor.u32 $0x80, s15;
	_ =	swait.ge [sflag:s8], $0x4000  }
0x11: {  	s9 =	sshrl.u32 s10, $0x3;
	[sflag:s8] =	ssyncset.done $0x0  }
0x12: {  	s9 =	sadd.s32 s13, s9;
	[sflag:s8] =	ssyncadd.s32 $0xFFFFC000  }
0x13: {  	[tilespmem:s3], [sflag:$0x2] =	stream.linear.gather [hbm4b:s9+s3], $0x80, $0x38;
	[tilespmem:$0x4080] =	vst v63  }
0x14: {  	_ =	swait.ge [sflag:s5], $0x80  }
0x15: {  	s10 =	sshll.u32 s10, $0x4;
	[sflag:s5] =	ssyncset.done $0x0  }
0x16: {  	s10 =	sadd.s32 s16, s10;
	[sflag:s5] =	ssyncadd.s32 $0xFFFFFF80  }
0x17: {  	[tilespmem:s7], [sflag:$0x2] =	stream.linear.gather [hbm4b:s10+s3], $0x4000, $0x38;
	[tilespmem:$0x4080] =	vst v63  }
0x18: {  	_ =	swait.ge [sflag:s5], $0x4000  }
0x19: {  	[sflag:s5] =	ssyncset.done $0x0  }
0x1a: {  	[sflag:s5] =	ssyncadd.s32 $0xFFFFC000  }
0x1b: {  	[hbm4b:s1+s7] =	stream.indirect.scatter [tilespmem:s7], [sflag:$0x1], $0x80, s3, s7, $0xb8;
	[tilespmem:$0x4080] =	vst v63  }
0x1c: {  	s12 =	sor.u32 $0x100, s15;
	_ =	swait.ge [sflag:s8], $0x4000  }
0x1d: {  	s11 =	sshrl.u32 s12, $0x3;
	[sflag:s8] =	ssyncset.done $0x0  }
0x1e: {  	s11 =	sadd.s32 s13, s11;
	[sflag:s8] =	ssyncadd.s32 $0xFFFFC000  }
0x1f: {  	[tilespmem:s3], [sflag:$0x2] =	stream.linear.gather [hbm4b:s11+s3], $0x80, $0x38;
	[tilespmem:$0x4080] =	vst v63  }
0x20: {  	_ =	swait.ge [sflag:s5], $0x80  }
0x21: {  	s12 =	sshll.u32 s12, $0x4;
	[sflag:s5] =	ssyncset.done $0x0  }
0x22: {  	s12 =	sadd.s32 s16, s12;
	[sflag:s5] =	ssyncadd.s32 $0xFFFFFF80  }
0x23: {  	[tilespmem:s7], [sflag:$0x2] =	stream.linear.gather [hbm4b:s12+s3], $0x4000, $0x38;
	[tilespmem:$0x4080] =	vst v63  }
0x24: {  	_ =	swait.ge [sflag:s5], $0x4000  }
0x25: {  	[sflag:s5] =	ssyncset.done $0x0  }
0x26: {  	[sflag:s5] =	ssyncadd.s32 $0xFFFFC000  }
0x27: {  	[hbm4b:s1+s7] =	stream.indirect.scatter [tilespmem:s7], [sflag:$0x1], $0x80, s3, s7, $0xb8;
	[tilespmem:$0x4080] =	vst v63  }
0x28: {  	s15 =	sor.u32 $0x180, s15;
	_ =	swait.ge [sflag:s8], $0x4000  }
0x29: {  	s17 =	sshrl.u32 s15, $0x3;
	[sflag:s8] =	ssyncset.done $0x0  }
0x2a: {  	s30 =	ssub.s32 $0x2, s14;
	s13 =	sadd.s32 s13, s17;
	[sflag:s8] =	ssyncadd.s32 $0xFFFFC000  }
0x2b: {  	[tilespmem:s3], [sflag:$0x2] =	stream.linear.gather [hbm4b:s13+s3], $0x80, $0x38;
	[tilespmem:$0x4080] =	vst v63  }
0x2c: {  	s31 =	sshrl.u32 s30, $0x1;
	s15 =	sshll.u32 s15, $0x4;
	_ =	swait.ge [sflag:s5], $0x80  }
0x2d: {  	s14 =	sadd.s32 s16, s15;
	s15 =	ssub.s32 s30, s31;
	[sflag:s5] =	ssyncset.done $0x0  }
0x2e: {  	s15 =	smax.u32 s15, $0x1;
	[sflag:s5] =	ssyncadd.s32 $0xFFFFFF80  }
0x2f: {  	[tilespmem:s7], [sflag:$0x2] =	stream.linear.gather [hbm4b:s14+s3], $0x4000, $0x38;
	[tilespmem:$0x4080] =	vst v63  }
0x30: {  	p0 =	sne.s32 s15, $0x1;
	_ =	swait.ge [sflag:s5], $0x4000  }
.Ltmp0:
0x31: {  	[sflag:s5] =	ssyncset.done $0x0;
	(pc) =	sbr.rel @!p0 .LBB2_2-.Ltmp0, $4  }
0x32: {  	[sflag:s5] =	ssyncadd.s32 $0xFFFFC000  }
0x33: {  	[hbm4b:s1+s7] =	stream.indirect.scatter [tilespmem:s7], [sflag:$0x1], $0x80, s3, s7, $0xb8;
	[tilespmem:$0x4080] =	vst v63  }
0x34: {  	_ =	swait.ge [sflag:s8], $0x4000  }
0x35: {  	s15 =	sadd.s32 $0xFFFFFFFF, s15;
	[sflag:s8] =	ssyncset.done $0x0  }
.LBB2_1:
0x36: {  	p0 =	sne.s32 s15, $0x1;
	s15 =	sadd.s32 $0xFFFFFFFF, s15;
	[sflag:s8] =	ssyncadd.s32 $0xFFFFC000  }
0x37: {  	[tilespmem:s3], [sflag:$0x2] =	stream.linear.gather [hbm4b:s4+s3], $0x80, $0x38;
	[tilespmem:$0x4080] =	vst v63  }
0x38: {  	_ =	swait.ge [sflag:s5], $0x80  }
0x39: {  	[sflag:s5] =	ssyncset.done $0x0  }
0x3a: {  	[sflag:s5] =	ssyncadd.s32 $0xFFFFFF80  }
0x3b: {  	[tilespmem:s7], [sflag:$0x2] =	stream.linear.gather [hbm4b:s6+s3], $0x4000, $0x38;
	[tilespmem:$0x4080] =	vst v63  }
0x3c: {  	_ =	swait.ge [sflag:s5], $0x4000  }
0x3d: {  	[sflag:s5] =	ssyncset.done $0x0  }
0x3e: {  	[sflag:s5] =	ssyncadd.s32 $0xFFFFC000  }
0x3f: {  	[hbm4b:s1+s7] =	stream.indirect.scatter [tilespmem:s7], [sflag:$0x1], $0x80, s3, s7, $0xb8;
	[tilespmem:$0x4080] =	vst v63  }
0x40: {  	_ =	swait.ge [sflag:s8], $0x4000  }
0x41: {  	[sflag:s8] =	ssyncset.done $0x0  }
0x42: {  	[sflag:s8] =	ssyncadd.s32 $0xFFFFC000  }
0x43: {  	[tilespmem:s3], [sflag:$0x2] =	stream.linear.gather [hbm4b:s9+s3], $0x80, $0x38;
	[tilespmem:$0x4080] =	vst v63  }
0x44: {  	_ =	swait.ge [sflag:s5], $0x80  }
0x45: {  	[sflag:s5] =	ssyncset.done $0x0  }
0x46: {  	[sflag:s5] =	ssyncadd.s32 $0xFFFFFF80  }
0x47: {  	[tilespmem:s7], [sflag:$0x2] =	stream.linear.gather [hbm4b:s10+s3], $0x4000, $0x38;
	[tilespmem:$0x4080] =	vst v63  }
0x48: {  	_ =	swait.ge [sflag:s5], $0x4000  }
0x49: {  	[sflag:s5] =	ssyncset.done $0x0  }
0x4a: {  	[sflag:s5] =	ssyncadd.s32 $0xFFFFC000  }
0x4b: {  	[hbm4b:s1+s7] =	stream.indirect.scatter [tilespmem:s7], [sflag:$0x1], $0x80, s3, s7, $0xb8;
	[tilespmem:$0x4080] =	vst v63  }
0x4c: {  	_ =	swait.ge [sflag:s8], $0x4000  }
0x4d: {  	[sflag:s8] =	ssyncset.done $0x0  }
0x4e: {  	[sflag:s8] =	ssyncadd.s32 $0xFFFFC000  }
0x4f: {  	[tilespmem:s3], [sflag:$0x2] =	stream.linear.gather [hbm4b:s11+s3], $0x80, $0x38;
	[tilespmem:$0x4080] =	vst v63  }
0x50: {  	_ =	swait.ge [sflag:s5], $0x80  }
0x51: {  	[sflag:s5] =	ssyncset.done $0x0  }
0x52: {  	[sflag:s5] =	ssyncadd.s32 $0xFFFFFF80  }
0x53: {  	[tilespmem:s7], [sflag:$0x2] =	stream.linear.gather [hbm4b:s12+s3], $0x4000, $0x38;
	[tilespmem:$0x4080] =	vst v63  }
0x54: {  	_ =	swait.ge [sflag:s5], $0x4000  }
0x55: {  	[sflag:s5] =	ssyncset.done $0x0  }
0x56: {  	[sflag:s5] =	ssyncadd.s32 $0xFFFFC000  }
0x57: {  	[hbm4b:s1+s7] =	stream.indirect.scatter [tilespmem:s7], [sflag:$0x1], $0x80, s3, s7, $0xb8;
	[tilespmem:$0x4080] =	vst v63  }
0x58: {  	_ =	swait.ge [sflag:s8], $0x4000  }
0x59: {  	[sflag:s8] =	ssyncset.done $0x0  }
0x5a: {  	[sflag:s8] =	ssyncadd.s32 $0xFFFFC000  }
0x5b: {  	[tilespmem:s3], [sflag:$0x2] =	stream.linear.gather [hbm4b:s13+s3], $0x80, $0x38;
	[tilespmem:$0x4080] =	vst v63  }
0x5c: {  	_ =	swait.ge [sflag:s5], $0x80  }
0x5d: {  	[sflag:s5] =	ssyncset.done $0x0  }
0x5e: {  	[sflag:s5] =	ssyncadd.s32 $0xFFFFFF80  }
0x5f: {  	[tilespmem:s7], [sflag:$0x2] =	stream.linear.gather [hbm4b:s14+s3], $0x4000, $0x38;
	[tilespmem:$0x4080] =	vst v63  }
0x60: {  	_ =	swait.ge [sflag:s5], $0x4000  }
.Ltmp1:
0x61: {  	[sflag:s5] =	ssyncset.done $0x0;
	(pc) =	sbr.rel @p0 .LBB2_1-.Ltmp1, $4  }
0x62: {  	[sflag:s5] =	ssyncadd.s32 $0xFFFFC000  }
0x63: {  	[hbm4b:s1+s7] =	stream.indirect.scatter [tilespmem:s7], [sflag:$0x1], $0x80, s3, s7, $0xb8;
	[tilespmem:$0x4080] =	vst v63  }
0x64: {  	_ =	swait.ge [sflag:s8], $0x4000  }
0x65: {  	[sflag:s8] =	ssyncset.done $0x0  }
.LBB2_2:
0x66: {  	[sflag:s8] =	ssyncadd.s32 $0xFFFFC000  }
0x67: {  	_ =	sfence.sel $0x180000  }
0x68: {  	[bflag:$0x0] =	sbarrier.arrive $0xFFFF  }
0x69: {  	p0 =	sne.s32 s0, $0x0;
	_ =	strace $0x9000004A  }
0x6a: {  	s0 =	sadd.s32 @!p0 $0x100000, s2;
	[bflag:$0x2] =	sbarrier.arrive $0xFFFF  }
0x6b: {  	[sflag:s0] =	ssyncadd.tile.s32 @!p0 $0x1;
	_ =	shalt  }
.Lfunc_end2:
_tile_overlayer_lowered:
.L_overlay_start_2:
0x6c: {  	(tag) =	ssettag $0x2  }
0x6d: {  	s0 =	rddreg [dreg:$0x0];
	s2 =	stileid.u32  }
0x6e: {  	s1 =	rddreg [dreg:$0x1];
	p0 =	sne.s32 s2, $0x0  }
0x6f: {  	s3 =	rddreg [dreg:$0x2];
	[bflag:$0x3] =	sbarrier.arrive $0xFFFF;
	s2 =	simm.s32 @!p0 $0x1C02  }
0x70: {  	[timem:s3], [sflag:s2] =	dma.local @!p0 [hbm:s0], s1  }
0x71: {  	s0 =	simm.s32 @!p0 $0x2  }
0x72: {  	_ =	swait.ge @!p0 [sflag:s0], s1  }
0x73: {  	s1 =	ssub.s32 @!p0 $0x0, s1;
	[sflag:s0] =	ssyncset.done @!p0 $0x0  }
0x74: {  	[sflag:s0] =	ssyncadd.s32 @!p0 s1  }
0x75: {  	[bflag:$0x3] =	sbarrier.arrive $0xFFFF  }
0x76: {  	_ =	shalt  }

// kernel: kernel.14.cloned.1.call-start
scs
__scs_entry_jumppad:
0x0: {  	(pc) =	sbr.rel $0x88, $3  }
0x1: {  	(tag) =	ssettag $0x0;
	lr =	simm.s32 $0x1  }
0x2: {  	[smem:$0x3F8F] =	sst lr;
	_ =	strace $0xD0000000  }
0x3: {  	_ = 	snop  }
0x4: {  	_ = 	snop  }
0x5: {  	_ = 	snop  }
0x6: {  	_ = 	snop  }
0x7: {  	_ = 	snop  }
__scs_overlays_trampoline_lowered:
0x8: {  	[smem:$0x3F9E] =	sst s0  }
0x9: {  	[smem:$0x3F9F] =	sst s1  }
0xa: {  	[smem:$0x3FA0] =	sst s2  }
0xb: {  	[smem:$0x3FA1] =	sst s3  }
0xc: {  	[smem:$0x3FA2] =	sst s4  }
0xd: {  	[smem:$0x3FA3] =	sst s5  }
0xe: {  	[smem:$0x3FA4] =	sst s6  }
0xf: {  	[smem:$0x3FA5] =	sst s7  }
0x10: {  	[smem:$0x3FA6] =	sst s8  }
0x11: {  	[smem:$0x3FA7] =	sst s9;
	s0 =	simm.s32 @!p0 $0x0  }
0x12: {  	s1 =	sld [smem:$0x3F8D];
	s0 =	simm.s32 @p0 $0x1  }
0x13: {  	[smem:$0x3FA8] =	sst s0;
	s0 =	simm.s32 @!p1 $0x0  }
0x14: {  	s2 =	sld [smem:$0x3F8C];
	s0 =	simm.s32 @p1 $0x1  }
0x15: {  	[smem:$0x3FA9] =	sst s0;
	s0 =	simm.s32 @!p2 $0x0  }
0x16: {  	s3 =	sld [smem:$0x3FDB];
	s0 =	simm.s32 @p2 $0x1  }
0x17: {  	s4 =	simm.s32 $0x1BF5;
	[smem:$0x3FAB] =	sst s0  }
0x18: {  	s0 =	sld [smem:$0x3F8E];
	_ =	swait.ge [sflag:s4], $0x0  }
0x19: {  	s7 =	sld [smem:$0x3F8F]  }
0x1a: {  	s8 =	sadd.s32 $0xFFFFE003, lr  }
0x1b: {  	s9 =	sadd.s32 $0xFFFFFEF7, lr;
	s5 =	simm.s32 $0xFFFFFFFF;
	p2 =	slt.u32 s8, $0xFFFFF086  }
0x1c: {  	p1 =	slt.u32 s9, $0xF7A;
	s5 =	simm.s32 @!p2 $0x0  }
0x1d: {  	s5 =	simm.s32 @p1 $0x1;
	p0 =	seq.s32 s7, s2  }
0x1e: {  	s7 =	smul.u32 @!p0 $0xF7A, s2;
	p2 =	seq.s32 @!p0 s5, $0x0  }
0x1f: {  	s9 =	smul.u32 $0xF7A, s1;
	s8 =	simm.s32 @!p0 $0x1BF5;
	p2 =	por !p2, p0  }
0x20: {  	[sflag:s8] =	ssyncset.s32 @!p0 $0xFFFFF086;
	s6 =	sadd.s32 @!p0 s3, s7;
	s7 =	simm.s32 @!p0 $0x108  }
0x21: {  	s3 =	sadd.s32 s3, s9;
	s6 =	sadd.s32 @!p0 $0x88, s6;
	s7 =	simm.s32 @p2 $0x1082  }
0x22: {  	[simem:s7], [sflag:s8] =	dma.local @!p0 [hbm:s6], $0xF7A  }
0x23: {  	s9 =	sor.u32 $0xD0000000, s2;
	s6 =	simm.s32 $0x108;
	_ =	swait.ge @!p0 [sflag:s8], $0x0  }
0x24: {  	s3 =	sadd.s32 $0x88, s3;
	s6 =	simm.s32 @!p1 $0x1082;
	[sflag:s4] =	ssyncset.s32 $0xFFFFF086  }
0x25: {  	[simem:s6], [sflag:s4] =	dma.local [hbm:s3], $0xF7A  }
0x26: {  	[smem:$0x3F8F] =	sst s1;
	(tag) =	ssettag s2;
	_ =	strace s9  }
0x27: {  	s1 =	sld [smem:$0x3F9F]  }
0x28: {  	s2 =	sld [smem:$0x3FA0]  }
0x29: {  	s4 =	sld [smem:$0x3FA2]  }
0x2a: {  	p0 =	seq.s32 s5, $0x0;
	s5 =	sld [smem:$0x3FA3]  }
0x2b: {  	s6 =	sld [smem:$0x3FA4]  }
0x2c: {  	s7 =	sld [smem:$0x3FA5]  }
0x2d: {  	s3 =	simm.s32 $0x108;
	s8 =	sld [smem:$0x3FA6]  }
0x2e: {  	s3 =	simm.s32 @!p0 $0x1082;
	s9 =	sld [smem:$0x3FA7]  }
0x2f: {  	lr =	sadd.s32 s0, s3;
	s0 =	sld [smem:$0x3F9E]  }
0x30: {  	s3 =	sld [smem:$0x3FA1]  }
0x31: {  	[smem:$0x3FAA] =	sst s10  }
0x32: {  	s10 =	sld [smem:$0x3FA8];
	_ =	sdelay $0x3  }
0x33: {  	p0 =	seq.s32 s10, $0x1;
	s10 =	sld [smem:$0x3FAA];
	_ =	sdelay $0x3  }
0x34: {  	[smem:$0x3FAA] =	sst s10  }
0x35: {  	s10 =	sld [smem:$0x3FA9];
	_ =	sdelay $0x3  }
0x36: {  	p1 =	seq.s32 s10, $0x1;
	s10 =	sld [smem:$0x3FAA];
	_ =	sdelay $0x3  }
0x37: {  	[smem:$0x3FAA] =	sst s10  }
0x38: {  	s10 =	sld [smem:$0x3FAB]  }
0x39: {  	_ = 	snop;
	(pc) =	sbr.ind lr, $3  }
0x3a: {  	_ = 	snop  }
0x3b: {  	_ = 	snop  }
0x3c: {  	p2 =	seq.s32 s10, $0x1;
	s10 =	sld [smem:$0x3FAA]  }
0x3d: {  	_ =	shalt  }
0x3e: {  	_ =	shalt  }
0x3f: {  	_ =	shalt  }
0x40: {  	_ =	shalt  }
0x41: {  	_ =	shalt  }
0x42: {  	_ =	shalt  }
0x43: {  	_ =	shalt  }
0x44: {  	_ =	shalt  }
0x45: {  	_ =	shalt  }
0x46: {  	_ =	shalt  }
0x47: {  	_ =	shalt  }
0x48: {  	_ =	shalt  }
0x49: {  	_ =	shalt  }
0x4a: {  	_ =	shalt  }
0x4b: {  	_ =	shalt  }
0x4c: {  	_ =	shalt  }
0x4d: {  	_ =	shalt  }
0x4e: {  	_ =	shalt  }
0x4f: {  	_ =	shalt  }
0x50: {  	_ =	shalt  }
0x51: {  	_ =	shalt  }
0x52: {  	_ =	shalt  }
0x53: {  	_ =	shalt  }
0x54: {  	_ =	shalt  }
0x55: {  	_ =	shalt  }
0x56: {  	_ =	shalt  }
0x57: {  	_ =	shalt  }
0x58: {  	_ =	shalt  }
0x59: {  	_ =	shalt  }
0x5a: {  	_ =	shalt  }
0x5b: {  	_ =	shalt  }
0x5c: {  	_ =	shalt  }
0x5d: {  	_ =	shalt  }
0x5e: {  	_ =	shalt  }
0x5f: {  	_ =	shalt  }
0x60: {  	_ =	shalt  }
0x61: {  	_ =	shalt  }
0x62: {  	_ =	shalt  }
0x63: {  	_ =	shalt  }
0x64: {  	_ =	shalt  }
0x65: {  	_ =	shalt  }
0x66: {  	_ =	shalt  }
0x67: {  	_ =	shalt  }
0x68: {  	_ =	shalt  }
0x69: {  	_ =	shalt  }
0x6a: {  	_ =	shalt  }
0x6b: {  	_ =	shalt  }
0x6c: {  	_ =	shalt  }
0x6d: {  	_ =	shalt  }
0x6e: {  	_ =	shalt  }
0x6f: {  	_ =	shalt  }
0x70: {  	_ =	shalt  }
0x71: {  	_ =	shalt  }
0x72: {  	_ =	shalt  }
0x73: {  	_ =	shalt  }
0x74: {  	_ =	shalt  }
0x75: {  	_ =	shalt  }
0x76: {  	_ =	shalt  }
0x77: {  	_ =	shalt  }
0x78: {  	_ =	shalt  }
0x79: {  	_ =	shalt  }
0x7a: {  	_ =	shalt  }
0x7b: {  	_ =	shalt  }
0x7c: {  	_ =	shalt  }
0x7d: {  	_ =	shalt  }
0x7e: {  	_ =	shalt  }
0x7f: {  	_ =	shalt  }
0x80: {  	_ =	shalt  }
0x81: {  	_ =	shalt  }
0x82: {  	_ =	shalt  }
0x83: {  	_ =	shalt  }
0x84: {  	_ =	shalt  }
0x85: {  	_ =	shalt  }
0x86: {  	_ =	shalt  }
0x87: {  	_ =	shalt  }
.Lfunc_end0:
.L_simem_size_0:
called_computation.2_lowered:
.L_overlay_start_0:
0x88: {  	s2 =	sld [smem:$0x3FD9]  }
0x89: {  	s3 =	sld [smem:$0x3FFE];
	_ =	sdelay $0x1  }
0x8a: {  	s1 =	srdreg.scid  }
0x8b: {  	s0 =	sand.u32 $0x1, s1  }
0x8c: {  	s14 =	sshll.u32 s0, $0xA;
	s2 =	sadd.s32 s3, s2  }
0x8d: {  	s2 =	sadd.s32 s2, s14  }
0x8e: {  	[smem:$0x3FB6] =	sst s2  }
0x8f: {  	_ = 	snop  }
0x90: {  	s2 =	sld [smem:$0x3FD0];
	_ =	sdelay $0x2  }
0x91: {  	s4 =	simm.s32 $0xA;
	s5 =	simm.s32 $0x10;
	s15 =	sld [smem:$0x3FC8]  }
0x92: {  	[smem:s5], [sflag:s4] =	dma.local [hbm:s2], $0x1  }
0x93: {  	_ =	swait.eq [sflag:s4], $0x1  }
0x94: {  	[sflag:s4] =	ssyncset.done $0x0  }
0x95: {  	[sflag:s4] =	ssyncadd.s32 $0xFFFFFFFF  }
0x96: {  	s16 =	sld [smem:$0x12];
	(tm) =	ssettm $0x1  }
0x97: {  	s17 =	sld [smem:$0x3FFB];
	_ =	sdelay $0x3  }
0x98: {  	_ =	strace s17  }
0x99: {  	s4 =	sld [smem:$0x3FFC];
	_ =	sdelay $0x3  }
0x9a: {  	_ =	strace s4  }
0x9b: {  	s4 =	sld [smem:$0x3FFD];
	_ =	sdelay $0x3  }
0x9c: {  	_ =	strace s4  }
0x9d: {  	_ =	strace $0x8FFFFFFF  }
0x9e: {  	s18 =	sld [smem:$0x3FDB];
	_ =	sdelay $0x1  }
0x9f: {  	s19 =	simm.s32 $_scs_section_size  }
0xa0: {  	s6 =	simm.s32 $_size__tile_overlayer_lowered;
	s7 =	simm.s32 $_tile_overlayer_lowered  }
0xa1: {  	s22 =	simm.s32 $0x1BFF;
	s21 =	sshll.u32 s7, $0x1;
	s4 =	sadd.s32 s19, s18  }
0xa2: {  	s8 =	simm.s32 $0x0;
	s20 =	sshll.u32 s6, $0x1;
	s6 =	sadd.s32 s21, s4  }
0xa3: {  	[timem:s8], [sflag:s22] =	dma.local [hbm:s6], s20  }
0xa4: {  	_ =	swait.ge [sflag:s22], s20  }
0xa5: {  	s5 =	ssub.s32 $0x0, s20;
	[sflag:s22] =	ssyncset.done $0x0  }
0xa6: {  	[sflag:s22] =	ssyncadd.s32 s5;
	_ =	sdelay $0x1  }
0xa7: {  	s23 =	simm.s32 $0x1B8B  }
0xa8: {  	_ =	swait.ge [sflag:s23], $0x1  }
0xa9: {  	[sflag:s23] =	ssyncset.done $0x0  }
0xaa: {  	s25 =	simm.s32 $0x1B8E;
	s24 =	sld [smem:$0x3FFE];
	[sflag:s23] =	ssyncadd.s32 $0xFFFFFFFF  }
0xab: {  	s26 =	simm.s32 $execute0_lowered;
	[smem:$0x3FD2] =	sst s25  }
0xac: {  	s6 =	sshll.u32 s26, $0x1;
	_ =	strace $0x8000004C;
	[dreg:$0x1] =	wrdreg $0xFFFFFFFF  }
0xad: {  	s28 =	simm.s32 $_size_execute0_lowered;
	s4 =	sadd.s32 s4, s6;
	[dreg:$0x0] =	wrdreg $0x0  }
0xae: {  	s6 =	sshll.u32 s28, $0x1;
	[dreg:$0x2] =	wrdreg s4  }
0xaf: {  	[dreg:$0x3] =	wrdreg s6  }
0xb0: {  	[dreg:$0x4] =	wrdreg $0xC0  }
0xb1: {  	_ =	task [dreg:s8], $0x5FFFF  }
0xb2: {  	[dreg:$0x1] =	wrdreg $0xFFFFFFFF  }
0xb3: {  	[dreg:$0x0] =	wrdreg $0x60  }
0xb4: {  	[dreg:$0x2] =	wrdreg s16  }
0xb5: {  	[dreg:$0x3] =	wrdreg s15  }
0xb6: {  	[dreg:$0x4] =	wrdreg s24  }
0xb7: {  	[dreg:$0x5] =	wrdreg $0x9  }
0xb8: {  	_ =	task.clear_ibuf [dreg:s8], $0x6FFFF;
	_ =	strace $0x9000004C  }
0xb9: {  	s29 =	simm.s32 $0x9;
	_ =	strace $0x8000004E  }
0xba: {  	_ =	swait.ge [sflag:s29], $0x1  }
0xbb: {  	[sflag:s29] =	ssyncadd.s32 $0xFFFFFFFF  }
0xbc: {  	_ =	strace $0x9000004E  }
0xbd: {  	_ =	sfence  }
0xbe: {  	s30 =	sld [smem:$0x0];
	_ =	sdelay $0x2  }
0xbf: {  	s31 =	sshll.u32 s1, $0xD;
	s1 =	sshrl.u32 s1, $0x2  }
0xc0: {  	s3 =	sand.u32 $0x4000, s31;
	s1 =	sadd.s32 s1, s30  }
0xc1: {  	s0 =	sor.u32 s3, s0;
	s1 =	sshll.u32 s1, $0x11  }
0xc2: {  	s0 =	sor.u32 s1, s0  }
0xc3: {  	s0 =	sadd.s32 $0x8F2B, s0  }
0xc4: {  	[sflag:s0] =	ssyncadd.remote.s32 $0x1  }
0xc5: {  	_ =	sfence.sel $0xFFFF  }
0xc6: {  	[dreg:$0x0] =	wrdreg $0xFFFFFFFF;
	(pc) =	sbr.abs _section_cstart, $3  }
0xc7: {  	[dreg:$0x1] =	wrdreg $0xFFFFFFFF  }
0xc8: {  	_ =	task.clear_ibuf [dreg:s8], $0x2FFFF;
	_ =	strace $0x9FFFFFFF  }
0xc9: {  	(tm) =	ssettm $0x7FFFFFFF  }
tec
execute0_lowered:
.L_overlay_start_1:
0x0: {  	(tag) =	ssettag $0x1  }
0x1: {  	s1 =	rddreg [dreg:$0x0];
	s2 =	srdreg.scid  }
0x2: {  	s13 =	rddreg [dreg:$0x1];
	s0 =	stileid.u32;
	s14 =	sand.u32 $0x1, s2  }
0x3: {  	s8 =	rddreg [dreg:$0x2];
	s4 =	sshll.u32 s0, $0xA;
	s5 =	sshll.u32 s14, $0x9  }
0x4: {  	s3 =	simm.s32 $0x0;
	s2 =	rddreg [dreg:$0x3];
	s15 =	sor.u32 s5, s4  }
0x5: {  	[smem:$0x7FF] =	sst s3;
	s4 =	sshrl.u32 s15, $0x3  }
0x6: {  	_ =	strace $0x8000004D;
	s5 =	sadd.s32 s13, s4;
	s4 =	simm.s32 $0x2  }
0x7: {  	[tilespmem:s3], [sflag:$0x2] =	stream.linear.gather [hbm4b:s5+s3], $0x80, $0x38;
	[tilespmem:$0x4080] =	vst v63  }
0x8: {  	_ =	swait.ge [sflag:s4], $0x80  }
0x9: {  	[sflag:s4] =	ssyncset.done $0x0  }
0xa: {  	s6 =	simm.s32 $0x80;
	s7 =	simm.s32 $0x1;
	[sflag:s4] =	ssyncadd.s32 $0xFFFFFF80  }
0xb: {  	[tilespmem:s6], [sflag:$0x1] =	stream.indirect.gather [hbm4b:s1+s6], $0x80, s3, s6, $0xb8;
	[tilespmem:$0x4080] =	vst v63  }
0xc: {  	_ =	swait.ge [sflag:s7], $0x4000  }
0xd: {  	s16 =	sadd.s32 $0x84E00, s8;
	s28 =	sshll.u32 s15, $0x4;
	[sflag:s7] =	ssyncset.done $0x0  }
0xe: {  	s8 =	sadd.s32 s16, s28;
	[sflag:s7] =	ssyncadd.s32 $0xFFFFC000  }
0xf: {  	[hbm4b:s8+s3] =	stream.linear.scatter [tilespmem:s6], [sflag:$0x2], $0x4000, $0x38;
	[tilespmem:$0x4080] =	vst v63  }
0x10: {  	s10 =	sor.u32 $0x80, s15;
	_ =	swait.ge [sflag:s4], $0x4000  }
0x11: {  	s9 =	sshrl.u32 s10, $0x3;
	[sflag:s4] =	ssyncset.done $0x0  }
0x12: {  	s9 =	sadd.s32 s13, s9;
	[sflag:s4] =	ssyncadd.s32 $0xFFFFC000  }
0x13: {  	[tilespmem:s3], [sflag:$0x2] =	stream.linear.gather [hbm4b:s9+s3], $0x80, $0x38;
	[tilespmem:$0x4080] =	vst v63  }
0x14: {  	_ =	swait.ge [sflag:s4], $0x80  }
0x15: {  	[sflag:s4] =	ssyncset.done $0x0  }
0x16: {  	[sflag:s4] =	ssyncadd.s32 $0xFFFFFF80  }
0x17: {  	[tilespmem:s6], [sflag:$0x1] =	stream.indirect.gather [hbm4b:s1+s6], $0x80, s3, s6, $0xb8;
	[tilespmem:$0x4080] =	vst v63  }
0x18: {  	_ =	swait.ge [sflag:s7], $0x4000  }
0x19: {  	s10 =	sshll.u32 s10, $0x4;
	[sflag:s7] =	ssyncset.done $0x0  }
0x1a: {  	s10 =	sadd.s32 s16, s10;
	[sflag:s7] =	ssyncadd.s32 $0xFFFFC000  }
0x1b: {  	[hbm4b:s10+s3] =	stream.linear.scatter [tilespmem:s6], [sflag:$0x2], $0x4000, $0x38;
	[tilespmem:$0x4080] =	vst v63  }
0x1c: {  	s12 =	sor.u32 $0x100, s15;
	_ =	swait.ge [sflag:s4], $0x4000  }
0x1d: {  	s11 =	sshrl.u32 s12, $0x3;
	[sflag:s4] =	ssyncset.done $0x0  }
0x1e: {  	s11 =	sadd.s32 s13, s11;
	[sflag:s4] =	ssyncadd.s32 $0xFFFFC000  }
0x1f: {  	[tilespmem:s3], [sflag:$0x2] =	stream.linear.gather [hbm4b:s11+s3], $0x80, $0x38;
	[tilespmem:$0x4080] =	vst v63  }
0x20: {  	_ =	swait.ge [sflag:s4], $0x80  }
0x21: {  	[sflag:s4] =	ssyncset.done $0x0  }
0x22: {  	[sflag:s4] =	ssyncadd.s32 $0xFFFFFF80  }
0x23: {  	[tilespmem:s6], [sflag:$0x1] =	stream.indirect.gather [hbm4b:s1+s6], $0x80, s3, s6, $0xb8;
	[tilespmem:$0x4080] =	vst v63  }
0x24: {  	_ =	swait.ge [sflag:s7], $0x4000  }
0x25: {  	s12 =	sshll.u32 s12, $0x4;
	[sflag:s7] =	ssyncset.done $0x0  }
0x26: {  	s12 =	sadd.s32 s16, s12;
	[sflag:s7] =	ssyncadd.s32 $0xFFFFC000  }
0x27: {  	[hbm4b:s12+s3] =	stream.linear.scatter [tilespmem:s6], [sflag:$0x2], $0x4000, $0x38;
	[tilespmem:$0x4080] =	vst v63  }
0x28: {  	s15 =	sor.u32 $0x180, s15;
	_ =	swait.ge [sflag:s4], $0x4000  }
0x29: {  	s17 =	sshrl.u32 s15, $0x3;
	[sflag:s4] =	ssyncset.done $0x0  }
0x2a: {  	s14 =	ssub.s32 $0x2, s14;
	s13 =	sadd.s32 s13, s17;
	[sflag:s4] =	ssyncadd.s32 $0xFFFFC000  }
0x2b: {  	[tilespmem:s3], [sflag:$0x2] =	stream.linear.gather [hbm4b:s13+s3], $0x80, $0x38;
	[tilespmem:$0x4080] =	vst v63  }
0x2c: {  	s29 =	sshrl.u32 s14, $0x1;
	_ =	swait.ge [sflag:s4], $0x80  }
0x2d: {  	s17 =	ssub.s32 s14, s29;
	[sflag:s4] =	ssyncset.done $0x0  }
0x2e: {  	s31 =	smax.u32 s17, $0x1;
	[sflag:s4] =	ssyncadd.s32 $0xFFFFFF80  }
0x2f: {  	[tilespmem:s6], [sflag:$0x1] =	stream.indirect.gather [hbm4b:s1+s6], $0x80, s3, s6, $0xb8;
	[tilespmem:$0x4080] =	vst v63  }
0x30: {  	p0 =	sne.s32 s31, $0x1;
	_ =	swait.ge [sflag:s7], $0x4000  }
.Ltmp0:
0x31: {  	s30 =	sshll.u32 s15, $0x4;
	[sflag:s7] =	ssyncset.done $0x0;
	(pc) =	sbr.rel @!p0 .LBB2_2-.Ltmp0, $4  }
0x32: {  	s14 =	sadd.s32 s16, s30;
	[sflag:s7] =	ssyncadd.s32 $0xFFFFC000  }
0x33: {  	[hbm4b:s14+s3] =	stream.linear.scatter [tilespmem:s6], [sflag:$0x2], $0x4000, $0x38;
	[tilespmem:$0x4080] =	vst v63  }
0x34: {  	_ =	swait.ge [sflag:s4], $0x4000  }
0x35: {  	s15 =	sadd.s32 $0xFFFFFFFF, s31;
	[sflag:s4] =	ssyncset.done $0x0  }
.LBB2_1:
0x36: {  	p0 =	sne.s32 s15, $0x1;
	s15 =	sadd.s32 $0xFFFFFFFF, s15;
	[sflag:s4] =	ssyncadd.s32 $0xFFFFC000  }
0x37: {  	[tilespmem:s3], [sflag:$0x2] =	stream.linear.gather [hbm4b:s5+s3], $0x80, $0x38;
	[tilespmem:$0x4080] =	vst v63  }
0x38: {  	_ =	swait.ge [sflag:s4], $0x80  }
0x39: {  	[sflag:s4] =	ssyncset.done $0x0  }
0x3a: {  	[sflag:s4] =	ssyncadd.s32 $0xFFFFFF80  }
0x3b: {  	[tilespmem:s6], [sflag:$0x1] =	stream.indirect.gather [hbm4b:s1+s6], $0x80, s3, s6, $0xb8;
	[tilespmem:$0x4080] =	vst v63  }
0x3c: {  	_ =	swait.ge [sflag:s7], $0x4000  }
0x3d: {  	[sflag:s7] =	ssyncset.done $0x0  }
0x3e: {  	[sflag:s7] =	ssyncadd.s32 $0xFFFFC000  }
0x3f: {  	[hbm4b:s8+s3] =	stream.linear.scatter [tilespmem:s6], [sflag:$0x2], $0x4000, $0x38;
	[tilespmem:$0x4080] =	vst v63  }
0x40: {  	_ =	swait.ge [sflag:s4], $0x4000  }
0x41: {  	[sflag:s4] =	ssyncset.done $0x0  }
0x42: {  	[sflag:s4] =	ssyncadd.s32 $0xFFFFC000  }
0x43: {  	[tilespmem:s3], [sflag:$0x2] =	stream.linear.gather [hbm4b:s9+s3], $0x80, $0x38;
	[tilespmem:$0x4080] =	vst v63  }
0x44: {  	_ =	swait.ge [sflag:s4], $0x80  }
0x45: {  	[sflag:s4] =	ssyncset.done $0x0  }
0x46: {  	[sflag:s4] =	ssyncadd.s32 $0xFFFFFF80  }
0x47: {  	[tilespmem:s6], [sflag:$0x1] =	stream.indirect.gather [hbm4b:s1+s6], $0x80, s3, s6, $0xb8;
	[tilespmem:$0x4080] =	vst v63  }
0x48: {  	_ =	swait.ge [sflag:s7], $0x4000  }
0x49: {  	[sflag:s7] =	ssyncset.done $0x0  }
0x4a: {  	[sflag:s7] =	ssyncadd.s32 $0xFFFFC000  }
0x4b: {  	[hbm4b:s10+s3] =	stream.linear.scatter [tilespmem:s6], [sflag:$0x2], $0x4000, $0x38;
	[tilespmem:$0x4080] =	vst v63  }
0x4c: {  	_ =	swait.ge [sflag:s4], $0x4000  }
0x4d: {  	[sflag:s4] =	ssyncset.done $0x0  }
0x4e: {  	[sflag:s4] =	ssyncadd.s32 $0xFFFFC000  }
0x4f: {  	[tilespmem:s3], [sflag:$0x2] =	stream.linear.gather [hbm4b:s11+s3], $0x80, $0x38;
	[tilespmem:$0x4080] =	vst v63  }
0x50: {  	_ =	swait.ge [sflag:s4], $0x80  }
0x51: {  	[sflag:s4] =	ssyncset.done $0x0  }
0x52: {  	[sflag:s4] =	ssyncadd.s32 $0xFFFFFF80  }
0x53: {  	[tilespmem:s6], [sflag:$0x1] =	stream.indirect.gather [hbm4b:s1+s6], $0x80, s3, s6, $0xb8;
	[tilespmem:$0x4080] =	vst v63  }
0x54: {  	_ =	swait.ge [sflag:s7], $0x4000  }
0x55: {  	[sflag:s7] =	ssyncset.done $0x0  }
0x56: {  	[sflag:s7] =	ssyncadd.s32 $0xFFFFC000  }
0x57: {  	[hbm4b:s12+s3] =	stream.linear.scatter [tilespmem:s6], [sflag:$0x2], $0x4000, $0x38;
	[tilespmem:$0x4080] =	vst v63  }
0x58: {  	_ =	swait.ge [sflag:s4], $0x4000  }
0x59: {  	[sflag:s4] =	ssyncset.done $0x0  }
0x5a: {  	[sflag:s4] =	ssyncadd.s32 $0xFFFFC000  }
0x5b: {  	[tilespmem:s3], [sflag:$0x2] =	stream.linear.gather [hbm4b:s13+s3], $0x80, $0x38;
	[tilespmem:$0x4080] =	vst v63  }
0x5c: {  	_ =	swait.ge [sflag:s4], $0x80  }
0x5d: {  	[sflag:s4] =	ssyncset.done $0x0  }
0x5e: {  	[sflag:s4] =	ssyncadd.s32 $0xFFFFFF80  }
0x5f: {  	[tilespmem:s6], [sflag:$0x1] =	stream.indirect.gather [hbm4b:s1+s6], $0x80, s3, s6, $0xb8;
	[tilespmem:$0x4080] =	vst v63  }
0x60: {  	_ =	swait.ge [sflag:s7], $0x4000  }
.Ltmp1:
0x61: {  	[sflag:s7] =	ssyncset.done $0x0;
	(pc) =	sbr.rel @p0 .LBB2_1-.Ltmp1, $4  }
0x62: {  	[sflag:s7] =	ssyncadd.s32 $0xFFFFC000  }
0x63: {  	[hbm4b:s14+s3] =	stream.linear.scatter [tilespmem:s6], [sflag:$0x2], $0x4000, $0x38;
	[tilespmem:$0x4080] =	vst v63  }
0x64: {  	_ =	swait.ge [sflag:s4], $0x4000  }
0x65: {  	[sflag:s4] =	ssyncset.done $0x0  }
.LBB2_2:
0x66: {  	[sflag:s4] =	ssyncadd.s32 $0xFFFFC000  }
0x67: {  	_ =	sfence.sel $0x180000  }
0x68: {  	[bflag:$0x0] =	sbarrier.arrive $0xFFFF  }
0x69: {  	p0 =	sne.s32 s0, $0x0;
	_ =	strace $0x9000004D  }
0x6a: {  	s0 =	sadd.s32 @!p0 $0x100000, s2;
	[bflag:$0x2] =	sbarrier.arrive $0xFFFF  }
0x6b: {  	[sflag:s0] =	ssyncadd.tile.s32 @!p0 $0x1;
	_ =	shalt  }
.Lfunc_end2:
_tile_overlayer_lowered:
.L_overlay_start_2:
0x6c: {  	(tag) =	ssettag $0x2  }
0x6d: {  	s0 =	rddreg [dreg:$0x0];
	s2 =	stileid.u32  }
0x6e: {  	s1 =	rddreg [dreg:$0x1];
	p0 =	sne.s32 s2, $0x0  }
0x6f: {  	s3 =	rddreg [dreg:$0x2];
	[bflag:$0x3] =	sbarrier.arrive $0xFFFF;
	s2 =	simm.s32 @!p0 $0x1C02  }
0x70: {  	[timem:s3], [sflag:s2] =	dma.local @!p0 [hbm:s0], s1  }
0x71: {  	s0 =	simm.s32 @!p0 $0x2  }
0x72: {  	_ =	swait.ge @!p0 [sflag:s0], s1  }
0x73: {  	s1 =	ssub.s32 @!p0 $0x0, s1;
	[sflag:s0] =	ssyncset.done @!p0 $0x0  }
0x74: {  	[sflag:s0] =	ssyncadd.s32 @!p0 s1  }
0x75: {  	[bflag:$0x3] =	sbarrier.arrive $0xFFFF  }
0x76: {  	_ =	shalt  }

// kernel: kernel.17.cloned.1.call-start
scs
__scs_entry_jumppad:
0x0: {  	(pc) =	sbr.rel $0x88, $3  }
0x1: {  	(tag) =	ssettag $0x0;
	lr =	simm.s32 $0x1  }
0x2: {  	[smem:$0x3F8F] =	sst lr;
	_ =	strace $0xD0000000  }
0x3: {  	_ = 	snop  }
0x4: {  	_ = 	snop  }
0x5: {  	_ = 	snop  }
0x6: {  	_ = 	snop  }
0x7: {  	_ = 	snop  }
__scs_overlays_trampoline_lowered:
0x8: {  	[smem:$0x3F9E] =	sst s0  }
0x9: {  	[smem:$0x3F9F] =	sst s1  }
0xa: {  	[smem:$0x3FA0] =	sst s2  }
0xb: {  	[smem:$0x3FA1] =	sst s3  }
0xc: {  	[smem:$0x3FA2] =	sst s4  }
0xd: {  	[smem:$0x3FA3] =	sst s5  }
0xe: {  	[smem:$0x3FA4] =	sst s6  }
0xf: {  	[smem:$0x3FA5] =	sst s7  }
0x10: {  	[smem:$0x3FA6] =	sst s8  }
0x11: {  	[smem:$0x3FA7] =	sst s9;
	s0 =	simm.s32 @!p0 $0x0  }
0x12: {  	s1 =	sld [smem:$0x3F8D];
	s0 =	simm.s32 @p0 $0x1  }
0x13: {  	[smem:$0x3FA8] =	sst s0;
	s0 =	simm.s32 @!p1 $0x0  }
0x14: {  	s2 =	sld [smem:$0x3F8C];
	s0 =	simm.s32 @p1 $0x1  }
0x15: {  	[smem:$0x3FA9] =	sst s0;
	s0 =	simm.s32 @!p2 $0x0  }
0x16: {  	s3 =	sld [smem:$0x3FDB];
	s0 =	simm.s32 @p2 $0x1  }
0x17: {  	s4 =	simm.s32 $0x1BF5;
	[smem:$0x3FAB] =	sst s0  }
0x18: {  	s0 =	sld [smem:$0x3F8E];
	_ =	swait.ge [sflag:s4], $0x0  }
0x19: {  	s7 =	sld [smem:$0x3F8F]  }
0x1a: {  	s8 =	sadd.s32 $0xFFFFE003, lr  }
0x1b: {  	s9 =	sadd.s32 $0xFFFFFEF7, lr;
	s5 =	simm.s32 $0xFFFFFFFF;
	p2 =	slt.u32 s8, $0xFFFFF086  }
0x1c: {  	p1 =	slt.u32 s9, $0xF7A;
	s5 =	simm.s32 @!p2 $0x0  }
0x1d: {  	s5 =	simm.s32 @p1 $0x1;
	p0 =	seq.s32 s7, s2  }
0x1e: {  	s7 =	smul.u32 @!p0 $0xF7A, s2;
	p2 =	seq.s32 @!p0 s5, $0x0  }
0x1f: {  	s9 =	smul.u32 $0xF7A, s1;
	s8 =	simm.s32 @!p0 $0x1BF5;
	p2 =	por !p2, p0  }
0x20: {  	[sflag:s8] =	ssyncset.s32 @!p0 $0xFFFFF086;
	s6 =	sadd.s32 @!p0 s3, s7;
	s7 =	simm.s32 @!p0 $0x108  }
0x21: {  	s3 =	sadd.s32 s3, s9;
	s6 =	sadd.s32 @!p0 $0x88, s6;
	s7 =	simm.s32 @p2 $0x1082  }
0x22: {  	[simem:s7], [sflag:s8] =	dma.local @!p0 [hbm:s6], $0xF7A  }
0x23: {  	s9 =	sor.u32 $0xD0000000, s2;
	s6 =	simm.s32 $0x108;
	_ =	swait.ge @!p0 [sflag:s8], $0x0  }
0x24: {  	s3 =	sadd.s32 $0x88, s3;
	s6 =	simm.s32 @!p1 $0x1082;
	[sflag:s4] =	ssyncset.s32 $0xFFFFF086  }
0x25: {  	[simem:s6], [sflag:s4] =	dma.local [hbm:s3], $0xF7A  }
0x26: {  	[smem:$0x3F8F] =	sst s1;
	(tag) =	ssettag s2;
	_ =	strace s9  }
0x27: {  	s1 =	sld [smem:$0x3F9F]  }
0x28: {  	s2 =	sld [smem:$0x3FA0]  }
0x29: {  	s4 =	sld [smem:$0x3FA2]  }
0x2a: {  	p0 =	seq.s32 s5, $0x0;
	s5 =	sld [smem:$0x3FA3]  }
0x2b: {  	s6 =	sld [smem:$0x3FA4]  }
0x2c: {  	s7 =	sld [smem:$0x3FA5]  }
0x2d: {  	s3 =	simm.s32 $0x108;
	s8 =	sld [smem:$0x3FA6]  }
0x2e: {  	s3 =	simm.s32 @!p0 $0x1082;
	s9 =	sld [smem:$0x3FA7]  }
0x2f: {  	lr =	sadd.s32 s0, s3;
	s0 =	sld [smem:$0x3F9E]  }
0x30: {  	s3 =	sld [smem:$0x3FA1]  }
0x31: {  	[smem:$0x3FAA] =	sst s10  }
0x32: {  	s10 =	sld [smem:$0x3FA8];
	_ =	sdelay $0x3  }
0x33: {  	p0 =	seq.s32 s10, $0x1;
	s10 =	sld [smem:$0x3FAA];
	_ =	sdelay $0x3  }
0x34: {  	[smem:$0x3FAA] =	sst s10  }
0x35: {  	s10 =	sld [smem:$0x3FA9];
	_ =	sdelay $0x3  }
0x36: {  	p1 =	seq.s32 s10, $0x1;
	s10 =	sld [smem:$0x3FAA];
	_ =	sdelay $0x3  }
0x37: {  	[smem:$0x3FAA] =	sst s10  }
0x38: {  	s10 =	sld [smem:$0x3FAB]  }
0x39: {  	_ = 	snop;
	(pc) =	sbr.ind lr, $3  }
0x3a: {  	_ = 	snop  }
0x3b: {  	_ = 	snop  }
0x3c: {  	p2 =	seq.s32 s10, $0x1;
	s10 =	sld [smem:$0x3FAA]  }
0x3d: {  	_ =	shalt  }
0x3e: {  	_ =	shalt  }
0x3f: {  	_ =	shalt  }
0x40: {  	_ =	shalt  }
0x41: {  	_ =	shalt  }
0x42: {  	_ =	shalt  }
0x43: {  	_ =	shalt  }
0x44: {  	_ =	shalt  }
0x45: {  	_ =	shalt  }
0x46: {  	_ =	shalt  }
0x47: {  	_ =	shalt  }
0x48: {  	_ =	shalt  }
0x49: {  	_ =	shalt  }
0x4a: {  	_ =	shalt  }
0x4b: {  	_ =	shalt  }
0x4c: {  	_ =	shalt  }
0x4d: {  	_ =	shalt  }
0x4e: {  	_ =	shalt  }
0x4f: {  	_ =	shalt  }
0x50: {  	_ =	shalt  }
0x51: {  	_ =	shalt  }
0x52: {  	_ =	shalt  }
0x53: {  	_ =	shalt  }
0x54: {  	_ =	shalt  }
0x55: {  	_ =	shalt  }
0x56: {  	_ =	shalt  }
0x57: {  	_ =	shalt  }
0x58: {  	_ =	shalt  }
0x59: {  	_ =	shalt  }
0x5a: {  	_ =	shalt  }
0x5b: {  	_ =	shalt  }
0x5c: {  	_ =	shalt  }
0x5d: {  	_ =	shalt  }
0x5e: {  	_ =	shalt  }
0x5f: {  	_ =	shalt  }
0x60: {  	_ =	shalt  }
0x61: {  	_ =	shalt  }
0x62: {  	_ =	shalt  }
0x63: {  	_ =	shalt  }
0x64: {  	_ =	shalt  }
0x65: {  	_ =	shalt  }
0x66: {  	_ =	shalt  }
0x67: {  	_ =	shalt  }
0x68: {  	_ =	shalt  }
0x69: {  	_ =	shalt  }
0x6a: {  	_ =	shalt  }
0x6b: {  	_ =	shalt  }
0x6c: {  	_ =	shalt  }
0x6d: {  	_ =	shalt  }
0x6e: {  	_ =	shalt  }
0x6f: {  	_ =	shalt  }
0x70: {  	_ =	shalt  }
0x71: {  	_ =	shalt  }
0x72: {  	_ =	shalt  }
0x73: {  	_ =	shalt  }
0x74: {  	_ =	shalt  }
0x75: {  	_ =	shalt  }
0x76: {  	_ =	shalt  }
0x77: {  	_ =	shalt  }
0x78: {  	_ =	shalt  }
0x79: {  	_ =	shalt  }
0x7a: {  	_ =	shalt  }
0x7b: {  	_ =	shalt  }
0x7c: {  	_ =	shalt  }
0x7d: {  	_ =	shalt  }
0x7e: {  	_ =	shalt  }
0x7f: {  	_ =	shalt  }
0x80: {  	_ =	shalt  }
0x81: {  	_ =	shalt  }
0x82: {  	_ =	shalt  }
0x83: {  	_ =	shalt  }
0x84: {  	_ =	shalt  }
0x85: {  	_ =	shalt  }
0x86: {  	_ =	shalt  }
0x87: {  	_ =	shalt  }
.Lfunc_end0:
.L_simem_size_0:
called_computation.3_lowered:
.L_overlay_start_0:
0x88: {  	s2 =	sld [smem:$0x3FD9]  }
0x89: {  	s3 =	sld [smem:$0x3FFE];
	_ =	sdelay $0x1  }
0x8a: {  	s1 =	srdreg.scid  }
0x8b: {  	s0 =	sand.u32 $0x1, s1  }
0x8c: {  	s14 =	sshll.u32 s0, $0xA;
	s2 =	sadd.s32 s3, s2  }
0x8d: {  	s2 =	sadd.s32 s2, s14  }
0x8e: {  	[smem:$0x3FB6] =	sst s2  }
0x8f: {  	_ = 	snop  }
0x90: {  	s2 =	sld [smem:$0x3FD0];
	_ =	sdelay $0x2  }
0x91: {  	s4 =	simm.s32 $0xA;
	s5 =	simm.s32 $0x10;
	s15 =	sld [smem:$0x3FC8]  }
0x92: {  	[smem:s5], [sflag:s4] =	dma.local [hbm:s2], $0x1  }
0x93: {  	_ =	swait.eq [sflag:s4], $0x1  }
0x94: {  	[sflag:s4] =	ssyncset.done $0x0  }
0x95: {  	[sflag:s4] =	ssyncadd.s32 $0xFFFFFFFF  }
0x96: {  	s16 =	sld [smem:$0x12];
	(tm) =	ssettm $0x1  }
0x97: {  	s17 =	sld [smem:$0x3FFB];
	_ =	sdelay $0x3  }
0x98: {  	_ =	strace s17  }
0x99: {  	s4 =	sld [smem:$0x3FFC];
	_ =	sdelay $0x3  }
0x9a: {  	_ =	strace s4  }
0x9b: {  	s4 =	sld [smem:$0x3FFD];
	_ =	sdelay $0x3  }
0x9c: {  	_ =	strace s4  }
0x9d: {  	_ =	strace $0x8FFFFFFF  }
0x9e: {  	s18 =	sld [smem:$0x3FDB];
	_ =	sdelay $0x1  }
0x9f: {  	s19 =	simm.s32 $_scs_section_size  }
0xa0: {  	s6 =	simm.s32 $_size__tile_overlayer_lowered;
	s7 =	simm.s32 $_tile_overlayer_lowered  }
0xa1: {  	s22 =	simm.s32 $0x1BFF;
	s21 =	sshll.u32 s7, $0x1;
	s4 =	sadd.s32 s19, s18  }
0xa2: {  	s8 =	simm.s32 $0x0;
	s20 =	sshll.u32 s6, $0x1;
	s6 =	sadd.s32 s21, s4  }
0xa3: {  	[timem:s8], [sflag:s22] =	dma.local [hbm:s6], s20  }
0xa4: {  	_ =	swait.ge [sflag:s22], s20  }
0xa5: {  	s5 =	ssub.s32 $0x0, s20;
	[sflag:s22] =	ssyncset.done $0x0  }
0xa6: {  	[sflag:s22] =	ssyncadd.s32 s5;
	_ =	sdelay $0x1  }
0xa7: {  	s23 =	simm.s32 $0x1B8B  }
0xa8: {  	_ =	swait.ge [sflag:s23], $0x1  }
0xa9: {  	[sflag:s23] =	ssyncset.done $0x0  }
0xaa: {  	s25 =	simm.s32 $0x1B8E;
	s24 =	sld [smem:$0x3FFE];
	[sflag:s23] =	ssyncadd.s32 $0xFFFFFFFF  }
0xab: {  	s26 =	simm.s32 $execute0_lowered;
	[smem:$0x3FD2] =	sst s25  }
0xac: {  	s6 =	sshll.u32 s26, $0x1;
	_ =	strace $0x8000004F;
	[dreg:$0x1] =	wrdreg $0xFFFFFFFF  }
0xad: {  	s28 =	simm.s32 $_size_execute0_lowered;
	s4 =	sadd.s32 s4, s6;
	[dreg:$0x0] =	wrdreg $0x0  }
0xae: {  	s6 =	sshll.u32 s28, $0x1;
	[dreg:$0x2] =	wrdreg s4  }
0xaf: {  	[dreg:$0x3] =	wrdreg s6  }
0xb0: {  	[dreg:$0x4] =	wrdreg $0xC0  }
0xb1: {  	_ =	task [dreg:s8], $0x5FFFF  }
0xb2: {  	[dreg:$0x1] =	wrdreg $0xFFFFFFFF  }
0xb3: {  	[dreg:$0x0] =	wrdreg $0x60  }
0xb4: {  	[dreg:$0x2] =	wrdreg s16  }
0xb5: {  	[dreg:$0x3] =	wrdreg s15  }
0xb6: {  	[dreg:$0x4] =	wrdreg s24  }
0xb7: {  	[dreg:$0x5] =	wrdreg $0x9  }
0xb8: {  	_ =	task.clear_ibuf [dreg:s8], $0x6FFFF;
	_ =	strace $0x9000004F  }
0xb9: {  	s29 =	simm.s32 $0x9;
	_ =	strace $0x80000051  }
0xba: {  	_ =	swait.ge [sflag:s29], $0x1  }
0xbb: {  	[sflag:s29] =	ssyncadd.s32 $0xFFFFFFFF  }
0xbc: {  	_ =	strace $0x90000051  }
0xbd: {  	_ =	sfence  }
0xbe: {  	s30 =	sld [smem:$0x0];
	_ =	sdelay $0x2  }
0xbf: {  	s31 =	sshll.u32 s1, $0xD;
	s1 =	sshrl.u32 s1, $0x2  }
0xc0: {  	s3 =	sand.u32 $0x4000, s31;
	s1 =	sadd.s32 s1, s30  }
0xc1: {  	s0 =	sor.u32 s3, s0;
	s1 =	sshll.u32 s1, $0x11  }
0xc2: {  	s0 =	sor.u32 s1, s0  }
0xc3: {  	s0 =	sadd.s32 $0x8F2B, s0  }
0xc4: {  	[sflag:s0] =	ssyncadd.remote.s32 $0x1  }
0xc5: {  	_ =	sfence.sel $0xFFFF  }
0xc6: {  	[dreg:$0x0] =	wrdreg $0xFFFFFFFF;
	(pc) =	sbr.abs _section_cstart, $3  }
0xc7: {  	[dreg:$0x1] =	wrdreg $0xFFFFFFFF  }
0xc8: {  	_ =	task.clear_ibuf [dreg:s8], $0x2FFFF;
	_ =	strace $0x9FFFFFFF  }
0xc9: {  	(tm) =	ssettm $0x7FFFFFFF  }
tec
execute0_lowered:
.L_overlay_start_1:
0x0: {  	(tag) =	ssettag $0x1  }
0x1: {  	s1 =	rddreg [dreg:$0x0];
	s2 =	srdreg.scid  }
0x2: {  	s13 =	rddreg [dreg:$0x1];
	s0 =	stileid.u32;
	s14 =	sand.u32 $0x1, s2  }
0x3: {  	s6 =	rddreg [dreg:$0x2];
	s4 =	sshll.u32 s0, $0xA;
	s5 =	sshll.u32 s14, $0x9  }
0x4: {  	s3 =	simm.s32 $0x0;
	s2 =	rddreg [dreg:$0x3];
	s15 =	sor.u32 s5, s4  }
0x5: {  	[smem:$0x7FF] =	sst s3;
	s4 =	sshrl.u32 s15, $0x3  }
0x6: {  	_ =	strace $0x80000050;
	s5 =	simm.s32 $0x2;
	s4 =	sadd.s32 s13, s4  }
0x7: {  	[tilespmem:s3], [sflag:$0x2] =	stream.linear.gather [hbm4b:s4+s3], $0x80, $0x38;
	[tilespmem:$0x4080] =	vst v63  }
0x8: {  	_ =	swait.ge [sflag:s5], $0x80  }
0x9: {  	s16 =	sadd.s32 $0x84E00, s6;
	s29 =	sshll.u32 s15, $0x4;
	[sflag:s5] =	ssyncset.done $0x0  }
0xa: {  	s7 =	simm.s32 $0x80;
	s6 =	sadd.s32 s16, s29;
	[sflag:s5] =	ssyncadd.s32 $0xFFFFFF80  }
0xb: {  	[tilespmem:s7], [sflag:$0x2] =	stream.linear.gather [hbm4b:s6+s3], $0x4000, $0x38;
	[tilespmem:$0x4080] =	vst v63  }
0xc: {  	_ =	swait.ge [sflag:s5], $0x4000  }
0xd: {  	[sflag:s5] =	ssyncset.done $0x0  }
0xe: {  	s8 =	simm.s32 $0x1;
	[sflag:s5] =	ssyncadd.s32 $0xFFFFC000  }
0xf: {  	[hbm4b:s1+s7] =	stream.indirect.scatter [tilespmem:s7], [sflag:$0x1], $0x80, s3, s7, $0xb8;
	[tilespmem:$0x4080] =	vst v63  }
0x10: {  	s10 =	sor.u32 $0x80, s15;
	_ =	swait.ge [sflag:s8], $0x4000  }
0x11: {  	s9 =	sshrl.u32 s10, $0x3;
	[sflag:s8] =	ssyncset.done $0x0  }
0x12: {  	s9 =	sadd.s32 s13, s9;
	[sflag:s8] =	ssyncadd.s32 $0xFFFFC000  }
0x13: {  	[tilespmem:s3], [sflag:$0x2] =	stream.linear.gather [hbm4b:s9+s3], $0x80, $0x38;
	[tilespmem:$0x4080] =	vst v63  }
0x14: {  	_ =	swait.ge [sflag:s5], $0x80  }
0x15: {  	s10 =	sshll.u32 s10, $0x4;
	[sflag:s5] =	ssyncset.done $0x0  }
0x16: {  	s10 =	sadd.s32 s16, s10;
	[sflag:s5] =	ssyncadd.s32 $0xFFFFFF80  }
0x17: {  	[tilespmem:s7], [sflag:$0x2] =	stream.linear.gather [hbm4b:s10+s3], $0x4000, $0x38;
	[tilespmem:$0x4080] =	vst v63  }
0x18: {  	_ =	swait.ge [sflag:s5], $0x4000  }
0x19: {  	[sflag:s5] =	ssyncset.done $0x0  }
0x1a: {  	[sflag:s5] =	ssyncadd.s32 $0xFFFFC000  }
0x1b: {  	[hbm4b:s1+s7] =	stream.indirect.scatter [tilespmem:s7], [sflag:$0x1], $0x80, s3, s7, $0xb8;
	[tilespmem:$0x4080] =	vst v63  }
0x1c: {  	s12 =	sor.u32 $0x100, s15;
	_ =	swait.ge [sflag:s8], $0x4000  }
0x1d: {  	s11 =	sshrl.u32 s12, $0x3;
	[sflag:s8] =	ssyncset.done $0x0  }
0x1e: {  	s11 =	sadd.s32 s13, s11;
	[sflag:s8] =	ssyncadd.s32 $0xFFFFC000  }
0x1f: {  	[tilespmem:s3], [sflag:$0x2] =	stream.linear.gather [hbm4b:s11+s3], $0x80, $0x38;
	[tilespmem:$0x4080] =	vst v63  }
0x20: {  	_ =	swait.ge [sflag:s5], $0x80  }
0x21: {  	s12 =	sshll.u32 s12, $0x4;
	[sflag:s5] =	ssyncset.done $0x0  }
0x22: {  	s12 =	sadd.s32 s16, s12;
	[sflag:s5] =	ssyncadd.s32 $0xFFFFFF80  }
0x23: {  	[tilespmem:s7], [sflag:$0x2] =	stream.linear.gather [hbm4b:s12+s3], $0x4000, $0x38;
	[tilespmem:$0x4080] =	vst v63  }
0x24: {  	_ =	swait.ge [sflag:s5], $0x4000  }
0x25: {  	[sflag:s5] =	ssyncset.done $0x0  }
0x26: {  	[sflag:s5] =	ssyncadd.s32 $0xFFFFC000  }
0x27: {  	[hbm4b:s1+s7] =	stream.indirect.scatter [tilespmem:s7], [sflag:$0x1], $0x80, s3, s7, $0xb8;
	[tilespmem:$0x4080] =	vst v63  }
0x28: {  	s15 =	sor.u32 $0x180, s15;
	_ =	swait.ge [sflag:s8], $0x4000  }
0x29: {  	s17 =	sshrl.u32 s15, $0x3;
	[sflag:s8] =	ssyncset.done $0x0  }
0x2a: {  	s30 =	ssub.s32 $0x2, s14;
	s13 =	sadd.s32 s13, s17;
	[sflag:s8] =	ssyncadd.s32 $0xFFFFC000  }
0x2b: {  	[tilespmem:s3], [sflag:$0x2] =	stream.linear.gather [hbm4b:s13+s3], $0x80, $0x38;
	[tilespmem:$0x4080] =	vst v63  }
0x2c: {  	s31 =	sshrl.u32 s30, $0x1;
	s15 =	sshll.u32 s15, $0x4;
	_ =	swait.ge [sflag:s5], $0x80  }
0x2d: {  	s14 =	sadd.s32 s16, s15;
	s15 =	ssub.s32 s30, s31;
	[sflag:s5] =	ssyncset.done $0x0  }
0x2e: {  	s15 =	smax.u32 s15, $0x1;
	[sflag:s5] =	ssyncadd.s32 $0xFFFFFF80  }
0x2f: {  	[tilespmem:s7], [sflag:$0x2] =	stream.linear.gather [hbm4b:s14+s3], $0x4000, $0x38;
	[tilespmem:$0x4080] =	vst v63  }
0x30: {  	p0 =	sne.s32 s15, $0x1;
	_ =	swait.ge [sflag:s5], $0x4000  }
.Ltmp0:
0x31: {  	[sflag:s5] =	ssyncset.done $0x0;
	(pc) =	sbr.rel @!p0 .LBB2_2-.Ltmp0, $4  }
0x32: {  	[sflag:s5] =	ssyncadd.s32 $0xFFFFC000  }
0x33: {  	[hbm4b:s1+s7] =	stream.indirect.scatter [tilespmem:s7], [sflag:$0x1], $0x80, s3, s7, $0xb8;
	[tilespmem:$0x4080] =	vst v63  }
0x34: {  	_ =	swait.ge [sflag:s8], $0x4000  }
0x35: {  	s15 =	sadd.s32 $0xFFFFFFFF, s15;
	[sflag:s8] =	ssyncset.done $0x0  }
.LBB2_1:
0x36: {  	p0 =	sne.s32 s15, $0x1;
	s15 =	sadd.s32 $0xFFFFFFFF, s15;
	[sflag:s8] =	ssyncadd.s32 $0xFFFFC000  }
0x37: {  	[tilespmem:s3], [sflag:$0x2] =	stream.linear.gather [hbm4b:s4+s3], $0x80, $0x38;
	[tilespmem:$0x4080] =	vst v63  }
0x38: {  	_ =	swait.ge [sflag:s5], $0x80  }
0x39: {  	[sflag:s5] =	ssyncset.done $0x0  }
0x3a: {  	[sflag:s5] =	ssyncadd.s32 $0xFFFFFF80  }
0x3b: {  	[tilespmem:s7], [sflag:$0x2] =	stream.linear.gather [hbm4b:s6+s3], $0x4000, $0x38;
	[tilespmem:$0x4080] =	vst v63  }
0x3c: {  	_ =	swait.ge [sflag:s5], $0x4000  }
0x3d: {  	[sflag:s5] =	ssyncset.done $0x0  }
0x3e: {  	[sflag:s5] =	ssyncadd.s32 $0xFFFFC000  }
0x3f: {  	[hbm4b:s1+s7] =	stream.indirect.scatter [tilespmem:s7], [sflag:$0x1], $0x80, s3, s7, $0xb8;
	[tilespmem:$0x4080] =	vst v63  }
0x40: {  	_ =	swait.ge [sflag:s8], $0x4000  }
0x41: {  	[sflag:s8] =	ssyncset.done $0x0  }
0x42: {  	[sflag:s8] =	ssyncadd.s32 $0xFFFFC000  }
0x43: {  	[tilespmem:s3], [sflag:$0x2] =	stream.linear.gather [hbm4b:s9+s3], $0x80, $0x38;
	[tilespmem:$0x4080] =	vst v63  }
0x44: {  	_ =	swait.ge [sflag:s5], $0x80  }
0x45: {  	[sflag:s5] =	ssyncset.done $0x0  }
0x46: {  	[sflag:s5] =	ssyncadd.s32 $0xFFFFFF80  }
0x47: {  	[tilespmem:s7], [sflag:$0x2] =	stream.linear.gather [hbm4b:s10+s3], $0x4000, $0x38;
	[tilespmem:$0x4080] =	vst v63  }
0x48: {  	_ =	swait.ge [sflag:s5], $0x4000  }
0x49: {  	[sflag:s5] =	ssyncset.done $0x0  }
0x4a: {  	[sflag:s5] =	ssyncadd.s32 $0xFFFFC000  }
0x4b: {  	[hbm4b:s1+s7] =	stream.indirect.scatter [tilespmem:s7], [sflag:$0x1], $0x80, s3, s7, $0xb8;
	[tilespmem:$0x4080] =	vst v63  }
0x4c: {  	_ =	swait.ge [sflag:s8], $0x4000  }
0x4d: {  	[sflag:s8] =	ssyncset.done $0x0  }
0x4e: {  	[sflag:s8] =	ssyncadd.s32 $0xFFFFC000  }
0x4f: {  	[tilespmem:s3], [sflag:$0x2] =	stream.linear.gather [hbm4b:s11+s3], $0x80, $0x38;
	[tilespmem:$0x4080] =	vst v63  }
0x50: {  	_ =	swait.ge [sflag:s5], $0x80  }
0x51: {  	[sflag:s5] =	ssyncset.done $0x0  }
0x52: {  	[sflag:s5] =	ssyncadd.s32 $0xFFFFFF80  }
0x53: {  	[tilespmem:s7], [sflag:$0x2] =	stream.linear.gather [hbm4b:s12+s3], $0x4000, $0x38;
	[tilespmem:$0x4080] =	vst v63  }
0x54: {  	_ =	swait.ge [sflag:s5], $0x4000  }
0x55: {  	[sflag:s5] =	ssyncset.done $0x0  }
0x56: {  	[sflag:s5] =	ssyncadd.s32 $0xFFFFC000  }
0x57: {  	[hbm4b:s1+s7] =	stream.indirect.scatter [tilespmem:s7], [sflag:$0x1], $0x80, s3, s7, $0xb8;
	[tilespmem:$0x4080] =	vst v63  }
0x58: {  	_ =	swait.ge [sflag:s8], $0x4000  }
0x59: {  	[sflag:s8] =	ssyncset.done $0x0  }
0x5a: {  	[sflag:s8] =	ssyncadd.s32 $0xFFFFC000  }
0x5b: {  	[tilespmem:s3], [sflag:$0x2] =	stream.linear.gather [hbm4b:s13+s3], $0x80, $0x38;
	[tilespmem:$0x4080] =	vst v63  }
0x5c: {  	_ =	swait.ge [sflag:s5], $0x80  }
0x5d: {  	[sflag:s5] =	ssyncset.done $0x0  }
0x5e: {  	[sflag:s5] =	ssyncadd.s32 $0xFFFFFF80  }
0x5f: {  	[tilespmem:s7], [sflag:$0x2] =	stream.linear.gather [hbm4b:s14+s3], $0x4000, $0x38;
	[tilespmem:$0x4080] =	vst v63  }
0x60: {  	_ =	swait.ge [sflag:s5], $0x4000  }
.Ltmp1:
0x61: {  	[sflag:s5] =	ssyncset.done $0x0;
	(pc) =	sbr.rel @p0 .LBB2_1-.Ltmp1, $4  }
0x62: {  	[sflag:s5] =	ssyncadd.s32 $0xFFFFC000  }
0x63: {  	[hbm4b:s1+s7] =	stream.indirect.scatter [tilespmem:s7], [sflag:$0x1], $0x80, s3, s7, $0xb8;
	[tilespmem:$0x4080] =	vst v63  }
0x64: {  	_ =	swait.ge [sflag:s8], $0x4000  }
0x65: {  	[sflag:s8] =	ssyncset.done $0x0  }
.LBB2_2:
0x66: {  	[sflag:s8] =	ssyncadd.s32 $0xFFFFC000  }
0x67: {  	_ =	sfence.sel $0x180000  }
0x68: {  	[bflag:$0x0] =	sbarrier.arrive $0xFFFF  }
0x69: {  	p0 =	sne.s32 s0, $0x0;
	_ =	strace $0x90000050  }
0x6a: {  	s0 =	sadd.s32 @!p0 $0x100000, s2;
	[bflag:$0x2] =	sbarrier.arrive $0xFFFF  }
0x6b: {  	[sflag:s0] =	ssyncadd.tile.s32 @!p0 $0x1;
	_ =	shalt  }
.Lfunc_end2:
_tile_overlayer_lowered:
.L_overlay_start_2:
0x6c: {  	(tag) =	ssettag $0x2  }
0x6d: {  	s0 =	rddreg [dreg:$0x0];
	s2 =	stileid.u32  }
0x6e: {  	s1 =	rddreg [dreg:$0x1];
	p0 =	sne.s32 s2, $0x0  }
0x6f: {  	s3 =	rddreg [dreg:$0x2];
	[bflag:$0x3] =	sbarrier.arrive $0xFFFF;
	s2 =	simm.s32 @!p0 $0x1C02  }
0x70: {  	[timem:s3], [sflag:s2] =	dma.local @!p0 [hbm:s0], s1  }
0x71: {  	s0 =	simm.s32 @!p0 $0x2  }
0x72: {  	_ =	swait.ge @!p0 [sflag:s0], s1  }
0x73: {  	s1 =	ssub.s32 @!p0 $0x0, s1;
	[sflag:s0] =	ssyncset.done @!p0 $0x0  }
0x74: {  	[sflag:s0] =	ssyncadd.s32 @!p0 s1  }
0x75: {  	[bflag:$0x3] =	sbarrier.arrive $0xFFFF  }
0x76: {  	_ =	shalt  }

// kernel: kernel.8.cloned.1.call-start
scs
__scs_entry_jumppad:
0x0: {  	(pc) =	sbr.rel $0x88, $3  }
0x1: {  	(tag) =	ssettag $0x0;
	lr =	simm.s32 $0x1  }
0x2: {  	[smem:$0x3F8F] =	sst lr;
	_ =	strace $0xD0000000  }
0x3: {  	_ = 	snop  }
0x4: {  	_ = 	snop  }
0x5: {  	_ = 	snop  }
0x6: {  	_ = 	snop  }
0x7: {  	_ = 	snop  }
__scs_overlays_trampoline_lowered:
0x8: {  	[smem:$0x3F9E] =	sst s0  }
0x9: {  	[smem:$0x3F9F] =	sst s1  }
0xa: {  	[smem:$0x3FA0] =	sst s2  }
0xb: {  	[smem:$0x3FA1] =	sst s3  }
0xc: {  	[smem:$0x3FA2] =	sst s4  }
0xd: {  	[smem:$0x3FA3] =	sst s5  }
0xe: {  	[smem:$0x3FA4] =	sst s6  }
0xf: {  	[smem:$0x3FA5] =	sst s7  }
0x10: {  	[smem:$0x3FA6] =	sst s8  }
0x11: {  	[smem:$0x3FA7] =	sst s9;
	s0 =	simm.s32 @!p0 $0x0  }
0x12: {  	s1 =	sld [smem:$0x3F8D];
	s0 =	simm.s32 @p0 $0x1  }
0x13: {  	[smem:$0x3FA8] =	sst s0;
	s0 =	simm.s32 @!p1 $0x0  }
0x14: {  	s2 =	sld [smem:$0x3F8C];
	s0 =	simm.s32 @p1 $0x1  }
0x15: {  	[smem:$0x3FA9] =	sst s0;
	s0 =	simm.s32 @!p2 $0x0  }
0x16: {  	s3 =	sld [smem:$0x3FDB];
	s0 =	simm.s32 @p2 $0x1  }
0x17: {  	s4 =	simm.s32 $0x1BF5;
	[smem:$0x3FAB] =	sst s0  }
0x18: {  	s0 =	sld [smem:$0x3F8E];
	_ =	swait.ge [sflag:s4], $0x0  }
0x19: {  	s7 =	sld [smem:$0x3F8F]  }
0x1a: {  	s8 =	sadd.s32 $0xFFFFE003, lr  }
0x1b: {  	s9 =	sadd.s32 $0xFFFFFEF7, lr;
	s5 =	simm.s32 $0xFFFFFFFF;
	p2 =	slt.u32 s8, $0xFFFFF086  }
0x1c: {  	p1 =	slt.u32 s9, $0xF7A;
	s5 =	simm.s32 @!p2 $0x0  }
0x1d: {  	s5 =	simm.s32 @p1 $0x1;
	p0 =	seq.s32 s7, s2  }
0x1e: {  	s7 =	smul.u32 @!p0 $0xF7A, s2;
	p2 =	seq.s32 @!p0 s5, $0x0  }
0x1f: {  	s9 =	smul.u32 $0xF7A, s1;
	s8 =	simm.s32 @!p0 $0x1BF5;
	p2 =	por !p2, p0  }
0x20: {  	[sflag:s8] =	ssyncset.s32 @!p0 $0xFFFFF086;
	s6 =	sadd.s32 @!p0 s3, s7;
	s7 =	simm.s32 @!p0 $0x108  }
0x21: {  	s3 =	sadd.s32 s3, s9;
	s6 =	sadd.s32 @!p0 $0x88, s6;
	s7 =	simm.s32 @p2 $0x1082  }
0x22: {  	[simem:s7], [sflag:s8] =	dma.local @!p0 [hbm:s6], $0xF7A  }
0x23: {  	s9 =	sor.u32 $0xD0000000, s2;
	s6 =	simm.s32 $0x108;
	_ =	swait.ge @!p0 [sflag:s8], $0x0  }
0x24: {  	s3 =	sadd.s32 $0x88, s3;
	s6 =	simm.s32 @!p1 $0x1082;
	[sflag:s4] =	ssyncset.s32 $0xFFFFF086  }
0x25: {  	[simem:s6], [sflag:s4] =	dma.local [hbm:s3], $0xF7A  }
0x26: {  	[smem:$0x3F8F] =	sst s1;
	(tag) =	ssettag s2;
	_ =	strace s9  }
0x27: {  	s1 =	sld [smem:$0x3F9F]  }
0x28: {  	s2 =	sld [smem:$0x3FA0]  }
0x29: {  	s4 =	sld [smem:$0x3FA2]  }
0x2a: {  	p0 =	seq.s32 s5, $0x0;
	s5 =	sld [smem:$0x3FA3]  }
0x2b: {  	s6 =	sld [smem:$0x3FA4]  }
0x2c: {  	s7 =	sld [smem:$0x3FA5]  }
0x2d: {  	s3 =	simm.s32 $0x108;
	s8 =	sld [smem:$0x3FA6]  }
0x2e: {  	s3 =	simm.s32 @!p0 $0x1082;
	s9 =	sld [smem:$0x3FA7]  }
0x2f: {  	lr =	sadd.s32 s0, s3;
	s0 =	sld [smem:$0x3F9E]  }
0x30: {  	s3 =	sld [smem:$0x3FA1]  }
0x31: {  	[smem:$0x3FAA] =	sst s10  }
0x32: {  	s10 =	sld [smem:$0x3FA8];
	_ =	sdelay $0x3  }
0x33: {  	p0 =	seq.s32 s10, $0x1;
	s10 =	sld [smem:$0x3FAA];
	_ =	sdelay $0x3  }
0x34: {  	[smem:$0x3FAA] =	sst s10  }
0x35: {  	s10 =	sld [smem:$0x3FA9];
	_ =	sdelay $0x3  }
0x36: {  	p1 =	seq.s32 s10, $0x1;
	s10 =	sld [smem:$0x3FAA];
	_ =	sdelay $0x3  }
0x37: {  	[smem:$0x3FAA] =	sst s10  }
0x38: {  	s10 =	sld [smem:$0x3FAB]  }
0x39: {  	_ = 	snop;
	(pc) =	sbr.ind lr, $3  }
0x3a: {  	_ = 	snop  }
0x3b: {  	_ = 	snop  }
0x3c: {  	p2 =	seq.s32 s10, $0x1;
	s10 =	sld [smem:$0x3FAA]  }
0x3d: {  	_ =	shalt  }
0x3e: {  	_ =	shalt  }
0x3f: {  	_ =	shalt  }
0x40: {  	_ =	shalt  }
0x41: {  	_ =	shalt  }
0x42: {  	_ =	shalt  }
0x43: {  	_ =	shalt  }
0x44: {  	_ =	shalt  }
0x45: {  	_ =	shalt  }
0x46: {  	_ =	shalt  }
0x47: {  	_ =	shalt  }
0x48: {  	_ =	shalt  }
0x49: {  	_ =	shalt  }
0x4a: {  	_ =	shalt  }
0x4b: {  	_ =	shalt  }
0x4c: {  	_ =	shalt  }
0x4d: {  	_ =	shalt  }
0x4e: {  	_ =	shalt  }
0x4f: {  	_ =	shalt  }
0x50: {  	_ =	shalt  }
0x51: {  	_ =	shalt  }
0x52: {  	_ =	shalt  }
0x53: {  	_ =	shalt  }
0x54: {  	_ =	shalt  }
0x55: {  	_ =	shalt  }
0x56: {  	_ =	shalt  }
0x57: {  	_ =	shalt  }
0x58: {  	_ =	shalt  }
0x59: {  	_ =	shalt  }
0x5a: {  	_ =	shalt  }
0x5b: {  	_ =	shalt  }
0x5c: {  	_ =	shalt  }
0x5d: {  	_ =	shalt  }
0x5e: {  	_ =	shalt  }
0x5f: {  	_ =	shalt  }
0x60: {  	_ =	shalt  }
0x61: {  	_ =	shalt  }
0x62: {  	_ =	shalt  }
0x63: {  	_ =	shalt  }
0x64: {  	_ =	shalt  }
0x65: {  	_ =	shalt  }
0x66: {  	_ =	shalt  }
0x67: {  	_ =	shalt  }
0x68: {  	_ =	shalt  }
0x69: {  	_ =	shalt  }
0x6a: {  	_ =	shalt  }
0x6b: {  	_ =	shalt  }
0x6c: {  	_ =	shalt  }
0x6d: {  	_ =	shalt  }
0x6e: {  	_ =	shalt  }
0x6f: {  	_ =	shalt  }
0x70: {  	_ =	shalt  }
0x71: {  	_ =	shalt  }
0x72: {  	_ =	shalt  }
0x73: {  	_ =	shalt  }
0x74: {  	_ =	shalt  }
0x75: {  	_ =	shalt  }
0x76: {  	_ =	shalt  }
0x77: {  	_ =	shalt  }
0x78: {  	_ =	shalt  }
0x79: {  	_ =	shalt  }
0x7a: {  	_ =	shalt  }
0x7b: {  	_ =	shalt  }
0x7c: {  	_ =	shalt  }
0x7d: {  	_ =	shalt  }
0x7e: {  	_ =	shalt  }
0x7f: {  	_ =	shalt  }
0x80: {  	_ =	shalt  }
0x81: {  	_ =	shalt  }
0x82: {  	_ =	shalt  }
0x83: {  	_ =	shalt  }
0x84: {  	_ =	shalt  }
0x85: {  	_ =	shalt  }
0x86: {  	_ =	shalt  }
0x87: {  	_ =	shalt  }
.Lfunc_end0:
.L_simem_size_0:
called_computation_lowered:
.L_overlay_start_0:
0x88: {  	s2 =	sld [smem:$0x3FD9]  }
0x89: {  	s3 =	sld [smem:$0x3FFE];
	_ =	sdelay $0x1  }
0x8a: {  	s1 =	srdreg.scid  }
0x8b: {  	s0 =	sand.u32 $0x1, s1  }
0x8c: {  	s17 =	sshll.u32 s0, $0xA;
	s2 =	sadd.s32 s3, s2  }
0x8d: {  	s2 =	sadd.s32 s2, s17  }
0x8e: {  	[smem:$0x3FB6] =	sst s2  }
0x8f: {  	_ = 	snop  }
0x90: {  	s2 =	sld [smem:$0x3FC9]  }
0x91: {  	s18 =	sld [smem:$0x3FC8]  }
0x92: {  	s4 =	sld [smem:$0x3FC7]  }
0x93: {  	s5 =	sld [smem:$0x3FC6];
	(tm) =	ssettm $0x1  }
0x94: {  	s6 =	sld [smem:$0x3FFB];
	_ =	sdelay $0x3  }
0x95: {  	_ =	strace s6  }
0x96: {  	s6 =	sld [smem:$0x3FFC];
	_ =	sdelay $0x3  }
0x97: {  	_ =	strace s6  }
0x98: {  	s6 =	sld [smem:$0x3FFD];
	_ =	sdelay $0x3  }
0x99: {  	_ =	strace s6  }
0x9a: {  	_ =	strace $0x8FFFFFFF  }
0x9b: {  	s19 =	sld [smem:$0x3FDB];
	_ =	sdelay $0x1  }
0x9c: {  	s7 =	simm.s32 $_scs_section_size  }
0x9d: {  	s8 =	simm.s32 $_size__tile_overlayer_lowered;
	s9 =	simm.s32 $_tile_overlayer_lowered  }
0x9e: {  	s22 =	simm.s32 $0x1BFF;
	s21 =	sshll.u32 s9, $0x1;
	s6 =	sadd.s32 s7, s19  }
0x9f: {  	s10 =	simm.s32 $0x0;
	s20 =	sshll.u32 s8, $0x1;
	s8 =	sadd.s32 s21, s6  }
0xa0: {  	[timem:s10], [sflag:s22] =	dma.local [hbm:s8], s20  }
0xa1: {  	_ =	swait.ge [sflag:s22], s20  }
0xa2: {  	s7 =	ssub.s32 $0x0, s20;
	[sflag:s22] =	ssyncset.done $0x0  }
0xa3: {  	[sflag:s22] =	ssyncadd.s32 s7;
	_ =	sdelay $0x1  }
0xa4: {  	s23 =	simm.s32 $0x1B8B  }
0xa5: {  	_ =	swait.ge [sflag:s23], $0x1  }
0xa6: {  	[sflag:s23] =	ssyncset.done $0x0  }
0xa7: {  	s25 =	simm.s32 $0x1B8E;
	s24 =	sld [smem:$0x3FFE];
	[sflag:s23] =	ssyncadd.s32 $0xFFFFFFFF  }
0xa8: {  	s26 =	simm.s32 $execute0_lowered;
	[smem:$0x3FD2] =	sst s25  }
0xa9: {  	s8 =	sshll.u32 s26, $0x1;
	_ =	strace $0x80000046;
	[dreg:$0x1] =	wrdreg $0xFFFFFFFF  }
0xaa: {  	s28 =	simm.s32 $_size_execute0_lowered;
	s6 =	sadd.s32 s6, s8;
	[dreg:$0x0] =	wrdreg $0x0  }
0xab: {  	s8 =	sshll.u32 s28, $0x1;
	[dreg:$0x2] =	wrdreg s6  }
0xac: {  	[dreg:$0x3] =	wrdreg s8  }
0xad: {  	[dreg:$0x4] =	wrdreg $0xC0  }
0xae: {  	_ =	task [dreg:s10], $0x5FFFF  }
0xaf: {  	[dreg:$0x1] =	wrdreg $0xFFFFFFFF  }
0xb0: {  	[dreg:$0x0] =	wrdreg $0x60  }
0xb1: {  	[dreg:$0x2] =	wrdreg s5  }
0xb2: {  	[dreg:$0x3] =	wrdreg s2  }
0xb3: {  	[dreg:$0x4] =	wrdreg s18  }
0xb4: {  	[dreg:$0x5] =	wrdreg s4  }
0xb5: {  	[dreg:$0x6] =	wrdreg s24  }
0xb6: {  	[dreg:$0x7] =	wrdreg $0x9  }
0xb7: {  	_ =	task.clear_ibuf [dreg:s10], $0x8FFFF;
	_ =	strace $0x90000046  }
0xb8: {  	s29 =	simm.s32 $0x9;
	_ =	strace $0x80000048  }
0xb9: {  	_ =	swait.ge [sflag:s29], $0x1  }
0xba: {  	[sflag:s29] =	ssyncadd.s32 $0xFFFFFFFF  }
0xbb: {  	_ =	strace $0x90000048  }
0xbc: {  	_ =	sfence  }
0xbd: {  	s30 =	sld [smem:$0x0];
	_ =	sdelay $0x2  }
0xbe: {  	s31 =	sshll.u32 s1, $0xD;
	s1 =	sshrl.u32 s1, $0x2  }
0xbf: {  	s3 =	sand.u32 $0x4000, s31;
	s1 =	sadd.s32 s1, s30  }
0xc0: {  	s0 =	sor.u32 s3, s0;
	s1 =	sshll.u32 s1, $0x11  }
0xc1: {  	s0 =	sor.u32 s1, s0  }
0xc2: {  	s0 =	sadd.s32 $0x8F2B, s0  }
0xc3: {  	[sflag:s0] =	ssyncadd.remote.s32 $0x1  }
0xc4: {  	_ =	sfence.sel $0xFFFF  }
0xc5: {  	[dreg:$0x0] =	wrdreg $0xFFFFFFFF;
	(pc) =	sbr.abs _section_cstart, $3  }
0xc6: {  	[dreg:$0x1] =	wrdreg $0xFFFFFFFF  }
0xc7: {  	_ =	task.clear_ibuf [dreg:s10], $0x2FFFF;
	_ =	strace $0x9FFFFFFF  }
0xc8: {  	(tm) =	ssettm $0x7FFFFFFF  }
0xc9: {  	_ =	shalt  }
tec
execute0_lowered:
.L_overlay_start_1:
0x0: {  	(tag) =	ssettag $0x1  }
0x1: {  	s1 =	rddreg [dreg:$0x0]  }
0x2: {  	s12 =	rddreg [dreg:$0x1];
	s0 =	srdreg.scid  }
0x3: {  	s20 =	rddreg [dreg:$0x2];
	s2 =	stileid.u32;
	s3 =	sand.u32 $0x1, s0  }
0x4: {  	s29 =	rddreg [dreg:$0x3];
	s25 =	sshll.u32 s2, $0xA;
	s4 =	sshll.u32 s3, $0x9  }
0x5: {  	s23 =	rddreg [dreg:$0x4];
	s0 =	sor.u32 s4, s25  }
0x6: {  	[dreg:$0x7] =	wrdreg s3;
	s3 =	simm.s32 $0x0;
	s22 =	sshrl.u32 s0, $0x3  }
0x7: {  	[smem:$0x7FF] =	sst s3;
	s26 =	sadd.s32 s12, s22  }
0x8: {  	_ =	strace $0x80000047;
	[dreg:$0x6] =	wrdreg s26  }
0x9: {  	s4 =	simm.s32 $0x2;
	s5 =	rddreg [dreg:$0x6]  }
0xa: {  	[tilespmem:s3], [sflag:$0x2] =	stream.linear.gather [hbm4b:s5+s3], $0x80, $0x38;
	[tilespmem:$0x4080] =	vst v63  }
0xb: {  	_ =	swait.ge [sflag:s4], $0x80  }
0xc: {  	[sflag:s4] =	ssyncset.done $0x0  }
0xd: {  	s6 =	simm.s32 $0x1;
	s5 =	simm.s32 $0x80;
	[sflag:s4] =	ssyncadd.s32 $0xFFFFFF80  }
0xe: {  	[tilespmem:s5], [sflag:$0x1] =	stream.indirect.gather [hbm4b:s1+s5], $0x80, s3, s5, $0xb8;
	[tilespmem:$0x4080] =	vst v63  }
0xf: {  	_ =	swait.ge [sflag:s6], $0x4000  }
0x10: {  	s13 =	sadd.s32 $0x4E00, s23;
	s24 =	sshll.u32 s0, $0x4;
	[sflag:s6] =	ssyncset.done $0x0  }
0x11: {  	s7 =	sadd.s32 s13, s24;
	[sflag:s6] =	ssyncadd.s32 $0xFFFFC000  }
0x12: {  	[hbm4b:s7+s3] =	stream.linear.scatter [tilespmem:s5], [sflag:$0x2], $0x4000, $0x38;
	[tilespmem:$0x4080] =	vst v63  }
0x13: {  	s9 =	sor.u32 $0x80, s0;
	_ =	swait.ge [sflag:s4], $0x4000  }
0x14: {  	s25 =	sshrl.u32 s9, $0x3;
	[sflag:s4] =	ssyncset.done $0x0  }
0x15: {  	s8 =	sadd.s32 s12, s25;
	[sflag:s4] =	ssyncadd.s32 $0xFFFFC000  }
0x16: {  	[tilespmem:s3], [sflag:$0x2] =	stream.linear.gather [hbm4b:s8+s3], $0x80, $0x38;
	[tilespmem:$0x4080] =	vst v63  }
0x17: {  	_ =	swait.ge [sflag:s4], $0x80  }
0x18: {  	[sflag:s4] =	ssyncset.done $0x0  }
0x19: {  	[sflag:s4] =	ssyncadd.s32 $0xFFFFFF80  }
0x1a: {  	[tilespmem:s5], [sflag:$0x1] =	stream.indirect.gather [hbm4b:s1+s5], $0x80, s3, s5, $0xb8;
	[tilespmem:$0x4080] =	vst v63  }
0x1b: {  	_ =	swait.ge [sflag:s6], $0x4000  }
0x1c: {  	s26 =	sshll.u32 s9, $0x4;
	[sflag:s6] =	ssyncset.done $0x0  }
0x1d: {  	s9 =	sadd.s32 s13, s26;
	[sflag:s6] =	ssyncadd.s32 $0xFFFFC000  }
0x1e: {  	[hbm4b:s9+s3] =	stream.linear.scatter [tilespmem:s5], [sflag:$0x2], $0x4000, $0x38;
	[tilespmem:$0x4080] =	vst v63  }
0x1f: {  	s11 =	sor.u32 $0x100, s0;
	_ =	swait.ge [sflag:s4], $0x4000  }
0x20: {  	s28 =	sshrl.u32 s11, $0x3;
	[sflag:s4] =	ssyncset.done $0x0  }
0x21: {  	s10 =	sadd.s32 s12, s28;
	[sflag:s4] =	ssyncadd.s32 $0xFFFFC000  }
0x22: {  	[tilespmem:s3], [sflag:$0x2] =	stream.linear.gather [hbm4b:s10+s3], $0x80, $0x38;
	[tilespmem:$0x4080] =	vst v63  }
0x23: {  	_ =	swait.ge [sflag:s4], $0x80  }
0x24: {  	[sflag:s4] =	ssyncset.done $0x0  }
0x25: {  	[sflag:s4] =	ssyncadd.s32 $0xFFFFFF80  }
0x26: {  	[tilespmem:s5], [sflag:$0x1] =	stream.indirect.gather [hbm4b:s1+s5], $0x80, s3, s5, $0xb8;
	[tilespmem:$0x4080] =	vst v63  }
0x27: {  	_ =	swait.ge [sflag:s6], $0x4000  }
0x28: {  	s31 =	sshll.u32 s11, $0x4;
	[sflag:s6] =	ssyncset.done $0x0  }
0x29: {  	s11 =	sadd.s32 s13, s31;
	[sflag:s6] =	ssyncadd.s32 $0xFFFFC000  }
0x2a: {  	[hbm4b:s11+s3] =	stream.linear.scatter [tilespmem:s5], [sflag:$0x2], $0x4000, $0x38;
	[tilespmem:$0x4080] =	vst v63  }
0x2b: {  	s14 =	sor.u32 $0x180, s0;
	_ =	swait.ge [sflag:s4], $0x4000  }
0x2c: {  	s2 =	sshrl.u32 s14, $0x3;
	[sflag:s4] =	ssyncset.done $0x0  }
0x2d: {  	s12 =	sadd.s32 s12, s2;
	[sflag:s4] =	ssyncadd.s32 $0xFFFFC000  }
0x2e: {  	[tilespmem:s3], [sflag:$0x2] =	stream.linear.gather [hbm4b:s12+s3], $0x80, $0x38;
	[tilespmem:$0x4080] =	vst v63  }
0x2f: {  	_ =	swait.ge [sflag:s4], $0x80  }
0x30: {  	[sflag:s4] =	ssyncset.done $0x0  }
0x31: {  	[sflag:s4] =	ssyncadd.s32 $0xFFFFFF80  }
0x32: {  	[tilespmem:s5], [sflag:$0x1] =	stream.indirect.gather [hbm4b:s1+s5], $0x80, s3, s5, $0xb8;
	[tilespmem:$0x4080] =	vst v63  }
0x33: {  	_ =	swait.ge [sflag:s6], $0x4000  }
0x34: {  	s30 =	sshll.u32 s14, $0x4;
	[sflag:s6] =	ssyncset.done $0x0  }
0x35: {  	s13 =	sadd.s32 s13, s30;
	[sflag:s6] =	ssyncadd.s32 $0xFFFFC000  }
0x36: {  	[hbm4b:s13+s3] =	stream.linear.scatter [tilespmem:s5], [sflag:$0x2], $0x4000, $0x38;
	[tilespmem:$0x4080] =	vst v63  }
0x37: {  	_ =	swait.ge [sflag:s4], $0x4000  }
0x38: {  	[sflag:s4] =	ssyncset.done $0x0  }
0x39: {  	s14 =	sadd.s32 s20, s22;
	[sflag:s4] =	ssyncadd.s32 $0xFFFFC000  }
0x3a: {  	[tilespmem:s3], [sflag:$0x2] =	stream.linear.gather [hbm4b:s14+s3], $0x80, $0x38;
	[tilespmem:$0x4080] =	vst v63  }
0x3b: {  	_ =	swait.ge [sflag:s4], $0x80  }
0x3c: {  	[sflag:s4] =	ssyncset.done $0x0  }
0x3d: {  	[sflag:s4] =	ssyncadd.s32 $0xFFFFFF80  }
0x3e: {  	[tilespmem:s5], [sflag:$0x1] =	stream.indirect.gather [hbm4b:s1+s5], $0x80, s3, s5, $0xb8;
	[tilespmem:$0x4080] =	vst v63  }
0x3f: {  	_ =	swait.ge [sflag:s6], $0x4000  }
0x40: {  	s21 =	sadd.s32 $0x44E00, s23;
	[sflag:s6] =	ssyncset.done $0x0  }
0x41: {  	s15 =	sadd.s32 s21, s24;
	[sflag:s6] =	ssyncadd.s32 $0xFFFFC000  }
0x42: {  	[hbm4b:s15+s3] =	stream.linear.scatter [tilespmem:s5], [sflag:$0x2], $0x4000, $0x38;
	[tilespmem:$0x4080] =	vst v63  }
0x43: {  	_ =	swait.ge [sflag:s4], $0x4000  }
0x44: {  	[sflag:s4] =	ssyncset.done $0x0  }
0x45: {  	s16 =	sadd.s32 s20, s25;
	[sflag:s4] =	ssyncadd.s32 $0xFFFFC000  }
0x46: {  	[tilespmem:s3], [sflag:$0x2] =	stream.linear.gather [hbm4b:s16+s3], $0x80, $0x38;
	[tilespmem:$0x4080] =	vst v63  }
0x47: {  	_ =	swait.ge [sflag:s4], $0x80  }
0x48: {  	[sflag:s4] =	ssyncset.done $0x0  }
0x49: {  	[sflag:s4] =	ssyncadd.s32 $0xFFFFFF80  }
0x4a: {  	[tilespmem:s5], [sflag:$0x1] =	stream.indirect.gather [hbm4b:s1+s5], $0x80, s3, s5, $0xb8;
	[tilespmem:$0x4080] =	vst v63  }
0x4b: {  	_ =	swait.ge [sflag:s6], $0x4000  }
0x4c: {  	[sflag:s6] =	ssyncset.done $0x0  }
0x4d: {  	s17 =	sadd.s32 s21, s26;
	[sflag:s6] =	ssyncadd.s32 $0xFFFFC000  }
0x4e: {  	[hbm4b:s17+s3] =	stream.linear.scatter [tilespmem:s5], [sflag:$0x2], $0x4000, $0x38;
	[tilespmem:$0x4080] =	vst v63  }
0x4f: {  	_ =	swait.ge [sflag:s4], $0x4000  }
0x50: {  	[sflag:s4] =	ssyncset.done $0x0  }
0x51: {  	s18 =	sadd.s32 s20, s28;
	[sflag:s4] =	ssyncadd.s32 $0xFFFFC000  }
0x52: {  	[tilespmem:s3], [sflag:$0x2] =	stream.linear.gather [hbm4b:s18+s3], $0x80, $0x38;
	[tilespmem:$0x4080] =	vst v63  }
0x53: {  	_ =	swait.ge [sflag:s4], $0x80  }
0x54: {  	[sflag:s4] =	ssyncset.done $0x0  }
0x55: {  	[sflag:s4] =	ssyncadd.s32 $0xFFFFFF80  }
0x56: {  	[tilespmem:s5], [sflag:$0x1] =	stream.indirect.gather [hbm4b:s1+s5], $0x80, s3, s5, $0xb8;
	[tilespmem:$0x4080] =	vst v63  }
0x57: {  	_ =	swait.ge [sflag:s6], $0x4000  }
0x58: {  	[sflag:s6] =	ssyncset.done $0x0  }
0x59: {  	s19 =	sadd.s32 s21, s31;
	[sflag:s6] =	ssyncadd.s32 $0xFFFFC000  }
0x5a: {  	[hbm4b:s19+s3] =	stream.linear.scatter [tilespmem:s5], [sflag:$0x2], $0x4000, $0x38;
	[tilespmem:$0x4080] =	vst v63  }
0x5b: {  	_ =	swait.ge [sflag:s4], $0x4000  }
0x5c: {  	[sflag:s4] =	ssyncset.done $0x0  }
0x5d: {  	s20 =	sadd.s32 s20, s2;
	[sflag:s4] =	ssyncadd.s32 $0xFFFFC000  }
0x5e: {  	[tilespmem:s3], [sflag:$0x2] =	stream.linear.gather [hbm4b:s20+s3], $0x80, $0x38;
	[tilespmem:$0x4080] =	vst v63  }
0x5f: {  	_ =	swait.ge [sflag:s4], $0x80  }
0x60: {  	[sflag:s4] =	ssyncset.done $0x0  }
0x61: {  	[sflag:s4] =	ssyncadd.s32 $0xFFFFFF80  }
0x62: {  	[tilespmem:s5], [sflag:$0x1] =	stream.indirect.gather [hbm4b:s1+s5], $0x80, s3, s5, $0xb8;
	[tilespmem:$0x4080] =	vst v63  }
0x63: {  	_ =	swait.ge [sflag:s6], $0x4000  }
0x64: {  	[sflag:s6] =	ssyncset.done $0x0  }
0x65: {  	s21 =	sadd.s32 s21, s30;
	[sflag:s6] =	ssyncadd.s32 $0xFFFFC000  }
0x66: {  	[hbm4b:s21+s3] =	stream.linear.scatter [tilespmem:s5], [sflag:$0x2], $0x4000, $0x38;
	[tilespmem:$0x4080] =	vst v63  }
0x67: {  	_ =	swait.ge [sflag:s4], $0x4000  }
0x68: {  	[sflag:s4] =	ssyncset.done $0x0  }
0x69: {  	s22 =	sadd.s32 s29, s22;
	[sflag:s4] =	ssyncadd.s32 $0xFFFFC000  }
0x6a: {  	[tilespmem:s3], [sflag:$0x2] =	stream.linear.gather [hbm4b:s22+s3], $0x80, $0x38;
	[tilespmem:$0x4080] =	vst v63  }
0x6b: {  	_ =	swait.ge [sflag:s4], $0x80  }
0x6c: {  	[sflag:s4] =	ssyncset.done $0x0  }
0x6d: {  	[sflag:s4] =	ssyncadd.s32 $0xFFFFFF80  }
0x6e: {  	[tilespmem:s5], [sflag:$0x1] =	stream.indirect.gather [hbm4b:s1+s5], $0x80, s3, s5, $0xb8;
	[tilespmem:$0x4080] =	vst v63  }
0x6f: {  	_ =	swait.ge [sflag:s6], $0x4000  }
0x70: {  	s0 =	sadd.s32 $0x84E00, s23;
	[sflag:s6] =	ssyncset.done $0x0  }
0x71: {  	s23 =	sadd.s32 s0, s24;
	[sflag:s6] =	ssyncadd.s32 $0xFFFFC000  }
0x72: {  	[hbm4b:s23+s3] =	stream.linear.scatter [tilespmem:s5], [sflag:$0x2], $0x4000, $0x38;
	[tilespmem:$0x4080] =	vst v63  }
0x73: {  	_ =	swait.ge [sflag:s4], $0x4000  }
0x74: {  	[sflag:s4] =	ssyncset.done $0x0  }
0x75: {  	s24 =	sadd.s32 s29, s25;
	[sflag:s4] =	ssyncadd.s32 $0xFFFFC000  }
0x76: {  	[tilespmem:s3], [sflag:$0x2] =	stream.linear.gather [hbm4b:s24+s3], $0x80, $0x38;
	[tilespmem:$0x4080] =	vst v63  }
0x77: {  	_ =	swait.ge [sflag:s4], $0x80  }
0x78: {  	[sflag:s4] =	ssyncset.done $0x0  }
0x79: {  	[sflag:s4] =	ssyncadd.s32 $0xFFFFFF80  }
0x7a: {  	[tilespmem:s5], [sflag:$0x1] =	stream.indirect.gather [hbm4b:s1+s5], $0x80, s3, s5, $0xb8;
	[tilespmem:$0x4080] =	vst v63  }
0x7b: {  	_ =	swait.ge [sflag:s6], $0x4000  }
0x7c: {  	[sflag:s6] =	ssyncset.done $0x0  }
0x7d: {  	s25 =	sadd.s32 s0, s26;
	[sflag:s6] =	ssyncadd.s32 $0xFFFFC000  }
0x7e: {  	[hbm4b:s25+s3] =	stream.linear.scatter [tilespmem:s5], [sflag:$0x2], $0x4000, $0x38;
	[tilespmem:$0x4080] =	vst v63  }
0x7f: {  	_ =	swait.ge [sflag:s4], $0x4000  }
0x80: {  	[sflag:s4] =	ssyncset.done $0x0  }
0x81: {  	s26 =	sadd.s32 s29, s28;
	[sflag:s4] =	ssyncadd.s32 $0xFFFFC000  }
0x82: {  	[tilespmem:s3], [sflag:$0x2] =	stream.linear.gather [hbm4b:s26+s3], $0x80, $0x38;
	[tilespmem:$0x4080] =	vst v63  }
0x83: {  	_ =	swait.ge [sflag:s4], $0x80  }
0x84: {  	[sflag:s4] =	ssyncset.done $0x0  }
0x85: {  	[sflag:s4] =	ssyncadd.s32 $0xFFFFFF80  }
0x86: {  	[tilespmem:s5], [sflag:$0x1] =	stream.indirect.gather [hbm4b:s1+s5], $0x80, s3, s5, $0xb8;
	[tilespmem:$0x4080] =	vst v63  }
0x87: {  	_ =	swait.ge [sflag:s6], $0x4000  }
0x88: {  	[sflag:s6] =	ssyncset.done $0x0  }
0x89: {  	s28 =	sadd.s32 s0, s31;
	[sflag:s6] =	ssyncadd.s32 $0xFFFFC000  }
0x8a: {  	[hbm4b:s28+s3] =	stream.linear.scatter [tilespmem:s5], [sflag:$0x2], $0x4000, $0x38;
	[tilespmem:$0x4080] =	vst v63  }
0x8b: {  	_ =	swait.ge [sflag:s4], $0x4000  }
0x8c: {  	[sflag:s4] =	ssyncset.done $0x0  }
0x8d: {  	s29 =	sadd.s32 s29, s2;
	[sflag:s4] =	ssyncadd.s32 $0xFFFFC000  }
0x8e: {  	[tilespmem:s3], [sflag:$0x2] =	stream.linear.gather [hbm4b:s29+s3], $0x80, $0x38;
	[tilespmem:$0x4080] =	vst v63  }
0x8f: {  	_ =	swait.ge [sflag:s4], $0x80  }
0x90: {  	[sflag:s4] =	ssyncset.done $0x0;
	s2 =	rddreg [dreg:$0x7]  }
0x91: {  	s2 =	ssub.s32 $0x2, s2;
	[sflag:s4] =	ssyncadd.s32 $0xFFFFFF80  }
0x92: {  	[tilespmem:s5], [sflag:$0x1] =	stream.indirect.gather [hbm4b:s1+s5], $0x80, s3, s5, $0xb8;
	[tilespmem:$0x4080] =	vst v63  }
0x93: {  	s31 =	sshrl.u32 s2, $0x1  }
0x94: {  	s2 =	ssub.s32 s2, s31  }
0x95: {  	s2 =	smax.u32 s2, $0x1  }
0x96: {  	p0 =	sne.s32 s2, $0x1  }
.Ltmp0:
0x97: {  	_ =	swait.ge [sflag:s6], $0x4000;
	(pc) =	sbr.rel @!p0 .LBB2_2-.Ltmp0, $4  }
0x98: {  	[sflag:s6] =	ssyncset.done $0x0  }
0x99: {  	s30 =	sadd.s32 s0, s30;
	[sflag:s6] =	ssyncadd.s32 $0xFFFFC000  }
0x9a: {  	[hbm4b:s30+s3] =	stream.linear.scatter [tilespmem:s5], [sflag:$0x2], $0x4000, $0x38;
	[tilespmem:$0x4080] =	vst v63  }
0x9b: {  	s31 =	sadd.s32 $0xFFFFFFFF, s2;
	_ =	swait.ge [sflag:s4], $0x4000  }
.LBB2_1:
0x9c: {  	[sflag:s4] =	ssyncset.done $0x0  }
0x9d: {  	s0 =	rddreg [dreg:$0x6];
	[sflag:s4] =	ssyncadd.s32 $0xFFFFC000  }
0x9e: {  	[tilespmem:s3], [sflag:$0x2] =	stream.linear.gather [hbm4b:s0+s3], $0x80, $0x38;
	[tilespmem:$0x4080] =	vst v63  }
0x9f: {  	_ =	swait.ge [sflag:s4], $0x80  }
0xa0: {  	[sflag:s4] =	ssyncset.done $0x0  }
0xa1: {  	[sflag:s4] =	ssyncadd.s32 $0xFFFFFF80  }
0xa2: {  	[tilespmem:s5], [sflag:$0x1] =	stream.indirect.gather [hbm4b:s1+s5], $0x80, s3, s5, $0xb8;
	[tilespmem:$0x4080] =	vst v63  }
0xa3: {  	_ =	swait.ge [sflag:s6], $0x4000  }
0xa4: {  	[sflag:s6] =	ssyncset.done $0x0  }
0xa5: {  	[sflag:s6] =	ssyncadd.s32 $0xFFFFC000  }
0xa6: {  	[hbm4b:s7+s3] =	stream.linear.scatter [tilespmem:s5], [sflag:$0x2], $0x4000, $0x38;
	[tilespmem:$0x4080] =	vst v63  }
0xa7: {  	_ =	swait.ge [sflag:s4], $0x4000  }
0xa8: {  	[sflag:s4] =	ssyncset.done $0x0  }
0xa9: {  	[sflag:s4] =	ssyncadd.s32 $0xFFFFC000  }
0xaa: {  	[tilespmem:s3], [sflag:$0x2] =	stream.linear.gather [hbm4b:s8+s3], $0x80, $0x38;
	[tilespmem:$0x4080] =	vst v63  }
0xab: {  	_ =	swait.ge [sflag:s4], $0x80  }
0xac: {  	[sflag:s4] =	ssyncset.done $0x0  }
0xad: {  	[sflag:s4] =	ssyncadd.s32 $0xFFFFFF80  }
0xae: {  	[tilespmem:s5], [sflag:$0x1] =	stream.indirect.gather [hbm4b:s1+s5], $0x80, s3, s5, $0xb8;
	[tilespmem:$0x4080] =	vst v63  }
0xaf: {  	_ =	swait.ge [sflag:s6], $0x4000  }
0xb0: {  	[sflag:s6] =	ssyncset.done $0x0  }
0xb1: {  	[sflag:s6] =	ssyncadd.s32 $0xFFFFC000  }
0xb2: {  	[hbm4b:s9+s3] =	stream.linear.scatter [tilespmem:s5], [sflag:$0x2], $0x4000, $0x38;
	[tilespmem:$0x4080] =	vst v63  }
0xb3: {  	_ =	swait.ge [sflag:s4], $0x4000  }
0xb4: {  	[sflag:s4] =	ssyncset.done $0x0  }
0xb5: {  	[sflag:s4] =	ssyncadd.s32 $0xFFFFC000  }
0xb6: {  	[tilespmem:s3], [sflag:$0x2] =	stream.linear.gather [hbm4b:s10+s3], $0x80, $0x38;
	[tilespmem:$0x4080] =	vst v63  }
0xb7: {  	_ =	swait.ge [sflag:s4], $0x80  }
0xb8: {  	[sflag:s4] =	ssyncset.done $0x0  }
0xb9: {  	[sflag:s4] =	ssyncadd.s32 $0xFFFFFF80  }
0xba: {  	[tilespmem:s5], [sflag:$0x1] =	stream.indirect.gather [hbm4b:s1+s5], $0x80, s3, s5, $0xb8;
	[tilespmem:$0x4080] =	vst v63  }
0xbb: {  	_ =	swait.ge [sflag:s6], $0x4000  }
0xbc: {  	[sflag:s6] =	ssyncset.done $0x0  }
0xbd: {  	[sflag:s6] =	ssyncadd.s32 $0xFFFFC000  }
0xbe: {  	[hbm4b:s11+s3] =	stream.linear.scatter [tilespmem:s5], [sflag:$0x2], $0x4000, $0x38;
	[tilespmem:$0x4080] =	vst v63  }
0xbf: {  	_ =	swait.ge [sflag:s4], $0x4000  }
0xc0: {  	[sflag:s4] =	ssyncset.done $0x0  }
0xc1: {  	[sflag:s4] =	ssyncadd.s32 $0xFFFFC000  }
0xc2: {  	[tilespmem:s3], [sflag:$0x2] =	stream.linear.gather [hbm4b:s12+s3], $0x80, $0x38;
	[tilespmem:$0x4080] =	vst v63  }
0xc3: {  	_ =	swait.ge [sflag:s4], $0x80  }
0xc4: {  	[sflag:s4] =	ssyncset.done $0x0  }
0xc5: {  	[sflag:s4] =	ssyncadd.s32 $0xFFFFFF80  }
0xc6: {  	[tilespmem:s5], [sflag:$0x1] =	stream.indirect.gather [hbm4b:s1+s5], $0x80, s3, s5, $0xb8;
	[tilespmem:$0x4080] =	vst v63  }
0xc7: {  	_ =	swait.ge [sflag:s6], $0x4000  }
0xc8: {  	[sflag:s6] =	ssyncset.done $0x0  }
0xc9: {  	[sflag:s6] =	ssyncadd.s32 $0xFFFFC000  }
0xca: {  	[hbm4b:s13+s3] =	stream.linear.scatter [tilespmem:s5], [sflag:$0x2], $0x4000, $0x38;
	[tilespmem:$0x4080] =	vst v63  }
0xcb: {  	_ =	swait.ge [sflag:s4], $0x4000  }
0xcc: {  	[sflag:s4] =	ssyncset.done $0x0  }
0xcd: {  	[sflag:s4] =	ssyncadd.s32 $0xFFFFC000  }
0xce: {  	[tilespmem:s3], [sflag:$0x2] =	stream.linear.gather [hbm4b:s14+s3], $0x80, $0x38;
	[tilespmem:$0x4080] =	vst v63  }
0xcf: {  	_ =	swait.ge [sflag:s4], $0x80  }
0xd0: {  	[sflag:s4] =	ssyncset.done $0x0  }
0xd1: {  	[sflag:s4] =	ssyncadd.s32 $0xFFFFFF80  }
0xd2: {  	[tilespmem:s5], [sflag:$0x1] =	stream.indirect.gather [hbm4b:s1+s5], $0x80, s3, s5, $0xb8;
	[tilespmem:$0x4080] =	vst v63  }
0xd3: {  	_ =	swait.ge [sflag:s6], $0x4000  }
0xd4: {  	[sflag:s6] =	ssyncset.done $0x0  }
0xd5: {  	[sflag:s6] =	ssyncadd.s32 $0xFFFFC000  }
0xd6: {  	[hbm4b:s15+s3] =	stream.linear.scatter [tilespmem:s5], [sflag:$0x2], $0x4000, $0x38;
	[tilespmem:$0x4080] =	vst v63  }
0xd7: {  	_ =	swait.ge [sflag:s4], $0x4000  }
0xd8: {  	[sflag:s4] =	ssyncset.done $0x0  }
0xd9: {  	[sflag:s4] =	ssyncadd.s32 $0xFFFFC000  }
0xda: {  	[tilespmem:s3], [sflag:$0x2] =	stream.linear.gather [hbm4b:s16+s3], $0x80, $0x38;
	[tilespmem:$0x4080] =	vst v63  }
0xdb: {  	_ =	swait.ge [sflag:s4], $0x80  }
0xdc: {  	[sflag:s4] =	ssyncset.done $0x0  }
0xdd: {  	[sflag:s4] =	ssyncadd.s32 $0xFFFFFF80  }
0xde: {  	[tilespmem:s5], [sflag:$0x1] =	stream.indirect.gather [hbm4b:s1+s5], $0x80, s3, s5, $0xb8;
	[tilespmem:$0x4080] =	vst v63  }
0xdf: {  	_ =	swait.ge [sflag:s6], $0x4000  }
0xe0: {  	[sflag:s6] =	ssyncset.done $0x0  }
0xe1: {  	[sflag:s6] =	ssyncadd.s32 $0xFFFFC000  }
0xe2: {  	[hbm4b:s17+s3] =	stream.linear.scatter [tilespmem:s5], [sflag:$0x2], $0x4000, $0x38;
	[tilespmem:$0x4080] =	vst v63  }
0xe3: {  	_ =	swait.ge [sflag:s4], $0x4000  }
0xe4: {  	[sflag:s4] =	ssyncset.done $0x0  }
0xe5: {  	[sflag:s4] =	ssyncadd.s32 $0xFFFFC000  }
0xe6: {  	[tilespmem:s3], [sflag:$0x2] =	stream.linear.gather [hbm4b:s18+s3], $0x80, $0x38;
	[tilespmem:$0x4080] =	vst v63  }
0xe7: {  	_ =	swait.ge [sflag:s4], $0x80  }
0xe8: {  	[sflag:s4] =	ssyncset.done $0x0  }
0xe9: {  	[sflag:s4] =	ssyncadd.s32 $0xFFFFFF80  }
0xea: {  	[tilespmem:s5], [sflag:$0x1] =	stream.indirect.gather [hbm4b:s1+s5], $0x80, s3, s5, $0xb8;
	[tilespmem:$0x4080] =	vst v63  }
0xeb: {  	_ =	swait.ge [sflag:s6], $0x4000  }
0xec: {  	[sflag:s6] =	ssyncset.done $0x0  }
0xed: {  	[sflag:s6] =	ssyncadd.s32 $0xFFFFC000  }
0xee: {  	[hbm4b:s19+s3] =	stream.linear.scatter [tilespmem:s5], [sflag:$0x2], $0x4000, $0x38;
	[tilespmem:$0x4080] =	vst v63  }
0xef: {  	_ =	swait.ge [sflag:s4], $0x4000  }
0xf0: {  	[sflag:s4] =	ssyncset.done $0x0  }
0xf1: {  	[sflag:s4] =	ssyncadd.s32 $0xFFFFC000  }
0xf2: {  	[tilespmem:s3], [sflag:$0x2] =	stream.linear.gather [hbm4b:s20+s3], $0x80, $0x38;
	[tilespmem:$0x4080] =	vst v63  }
0xf3: {  	_ =	swait.ge [sflag:s4], $0x80  }
0xf4: {  	[sflag:s4] =	ssyncset.done $0x0  }
0xf5: {  	[sflag:s4] =	ssyncadd.s32 $0xFFFFFF80  }
0xf6: {  	[tilespmem:s5], [sflag:$0x1] =	stream.indirect.gather [hbm4b:s1+s5], $0x80, s3, s5, $0xb8;
	[tilespmem:$0x4080] =	vst v63  }
0xf7: {  	_ =	swait.ge [sflag:s6], $0x4000  }
0xf8: {  	[sflag:s6] =	ssyncset.done $0x0  }
0xf9: {  	[sflag:s6] =	ssyncadd.s32 $0xFFFFC000  }
0xfa: {  	[hbm4b:s21+s3] =	stream.linear.scatter [tilespmem:s5], [sflag:$0x2], $0x4000, $0x38;
	[tilespmem:$0x4080] =	vst v63  }
0xfb: {  	_ =	swait.ge [sflag:s4], $0x4000  }
0xfc: {  	[sflag:s4] =	ssyncset.done $0x0  }
0xfd: {  	[sflag:s4] =	ssyncadd.s32 $0xFFFFC000  }
0xfe: {  	[tilespmem:s3], [sflag:$0x2] =	stream.linear.gather [hbm4b:s22+s3], $0x80, $0x38;
	[tilespmem:$0x4080] =	vst v63  }
0xff: {  	_ =	swait.ge [sflag:s4], $0x80  }
0x100: {  	[sflag:s4] =	ssyncset.done $0x0  }
0x101: {  	[sflag:s4] =	ssyncadd.s32 $0xFFFFFF80  }
0x102: {  	[tilespmem:s5], [sflag:$0x1] =	stream.indirect.gather [hbm4b:s1+s5], $0x80, s3, s5, $0xb8;
	[tilespmem:$0x4080] =	vst v63  }
0x103: {  	_ =	swait.ge [sflag:s6], $0x4000  }
0x104: {  	[sflag:s6] =	ssyncset.done $0x0  }
0x105: {  	[sflag:s6] =	ssyncadd.s32 $0xFFFFC000  }
0x106: {  	[hbm4b:s23+s3] =	stream.linear.scatter [tilespmem:s5], [sflag:$0x2], $0x4000, $0x38;
	[tilespmem:$0x4080] =	vst v63  }
0x107: {  	_ =	swait.ge [sflag:s4], $0x4000  }
0x108: {  	[sflag:s4] =	ssyncset.done $0x0  }
0x109: {  	[sflag:s4] =	ssyncadd.s32 $0xFFFFC000  }
0x10a: {  	[tilespmem:s3], [sflag:$0x2] =	stream.linear.gather [hbm4b:s24+s3], $0x80, $0x38;
	[tilespmem:$0x4080] =	vst v63  }
0x10b: {  	_ =	swait.ge [sflag:s4], $0x80  }
0x10c: {  	[sflag:s4] =	ssyncset.done $0x0  }
0x10d: {  	[sflag:s4] =	ssyncadd.s32 $0xFFFFFF80  }
0x10e: {  	[tilespmem:s5], [sflag:$0x1] =	stream.indirect.gather [hbm4b:s1+s5], $0x80, s3, s5, $0xb8;
	[tilespmem:$0x4080] =	vst v63  }
0x10f: {  	_ =	swait.ge [sflag:s6], $0x4000  }
0x110: {  	[sflag:s6] =	ssyncset.done $0x0  }
0x111: {  	[sflag:s6] =	ssyncadd.s32 $0xFFFFC000  }
0x112: {  	[hbm4b:s25+s3] =	stream.linear.scatter [tilespmem:s5], [sflag:$0x2], $0x4000, $0x38;
	[tilespmem:$0x4080] =	vst v63  }
0x113: {  	_ =	swait.ge [sflag:s4], $0x4000  }
0x114: {  	[sflag:s4] =	ssyncset.done $0x0  }
0x115: {  	[sflag:s4] =	ssyncadd.s32 $0xFFFFC000  }
0x116: {  	[tilespmem:s3], [sflag:$0x2] =	stream.linear.gather [hbm4b:s26+s3], $0x80, $0x38;
	[tilespmem:$0x4080] =	vst v63  }
0x117: {  	_ =	swait.ge [sflag:s4], $0x80  }
0x118: {  	[sflag:s4] =	ssyncset.done $0x0  }
0x119: {  	[sflag:s4] =	ssyncadd.s32 $0xFFFFFF80  }
0x11a: {  	[tilespmem:s5], [sflag:$0x1] =	stream.indirect.gather [hbm4b:s1+s5], $0x80, s3, s5, $0xb8;
	[tilespmem:$0x4080] =	vst v63  }
0x11b: {  	_ =	swait.ge [sflag:s6], $0x4000  }
0x11c: {  	[sflag:s6] =	ssyncset.done $0x0  }
0x11d: {  	[sflag:s6] =	ssyncadd.s32 $0xFFFFC000  }
0x11e: {  	[hbm4b:s28+s3] =	stream.linear.scatter [tilespmem:s5], [sflag:$0x2], $0x4000, $0x38;
	[tilespmem:$0x4080] =	vst v63  }
0x11f: {  	_ =	swait.ge [sflag:s4], $0x4000  }
0x120: {  	[sflag:s4] =	ssyncset.done $0x0  }
0x121: {  	[sflag:s4] =	ssyncadd.s32 $0xFFFFC000  }
0x122: {  	[tilespmem:s3], [sflag:$0x2] =	stream.linear.gather [hbm4b:s29+s3], $0x80, $0x38;
	[tilespmem:$0x4080] =	vst v63  }
0x123: {  	_ =	swait.ge [sflag:s4], $0x80  }
0x124: {  	[sflag:s4] =	ssyncset.done $0x0  }
0x125: {  	p0 =	sne.s32 s31, $0x1;
	[sflag:s4] =	ssyncadd.s32 $0xFFFFFF80  }
0x126: {  	[tilespmem:s5], [sflag:$0x1] =	stream.indirect.gather [hbm4b:s1+s5], $0x80, s3, s5, $0xb8;
	[tilespmem:$0x4080] =	vst v63  }
.Ltmp1:
0x127: {  	_ =	swait.ge [sflag:s6], $0x4000;
	(pc) =	sbr.rel @p0 .LBB2_1-.Ltmp1, $4  }
0x128: {  	[sflag:s6] =	ssyncset.done $0x0  }
0x129: {  	[sflag:s6] =	ssyncadd.s32 $0xFFFFC000  }
0x12a: {  	[hbm4b:s30+s3] =	stream.linear.scatter [tilespmem:s5], [sflag:$0x2], $0x4000, $0x38;
	[tilespmem:$0x4080] =	vst v63  }
0x12b: {  	s31 =	sadd.s32 $0xFFFFFFFF, s31;
	_ =	swait.ge [sflag:s4], $0x4000  }
.LBB2_2:
0x12c: {  	[sflag:s4] =	ssyncset.done $0x0  }
0x12d: {  	[sflag:s4] =	ssyncadd.s32 $0xFFFFC000  }
0x12e: {  	_ =	sfence.sel $0x180000  }
0x12f: {  	[bflag:$0x0] =	sbarrier.arrive $0xFFFF  }
0x130: {  	_ =	strace $0x90000047  }
0x131: {  	s0 =	stileid.u32;
	[bflag:$0x2] =	sbarrier.arrive $0xFFFF  }
0x132: {  	p0 =	sne.s32 s0, $0x0;
	s0 =	rddreg [dreg:$0x5]  }
0x133: {  	s0 =	sadd.s32 @!p0 $0x100000, s0  }
0x134: {  	[sflag:s0] =	ssyncadd.tile.s32 @!p0 $0x1;
	_ =	shalt  }
.Lfunc_end2:
_tile_overlayer_lowered:
.L_overlay_start_2:
0x135: {  	(tag) =	ssettag $0x2  }
0x136: {  	s0 =	rddreg [dreg:$0x0];
	s2 =	stileid.u32  }
0x137: {  	s1 =	rddreg [dreg:$0x1];
	p0 =	sne.s32 s2, $0x0  }
0x138: {  	s3 =	rddreg [dreg:$0x2];
	[bflag:$0x3] =	sbarrier.arrive $0xFFFF;
	s2 =	simm.s32 @!p0 $0x1C02  }
0x139: {  	[timem:s3], [sflag:s2] =	dma.local @!p0 [hbm:s0], s1  }
0x13a: {  	s0 =	simm.s32 @!p0 $0x2  }
0x13b: {  	_ =	swait.ge @!p0 [sflag:s0], s1  }
0x13c: {  	s1 =	ssub.s32 @!p0 $0x0, s1;
	[sflag:s0] =	ssyncset.done @!p0 $0x0  }
0x13d: {  	[sflag:s0] =	ssyncadd.s32 @!p0 s1  }
0x13e: {  	[bflag:$0x3] =	sbarrier.arrive $0xFFFF  }
0x13f: {  	_ =	shalt  }

</sc_bundles>
